<compile_context>
chip_gen: v7x
topology: tpu7x:2x2x1
jax: 0.10.2.dev20260603
libtpu: 0.0.44.dev20260713+nightly
codegen_flags: <defaults>
</compile_context>

<pallas_src>
import functools

import jax
import jax.numpy as jnp
import numpy as np
from jax import lax
from jax.experimental import pallas as pl
from jax.experimental.pallas import tpu as pltpu
from jax.experimental.pallas import tpu_sc as plsc

_NUM_STATES = 32
_HIDDEN = 64
_B = 4096

_SC_TILES = 16
_SC_LANES = 16
_SC_CHUNK = _B // _SC_TILES

_ROW_BLK = 1024


def _i0(x):
    t2 = (x / 3.75) * (x / 3.75)
    small = 1.0 + t2 * (3.5156229 + t2 * (3.0899424 + t2 * (1.2067492
            + t2 * (0.2659732 + t2 * (0.0360768 + t2 * 0.0045813)))))
    xl = jnp.maximum(x, 3.75)
    u = 3.75 / xl
    large = (jnp.exp(xl) / jnp.sqrt(xl)) * (0.39894228 + u * (0.01328592
            + u * (0.00225319 + u * (-0.00157565 + u * (0.00916281
            + u * (-0.02057706 + u * (0.02635537 + u * (-0.01647633
            + u * 0.00392377))))))))
    return jnp.where(x < 3.75, small, large)


def _sc_histogram(states):
    mesh = plsc.VectorSubcoreMesh(core_axis_name="c", subcore_axis_name="s",
                                  num_cores=1)

    @functools.partial(
        pl.kernel,
        out_type=jax.ShapeDtypeStruct((_SC_TILES, _NUM_STATES, _SC_LANES),
                                      jnp.int32),
        mesh=mesh,
        scratch_types=[
            pltpu.VMEM((_SC_CHUNK,), jnp.int32),
            pltpu.VMEM((_NUM_STATES, _SC_LANES), jnp.int32),
            pltpu.SemaphoreType.DMA,
        ],
    )
    def hist_kernel(states_hbm, out_hbm, sbuf, hist, sem):
        wid = lax.axis_index("s")
        pltpu.async_copy(states_hbm.at[pl.ds(wid * _SC_CHUNK, _SC_CHUNK)],
                         sbuf, sem).wait()
        vecs = [sbuf[pl.ds(r * _SC_LANES, _SC_LANES)]
                for r in range(_SC_CHUNK // _SC_LANES)]
        for b in range(_NUM_STATES):
            acc = jnp.zeros((_SC_LANES,), jnp.int32)
            for v in vecs:
                acc = acc + jnp.where(v == b, 1, 0)
            hist[b, :] = acc
        pltpu.async_copy(hist, out_hbm.at[wid], sem).wait()

    return hist_kernel(states)


def _kde_body(pr_ref, out_ref, srow_ref, pc_ref):
    phi = pr_ref[...]
    pc_ref[...] = phi.reshape(_B, 1)
    m = jnp.sum(phi, keepdims=True) / _B
    var = jnp.sum((phi - m) ** 2, keepdims=True) / (_B - 1)
    bw = 1.06 * jnp.sqrt(var) * (_B ** -0.2)
    kap = 1.0 / (bw * bw)
    inv_den = 1.0 / (_B * 2.0 * np.pi * _i0(kap))
    cr = jnp.cos(phi)
    sr = jnp.sin(phi)

    kap2 = kap * np.float32(np.log2(np.e))

    def blk(i, carry):
        pc = pc_ref[pl.ds(i * _ROW_BLK, _ROW_BLK), :]
        ci = kap2 * jnp.cos(pc)
        si = kap2 * jnp.sin(pc)
        mm = ci * cr + si * sr
        srow_ref[pl.ds(i * _ROW_BLK, _ROW_BLK), :] = (
            jnp.sum(jnp.exp2(mm), axis=1, keepdims=True))
        return carry

    lax.fori_loop(0, _B // _ROW_BLK, blk, jnp.float32(0.0))
    p = srow_ref[...] * inv_den + 1e-10
    out_ref[0] = -jnp.sum(jnp.log(p)) / _B


def _tc_kde(phi_row):
    return pl.pallas_call(
        _kde_body,
        out_shape=jax.ShapeDtypeStruct((1,), jnp.float32),
        out_specs=pl.BlockSpec(memory_space=pltpu.SMEM),
        scratch_shapes=[pltpu.VMEM((_B, 1), jnp.float32),
                        pltpu.VMEM((_B, 1), jnp.float32)],
    )(phi_row)


def _combine_body(hist_ref, emb_ref, g_ref, be_ref, w1_ref, b1_ref,
                  wk_ref, bk_ref, hphi_ref, out_ref):
    part = jnp.sum(hist_ref[...], axis=0)
    counts = jnp.sum(part, axis=1, keepdims=True).astype(jnp.float32)
    probs = counts / _B + 1e-10
    h_z = -jnp.sum(probs * jnp.log(probs))

    h = emb_ref[...]
    mh = jnp.mean(h, axis=1, keepdims=True)
    vh = jnp.mean((h - mh) ** 2, axis=1, keepdims=True)
    hn = (h - mh) / jnp.sqrt(vh + 1e-5) * g_ref[...] + be_ref[...]
    h1 = jnp.maximum(hn, 0.0)
    h2 = jnp.maximum(
        jnp.dot(h1, w1_ref[...], preferred_element_type=jnp.float32,
                precision=jax.lax.Precision.HIGHEST)
        + b1_ref[...], 0.0)
    kp = jnp.sum(h2 * wk_ref[...], axis=1, keepdims=True) + bk_ref[...]
    kap = jnp.maximum(kp, 0.0) + jnp.log1p(jnp.exp(-jnp.abs(kp))) + 0.1
    h_vm = jnp.log(2.0 * np.pi * _i0(kap)) - kap

    h_pgz = jnp.sum((counts / _B) * h_vm)
    h_phi = hphi_ref[0]
    mi = h_phi - h_pgz
    bdc_c = jnp.clip(2.0 * mi / (h_z + h_phi + 1e-12), 0.0, 1.0)
    bdc_o = mi / jnp.minimum(h_z, h_phi)
    out_ref[0] = mi
    out_ref[1] = h_z
    out_ref[2] = h_phi
    out_ref[3] = h_pgz
    out_ref[4] = bdc_c
    out_ref[5] = bdc_o


def _tc_combine(hist, emb, ln_gamma, ln_beta, w1, b1, wk_t, bk, h_phi):
    vspec = pl.BlockSpec(memory_space=pltpu.VMEM)
    return pl.pallas_call(
        _combine_body,
        out_shape=jax.ShapeDtypeStruct((6,), jnp.float32),
        in_specs=[vspec] * 8 + [pl.BlockSpec(memory_space=pltpu.SMEM)],
        out_specs=pl.BlockSpec(memory_space=pltpu.SMEM),
    )(hist, emb, ln_gamma, ln_beta, w1, b1, wk_t, bk, h_phi)


def kernel(states, phases, emb, ln_gamma, ln_beta, W1, b1, W_mu, b_mu,
           W_k, b_k):
    del W_mu, b_mu
    hist = _sc_histogram(states)
    h_phi = _tc_kde(phases.reshape(1, _B))
    out = _tc_combine(hist, emb, ln_gamma.reshape(1, _HIDDEN),
                      ln_beta.reshape(1, _HIDDEN), W1, b1.reshape(1, _HIDDEN),
                      W_k.reshape(1, _HIDDEN), b_k.reshape(1, 1), h_phi)
    return (out[0], out[1], out[2], out[3], out[4], out[5])

# --- scband reference (transcript-rebuilt; emitter-appended) ---
"""Pipeline reference for scband-copula-based-mutual-information-72602127172071 (READ-ONLY COPY).

The authoritative reference and input builder live on the scoring server;
editing this copy changes nothing except your own understanding.
"""

import jax, jax.numpy as jnp
import numpy as np
from jax.scipy.special import i0

NUM_STATES = 32
HIDDEN = 64
B = 4096


def _cond_von_mises(emb, ln_gamma, ln_beta, W1, b1, W_mu, b_mu, W_k, b_k):
    # ConditionalVonMisesDistribution.forward evaluated on all state indices [0..NUM_STATES)
    h = emb  # embedding lookup of arange(NUM_STATES) == full table
    mean = h.mean(axis=-1, keepdims=True)
    var = h.var(axis=-1, keepdims=True)
    h = (h - mean) / jnp.sqrt(var + 1e-5) * ln_gamma + ln_beta
    h = jax.nn.relu(h)
    h = jax.nn.relu(h @ W1 + b1)
    mu = jnp.tanh(h @ W_mu + b_mu) * np.pi
    kappa = jax.nn.softplus(h @ W_k + b_k) + 0.1
    return mu, kappa


def setup_inputs(seed: int = 0) -> dict:
    key = jax.random.key(seed)
    ks = jax.random.split(key, 12)
    states = jax.random.randint(ks[0], (B,), 0, NUM_STATES).astype(jnp.int32)
    phases = jax.random.normal(ks[1], (B,), dtype=jnp.float32)
    emb = jax.random.normal(ks[2], (NUM_STATES, HIDDEN), dtype=jnp.float32)
    ln_gamma = jnp.ones((HIDDEN,), dtype=jnp.float32)
    ln_beta = jnp.zeros((HIDDEN,), dtype=jnp.float32)
    W1 = jax.random.normal(ks[3], (HIDDEN, HIDDEN), dtype=jnp.float32) / np.sqrt(HIDDEN)
    b1 = jnp.zeros((HIDDEN,), dtype=jnp.float32)
    W_mu = jax.random.normal(ks[4], (HIDDEN, 1), dtype=jnp.float32) / np.sqrt(HIDDEN)
    b_mu = jnp.zeros((1,), dtype=jnp.float32)
    W_k = jax.random.normal(ks[5], (HIDDEN, 1), dtype=jnp.float32) / np.sqrt(HIDDEN)
    b_k = jnp.zeros((1,), dtype=jnp.float32)
    return {"states": states, "phases": phases, "emb": emb, "ln_gamma": ln_gamma, "ln_beta": ln_beta, "W1": W1, "b1": b1, "W_mu": W_mu, "b_mu": b_mu, "W_k": W_k, "b_k": b_k}


def reference(states, phases, emb, ln_gamma, ln_beta, W1, b1, W_mu, b_mu, W_k, b_k):
    batch_size = states.shape[0]
    # discrete entropy H(Z) via histogram
    counts = jnp.bincount(states, length=NUM_STATES).astype(jnp.float32)
    state_probs = counts / batch_size + 1e-10
    H_z = -jnp.sum(state_probs * jnp.log(state_probs))
    # von Mises KDE for H(Phi) (B x B pairwise kernel)
    bandwidth = 1.06 * jnp.std(phases, ddof=1) * (batch_size ** (-0.2))
    kappa_kde = 1.0 / (bandwidth ** 2)
    diff = phases[None, :] - phases[:, None]
    kde = jnp.exp(kappa_kde * jnp.cos(diff)) / (2.0 * np.pi * i0(kappa_kde))
    p_phi = kde.mean(axis=1)
    H_phi = -jnp.mean(jnp.log(p_phi + 1e-10))
    # conditional entropy H(Phi|Z) using per-state von Mises params (no_grad in torch)
    mu, kappa = _cond_von_mises(emb, ln_gamma, ln_beta, W1, b1, W_mu, b_mu, W_k, b_k)
    kappa = jax.lax.stop_gradient(kappa[:, 0])
    bessel_ratio = i0(kappa) / i0(kappa)  # faithful to original (== 1)
    h_vm = jnp.log(2.0 * np.pi * i0(kappa)) - kappa * bessel_ratio
    weight = counts / batch_size
    H_phi_given_z = jnp.sum(weight * h_vm)
    mi = H_phi - H_phi_given_z
    bdc_corrected = jnp.clip(2.0 * mi / (H_z + H_phi + 1e-12), 0.0, 1.0)
    bdc_old = mi / jnp.minimum(H_z, H_phi)
    return (mi, H_z, H_phi, H_phi_given_z, bdc_corrected, bdc_old)

if __name__ == "__main__":
    import jax
    _d = setup_inputs()
    print(jax.jit(kernel)(*tuple(_d.values())))

</pallas_src>

<mosaic_0001>
#map = affine_map<(d0, d1) -> (0)>
#map1 = affine_map<(d0, d1) -> (0, 0, 0)>
module attributes {stable_mosaic.version = 14 : i64} {
  func.func @hist_kernel(%arg0: i32, %arg1: i32, %arg2: memref<4096xi32, #tpu.memory_space<hbm>>, %arg3: memref<16x32x16xi32, #tpu.memory_space<hbm>>, %arg4: memref<256xi32, #tpu.memory_space<vmem>>, %arg5: memref<32x16xi32, #tpu.memory_space<vmem>>, %arg6: memref<!tpu.dma_semaphore, #tpu.memory_space<semaphore_mem>>) attributes {dimension_semantics = [#tpu.dimension_semantics<core_parallel>, #tpu.dimension_semantics<subcore_parallel>], iteration_bounds = array<i64: 1, 16>, scalar_prefetch = 0 : i64, scratch_operands = 3 : i64, tpu.core_type = #tpu.core_type<sc_vector_subcore>, window_params = [{transform_indices = #map}, {transform_indices = #map1}]} {
    %mul3A = arith.constant 256 : i32
    %mul3A_0 = arith.muli %arg1, %mul3A : i32
    %dma_start3A = tpu.memref_slice %arg2[%mul3A_0] : memref<4096xi32, #tpu.memory_space<hbm>> -> memref<256xi32, #tpu.memory_space<hbm>>
    %dma_start3A_1 = tpu.memref_slice %arg2[%mul3A_0] : memref<4096xi32, #tpu.memory_space<hbm>> -> memref<256xi32, #tpu.memory_space<hbm>>
    tpu.enqueue_dma source(%dma_start3A_1 : memref<256xi32, #tpu.memory_space<hbm>>) target(%arg4 : memref<256xi32, #tpu.memory_space<vmem>>) target_semaphore(%arg6 : memref<!tpu.dma_semaphore, #tpu.memory_space<semaphore_mem>>)
    %dma_wait3A = tpu.memref_slice %arg2[%mul3A_0] : memref<4096xi32, #tpu.memory_space<hbm>> -> memref<256xi32, #tpu.memory_space<hbm>>
    %dma_wait3A_2 = tpu.memref_slice %arg2[%mul3A_0] : memref<4096xi32, #tpu.memory_space<hbm>> -> memref<256xi32, #tpu.memory_space<hbm>>
    tpu.wait_dma2 semaphore(%arg6 : memref<!tpu.dma_semaphore, #tpu.memory_space<semaphore_mem>>) src(%dma_wait3A_2 : memref<256xi32, #tpu.memory_space<hbm>>) dst(%arg4 : memref<256xi32, #tpu.memory_space<vmem>>)
    %get3A = arith.constant 0 : index
    %get3A_3 = tpu.vector_load %arg4[%get3A] {strides = array<i32>} : memref<256xi32, #tpu.memory_space<vmem>>, vector<16xi32>,
    %get3A_4 = vector.shape_cast %get3A_3 : vector<16xi32> to vector<16xi32>
    %get3A_5 = arith.constant 16 : index
    %get3A_6 = tpu.vector_load %arg4[%get3A_5] {strides = array<i32>} : memref<256xi32, #tpu.memory_space<vmem>>, vector<16xi32>,
    %get3A_7 = vector.shape_cast %get3A_6 : vector<16xi32> to vector<16xi32>
    %get3A_8 = arith.constant 32 : index
    %get3A_9 = tpu.vector_load %arg4[%get3A_8] {strides = array<i32>} : memref<256xi32, #tpu.memory_space<vmem>>, vector<16xi32>,
    %get3A_10 = vector.shape_cast %get3A_9 : vector<16xi32> to vector<16xi32>
    %get3A_11 = arith.constant 48 : index
    %get3A_12 = tpu.vector_load %arg4[%get3A_11] {strides = array<i32>} : memref<256xi32, #tpu.memory_space<vmem>>, vector<16xi32>,
    %get3A_13 = vector.shape_cast %get3A_12 : vector<16xi32> to vector<16xi32>
    %get3A_14 = arith.constant 64 : index
    %get3A_15 = tpu.vector_load %arg4[%get3A_14] {strides = array<i32>} : memref<256xi32, #tpu.memory_space<vmem>>, vector<16xi32>,
    %get3A_16 = vector.shape_cast %get3A_15 : vector<16xi32> to vector<16xi32>
    %get3A_17 = arith.constant 80 : index
    %get3A_18 = tpu.vector_load %arg4[%get3A_17] {strides = array<i32>} : memref<256xi32, #tpu.memory_space<vmem>>, vector<16xi32>,
    %get3A_19 = vector.shape_cast %get3A_18 : vector<16xi32> to vector<16xi32>
    %get3A_20 = arith.constant 96 : index
    %get3A_21 = tpu.vector_load %arg4[%get3A_20] {strides = array<i32>} : memref<256xi32, #tpu.memory_space<vmem>>, vector<16xi32>,
    %get3A_22 = vector.shape_cast %get3A_21 : vector<16xi32> to vector<16xi32>
    %get3A_23 = arith.constant 112 : index
    %get3A_24 = tpu.vector_load %arg4[%get3A_23] {strides = array<i32>} : memref<256xi32, #tpu.memory_space<vmem>>, vector<16xi32>,
    %get3A_25 = vector.shape_cast %get3A_24 : vector<16xi32> to vector<16xi32>
    %get3A_26 = arith.constant 128 : index
    %get3A_27 = tpu.vector_load %arg4[%get3A_26] {strides = array<i32>} : memref<256xi32, #tpu.memory_space<vmem>>, vector<16xi32>,
    %get3A_28 = vector.shape_cast %get3A_27 : vector<16xi32> to vector<16xi32>
    %get3A_29 = arith.constant 144 : index
    %get3A_30 = tpu.vector_load %arg4[%get3A_29] {strides = array<i32>} : memref<256xi32, #tpu.memory_space<vmem>>, vector<16xi32>,
    %get3A_31 = vector.shape_cast %get3A_30 : vector<16xi32> to vector<16xi32>
    %get3A_32 = arith.constant 160 : index
    %get3A_33 = tpu.vector_load %arg4[%get3A_32] {strides = array<i32>} : memref<256xi32, #tpu.memory_space<vmem>>, vector<16xi32>,
    %get3A_34 = vector.shape_cast %get3A_33 : vector<16xi32> to vector<16xi32>
    %get3A_35 = arith.constant 176 : index
    %get3A_36 = tpu.vector_load %arg4[%get3A_35] {strides = array<i32>} : memref<256xi32, #tpu.memory_space<vmem>>, vector<16xi32>,
    %get3A_37 = vector.shape_cast %get3A_36 : vector<16xi32> to vector<16xi32>
    %get3A_38 = arith.constant 192 : index
    %get3A_39 = tpu.vector_load %arg4[%get3A_38] {strides = array<i32>} : memref<256xi32, #tpu.memory_space<vmem>>, vector<16xi32>,
    %get3A_40 = vector.shape_cast %get3A_39 : vector<16xi32> to vector<16xi32>
    %get3A_41 = arith.constant 208 : index
    %get3A_42 = tpu.vector_load %arg4[%get3A_41] {strides = array<i32>} : memref<256xi32, #tpu.memory_space<vmem>>, vector<16xi32>,
    %get3A_43 = vector.shape_cast %get3A_42 : vector<16xi32> to vector<16xi32>
    %get3A_44 = arith.constant 224 : index
    %get3A_45 = tpu.vector_load %arg4[%get3A_44] {strides = array<i32>} : memref<256xi32, #tpu.memory_space<vmem>>, vector<16xi32>,
    %get3A_46 = vector.shape_cast %get3A_45 : vector<16xi32> to vector<16xi32>
    %get3A_47 = arith.constant 240 : index
    %get3A_48 = tpu.vector_load %arg4[%get3A_47] {strides = array<i32>} : memref<256xi32, #tpu.memory_space<vmem>>, vector<16xi32>,
    %get3A_49 = vector.shape_cast %get3A_48 : vector<16xi32> to vector<16xi32>
    %broadcast_in_dim3A = arith.constant 0 : i32
    %broadcast_in_dim3A_50 = vector.broadcast %broadcast_in_dim3A : i32 to vector<16xi32>
    %eq3A = arith.constant 0 : i32
    %eq3A_51 = vector.broadcast %eq3A : i32 to vector<16xi32>
    %eq3A_52 = arith.cmpi eq, %get3A_4, %eq3A_51 : vector<16xi32>
    %jit3A = arith.constant 1 : i32
    %jit3A_53 = arith.constant 0 : i32
    %broadcast_in_dim3A_54 = vector.broadcast %jit3A : i32 to vector<16xi32>
    %broadcast_in_dim3A_55 = vector.broadcast %jit3A_53 : i32 to vector<16xi32>
    %select_n3A = arith.select %eq3A_52, %broadcast_in_dim3A_54, %broadcast_in_dim3A_55 : vector<16xi1>, vector<16xi32>
    %add3A = arith.addi %broadcast_in_dim3A_50, %select_n3A : vector<16xi32>
    %eq3A_56 = arith.constant 0 : i32
    %eq3A_57 = vector.broadcast %eq3A_56 : i32 to vector<16xi32>
    %eq3A_58 = arith.cmpi eq, %get3A_7, %eq3A_57 : vector<16xi32>
    %jit3A_59 = arith.constant 1 : i32
    %jit3A_60 = arith.constant 0 : i32
    %broadcast_in_dim3A_61 = vector.broadcast %jit3A_59 : i32 to vector<16xi32>
    %broadcast_in_dim3A_62 = vector.broadcast %jit3A_60 : i32 to vector<16xi32>
    %select_n3A_63 = arith.select %eq3A_58, %broadcast_in_dim3A_61, %broadcast_in_dim3A_62 : vector<16xi1>, vector<16xi32>
    %add3A_64 = arith.addi %add3A, %select_n3A_63 : vector<16xi32>
    %eq3A_65 = arith.constant 0 : i32
    %eq3A_66 = vector.broadcast %eq3A_65 : i32 to vector<16xi32>
    %eq3A_67 = arith.cmpi eq, %get3A_10, %eq3A_66 : vector<16xi32>
    %jit3A_68 = arith.constant 1 : i32
    %jit3A_69 = arith.constant 0 : i32
    %broadcast_in_dim3A_70 = vector.broadcast %jit3A_68 : i32 to vector<16xi32>
    %broadcast_in_dim3A_71 = vector.broadcast %jit3A_69 : i32 to vector<16xi32>
    %select_n3A_72 = arith.select %eq3A_67, %broadcast_in_dim3A_70, %broadcast_in_dim3A_71 : vector<16xi1>, vector<16xi32>
    %add3A_73 = arith.addi %add3A_64, %select_n3A_72 : vector<16xi32>
    %eq3A_74 = arith.constant 0 : i32
    %eq3A_75 = vector.broadcast %eq3A_74 : i32 to vector<16xi32>
    %eq3A_76 = arith.cmpi eq, %get3A_13, %eq3A_75 : vector<16xi32>
    %jit3A_77 = arith.constant 1 : i32
    %jit3A_78 = arith.constant 0 : i32
    %broadcast_in_dim3A_79 = vector.broadcast %jit3A_77 : i32 to vector<16xi32>
    %broadcast_in_dim3A_80 = vector.broadcast %jit3A_78 : i32 to vector<16xi32>
    %select_n3A_81 = arith.select %eq3A_76, %broadcast_in_dim3A_79, %broadcast_in_dim3A_80 : vector<16xi1>, vector<16xi32>
    %add3A_82 = arith.addi %add3A_73, %select_n3A_81 : vector<16xi32>
    %eq3A_83 = arith.constant 0 : i32
    %eq3A_84 = vector.broadcast %eq3A_83 : i32 to vector<16xi32>
    %eq3A_85 = arith.cmpi eq, %get3A_16, %eq3A_84 : vector<16xi32>
    %jit3A_86 = arith.constant 1 : i32
    %jit3A_87 = arith.constant 0 : i32
    %broadcast_in_dim3A_88 = vector.broadcast %jit3A_86 : i32 to vector<16xi32>
    %broadcast_in_dim3A_89 = vector.broadcast %jit3A_87 : i32 to vector<16xi32>
    %select_n3A_90 = arith.select %eq3A_85, %broadcast_in_dim3A_88, %broadcast_in_dim3A_89 : vector<16xi1>, vector<16xi32>
    %add3A_91 = arith.addi %add3A_82, %select_n3A_90 : vector<16xi32>
    %eq3A_92 = arith.constant 0 : i32
    %eq3A_93 = vector.broadcast %eq3A_92 : i32 to vector<16xi32>
    %eq3A_94 = arith.cmpi eq, %get3A_19, %eq3A_93 : vector<16xi32>
    %jit3A_95 = arith.constant 1 : i32
    %jit3A_96 = arith.constant 0 : i32
    %broadcast_in_dim3A_97 = vector.broadcast %jit3A_95 : i32 to vector<16xi32>
    %broadcast_in_dim3A_98 = vector.broadcast %jit3A_96 : i32 to vector<16xi32>
    %select_n3A_99 = arith.select %eq3A_94, %broadcast_in_dim3A_97, %broadcast_in_dim3A_98 : vector<16xi1>, vector<16xi32>
    %add3A_100 = arith.addi %add3A_91, %select_n3A_99 : vector<16xi32>
    %eq3A_101 = arith.constant 0 : i32
    %eq3A_102 = vector.broadcast %eq3A_101 : i32 to vector<16xi32>
    %eq3A_103 = arith.cmpi eq, %get3A_22, %eq3A_102 : vector<16xi32>
    %jit3A_104 = arith.constant 1 : i32
    %jit3A_105 = arith.constant 0 : i32
    %broadcast_in_dim3A_106 = vector.broadcast %jit3A_104 : i32 to vector<16xi32>
    %broadcast_in_dim3A_107 = vector.broadcast %jit3A_105 : i32 to vector<16xi32>
    %select_n3A_108 = arith.select %eq3A_103, %broadcast_in_dim3A_106, %broadcast_in_dim3A_107 : vector<16xi1>, vector<16xi32>
    %add3A_109 = arith.addi %add3A_100, %select_n3A_108 : vector<16xi32>
    %eq3A_110 = arith.constant 0 : i32
    %eq3A_111 = vector.broadcast %eq3A_110 : i32 to vector<16xi32>
    %eq3A_112 = arith.cmpi eq, %get3A_25, %eq3A_111 : vector<16xi32>
    %jit3A_113 = arith.constant 1 : i32
    %jit3A_114 = arith.constant 0 : i32
    %broadcast_in_dim3A_115 = vector.broadcast %jit3A_113 : i32 to vector<16xi32>
    %broadcast_in_dim3A_116 = vector.broadcast %jit3A_114 : i32 to vector<16xi32>
    %select_n3A_117 = arith.select %eq3A_112, %broadcast_in_dim3A_115, %broadcast_in_dim3A_116 : vector<16xi1>, vector<16xi32>
    %add3A_118 = arith.addi %add3A_109, %select_n3A_117 : vector<16xi32>
    %eq3A_119 = arith.constant 0 : i32
    %eq3A_120 = vector.broadcast %eq3A_119 : i32 to vector<16xi32>
    %eq3A_121 = arith.cmpi eq, %get3A_28, %eq3A_120 : vector<16xi32>
    %jit3A_122 = arith.constant 1 : i32
    %jit3A_123 = arith.constant 0 : i32
    %broadcast_in_dim3A_124 = vector.broadcast %jit3A_122 : i32 to vector<16xi32>
    %broadcast_in_dim3A_125 = vector.broadcast %jit3A_123 : i32 to vector<16xi32>
    %select_n3A_126 = arith.select %eq3A_121, %broadcast_in_dim3A_124, %broadcast_in_dim3A_125 : vector<16xi1>, vector<16xi32>
    %add3A_127 = arith.addi %add3A_118, %select_n3A_126 : vector<16xi32>
    %eq3A_128 = arith.constant 0 : i32
    %eq3A_129 = vector.broadcast %eq3A_128 : i32 to vector<16xi32>
    %eq3A_130 = arith.cmpi eq, %get3A_31, %eq3A_129 : vector<16xi32>
    %jit3A_131 = arith.constant 1 : i32
    %jit3A_132 = arith.constant 0 : i32
    %broadcast_in_dim3A_133 = vector.broadcast %jit3A_131 : i32 to vector<16xi32>
    %broadcast_in_dim3A_134 = vector.broadcast %jit3A_132 : i32 to vector<16xi32>
    %select_n3A_135 = arith.select %eq3A_130, %broadcast_in_dim3A_133, %broadcast_in_dim3A_134 : vector<16xi1>, vector<16xi32>
    %add3A_136 = arith.addi %add3A_127, %select_n3A_135 : vector<16xi32>
    %eq3A_137 = arith.constant 0 : i32
    %eq3A_138 = vector.broadcast %eq3A_137 : i32 to vector<16xi32>
    %eq3A_139 = arith.cmpi eq, %get3A_34, %eq3A_138 : vector<16xi32>
    %jit3A_140 = arith.constant 1 : i32
    %jit3A_141 = arith.constant 0 : i32
    %broadcast_in_dim3A_142 = vector.broadcast %jit3A_140 : i32 to vector<16xi32>
    %broadcast_in_dim3A_143 = vector.broadcast %jit3A_141 : i32 to vector<16xi32>
    %select_n3A_144 = arith.select %eq3A_139, %broadcast_in_dim3A_142, %broadcast_in_dim3A_143 : vector<16xi1>, vector<16xi32>
    %add3A_145 = arith.addi %add3A_136, %select_n3A_144 : vector<16xi32>
    %eq3A_146 = arith.constant 0 : i32
    %eq3A_147 = vector.broadcast %eq3A_146 : i32 to vector<16xi32>
    %eq3A_148 = arith.cmpi eq, %get3A_37, %eq3A_147 : vector<16xi32>
    %jit3A_149 = arith.constant 1 : i32
    %jit3A_150 = arith.constant 0 : i32
    %broadcast_in_dim3A_151 = vector.broadcast %jit3A_149 : i32 to vector<16xi32>
    %broadcast_in_dim3A_152 = vector.broadcast %jit3A_150 : i32 to vector<16xi32>
    %select_n3A_153 = arith.select %eq3A_148, %broadcast_in_dim3A_151, %broadcast_in_dim3A_152 : vector<16xi1>, vector<16xi32>
    %add3A_154 = arith.addi %add3A_145, %select_n3A_153 : vector<16xi32>
    %eq3A_155 = arith.constant 0 : i32
    %eq3A_156 = vector.broadcast %eq3A_155 : i32 to vector<16xi32>
    %eq3A_157 = arith.cmpi eq, %get3A_40, %eq3A_156 : vector<16xi32>
    %jit3A_158 = arith.constant 1 : i32
    %jit3A_159 = arith.constant 0 : i32
    %broadcast_in_dim3A_160 = vector.broadcast %jit3A_158 : i32 to vector<16xi32>
    %broadcast_in_dim3A_161 = vector.broadcast %jit3A_159 : i32 to vector<16xi32>
    %select_n3A_162 = arith.select %eq3A_157, %broadcast_in_dim3A_160, %broadcast_in_dim3A_161 : vector<16xi1>, vector<16xi32>
    %add3A_163 = arith.addi %add3A_154, %select_n3A_162 : vector<16xi32>
    %eq3A_164 = arith.constant 0 : i32
    %eq3A_165 = vector.broadcast %eq3A_164 : i32 to vector<16xi32>
    %eq3A_166 = arith.cmpi eq, %get3A_43, %eq3A_165 : vector<16xi32>
    %jit3A_167 = arith.constant 1 : i32
    %jit3A_168 = arith.constant 0 : i32
    %broadcast_in_dim3A_169 = vector.broadcast %jit3A_167 : i32 to vector<16xi32>
    %broadcast_in_dim3A_170 = vector.broadcast %jit3A_168 : i32 to vector<16xi32>
    %select_n3A_171 = arith.select %eq3A_166, %broadcast_in_dim3A_169, %broadcast_in_dim3A_170 : vector<16xi1>, vector<16xi32>
    %add3A_172 = arith.addi %add3A_163, %select_n3A_171 : vector<16xi32>
    %eq3A_173 = arith.constant 0 : i32
    %eq3A_174 = vector.broadcast %eq3A_173 : i32 to vector<16xi32>
    %eq3A_175 = arith.cmpi eq, %get3A_46, %eq3A_174 : vector<16xi32>
    %jit3A_176 = arith.constant 1 : i32
    %jit3A_177 = arith.constant 0 : i32
    %broadcast_in_dim3A_178 = vector.broadcast %jit3A_176 : i32 to vector<16xi32>
    %broadcast_in_dim3A_179 = vector.broadcast %jit3A_177 : i32 to vector<16xi32>
    %select_n3A_180 = arith.select %eq3A_175, %broadcast_in_dim3A_178, %broadcast_in_dim3A_179 : vector<16xi1>, vector<16xi32>
    %add3A_181 = arith.addi %add3A_172, %select_n3A_180 : vector<16xi32>
    %eq3A_182 = arith.constant 0 : i32
    %eq3A_183 = vector.broadcast %eq3A_182 : i32 to vector<16xi32>
    %eq3A_184 = arith.cmpi eq, %get3A_49, %eq3A_183 : vector<16xi32>
    %jit3A_185 = arith.constant 1 : i32
    %jit3A_186 = arith.constant 0 : i32
    %broadcast_in_dim3A_187 = vector.broadcast %jit3A_185 : i32 to vector<16xi32>
    %broadcast_in_dim3A_188 = vector.broadcast %jit3A_186 : i32 to vector<16xi32>
    %select_n3A_189 = arith.select %eq3A_184, %broadcast_in_dim3A_187, %broadcast_in_dim3A_188 : vector<16xi1>, vector<16xi32>
    %add3A_190 = arith.addi %add3A_181, %select_n3A_189 : vector<16xi32>
    %swap3A = arith.constant 0 : i32
    %swap3A_191 = arith.index_cast %swap3A : i32 to index
    %swap3A_192 = arith.constant 0 : index
    %swap3A_193 = tpu.vector_load %arg5[%swap3A_191, %swap3A_192] {strides = array<i32>} : memref<32x16xi32, #tpu.memory_space<vmem>>, vector<1x16xi32>,
    %swap3A_194 = vector.shape_cast %swap3A_193 : vector<1x16xi32> to vector<16xi32>
    %swap3A_195 = vector.shape_cast %add3A_190 : vector<16xi32> to vector<1x16xi32>
    tpu.vector_store %arg5[%swap3A_191, %swap3A_192], %swap3A_195 {strides = array<i32>} : memref<32x16xi32, #tpu.memory_space<vmem>>, vector<1x16xi32>,
    %broadcast_in_dim3A_196 = arith.constant 0 : i32
    %broadcast_in_dim3A_197 = vector.broadcast %broadcast_in_dim3A_196 : i32 to vector<16xi32>
    %eq3A_198 = arith.constant 1 : i32
    %eq3A_199 = vector.broadcast %eq3A_198 : i32 to vector<16xi32>
    %eq3A_200 = arith.cmpi eq, %get3A_4, %eq3A_199 : vector<16xi32>
    %jit3A_201 = arith.constant 1 : i32
    %jit3A_202 = arith.constant 0 : i32
    %broadcast_in_dim3A_203 = vector.broadcast %jit3A_201 : i32 to vector<16xi32>
    %broadcast_in_dim3A_204 = vector.broadcast %jit3A_202 : i32 to vector<16xi32>
    %select_n3A_205 = arith.select %eq3A_200, %broadcast_in_dim3A_203, %broadcast_in_dim3A_204 : vector<16xi1>, vector<16xi32>
    %add3A_206 = arith.addi %broadcast_in_dim3A_197, %select_n3A_205 : vector<16xi32>
    %eq3A_207 = arith.constant 1 : i32
    %eq3A_208 = vector.broadcast %eq3A_207 : i32 to vector<16xi32>
    %eq3A_209 = arith.cmpi eq, %get3A_7, %eq3A_208 : vector<16xi32>
    %jit3A_210 = arith.constant 1 : i32
    %jit3A_211 = arith.constant 0 : i32
    %broadcast_in_dim3A_212 = vector.broadcast %jit3A_210 : i32 to vector<16xi32>
    %broadcast_in_dim3A_213 = vector.broadcast %jit3A_211 : i32 to vector<16xi32>
    %select_n3A_214 = arith.select %eq3A_209, %broadcast_in_dim3A_212, %broadcast_in_dim3A_213 : vector<16xi1>, vector<16xi32>
    %add3A_215 = arith.addi %add3A_206, %select_n3A_214 : vector<16xi32>
    %eq3A_216 = arith.constant 1 : i32
    %eq3A_217 = vector.broadcast %eq3A_216 : i32 to vector<16xi32>
    %eq3A_218 = arith.cmpi eq, %get3A_10, %eq3A_217 : vector<16xi32>
    %jit3A_219 = arith.constant 1 : i32
    %jit3A_220 = arith.constant 0 : i32
    %broadcast_in_dim3A_221 = vector.broadcast %jit3A_219 : i32 to vector<16xi32>
    %broadcast_in_dim3A_222 = vector.broadcast %jit3A_220 : i32 to vector<16xi32>
    %select_n3A_223 = arith.select %eq3A_218, %broadcast_in_dim3A_221, %broadcast_in_dim3A_222 : vector<16xi1>, vector<16xi32>
    %add3A_224 = arith.addi %add3A_215, %select_n3A_223 : vector<16xi32>
    %eq3A_225 = arith.constant 1 : i32
    %eq3A_226 = vector.broadcast %eq3A_225 : i32 to vector<16xi32>
    %eq3A_227 = arith.cmpi eq, %get3A_13, %eq3A_226 : vector<16xi32>
    %jit3A_228 = arith.constant 1 : i32
    %jit3A_229 = arith.constant 0 : i32
    %broadcast_in_dim3A_230 = vector.broadcast %jit3A_228 : i32 to vector<16xi32>
    %broadcast_in_dim3A_231 = vector.broadcast %jit3A_229 : i32 to vector<16xi32>
    %select_n3A_232 = arith.select %eq3A_227, %broadcast_in_dim3A_230, %broadcast_in_dim3A_231 : vector<16xi1>, vector<16xi32>
    %add3A_233 = arith.addi %add3A_224, %select_n3A_232 : vector<16xi32>
    %eq3A_234 = arith.constant 1 : i32
    %eq3A_235 = vector.broadcast %eq3A_234 : i32 to vector<16xi32>
    %eq3A_236 = arith.cmpi eq, %get3A_16, %eq3A_235 : vector<16xi32>
    %jit3A_237 = arith.constant 1 : i32
    %jit3A_238 = arith.constant 0 : i32
    %broadcast_in_dim3A_239 = vector.broadcast %jit3A_237 : i32 to vector<16xi32>
    %broadcast_in_dim3A_240 = vector.broadcast %jit3A_238 : i32 to vector<16xi32>
    %select_n3A_241 = arith.select %eq3A_236, %broadcast_in_dim3A_239, %broadcast_in_dim3A_240 : vector<16xi1>, vector<16xi32>
    %add3A_242 = arith.addi %add3A_233, %select_n3A_241 : vector<16xi32>
    %eq3A_243 = arith.constant 1 : i32
    %eq3A_244 = vector.broadcast %eq3A_243 : i32 to vector<16xi32>
    %eq3A_245 = arith.cmpi eq, %get3A_19, %eq3A_244 : vector<16xi32>
    %jit3A_246 = arith.constant 1 : i32
    %jit3A_247 = arith.constant 0 : i32
    %broadcast_in_dim3A_248 = vector.broadcast %jit3A_246 : i32 to vector<16xi32>
    %broadcast_in_dim3A_249 = vector.broadcast %jit3A_247 : i32 to vector<16xi32>
    %select_n3A_250 = arith.select %eq3A_245, %broadcast_in_dim3A_248, %broadcast_in_dim3A_249 : vector<16xi1>, vector<16xi32>
    %add3A_251 = arith.addi %add3A_242, %select_n3A_250 : vector<16xi32>
    %eq3A_252 = arith.constant 1 : i32
    %eq3A_253 = vector.broadcast %eq3A_252 : i32 to vector<16xi32>
    %eq3A_254 = arith.cmpi eq, %get3A_22, %eq3A_253 : vector<16xi32>
    %jit3A_255 = arith.constant 1 : i32
    %jit3A_256 = arith.constant 0 : i32
    %broadcast_in_dim3A_257 = vector.broadcast %jit3A_255 : i32 to vector<16xi32>
    %broadcast_in_dim3A_258 = vector.broadcast %jit3A_256 : i32 to vector<16xi32>
    %select_n3A_259 = arith.select %eq3A_254, %broadcast_in_dim3A_257, %broadcast_in_dim3A_258 : vector<16xi1>, vector<16xi32>
    %add3A_260 = arith.addi %add3A_251, %select_n3A_259 : vector<16xi32>
    %eq3A_261 = arith.constant 1 : i32
    %eq3A_262 = vector.broadcast %eq3A_261 : i32 to vector<16xi32>
    %eq3A_263 = arith.cmpi eq, %get3A_25, %eq3A_262 : vector<16xi32>
    %jit3A_264 = arith.constant 1 : i32
    %jit3A_265 = arith.constant 0 : i32
    %broadcast_in_dim3A_266 = vector.broadcast %jit3A_264 : i32 to vector<16xi32>
    %broadcast_in_dim3A_267 = vector.broadcast %jit3A_265 : i32 to vector<16xi32>
    %select_n3A_268 = arith.select %eq3A_263, %broadcast_in_dim3A_266, %broadcast_in_dim3A_267 : vector<16xi1>, vector<16xi32>
    %add3A_269 = arith.addi %add3A_260, %select_n3A_268 : vector<16xi32>
    %eq3A_270 = arith.constant 1 : i32
    %eq3A_271 = vector.broadcast %eq3A_270 : i32 to vector<16xi32>
    %eq3A_272 = arith.cmpi eq, %get3A_28, %eq3A_271 : vector<16xi32>
    %jit3A_273 = arith.constant 1 : i32
    %jit3A_274 = arith.constant 0 : i32
    %broadcast_in_dim3A_275 = vector.broadcast %jit3A_273 : i32 to vector<16xi32>
    %broadcast_in_dim3A_276 = vector.broadcast %jit3A_274 : i32 to vector<16xi32>
    %select_n3A_277 = arith.select %eq3A_272, %broadcast_in_dim3A_275, %broadcast_in_dim3A_276 : vector<16xi1>, vector<16xi32>
    %add3A_278 = arith.addi %add3A_269, %select_n3A_277 : vector<16xi32>
    %eq3A_279 = arith.constant 1 : i32
    %eq3A_280 = vector.broadcast %eq3A_279 : i32 to vector<16xi32>
    %eq3A_281 = arith.cmpi eq, %get3A_31, %eq3A_280 : vector<16xi32>
    %jit3A_282 = arith.constant 1 : i32
    %jit3A_283 = arith.constant 0 : i32
    %broadcast_in_dim3A_284 = vector.broadcast %jit3A_282 : i32 to vector<16xi32>
    %broadcast_in_dim3A_285 = vector.broadcast %jit3A_283 : i32 to vector<16xi32>
    %select_n3A_286 = arith.select %eq3A_281, %broadcast_in_dim3A_284, %broadcast_in_dim3A_285 : vector<16xi1>, vector<16xi32>
    %add3A_287 = arith.addi %add3A_278, %select_n3A_286 : vector<16xi32>
    %eq3A_288 = arith.constant 1 : i32
    %eq3A_289 = vector.broadcast %eq3A_288 : i32 to vector<16xi32>
    %eq3A_290 = arith.cmpi eq, %get3A_34, %eq3A_289 : vector<16xi32>
    %jit3A_291 = arith.constant 1 : i32
    %jit3A_292 = arith.constant 0 : i32
    %broadcast_in_dim3A_293 = vector.broadcast %jit3A_291 : i32 to vector<16xi32>
    %broadcast_in_dim3A_294 = vector.broadcast %jit3A_292 : i32 to vector<16xi32>
    %select_n3A_295 = arith.select %eq3A_290, %broadcast_in_dim3A_293, %broadcast_in_dim3A_294 : vector<16xi1>, vector<16xi32>
    %add3A_296 = arith.addi %add3A_287, %select_n3A_295 : vector<16xi32>
    %eq3A_297 = arith.constant 1 : i32
    %eq3A_298 = vector.broadcast %eq3A_297 : i32 to vector<16xi32>
    %eq3A_299 = arith.cmpi eq, %get3A_37, %eq3A_298 : vector<16xi32>
    %jit3A_300 = arith.constant 1 : i32
    %jit3A_301 = arith.constant 0 : i32
    %broadcast_in_dim3A_302 = vector.broadcast %jit3A_300 : i32 to vector<16xi32>
    %broadcast_in_dim3A_303 = vector.broadcast %jit3A_301 : i32 to vector<16xi32>
    %select_n3A_304 = arith.select %eq3A_299, %broadcast_in_dim3A_302, %broadcast_in_dim3A_303 : vector<16xi1>, vector<16xi32>
    %add3A_305 = arith.addi %add3A_296, %select_n3A_304 : vector<16xi32>
    %eq3A_306 = arith.constant 1 : i32
    %eq3A_307 = vector.broadcast %eq3A_306 : i32 to vector<16xi32>
    %eq3A_308 = arith.cmpi eq, %get3A_40, %eq3A_307 : vector<16xi32>
    %jit3A_309 = arith.constant 1 : i32
    %jit3A_310 = arith.constant 0 : i32
    %broadcast_in_dim3A_311 = vector.broadcast %jit3A_309 : i32 to vector<16xi32>
    %broadcast_in_dim3A_312 = vector.broadcast %jit3A_310 : i32 to vector<16xi32>
    %select_n3A_313 = arith.select %eq3A_308, %broadcast_in_dim3A_311, %broadcast_in_dim3A_312 : vector<16xi1>, vector<16xi32>
    %add3A_314 = arith.addi %add3A_305, %select_n3A_313 : vector<16xi32>
    %eq3A_315 = arith.constant 1 : i32
    %eq3A_316 = vector.broadcast %eq3A_315 : i32 to vector<16xi32>
    %eq3A_317 = arith.cmpi eq, %get3A_43, %eq3A_316 : vector<16xi32>
    %jit3A_318 = arith.constant 1 : i32
    %jit3A_319 = arith.constant 0 : i32
    %broadcast_in_dim3A_320 = vector.broadcast %jit3A_318 : i32 to vector<16xi32>
    %broadcast_in_dim3A_321 = vector.broadcast %jit3A_319 : i32 to vector<16xi32>
    %select_n3A_322 = arith.select %eq3A_317, %broadcast_in_dim3A_320, %broadcast_in_dim3A_321 : vector<16xi1>, vector<16xi32>
    %add3A_323 = arith.addi %add3A_314, %select_n3A_322 : vector<16xi32>
    %eq3A_324 = arith.constant 1 : i32
    %eq3A_325 = vector.broadcast %eq3A_324 : i32 to vector<16xi32>
    %eq3A_326 = arith.cmpi eq, %get3A_46, %eq3A_325 : vector<16xi32>
    %jit3A_327 = arith.constant 1 : i32
    %jit3A_328 = arith.constant 0 : i32
    %broadcast_in_dim3A_329 = vector.broadcast %jit3A_327 : i32 to vector<16xi32>
    %broadcast_in_dim3A_330 = vector.broadcast %jit3A_328 : i32 to vector<16xi32>
    %select_n3A_331 = arith.select %eq3A_326, %broadcast_in_dim3A_329, %broadcast_in_dim3A_330 : vector<16xi1>, vector<16xi32>
    %add3A_332 = arith.addi %add3A_323, %select_n3A_331 : vector<16xi32>
    %eq3A_333 = arith.constant 1 : i32
    %eq3A_334 = vector.broadcast %eq3A_333 : i32 to vector<16xi32>
    %eq3A_335 = arith.cmpi eq, %get3A_49, %eq3A_334 : vector<16xi32>
    %jit3A_336 = arith.constant 1 : i32
    %jit3A_337 = arith.constant 0 : i32
    %broadcast_in_dim3A_338 = vector.broadcast %jit3A_336 : i32 to vector<16xi32>
    %broadcast_in_dim3A_339 = vector.broadcast %jit3A_337 : i32 to vector<16xi32>
    %select_n3A_340 = arith.select %eq3A_335, %broadcast_in_dim3A_338, %broadcast_in_dim3A_339 : vector<16xi1>, vector<16xi32>
    %add3A_341 = arith.addi %add3A_332, %select_n3A_340 : vector<16xi32>
    %swap3A_342 = arith.constant 1 : i32
    %swap3A_343 = arith.index_cast %swap3A_342 : i32 to index
    %swap3A_344 = arith.constant 0 : index
    %swap3A_345 = tpu.vector_load %arg5[%swap3A_343, %swap3A_344] {strides = array<i32>} : memref<32x16xi32, #tpu.memory_space<vmem>>, vector<1x16xi32>,
    %swap3A_346 = vector.shape_cast %swap3A_345 : vector<1x16xi32> to vector<16xi32>
    %swap3A_347 = vector.shape_cast %add3A_341 : vector<16xi32> to vector<1x16xi32>
    tpu.vector_store %arg5[%swap3A_343, %swap3A_344], %swap3A_347 {strides = array<i32>} : memref<32x16xi32, #tpu.memory_space<vmem>>, vector<1x16xi32>,
    %broadcast_in_dim3A_348 = arith.constant 0 : i32
    %broadcast_in_dim3A_349 = vector.broadcast %broadcast_in_dim3A_348 : i32 to vector<16xi32>
    %eq3A_350 = arith.constant 2 : i32
    %eq3A_351 = vector.broadcast %eq3A_350 : i32 to vector<16xi32>
    %eq3A_352 = arith.cmpi eq, %get3A_4, %eq3A_351 : vector<16xi32>
    %jit3A_353 = arith.constant 1 : i32
    %jit3A_354 = arith.constant 0 : i32
    %broadcast_in_dim3A_355 = vector.broadcast %jit3A_353 : i32 to vector<16xi32>
    %broadcast_in_dim3A_356 = vector.broadcast %jit3A_354 : i32 to vector<16xi32>
    %select_n3A_357 = arith.select %eq3A_352, %broadcast_in_dim3A_355, %broadcast_in_dim3A_356 : vector<16xi1>, vector<16xi32>
    %add3A_358 = arith.addi %broadcast_in_dim3A_349, %select_n3A_357 : vector<16xi32>
    %eq3A_359 = arith.constant 2 : i32
    %eq3A_360 = vector.broadcast %eq3A_359 : i32 to vector<16xi32>
    %eq3A_361 = arith.cmpi eq, %get3A_7, %eq3A_360 : vector<16xi32>
    %jit3A_362 = arith.constant 1 : i32
    %jit3A_363 = arith.constant 0 : i32
    %broadcast_in_dim3A_364 = vector.broadcast %jit3A_362 : i32 to vector<16xi32>
    %broadcast_in_dim3A_365 = vector.broadcast %jit3A_363 : i32 to vector<16xi32>
    %select_n3A_366 = arith.select %eq3A_361, %broadcast_in_dim3A_364, %broadcast_in_dim3A_365 : vector<16xi1>, vector<16xi32>
    %add3A_367 = arith.addi %add3A_358, %select_n3A_366 : vector<16xi32>
    %eq3A_368 = arith.constant 2 : i32
    %eq3A_369 = vector.broadcast %eq3A_368 : i32 to vector<16xi32>
    %eq3A_370 = arith.cmpi eq, %get3A_10, %eq3A_369 : vector<16xi32>
    %jit3A_371 = arith.constant 1 : i32
    %jit3A_372 = arith.constant 0 : i32
    %broadcast_in_dim3A_373 = vector.broadcast %jit3A_371 : i32 to vector<16xi32>
    %broadcast_in_dim3A_374 = vector.broadcast %jit3A_372 : i32 to vector<16xi32>
    %select_n3A_375 = arith.select %eq3A_370, %broadcast_in_dim3A_373, %broadcast_in_dim3A_374 : vector<16xi1>, vector<16xi32>
    %add3A_376 = arith.addi %add3A_367, %select_n3A_375 : vector<16xi32>
    %eq3A_377 = arith.constant 2 : i32
    %eq3A_378 = vector.broadcast %eq3A_377 : i32 to vector<16xi32>
    %eq3A_379 = arith.cmpi eq, %get3A_13, %eq3A_378 : vector<16xi32>
    %jit3A_380 = arith.constant 1 : i32
    %jit3A_381 = arith.constant 0 : i32
    %broadcast_in_dim3A_382 = vector.broadcast %jit3A_380 : i32 to vector<16xi32>
    %broadcast_in_dim3A_383 = vector.broadcast %jit3A_381 : i32 to vector<16xi32>
    %select_n3A_384 = arith.select %eq3A_379, %broadcast_in_dim3A_382, %broadcast_in_dim3A_383 : vector<16xi1>, vector<16xi32>
    %add3A_385 = arith.addi %add3A_376, %select_n3A_384 : vector<16xi32>
    %eq3A_386 = arith.constant 2 : i32
    %eq3A_387 = vector.broadcast %eq3A_386 : i32 to vector<16xi32>
    %eq3A_388 = arith.cmpi eq, %get3A_16, %eq3A_387 : vector<16xi32>
    %jit3A_389 = arith.constant 1 : i32
    %jit3A_390 = arith.constant 0 : i32
    %broadcast_in_dim3A_391 = vector.broadcast %jit3A_389 : i32 to vector<16xi32>
    %broadcast_in_dim3A_392 = vector.broadcast %jit3A_390 : i32 to vector<16xi32>
    %select_n3A_393 = arith.select %eq3A_388, %broadcast_in_dim3A_391, %broadcast_in_dim3A_392 : vector<16xi1>, vector<16xi32>
    %add3A_394 = arith.addi %add3A_385, %select_n3A_393 : vector<16xi32>
    %eq3A_395 = arith.constant 2 : i32
    %eq3A_396 = vector.broadcast %eq3A_395 : i32 to vector<16xi32>
    %eq3A_397 = arith.cmpi eq, %get3A_19, %eq3A_396 : vector<16xi32>
    %jit3A_398 = arith.constant 1 : i32
    %jit3A_399 = arith.constant 0 : i32
    %broadcast_in_dim3A_400 = vector.broadcast %jit3A_398 : i32 to vector<16xi32>
    %broadcast_in_dim3A_401 = vector.broadcast %jit3A_399 : i32 to vector<16xi32>
    %select_n3A_402 = arith.select %eq3A_397, %broadcast_in_dim3A_400, %broadcast_in_dim3A_401 : vector<16xi1>, vector<16xi32>
    %add3A_403 = arith.addi %add3A_394, %select_n3A_402 : vector<16xi32>
    %eq3A_404 = arith.constant 2 : i32
    %eq3A_405 = vector.broadcast %eq3A_404 : i32 to vector<16xi32>
    %eq3A_406 = arith.cmpi eq, %get3A_22, %eq3A_405 : vector<16xi32>
    %jit3A_407 = arith.constant 1 : i32
    %jit3A_408 = arith.constant 0 : i32
    %broadcast_in_dim3A_409 = vector.broadcast %jit3A_407 : i32 to vector<16xi32>
    %broadcast_in_dim3A_410 = vector.broadcast %jit3A_408 : i32 to vector<16xi32>
    %select_n3A_411 = arith.select %eq3A_406, %broadcast_in_dim3A_409, %broadcast_in_dim3A_410 : vector<16xi1>, vector<16xi32>
    %add3A_412 = arith.addi %add3A_403, %select_n3A_411 : vector<16xi32>
    %eq3A_413 = arith.constant 2 : i32
    %eq3A_414 = vector.broadcast %eq3A_413 : i32 to vector<16xi32>
    %eq3A_415 = arith.cmpi eq, %get3A_25, %eq3A_414 : vector<16xi32>
    %jit3A_416 = arith.constant 1 : i32
    %jit3A_417 = arith.constant 0 : i32
    %broadcast_in_dim3A_418 = vector.broadcast %jit3A_416 : i32 to vector<16xi32>
    %broadcast_in_dim3A_419 = vector.broadcast %jit3A_417 : i32 to vector<16xi32>
    %select_n3A_420 = arith.select %eq3A_415, %broadcast_in_dim3A_418, %broadcast_in_dim3A_419 : vector<16xi1>, vector<16xi32>
    %add3A_421 = arith.addi %add3A_412, %select_n3A_420 : vector<16xi32>
    %eq3A_422 = arith.constant 2 : i32
    %eq3A_423 = vector.broadcast %eq3A_422 : i32 to vector<16xi32>
    %eq3A_424 = arith.cmpi eq, %get3A_28, %eq3A_423 : vector<16xi32>
    %jit3A_425 = arith.constant 1 : i32
    %jit3A_426 = arith.constant 0 : i32
    %broadcast_in_dim3A_427 = vector.broadcast %jit3A_425 : i32 to vector<16xi32>
    %broadcast_in_dim3A_428 = vector.broadcast %jit3A_426 : i32 to vector<16xi32>
    %select_n3A_429 = arith.select %eq3A_424, %broadcast_in_dim3A_427, %broadcast_in_dim3A_428 : vector<16xi1>, vector<16xi32>
    %add3A_430 = arith.addi %add3A_421, %select_n3A_429 : vector<16xi32>
    %eq3A_431 = arith.constant 2 : i32
    %eq3A_432 = vector.broadcast %eq3A_431 : i32 to vector<16xi32>
    %eq3A_433 = arith.cmpi eq, %get3A_31, %eq3A_432 : vector<16xi32>
    %jit3A_434 = arith.constant 1 : i32
    %jit3A_435 = arith.constant 0 : i32
    %broadcast_in_dim3A_436 = vector.broadcast %jit3A_434 : i32 to vector<16xi32>
    %broadcast_in_dim3A_437 = vector.broadcast %jit3A_435 : i32 to vector<16xi32>
    %select_n3A_438 = arith.select %eq3A_433, %broadcast_in_dim3A_436, %broadcast_in_dim3A_437 : vector<16xi1>, vector<16xi32>
    %add3A_439 = arith.addi %add3A_430, %select_n3A_438 : vector<16xi32>
    %eq3A_440 = arith.constant 2 : i32
    %eq3A_441 = vector.broadcast %eq3A_440 : i32 to vector<16xi32>
    %eq3A_442 = arith.cmpi eq, %get3A_34, %eq3A_441 : vector<16xi32>
    %jit3A_443 = arith.constant 1 : i32
    %jit3A_444 = arith.constant 0 : i32
    %broadcast_in_dim3A_445 = vector.broadcast %jit3A_443 : i32 to vector<16xi32>
    %broadcast_in_dim3A_446 = vector.broadcast %jit3A_444 : i32 to vector<16xi32>
    %select_n3A_447 = arith.select %eq3A_442, %broadcast_in_dim3A_445, %broadcast_in_dim3A_446 : vector<16xi1>, vector<16xi32>
    %add3A_448 = arith.addi %add3A_439, %select_n3A_447 : vector<16xi32>
    %eq3A_449 = arith.constant 2 : i32
    %eq3A_450 = vector.broadcast %eq3A_449 : i32 to vector<16xi32>
    %eq3A_451 = arith.cmpi eq, %get3A_37, %eq3A_450 : vector<16xi32>
    %jit3A_452 = arith.constant 1 : i32
    %jit3A_453 = arith.constant 0 : i32
    %broadcast_in_dim3A_454 = vector.broadcast %jit3A_452 : i32 to vector<16xi32>
    %broadcast_in_dim3A_455 = vector.broadcast %jit3A_453 : i32 to vector<16xi32>
    %select_n3A_456 = arith.select %eq3A_451, %broadcast_in_dim3A_454, %broadcast_in_dim3A_455 : vector<16xi1>, vector<16xi32>
    %add3A_457 = arith.addi %add3A_448, %select_n3A_456 : vector<16xi32>
    %eq3A_458 = arith.constant 2 : i32
    %eq3A_459 = vector.broadcast %eq3A_458 : i32 to vector<16xi32>
    %eq3A_460 = arith.cmpi eq, %get3A_40, %eq3A_459 : vector<16xi32>
    %jit3A_461 = arith.constant 1 : i32
    %jit3A_462 = arith.constant 0 : i32
    %broadcast_in_dim3A_463 = vector.broadcast %jit3A_461 : i32 to vector<16xi32>
    %broadcast_in_dim3A_464 = vector.broadcast %jit3A_462 : i32 to vector<16xi32>
    %select_n3A_465 = arith.select %eq3A_460, %broadcast_in_dim3A_463, %broadcast_in_dim3A_464 : vector<16xi1>, vector<16xi32>
    %add3A_466 = arith.addi %add3A_457, %select_n3A_465 : vector<16xi32>
    %eq3A_467 = arith.constant 2 : i32
    %eq3A_468 = vector.broadcast %eq3A_467 : i32 to vector<16xi32>
    %eq3A_469 = arith.cmpi eq, %get3A_43, %eq3A_468 : vector<16xi32>
    %jit3A_470 = arith.constant 1 : i32
    %jit3A_471 = arith.constant 0 : i32
    %broadcast_in_dim3A_472 = vector.broadcast %jit3A_470 : i32 to vector<16xi32>
    %broadcast_in_dim3A_473 = vector.broadcast %jit3A_471 : i32 to vector<16xi32>
    %select_n3A_474 = arith.select %eq3A_469, %broadcast_in_dim3A_472, %broadcast_in_dim3A_473 : vector<16xi1>, vector<16xi32>
    %add3A_475 = arith.addi %add3A_466, %select_n3A_474 : vector<16xi32>
    %eq3A_476 = arith.constant 2 : i32
    %eq3A_477 = vector.broadcast %eq3A_476 : i32 to vector<16xi32>
    %eq3A_478 = arith.cmpi eq, %get3A_46, %eq3A_477 : vector<16xi32>
    %jit3A_479 = arith.constant 1 : i32
    %jit3A_480 = arith.constant 0 : i32
    %broadcast_in_dim3A_481 = vector.broadcast %jit3A_479 : i32 to vector<16xi32>
    %broadcast_in_dim3A_482 = vector.broadcast %jit3A_480 : i32 to vector<16xi32>
    %select_n3A_483 = arith.select %eq3A_478, %broadcast_in_dim3A_481, %broadcast_in_dim3A_482 : vector<16xi1>, vector<16xi32>
    %add3A_484 = arith.addi %add3A_475, %select_n3A_483 : vector<16xi32>
    %eq3A_485 = arith.constant 2 : i32
    %eq3A_486 = vector.broadcast %eq3A_485 : i32 to vector<16xi32>
    %eq3A_487 = arith.cmpi eq, %get3A_49, %eq3A_486 : vector<16xi32>
    %jit3A_488 = arith.constant 1 : i32
    %jit3A_489 = arith.constant 0 : i32
    %broadcast_in_dim3A_490 = vector.broadcast %jit3A_488 : i32 to vector<16xi32>
    %broadcast_in_dim3A_491 = vector.broadcast %jit3A_489 : i32 to vector<16xi32>
    %select_n3A_492 = arith.select %eq3A_487, %broadcast_in_dim3A_490, %broadcast_in_dim3A_491 : vector<16xi1>, vector<16xi32>
    %add3A_493 = arith.addi %add3A_484, %select_n3A_492 : vector<16xi32>
    %swap3A_494 = arith.constant 2 : i32
    %swap3A_495 = arith.index_cast %swap3A_494 : i32 to index
    %swap3A_496 = arith.constant 0 : index
    %swap3A_497 = tpu.vector_load %arg5[%swap3A_495, %swap3A_496] {strides = array<i32>} : memref<32x16xi32, #tpu.memory_space<vmem>>, vector<1x16xi32>,
    %swap3A_498 = vector.shape_cast %swap3A_497 : vector<1x16xi32> to vector<16xi32>
    %swap3A_499 = vector.shape_cast %add3A_493 : vector<16xi32> to vector<1x16xi32>
    tpu.vector_store %arg5[%swap3A_495, %swap3A_496], %swap3A_499 {strides = array<i32>} : memref<32x16xi32, #tpu.memory_space<vmem>>, vector<1x16xi32>,
    %broadcast_in_dim3A_500 = arith.constant 0 : i32
    %broadcast_in_dim3A_501 = vector.broadcast %broadcast_in_dim3A_500 : i32 to vector<16xi32>
    %eq3A_502 = arith.constant 3 : i32
    %eq3A_503 = vector.broadcast %eq3A_502 : i32 to vector<16xi32>
    %eq3A_504 = arith.cmpi eq, %get3A_4, %eq3A_503 : vector<16xi32>
    %jit3A_505 = arith.constant 1 : i32
    %jit3A_506 = arith.constant 0 : i32
    %broadcast_in_dim3A_507 = vector.broadcast %jit3A_505 : i32 to vector<16xi32>
    %broadcast_in_dim3A_508 = vector.broadcast %jit3A_506 : i32 to vector<16xi32>
    %select_n3A_509 = arith.select %eq3A_504, %broadcast_in_dim3A_507, %broadcast_in_dim3A_508 : vector<16xi1>, vector<16xi32>
    %add3A_510 = arith.addi %broadcast_in_dim3A_501, %select_n3A_509 : vector<16xi32>
    %eq3A_511 = arith.constant 3 : i32
    %eq3A_512 = vector.broadcast %eq3A_511 : i32 to vector<16xi32>
    %eq3A_513 = arith.cmpi eq, %get3A_7, %eq3A_512 : vector<16xi32>
    %jit3A_514 = arith.constant 1 : i32
    %jit3A_515 = arith.constant 0 : i32
    %broadcast_in_dim3A_516 = vector.broadcast %jit3A_514 : i32 to vector<16xi32>
    %broadcast_in_dim3A_517 = vector.broadcast %jit3A_515 : i32 to vector<16xi32>
    %select_n3A_518 = arith.select %eq3A_513, %broadcast_in_dim3A_516, %broadcast_in_dim3A_517 : vector<16xi1>, vector<16xi32>
    %add3A_519 = arith.addi %add3A_510, %select_n3A_518 : vector<16xi32>
    %eq3A_520 = arith.constant 3 : i32
    %eq3A_521 = vector.broadcast %eq3A_520 : i32 to vector<16xi32>
    %eq3A_522 = arith.cmpi eq, %get3A_10, %eq3A_521 : vector<16xi32>
    %jit3A_523 = arith.constant 1 : i32
    %jit3A_524 = arith.constant 0 : i32
    %broadcast_in_dim3A_525 = vector.broadcast %jit3A_523 : i32 to vector<16xi32>
    %broadcast_in_dim3A_526 = vector.broadcast %jit3A_524 : i32 to vector<16xi32>
    %select_n3A_527 = arith.select %eq3A_522, %broadcast_in_dim3A_525, %broadcast_in_dim3A_526 : vector<16xi1>, vector<16xi32>
    %add3A_528 = arith.addi %add3A_519, %select_n3A_527 : vector<16xi32>
    %eq3A_529 = arith.constant 3 : i32
    %eq3A_530 = vector.broadcast %eq3A_529 : i32 to vector<16xi32>
    %eq3A_531 = arith.cmpi eq, %get3A_13, %eq3A_530 : vector<16xi32>
    %jit3A_532 = arith.constant 1 : i32
    %jit3A_533 = arith.constant 0 : i32
    %broadcast_in_dim3A_534 = vector.broadcast %jit3A_532 : i32 to vector<16xi32>
    %broadcast_in_dim3A_535 = vector.broadcast %jit3A_533 : i32 to vector<16xi32>
    %select_n3A_536 = arith.select %eq3A_531, %broadcast_in_dim3A_534, %broadcast_in_dim3A_535 : vector<16xi1>, vector<16xi32>
    %add3A_537 = arith.addi %add3A_528, %select_n3A_536 : vector<16xi32>
    %eq3A_538 = arith.constant 3 : i32
    %eq3A_539 = vector.broadcast %eq3A_538 : i32 to vector<16xi32>
    %eq3A_540 = arith.cmpi eq, %get3A_16, %eq3A_539 : vector<16xi32>
    %jit3A_541 = arith.constant 1 : i32
    %jit3A_542 = arith.constant 0 : i32
    %broadcast_in_dim3A_543 = vector.broadcast %jit3A_541 : i32 to vector<16xi32>
    %broadcast_in_dim3A_544 = vector.broadcast %jit3A_542 : i32 to vector<16xi32>
    %select_n3A_545 = arith.select %eq3A_540, %broadcast_in_dim3A_543, %broadcast_in_dim3A_544 : vector<16xi1>, vector<16xi32>
    %add3A_546 = arith.addi %add3A_537, %select_n3A_545 : vector<16xi32>
    %eq3A_547 = arith.constant 3 : i32
    %eq3A_548 = vector.broadcast %eq3A_547 : i32 to vector<16xi32>
    %eq3A_549 = arith.cmpi eq, %get3A_19, %eq3A_548 : vector<16xi32>
    %jit3A_550 = arith.constant 1 : i32
    %jit3A_551 = arith.constant 0 : i32
    %broadcast_in_dim3A_552 = vector.broadcast %jit3A_550 : i32 to vector<16xi32>
    %broadcast_in_dim3A_553 = vector.broadcast %jit3A_551 : i32 to vector<16xi32>
    %select_n3A_554 = arith.select %eq3A_549, %broadcast_in_dim3A_552, %broadcast_in_dim3A_553 : vector<16xi1>, vector<16xi32>
    %add3A_555 = arith.addi %add3A_546, %select_n3A_554 : vector<16xi32>
    %eq3A_556 = arith.constant 3 : i32
    %eq3A_557 = vector.broadcast %eq3A_556 : i32 to vector<16xi32>
    %eq3A_558 = arith.cmpi eq, %get3A_22, %eq3A_557 : vector<16xi32>
    %jit3A_559 = arith.constant 1 : i32
    %jit3A_560 = arith.constant 0 : i32
    %broadcast_in_dim3A_561 = vector.broadcast %jit3A_559 : i32 to vector<16xi32>
    %broadcast_in_dim3A_562 = vector.broadcast %jit3A_560 : i32 to vector<16xi32>
    %select_n3A_563 = arith.select %eq3A_558, %broadcast_in_dim3A_561, %broadcast_in_dim3A_562 : vector<16xi1>, vector<16xi32>
    %add3A_564 = arith.addi %add3A_555, %select_n3A_563 : vector<16xi32>
    %eq3A_565 = arith.constant 3 : i32
    %eq3A_566 = vector.broadcast %eq3A_565 : i32 to vector<16xi32>
    %eq3A_567 = arith.cmpi eq, %get3A_25, %eq3A_566 : vector<16xi32>
    %jit3A_568 = arith.constant 1 : i32
    %jit3A_569 = arith.constant 0 : i32
    %broadcast_in_dim3A_570 = vector.broadcast %jit3A_568 : i32 to vector<16xi32>
    %broadcast_in_dim3A_571 = vector.broadcast %jit3A_569 : i32 to vector<16xi32>
    %select_n3A_572 = arith.select %eq3A_567, %broadcast_in_dim3A_570, %broadcast_in_dim3A_571 : vector<16xi1>, vector<16xi32>
    %add3A_573 = arith.addi %add3A_564, %select_n3A_572 : vector<16xi32>
    %eq3A_574 = arith.constant 3 : i32
    %eq3A_575 = vector.broadcast %eq3A_574 : i32 to vector<16xi32>
    %eq3A_576 = arith.cmpi eq, %get3A_28, %eq3A_575 : vector<16xi32>
    %jit3A_577 = arith.constant 1 : i32
    %jit3A_578 = arith.constant 0 : i32
    %broadcast_in_dim3A_579 = vector.broadcast %jit3A_577 : i32 to vector<16xi32>
    %broadcast_in_dim3A_580 = vector.broadcast %jit3A_578 : i32 to vector<16xi32>
    %select_n3A_581 = arith.select %eq3A_576, %broadcast_in_dim3A_579, %broadcast_in_dim3A_580 : vector<16xi1>, vector<16xi32>
    %add3A_582 = arith.addi %add3A_573, %select_n3A_581 : vector<16xi32>
    %eq3A_583 = arith.constant 3 : i32
    %eq3A_584 = vector.broadcast %eq3A_583 : i32 to vector<16xi32>
    %eq3A_585 = arith.cmpi eq, %get3A_31, %eq3A_584 : vector<16xi32>
    %jit3A_586 = arith.constant 1 : i32
    %jit3A_587 = arith.constant 0 : i32
    %broadcast_in_dim3A_588 = vector.broadcast %jit3A_586 : i32 to vector<16xi32>
    %broadcast_in_dim3A_589 = vector.broadcast %jit3A_587 : i32 to vector<16xi32>
    %select_n3A_590 = arith.select %eq3A_585, %broadcast_in_dim3A_588, %broadcast_in_dim3A_589 : vector<16xi1>, vector<16xi32>
    %add3A_591 = arith.addi %add3A_582, %select_n3A_590 : vector<16xi32>
    %eq3A_592 = arith.constant 3 : i32
    %eq3A_593 = vector.broadcast %eq3A_592 : i32 to vector<16xi32>
    %eq3A_594 = arith.cmpi eq, %get3A_34, %eq3A_593 : vector<16xi32>
    %jit3A_595 = arith.constant 1 : i32
    %jit3A_596 = arith.constant 0 : i32
    %broadcast_in_dim3A_597 = vector.broadcast %jit3A_595 : i32 to vector<16xi32>
    %broadcast_in_dim3A_598 = vector.broadcast %jit3A_596 : i32 to vector<16xi32>
    %select_n3A_599 = arith.select %eq3A_594, %broadcast_in_dim3A_597, %broadcast_in_dim3A_598 : vector<16xi1>, vector<16xi32>
    %add3A_600 = arith.addi %add3A_591, %select_n3A_599 : vector<16xi32>
    %eq3A_601 = arith.constant 3 : i32
    %eq3A_602 = vector.broadcast %eq3A_601 : i32 to vector<16xi32>
    %eq3A_603 = arith.cmpi eq, %get3A_37, %eq3A_602 : vector<16xi32>
    %jit3A_604 = arith.constant 1 : i32
    %jit3A_605 = arith.constant 0 : i32
    %broadcast_in_dim3A_606 = vector.broadcast %jit3A_604 : i32 to vector<16xi32>
    %broadcast_in_dim3A_607 = vector.broadcast %jit3A_605 : i32 to vector<16xi32>
    %select_n3A_608 = arith.select %eq3A_603, %broadcast_in_dim3A_606, %broadcast_in_dim3A_607 : vector<16xi1>, vector<16xi32>
    %add3A_609 = arith.addi %add3A_600, %select_n3A_608 : vector<16xi32>
    %eq3A_610 = arith.constant 3 : i32
    %eq3A_611 = vector.broadcast %eq3A_610 : i32 to vector<16xi32>
    %eq3A_612 = arith.cmpi eq, %get3A_40, %eq3A_611 : vector<16xi32>
    %jit3A_613 = arith.constant 1 : i32
    %jit3A_614 = arith.constant 0 : i32
    %broadcast_in_dim3A_615 = vector.broadcast %jit3A_613 : i32 to vector<16xi32>
    %broadcast_in_dim3A_616 = vector.broadcast %jit3A_614 : i32 to vector<16xi32>
    %select_n3A_617 = arith.select %eq3A_612, %broadcast_in_dim3A_615, %broadcast_in_dim3A_616 : vector<16xi1>, vector<16xi32>
    %add3A_618 = arith.addi %add3A_609, %select_n3A_617 : vector<16xi32>
    %eq3A_619 = arith.constant 3 : i32
    %eq3A_620 = vector.broadcast %eq3A_619 : i32 to vector<16xi32>
    %eq3A_621 = arith.cmpi eq, %get3A_43, %eq3A_620 : vector<16xi32>
    %jit3A_622 = arith.constant 1 : i32
    %jit3A_623 = arith.constant 0 : i32
    %broadcast_in_dim3A_624 = vector.broadcast %jit3A_622 : i32 to vector<16xi32>
    %broadcast_in_dim3A_625 = vector.broadcast %jit3A_623 : i32 to vector<16xi32>
    %select_n3A_626 = arith.select %eq3A_621, %broadcast_in_dim3A_624, %broadcast_in_dim3A_625 : vector<16xi1>, vector<16xi32>
    %add3A_627 = arith.addi %add3A_618, %select_n3A_626 : vector<16xi32>
    %eq3A_628 = arith.constant 3 : i32
    %eq3A_629 = vector.broadcast %eq3A_628 : i32 to vector<16xi32>
    %eq3A_630 = arith.cmpi eq, %get3A_46, %eq3A_629 : vector<16xi32>
    %jit3A_631 = arith.constant 1 : i32
    %jit3A_632 = arith.constant 0 : i32
    %broadcast_in_dim3A_633 = vector.broadcast %jit3A_631 : i32 to vector<16xi32>
    %broadcast_in_dim3A_634 = vector.broadcast %jit3A_632 : i32 to vector<16xi32>
    %select_n3A_635 = arith.select %eq3A_630, %broadcast_in_dim3A_633, %broadcast_in_dim3A_634 : vector<16xi1>, vector<16xi32>
    %add3A_636 = arith.addi %add3A_627, %select_n3A_635 : vector<16xi32>
    %eq3A_637 = arith.constant 3 : i32
    %eq3A_638 = vector.broadcast %eq3A_637 : i32 to vector<16xi32>
    %eq3A_639 = arith.cmpi eq, %get3A_49, %eq3A_638 : vector<16xi32>
    %jit3A_640 = arith.constant 1 : i32
    %jit3A_641 = arith.constant 0 : i32
    %broadcast_in_dim3A_642 = vector.broadcast %jit3A_640 : i32 to vector<16xi32>
    %broadcast_in_dim3A_643 = vector.broadcast %jit3A_641 : i32 to vector<16xi32>
    %select_n3A_644 = arith.select %eq3A_639, %broadcast_in_dim3A_642, %broadcast_in_dim3A_643 : vector<16xi1>, vector<16xi32>
    %add3A_645 = arith.addi %add3A_636, %select_n3A_644 : vector<16xi32>
    %swap3A_646 = arith.constant 3 : i32
    %swap3A_647 = arith.index_cast %swap3A_646 : i32 to index
    %swap3A_648 = arith.constant 0 : index
    %swap3A_649 = tpu.vector_load %arg5[%swap3A_647, %swap3A_648] {strides = array<i32>} : memref<32x16xi32, #tpu.memory_space<vmem>>, vector<1x16xi32>,
    %swap3A_650 = vector.shape_cast %swap3A_649 : vector<1x16xi32> to vector<16xi32>
    %swap3A_651 = vector.shape_cast %add3A_645 : vector<16xi32> to vector<1x16xi32>
    tpu.vector_store %arg5[%swap3A_647, %swap3A_648], %swap3A_651 {strides = array<i32>} : memref<32x16xi32, #tpu.memory_space<vmem>>, vector<1x16xi32>,
    %broadcast_in_dim3A_652 = arith.constant 0 : i32
    %broadcast_in_dim3A_653 = vector.broadcast %broadcast_in_dim3A_652 : i32 to vector<16xi32>
    %eq3A_654 = arith.constant 4 : i32
    %eq3A_655 = vector.broadcast %eq3A_654 : i32 to vector<16xi32>
    %eq3A_656 = arith.cmpi eq, %get3A_4, %eq3A_655 : vector<16xi32>
    %jit3A_657 = arith.constant 1 : i32
    %jit3A_658 = arith.constant 0 : i32
    %broadcast_in_dim3A_659 = vector.broadcast %jit3A_657 : i32 to vector<16xi32>
    %broadcast_in_dim3A_660 = vector.broadcast %jit3A_658 : i32 to vector<16xi32>
    %select_n3A_661 = arith.select %eq3A_656, %broadcast_in_dim3A_659, %broadcast_in_dim3A_660 : vector<16xi1>, vector<16xi32>
    %add3A_662 = arith.addi %broadcast_in_dim3A_653, %select_n3A_661 : vector<16xi32>
    %eq3A_663 = arith.constant 4 : i32
    %eq3A_664 = vector.broadcast %eq3A_663 : i32 to vector<16xi32>
    %eq3A_665 = arith.cmpi eq, %get3A_7, %eq3A_664 : vector<16xi32>
    %jit3A_666 = arith.constant 1 : i32
    %jit3A_667 = arith.constant 0 : i32
    %broadcast_in_dim3A_668 = vector.broadcast %jit3A_666 : i32 to vector<16xi32>
    %broadcast_in_dim3A_669 = vector.broadcast %jit3A_667 : i32 to vector<16xi32>
    %select_n3A_670 = arith.select %eq3A_665, %broadcast_in_dim3A_668, %broadcast_in_dim3A_669 : vector<16xi1>, vector<16xi32>
    %add3A_671 = arith.addi %add3A_662, %select_n3A_670 : vector<16xi32>
    %eq3A_672 = arith.constant 4 : i32
    %eq3A_673 = vector.broadcast %eq3A_672 : i32 to vector<16xi32>
    %eq3A_674 = arith.cmpi eq, %get3A_10, %eq3A_673 : vector<16xi32>
    %jit3A_675 = arith.constant 1 : i32
    %jit3A_676 = arith.constant 0 : i32
    %broadcast_in_dim3A_677 = vector.broadcast %jit3A_675 : i32 to vector<16xi32>
    %broadcast_in_dim3A_678 = vector.broadcast %jit3A_676 : i32 to vector<16xi32>
    %select_n3A_679 = arith.select %eq3A_674, %broadcast_in_dim3A_677, %broadcast_in_dim3A_678 : vector<16xi1>, vector<16xi32>
    %add3A_680 = arith.addi %add3A_671, %select_n3A_679 : vector<16xi32>
    %eq3A_681 = arith.constant 4 : i32
    %eq3A_682 = vector.broadcast %eq3A_681 : i32 to vector<16xi32>
    %eq3A_683 = arith.cmpi eq, %get3A_13, %eq3A_682 : vector<16xi32>
    %jit3A_684 = arith.constant 1 : i32
    %jit3A_685 = arith.constant 0 : i32
    %broadcast_in_dim3A_686 = vector.broadcast %jit3A_684 : i32 to vector<16xi32>
    %broadcast_in_dim3A_687 = vector.broadcast %jit3A_685 : i32 to vector<16xi32>
    %select_n3A_688 = arith.select %eq3A_683, %broadcast_in_dim3A_686, %broadcast_in_dim3A_687 : vector<16xi1>, vector<16xi32>
    %add3A_689 = arith.addi %add3A_680, %select_n3A_688 : vector<16xi32>
    %eq3A_690 = arith.constant 4 : i32
    %eq3A_691 = vector.broadcast %eq3A_690 : i32 to vector<16xi32>
    %eq3A_692 = arith.cmpi eq, %get3A_16, %eq3A_691 : vector<16xi32>
    %jit3A_693 = arith.constant 1 : i32
    %jit3A_694 = arith.constant 0 : i32
    %broadcast_in_dim3A_695 = vector.broadcast %jit3A_693 : i32 to vector<16xi32>
    %broadcast_in_dim3A_696 = vector.broadcast %jit3A_694 : i32 to vector<16xi32>
    %select_n3A_697 = arith.select %eq3A_692, %broadcast_in_dim3A_695, %broadcast_in_dim3A_696 : vector<16xi1>, vector<16xi32>
    %add3A_698 = arith.addi %add3A_689, %select_n3A_697 : vector<16xi32>
    %eq3A_699 = arith.constant 4 : i32
    %eq3A_700 = vector.broadcast %eq3A_699 : i32 to vector<16xi32>
    %eq3A_701 = arith.cmpi eq, %get3A_19, %eq3A_700 : vector<16xi32>
    %jit3A_702 = arith.constant 1 : i32
    %jit3A_703 = arith.constant 0 : i32
    %broadcast_in_dim3A_704 = vector.broadcast %jit3A_702 : i32 to vector<16xi32>
    %broadcast_in_dim3A_705 = vector.broadcast %jit3A_703 : i32 to vector<16xi32>
    %select_n3A_706 = arith.select %eq3A_701, %broadcast_in_dim3A_704, %broadcast_in_dim3A_705 : vector<16xi1>, vector<16xi32>
    %add3A_707 = arith.addi %add3A_698, %select_n3A_706 : vector<16xi32>
    %eq3A_708 = arith.constant 4 : i32
    %eq3A_709 = vector.broadcast %eq3A_708 : i32 to vector<16xi32>
    %eq3A_710 = arith.cmpi eq, %get3A_22, %eq3A_709 : vector<16xi32>
    %jit3A_711 = arith.constant 1 : i32
    %jit3A_712 = arith.constant 0 : i32
    %broadcast_in_dim3A_713 = vector.broadcast %jit3A_711 : i32 to vector<16xi32>
    %broadcast_in_dim3A_714 = vector.broadcast %jit3A_712 : i32 to vector<16xi32>
    %select_n3A_715 = arith.select %eq3A_710, %broadcast_in_dim3A_713, %broadcast_in_dim3A_714 : vector<16xi1>, vector<16xi32>
    %add3A_716 = arith.addi %add3A_707, %select_n3A_715 : vector<16xi32>
    %eq3A_717 = arith.constant 4 : i32
    %eq3A_718 = vector.broadcast %eq3A_717 : i32 to vector<16xi32>
    %eq3A_719 = arith.cmpi eq, %get3A_25, %eq3A_718 : vector<16xi32>
    %jit3A_720 = arith.constant 1 : i32
    %jit3A_721 = arith.constant 0 : i32
    %broadcast_in_dim3A_722 = vector.broadcast %jit3A_720 : i32 to vector<16xi32>
    %broadcast_in_dim3A_723 = vector.broadcast %jit3A_721 : i32 to vector<16xi32>
    %select_n3A_724 = arith.select %eq3A_719, %broadcast_in_dim3A_722, %broadcast_in_dim3A_723 : vector<16xi1>, vector<16xi32>
    %add3A_725 = arith.addi %add3A_716, %select_n3A_724 : vector<16xi32>
    %eq3A_726 = arith.constant 4 : i32
    %eq3A_727 = vector.broadcast %eq3A_726 : i32 to vector<16xi32>
    %eq3A_728 = arith.cmpi eq, %get3A_28, %eq3A_727 : vector<16xi32>
    %jit3A_729 = arith.constant 1 : i32
    %jit3A_730 = arith.constant 0 : i32
    %broadcast_in_dim3A_731 = vector.broadcast %jit3A_729 : i32 to vector<16xi32>
    %broadcast_in_dim3A_732 = vector.broadcast %jit3A_730 : i32 to vector<16xi32>
    %select_n3A_733 = arith.select %eq3A_728, %broadcast_in_dim3A_731, %broadcast_in_dim3A_732 : vector<16xi1>, vector<16xi32>
    %add3A_734 = arith.addi %add3A_725, %select_n3A_733 : vector<16xi32>
    %eq3A_735 = arith.constant 4 : i32
    %eq3A_736 = vector.broadcast %eq3A_735 : i32 to vector<16xi32>
    %eq3A_737 = arith.cmpi eq, %get3A_31, %eq3A_736 : vector<16xi32>
    %jit3A_738 = arith.constant 1 : i32
    %jit3A_739 = arith.constant 0 : i32
    %broadcast_in_dim3A_740 = vector.broadcast %jit3A_738 : i32 to vector<16xi32>
    %broadcast_in_dim3A_741 = vector.broadcast %jit3A_739 : i32 to vector<16xi32>
    %select_n3A_742 = arith.select %eq3A_737, %broadcast_in_dim3A_740, %broadcast_in_dim3A_741 : vector<16xi1>, vector<16xi32>
    %add3A_743 = arith.addi %add3A_734, %select_n3A_742 : vector<16xi32>
    %eq3A_744 = arith.constant 4 : i32
    %eq3A_745 = vector.broadcast %eq3A_744 : i32 to vector<16xi32>
    %eq3A_746 = arith.cmpi eq, %get3A_34, %eq3A_745 : vector<16xi32>
    %jit3A_747 = arith.constant 1 : i32
    %jit3A_748 = arith.constant 0 : i32
    %broadcast_in_dim3A_749 = vector.broadcast %jit3A_747 : i32 to vector<16xi32>
    %broadcast_in_dim3A_750 = vector.broadcast %jit3A_748 : i32 to vector<16xi32>
    %select_n3A_751 = arith.select %eq3A_746, %broadcast_in_dim3A_749, %broadcast_in_dim3A_750 : vector<16xi1>, vector<16xi32>
    %add3A_752 = arith.addi %add3A_743, %select_n3A_751 : vector<16xi32>
    %eq3A_753 = arith.constant 4 : i32
    %eq3A_754 = vector.broadcast %eq3A_753 : i32 to vector<16xi32>
    %eq3A_755 = arith.cmpi eq, %get3A_37, %eq3A_754 : vector<16xi32>
    %jit3A_756 = arith.constant 1 : i32
    %jit3A_757 = arith.constant 0 : i32
    %broadcast_in_dim3A_758 = vector.broadcast %jit3A_756 : i32 to vector<16xi32>
    %broadcast_in_dim3A_759 = vector.broadcast %jit3A_757 : i32 to vector<16xi32>
    %select_n3A_760 = arith.select %eq3A_755, %broadcast_in_dim3A_758, %broadcast_in_dim3A_759 : vector<16xi1>, vector<16xi32>
    %add3A_761 = arith.addi %add3A_752, %select_n3A_760 : vector<16xi32>
    %eq3A_762 = arith.constant 4 : i32
    %eq3A_763 = vector.broadcast %eq3A_762 : i32 to vector<16xi32>
    %eq3A_764 = arith.cmpi eq, %get3A_40, %eq3A_763 : vector<16xi32>
    %jit3A_765 = arith.constant 1 : i32
    %jit3A_766 = arith.constant 0 : i32
    %broadcast_in_dim3A_767 = vector.broadcast %jit3A_765 : i32 to vector<16xi32>
    %broadcast_in_dim3A_768 = vector.broadcast %jit3A_766 : i32 to vector<16xi32>
    %select_n3A_769 = arith.select %eq3A_764, %broadcast_in_dim3A_767, %broadcast_in_dim3A_768 : vector<16xi1>, vector<16xi32>
    %add3A_770 = arith.addi %add3A_761, %select_n3A_769 : vector<16xi32>
    %eq3A_771 = arith.constant 4 : i32
    %eq3A_772 = vector.broadcast %eq3A_771 : i32 to vector<16xi32>
    %eq3A_773 = arith.cmpi eq, %get3A_43, %eq3A_772 : vector<16xi32>
    %jit3A_774 = arith.constant 1 : i32
    %jit3A_775 = arith.constant 0 : i32
    %broadcast_in_dim3A_776 = vector.broadcast %jit3A_774 : i32 to vector<16xi32>
    %broadcast_in_dim3A_777 = vector.broadcast %jit3A_775 : i32 to vector<16xi32>
    %select_n3A_778 = arith.select %eq3A_773, %broadcast_in_dim3A_776, %broadcast_in_dim3A_777 : vector<16xi1>, vector<16xi32>
    %add3A_779 = arith.addi %add3A_770, %select_n3A_778 : vector<16xi32>
    %eq3A_780 = arith.constant 4 : i32
    %eq3A_781 = vector.broadcast %eq3A_780 : i32 to vector<16xi32>
    %eq3A_782 = arith.cmpi eq, %get3A_46, %eq3A_781 : vector<16xi32>
    %jit3A_783 = arith.constant 1 : i32
    %jit3A_784 = arith.constant 0 : i32
    %broadcast_in_dim3A_785 = vector.broadcast %jit3A_783 : i32 to vector<16xi32>
    %broadcast_in_dim3A_786 = vector.broadcast %jit3A_784 : i32 to vector<16xi32>
    %select_n3A_787 = arith.select %eq3A_782, %broadcast_in_dim3A_785, %broadcast_in_dim3A_786 : vector<16xi1>, vector<16xi32>
    %add3A_788 = arith.addi %add3A_779, %select_n3A_787 : vector<16xi32>
    %eq3A_789 = arith.constant 4 : i32
    %eq3A_790 = vector.broadcast %eq3A_789 : i32 to vector<16xi32>
    %eq3A_791 = arith.cmpi eq, %get3A_49, %eq3A_790 : vector<16xi32>
    %jit3A_792 = arith.constant 1 : i32
    %jit3A_793 = arith.constant 0 : i32
    %broadcast_in_dim3A_794 = vector.broadcast %jit3A_792 : i32 to vector<16xi32>
    %broadcast_in_dim3A_795 = vector.broadcast %jit3A_793 : i32 to vector<16xi32>
    %select_n3A_796 = arith.select %eq3A_791, %broadcast_in_dim3A_794, %broadcast_in_dim3A_795 : vector<16xi1>, vector<16xi32>
    %add3A_797 = arith.addi %add3A_788, %select_n3A_796 : vector<16xi32>
    %swap3A_798 = arith.constant 4 : i32
    %swap3A_799 = arith.index_cast %swap3A_798 : i32 to index
    %swap3A_800 = arith.constant 0 : index
    %swap3A_801 = tpu.vector_load %arg5[%swap3A_799, %swap3A_800] {strides = array<i32>} : memref<32x16xi32, #tpu.memory_space<vmem>>, vector<1x16xi32>,
    %swap3A_802 = vector.shape_cast %swap3A_801 : vector<1x16xi32> to vector<16xi32>
    %swap3A_803 = vector.shape_cast %add3A_797 : vector<16xi32> to vector<1x16xi32>
    tpu.vector_store %arg5[%swap3A_799, %swap3A_800], %swap3A_803 {strides = array<i32>} : memref<32x16xi32, #tpu.memory_space<vmem>>, vector<1x16xi32>,
    %broadcast_in_dim3A_804 = arith.constant 0 : i32
    %broadcast_in_dim3A_805 = vector.broadcast %broadcast_in_dim3A_804 : i32 to vector<16xi32>
    %eq3A_806 = arith.constant 5 : i32
    %eq3A_807 = vector.broadcast %eq3A_806 : i32 to vector<16xi32>
    %eq3A_808 = arith.cmpi eq, %get3A_4, %eq3A_807 : vector<16xi32>
    %jit3A_809 = arith.constant 1 : i32
    %jit3A_810 = arith.constant 0 : i32
    %broadcast_in_dim3A_811 = vector.broadcast %jit3A_809 : i32 to vector<16xi32>
    %broadcast_in_dim3A_812 = vector.broadcast %jit3A_810 : i32 to vector<16xi32>
    %select_n3A_813 = arith.select %eq3A_808, %broadcast_in_dim3A_811, %broadcast_in_dim3A_812 : vector<16xi1>, vector<16xi32>
    %add3A_814 = arith.addi %broadcast_in_dim3A_805, %select_n3A_813 : vector<16xi32>
    %eq3A_815 = arith.constant 5 : i32
    %eq3A_816 = vector.broadcast %eq3A_815 : i32 to vector<16xi32>
    %eq3A_817 = arith.cmpi eq, %get3A_7, %eq3A_816 : vector<16xi32>
    %jit3A_818 = arith.constant 1 : i32
    %jit3A_819 = arith.constant 0 : i32
    %broadcast_in_dim3A_820 = vector.broadcast %jit3A_818 : i32 to vector<16xi32>
    %broadcast_in_dim3A_821 = vector.broadcast %jit3A_819 : i32 to vector<16xi32>
    %select_n3A_822 = arith.select %eq3A_817, %broadcast_in_dim3A_820, %broadcast_in_dim3A_821 : vector<16xi1>, vector<16xi32>
    %add3A_823 = arith.addi %add3A_814, %select_n3A_822 : vector<16xi32>
    %eq3A_824 = arith.constant 5 : i32
    %eq3A_825 = vector.broadcast %eq3A_824 : i32 to vector<16xi32>
    %eq3A_826 = arith.cmpi eq, %get3A_10, %eq3A_825 : vector<16xi32>
    %jit3A_827 = arith.constant 1 : i32
    %jit3A_828 = arith.constant 0 : i32
    %broadcast_in_dim3A_829 = vector.broadcast %jit3A_827 : i32 to vector<16xi32>
    %broadcast_in_dim3A_830 = vector.broadcast %jit3A_828 : i32 to vector<16xi32>
    %select_n3A_831 = arith.select %eq3A_826, %broadcast_in_dim3A_829, %broadcast_in_dim3A_830 : vector<16xi1>, vector<16xi32>
    %add3A_832 = arith.addi %add3A_823, %select_n3A_831 : vector<16xi32>
    %eq3A_833 = arith.constant 5 : i32
    %eq3A_834 = vector.broadcast %eq3A_833 : i32 to vector<16xi32>
    %eq3A_835 = arith.cmpi eq, %get3A_13, %eq3A_834 : vector<16xi32>
    %jit3A_836 = arith.constant 1 : i32
    %jit3A_837 = arith.constant 0 : i32
    %broadcast_in_dim3A_838 = vector.broadcast %jit3A_836 : i32 to vector<16xi32>
    %broadcast_in_dim3A_839 = vector.broadcast %jit3A_837 : i32 to vector<16xi32>
    %select_n3A_840 = arith.select %eq3A_835, %broadcast_in_dim3A_838, %broadcast_in_dim3A_839 : vector<16xi1>, vector<16xi32>
    %add3A_841 = arith.addi %add3A_832, %select_n3A_840 : vector<16xi32>
    %eq3A_842 = arith.constant 5 : i32
    %eq3A_843 = vector.broadcast %eq3A_842 : i32 to vector<16xi32>
    %eq3A_844 = arith.cmpi eq, %get3A_16, %eq3A_843 : vector<16xi32>
    %jit3A_845 = arith.constant 1 : i32
    %jit3A_846 = arith.constant 0 : i32
    %broadcast_in_dim3A_847 = vector.broadcast %jit3A_845 : i32 to vector<16xi32>
    %broadcast_in_dim3A_848 = vector.broadcast %jit3A_846 : i32 to vector<16xi32>
    %select_n3A_849 = arith.select %eq3A_844, %broadcast_in_dim3A_847, %broadcast_in_dim3A_848 : vector<16xi1>, vector<16xi32>
    %add3A_850 = arith.addi %add3A_841, %select_n3A_849 : vector<16xi32>
    %eq3A_851 = arith.constant 5 : i32
    %eq3A_852 = vector.broadcast %eq3A_851 : i32 to vector<16xi32>
    %eq3A_853 = arith.cmpi eq, %get3A_19, %eq3A_852 : vector<16xi32>
    %jit3A_854 = arith.constant 1 : i32
    %jit3A_855 = arith.constant 0 : i32
    %broadcast_in_dim3A_856 = vector.broadcast %jit3A_854 : i32 to vector<16xi32>
    %broadcast_in_dim3A_857 = vector.broadcast %jit3A_855 : i32 to vector<16xi32>
    %select_n3A_858 = arith.select %eq3A_853, %broadcast_in_dim3A_856, %broadcast_in_dim3A_857 : vector<16xi1>, vector<16xi32>
    %add3A_859 = arith.addi %add3A_850, %select_n3A_858 : vector<16xi32>
    %eq3A_860 = arith.constant 5 : i32
    %eq3A_861 = vector.broadcast %eq3A_860 : i32 to vector<16xi32>
    %eq3A_862 = arith.cmpi eq, %get3A_22, %eq3A_861 : vector<16xi32>
    %jit3A_863 = arith.constant 1 : i32
    %jit3A_864 = arith.constant 0 : i32
    %broadcast_in_dim3A_865 = vector.broadcast %jit3A_863 : i32 to vector<16xi32>
    %broadcast_in_dim3A_866 = vector.broadcast %jit3A_864 : i32 to vector<16xi32>
    %select_n3A_867 = arith.select %eq3A_862, %broadcast_in_dim3A_865, %broadcast_in_dim3A_866 : vector<16xi1>, vector<16xi32>
    %add3A_868 = arith.addi %add3A_859, %select_n3A_867 : vector<16xi32>
    %eq3A_869 = arith.constant 5 : i32
    %eq3A_870 = vector.broadcast %eq3A_869 : i32 to vector<16xi32>
    %eq3A_871 = arith.cmpi eq, %get3A_25, %eq3A_870 : vector<16xi32>
    %jit3A_872 = arith.constant 1 : i32
    %jit3A_873 = arith.constant 0 : i32
    %broadcast_in_dim3A_874 = vector.broadcast %jit3A_872 : i32 to vector<16xi32>
    %broadcast_in_dim3A_875 = vector.broadcast %jit3A_873 : i32 to vector<16xi32>
    %select_n3A_876 = arith.select %eq3A_871, %broadcast_in_dim3A_874, %broadcast_in_dim3A_875 : vector<16xi1>, vector<16xi32>
    %add3A_877 = arith.addi %add3A_868, %select_n3A_876 : vector<16xi32>
    %eq3A_878 = arith.constant 5 : i32
    %eq3A_879 = vector.broadcast %eq3A_878 : i32 to vector<16xi32>
    %eq3A_880 = arith.cmpi eq, %get3A_28, %eq3A_879 : vector<16xi32>
    %jit3A_881 = arith.constant 1 : i32
    %jit3A_882 = arith.constant 0 : i32
    %broadcast_in_dim3A_883 = vector.broadcast %jit3A_881 : i32 to vector<16xi32>
    %broadcast_in_dim3A_884 = vector.broadcast %jit3A_882 : i32 to vector<16xi32>
    %select_n3A_885 = arith.select %eq3A_880, %broadcast_in_dim3A_883, %broadcast_in_dim3A_884 : vector<16xi1>, vector<16xi32>
    %add3A_886 = arith.addi %add3A_877, %select_n3A_885 : vector<16xi32>
    %eq3A_887 = arith.constant 5 : i32
    %eq3A_888 = vector.broadcast %eq3A_887 : i32 to vector<16xi32>
    %eq3A_889 = arith.cmpi eq, %get3A_31, %eq3A_888 : vector<16xi32>
    %jit3A_890 = arith.constant 1 : i32
    %jit3A_891 = arith.constant 0 : i32
    %broadcast_in_dim3A_892 = vector.broadcast %jit3A_890 : i32 to vector<16xi32>
    %broadcast_in_dim3A_893 = vector.broadcast %jit3A_891 : i32 to vector<16xi32>
    %select_n3A_894 = arith.select %eq3A_889, %broadcast_in_dim3A_892, %broadcast_in_dim3A_893 : vector<16xi1>, vector<16xi32>
    %add3A_895 = arith.addi %add3A_886, %select_n3A_894 : vector<16xi32>
    %eq3A_896 = arith.constant 5 : i32
    %eq3A_897 = vector.broadcast %eq3A_896 : i32 to vector<16xi32>
    %eq3A_898 = arith.cmpi eq, %get3A_34, %eq3A_897 : vector<16xi32>
    %jit3A_899 = arith.constant 1 : i32
    %jit3A_900 = arith.constant 0 : i32
    %broadcast_in_dim3A_901 = vector.broadcast %jit3A_899 : i32 to vector<16xi32>
    %broadcast_in_dim3A_902 = vector.broadcast %jit3A_900 : i32 to vector<16xi32>
    %select_n3A_903 = arith.select %eq3A_898, %broadcast_in_dim3A_901, %broadcast_in_dim3A_902 : vector<16xi1>, vector<16xi32>
    %add3A_904 = arith.addi %add3A_895, %select_n3A_903 : vector<16xi32>
    %eq3A_905 = arith.constant 5 : i32
    %eq3A_906 = vector.broadcast %eq3A_905 : i32 to vector<16xi32>
    %eq3A_907 = arith.cmpi eq, %get3A_37, %eq3A_906 : vector<16xi32>
    %jit3A_908 = arith.constant 1 : i32
    %jit3A_909 = arith.constant 0 : i32
    %broadcast_in_dim3A_910 = vector.broadcast %jit3A_908 : i32 to vector<16xi32>
    %broadcast_in_dim3A_911 = vector.broadcast %jit3A_909 : i32 to vector<16xi32>
    %select_n3A_912 = arith.select %eq3A_907, %broadcast_in_dim3A_910, %broadcast_in_dim3A_911 : vector<16xi1>, vector<16xi32>
    %add3A_913 = arith.addi %add3A_904, %select_n3A_912 : vector<16xi32>
    %eq3A_914 = arith.constant 5 : i32
    %eq3A_915 = vector.broadcast %eq3A_914 : i32 to vector<16xi32>
    %eq3A_916 = arith.cmpi eq, %get3A_40, %eq3A_915 : vector<16xi32>
    %jit3A_917 = arith.constant 1 : i32
    %jit3A_918 = arith.constant 0 : i32
    %broadcast_in_dim3A_919 = vector.broadcast %jit3A_917 : i32 to vector<16xi32>
    %broadcast_in_dim3A_920 = vector.broadcast %jit3A_918 : i32 to vector<16xi32>
    %select_n3A_921 = arith.select %eq3A_916, %broadcast_in_dim3A_919, %broadcast_in_dim3A_920 : vector<16xi1>, vector<16xi32>
    %add3A_922 = arith.addi %add3A_913, %select_n3A_921 : vector<16xi32>
    %eq3A_923 = arith.constant 5 : i32
    %eq3A_924 = vector.broadcast %eq3A_923 : i32 to vector<16xi32>
    %eq3A_925 = arith.cmpi eq, %get3A_43, %eq3A_924 : vector<16xi32>
    %jit3A_926 = arith.constant 1 : i32
    %jit3A_927 = arith.constant 0 : i32
    %broadcast_in_dim3A_928 = vector.broadcast %jit3A_926 : i32 to vector<16xi32>
    %broadcast_in_dim3A_929 = vector.broadcast %jit3A_927 : i32 to vector<16xi32>
    %select_n3A_930 = arith.select %eq3A_925, %broadcast_in_dim3A_928, %broadcast_in_dim3A_929 : vector<16xi1>, vector<16xi32>
    %add3A_931 = arith.addi %add3A_922, %select_n3A_930 : vector<16xi32>
    %eq3A_932 = arith.constant 5 : i32
    %eq3A_933 = vector.broadcast %eq3A_932 : i32 to vector<16xi32>
    %eq3A_934 = arith.cmpi eq, %get3A_46, %eq3A_933 : vector<16xi32>
    %jit3A_935 = arith.constant 1 : i32
    %jit3A_936 = arith.constant 0 : i32
    %broadcast_in_dim3A_937 = vector.broadcast %jit3A_935 : i32 to vector<16xi32>
    %broadcast_in_dim3A_938 = vector.broadcast %jit3A_936 : i32 to vector<16xi32>
    %select_n3A_939 = arith.select %eq3A_934, %broadcast_in_dim3A_937, %broadcast_in_dim3A_938 : vector<16xi1>, vector<16xi32>
    %add3A_940 = arith.addi %add3A_931, %select_n3A_939 : vector<16xi32>
    %eq3A_941 = arith.constant 5 : i32
    %eq3A_942 = vector.broadcast %eq3A_941 : i32 to vector<16xi32>
    %eq3A_943 = arith.cmpi eq, %get3A_49, %eq3A_942 : vector<16xi32>
    %jit3A_944 = arith.constant 1 : i32
    %jit3A_945 = arith.constant 0 : i32
    %broadcast_in_dim3A_946 = vector.broadcast %jit3A_944 : i32 to vector<16xi32>
    %broadcast_in_dim3A_947 = vector.broadcast %jit3A_945 : i32 to vector<16xi32>
    %select_n3A_948 = arith.select %eq3A_943, %broadcast_in_dim3A_946, %broadcast_in_dim3A_947 : vector<16xi1>, vector<16xi32>
    %add3A_949 = arith.addi %add3A_940, %select_n3A_948 : vector<16xi32>
    %swap3A_950 = arith.constant 5 : i32
    %swap3A_951 = arith.index_cast %swap3A_950 : i32 to index
    %swap3A_952 = arith.constant 0 : index
    %swap3A_953 = tpu.vector_load %arg5[%swap3A_951, %swap3A_952] {strides = array<i32>} : memref<32x16xi32, #tpu.memory_space<vmem>>, vector<1x16xi32>,
    %swap3A_954 = vector.shape_cast %swap3A_953 : vector<1x16xi32> to vector<16xi32>
    %swap3A_955 = vector.shape_cast %add3A_949 : vector<16xi32> to vector<1x16xi32>
    tpu.vector_store %arg5[%swap3A_951, %swap3A_952], %swap3A_955 {strides = array<i32>} : memref<32x16xi32, #tpu.memory_space<vmem>>, vector<1x16xi32>,
    %broadcast_in_dim3A_956 = arith.constant 0 : i32
    %broadcast_in_dim3A_957 = vector.broadcast %broadcast_in_dim3A_956 : i32 to vector<16xi32>
    %eq3A_958 = arith.constant 6 : i32
    %eq3A_959 = vector.broadcast %eq3A_958 : i32 to vector<16xi32>
    %eq3A_960 = arith.cmpi eq, %get3A_4, %eq3A_959 : vector<16xi32>
    %jit3A_961 = arith.constant 1 : i32
    %jit3A_962 = arith.constant 0 : i32
    %broadcast_in_dim3A_963 = vector.broadcast %jit3A_961 : i32 to vector<16xi32>
    %broadcast_in_dim3A_964 = vector.broadcast %jit3A_962 : i32 to vector<16xi32>
    %select_n3A_965 = arith.select %eq3A_960, %broadcast_in_dim3A_963, %broadcast_in_dim3A_964 : vector<16xi1>, vector<16xi32>
    %add3A_966 = arith.addi %broadcast_in_dim3A_957, %select_n3A_965 : vector<16xi32>
    %eq3A_967 = arith.constant 6 : i32
    %eq3A_968 = vector.broadcast %eq3A_967 : i32 to vector<16xi32>
    %eq3A_969 = arith.cmpi eq, %get3A_7, %eq3A_968 : vector<16xi32>
    %jit3A_970 = arith.constant 1 : i32
    %jit3A_971 = arith.constant 0 : i32
    %broadcast_in_dim3A_972 = vector.broadcast %jit3A_970 : i32 to vector<16xi32>
    %broadcast_in_dim3A_973 = vector.broadcast %jit3A_971 : i32 to vector<16xi32>
    %select_n3A_974 = arith.select %eq3A_969, %broadcast_in_dim3A_972, %broadcast_in_dim3A_973 : vector<16xi1>, vector<16xi32>
    %add3A_975 = arith.addi %add3A_966, %select_n3A_974 : vector<16xi32>
    %eq3A_976 = arith.constant 6 : i32
    %eq3A_977 = vector.broadcast %eq3A_976 : i32 to vector<16xi32>
    %eq3A_978 = arith.cmpi eq, %get3A_10, %eq3A_977 : vector<16xi32>
    %jit3A_979 = arith.constant 1 : i32
    %jit3A_980 = arith.constant 0 : i32
    %broadcast_in_dim3A_981 = vector.broadcast %jit3A_979 : i32 to vector<16xi32>
    %broadcast_in_dim3A_982 = vector.broadcast %jit3A_980 : i32 to vector<16xi32>
    %select_n3A_983 = arith.select %eq3A_978, %broadcast_in_dim3A_981, %broadcast_in_dim3A_982 : vector<16xi1>, vector<16xi32>
    %add3A_984 = arith.addi %add3A_975, %select_n3A_983 : vector<16xi32>
    %eq3A_985 = arith.constant 6 : i32
    %eq3A_986 = vector.broadcast %eq3A_985 : i32 to vector<16xi32>
    %eq3A_987 = arith.cmpi eq, %get3A_13, %eq3A_986 : vector<16xi32>
    %jit3A_988 = arith.constant 1 : i32
    %jit3A_989 = arith.constant 0 : i32
    %broadcast_in_dim3A_990 = vector.broadcast %jit3A_988 : i32 to vector<16xi32>
    %broadcast_in_dim3A_991 = vector.broadcast %jit3A_989 : i32 to vector<16xi32>
    %select_n3A_992 = arith.select %eq3A_987, %broadcast_in_dim3A_990, %broadcast_in_dim3A_991 : vector<16xi1>, vector<16xi32>
    %add3A_993 = arith.addi %add3A_984, %select_n3A_992 : vector<16xi32>
    %eq3A_994 = arith.constant 6 : i32
    %eq3A_995 = vector.broadcast %eq3A_994 : i32 to vector<16xi32>
    %eq3A_996 = arith.cmpi eq, %get3A_16, %eq3A_995 : vector<16xi32>
    %jit3A_997 = arith.constant 1 : i32
    %jit3A_998 = arith.constant 0 : i32
    %broadcast_in_dim3A_999 = vector.broadcast %jit3A_997 : i32 to vector<16xi32>
    %broadcast_in_dim3A_1000 = vector.broadcast %jit3A_998 : i32 to vector<16xi32>
    %select_n3A_1001 = arith.select %eq3A_996, %broadcast_in_dim3A_999, %broadcast_in_dim3A_1000 : vector<16xi1>, vector<16xi32>
    %add3A_1002 = arith.addi %add3A_993, %select_n3A_1001 : vector<16xi32>
    %eq3A_1003 = arith.constant 6 : i32
    %eq3A_1004 = vector.broadcast %eq3A_1003 : i32 to vector<16xi32>
    %eq3A_1005 = arith.cmpi eq, %get3A_19, %eq3A_1004 : vector<16xi32>
    %jit3A_1006 = arith.constant 1 : i32
    %jit3A_1007 = arith.constant 0 : i32
    %broadcast_in_dim3A_1008 = vector.broadcast %jit3A_1006 : i32 to vector<16xi32>
    %broadcast_in_dim3A_1009 = vector.broadcast %jit3A_1007 : i32 to vector<16xi32>
    %select_n3A_1010 = arith.select %eq3A_1005, %broadcast_in_dim3A_1008, %broadcast_in_dim3A_1009 : vector<16xi1>, vector<16xi32>
    %add3A_1011 = arith.addi %add3A_1002, %select_n3A_1010 : vector<16xi32>
    %eq3A_1012 = arith.constant 6 : i32
    %eq3A_1013 = vector.broadcast %eq3A_1012 : i32 to vector<16xi32>
    %eq3A_1014 = arith.cmpi eq, %get3A_22, %eq3A_1013 : vector<16xi32>
    %jit3A_1015 = arith.constant 1 : i32
    %jit3A_1016 = arith.constant 0 : i32
    %broadcast_in_dim3A_1017 = vector.broadcast %jit3A_1015 : i32 to vector<16xi32>
    %broadcast_in_dim3A_1018 = vector.broadcast %jit3A_1016 : i32 to vector<16xi32>
    %select_n3A_1019 = arith.select %eq3A_1014, %broadcast_in_dim3A_1017, %broadcast_in_dim3A_1018 : vector<16xi1>, vector<16xi32>
    %add3A_1020 = arith.addi %add3A_1011, %select_n3A_1019 : vector<16xi32>
    %eq3A_1021 = arith.constant 6 : i32
    %eq3A_1022 = vector.broadcast %eq3A_1021 : i32 to vector<16xi32>
    %eq3A_1023 = arith.cmpi eq, %get3A_25, %eq3A_1022 : vector<16xi32>
    %jit3A_1024 = arith.constant 1 : i32
    %jit3A_1025 = arith.constant 0 : i32
    %broadcast_in_dim3A_1026 = vector.broadcast %jit3A_1024 : i32 to vector<16xi32>
    %broadcast_in_dim3A_1027 = vector.broadcast %jit3A_1025 : i32 to vector<16xi32>
    %select_n3A_1028 = arith.select %eq3A_1023, %broadcast_in_dim3A_1026, %broadcast_in_dim3A_1027 : vector<16xi1>, vector<16xi32>
    %add3A_1029 = arith.addi %add3A_1020, %select_n3A_1028 : vector<16xi32>
    %eq3A_1030 = arith.constant 6 : i32
    %eq3A_1031 = vector.broadcast %eq3A_1030 : i32 to vector<16xi32>
    %eq3A_1032 = arith.cmpi eq, %get3A_28, %eq3A_1031 : vector<16xi32>
    %jit3A_1033 = arith.constant 1 : i32
    %jit3A_1034 = arith.constant 0 : i32
    %broadcast_in_dim3A_1035 = vector.broadcast %jit3A_1033 : i32 to vector<16xi32>
    %broadcast_in_dim3A_1036 = vector.broadcast %jit3A_1034 : i32 to vector<16xi32>
    %select_n3A_1037 = arith.select %eq3A_1032, %broadcast_in_dim3A_1035, %broadcast_in_dim3A_1036 : vector<16xi1>, vector<16xi32>
    %add3A_1038 = arith.addi %add3A_1029, %select_n3A_1037 : vector<16xi32>
    %eq3A_1039 = arith.constant 6 : i32
    %eq3A_1040 = vector.broadcast %eq3A_1039 : i32 to vector<16xi32>
    %eq3A_1041 = arith.cmpi eq, %get3A_31, %eq3A_1040 : vector<16xi32>
    %jit3A_1042 = arith.constant 1 : i32
    %jit3A_1043 = arith.constant 0 : i32
    %broadcast_in_dim3A_1044 = vector.broadcast %jit3A_1042 : i32 to vector<16xi32>
    %broadcast_in_dim3A_1045 = vector.broadcast %jit3A_1043 : i32 to vector<16xi32>
    %select_n3A_1046 = arith.select %eq3A_1041, %broadcast_in_dim3A_1044, %broadcast_in_dim3A_1045 : vector<16xi1>, vector<16xi32>
    %add3A_1047 = arith.addi %add3A_1038, %select_n3A_1046 : vector<16xi32>
    %eq3A_1048 = arith.constant 6 : i32
    %eq3A_1049 = vector.broadcast %eq3A_1048 : i32 to vector<16xi32>
    %eq3A_1050 = arith.cmpi eq, %get3A_34, %eq3A_1049 : vector<16xi32>
    %jit3A_1051 = arith.constant 1 : i32
    %jit3A_1052 = arith.constant 0 : i32
    %broadcast_in_dim3A_1053 = vector.broadcast %jit3A_1051 : i32 to vector<16xi32>
    %broadcast_in_dim3A_1054 = vector.broadcast %jit3A_1052 : i32 to vector<16xi32>
    %select_n3A_1055 = arith.select %eq3A_1050, %broadcast_in_dim3A_1053, %broadcast_in_dim3A_1054 : vector<16xi1>, vector<16xi32>
    %add3A_1056 = arith.addi %add3A_1047, %select_n3A_1055 : vector<16xi32>
    %eq3A_1057 = arith.constant 6 : i32
    %eq3A_1058 = vector.broadcast %eq3A_1057 : i32 to vector<16xi32>
    %eq3A_1059 = arith.cmpi eq, %get3A_37, %eq3A_1058 : vector<16xi32>
    %jit3A_1060 = arith.constant 1 : i32
    %jit3A_1061 = arith.constant 0 : i32
    %broadcast_in_dim3A_1062 = vector.broadcast %jit3A_1060 : i32 to vector<16xi32>
    %broadcast_in_dim3A_1063 = vector.broadcast %jit3A_1061 : i32 to vector<16xi32>
    %select_n3A_1064 = arith.select %eq3A_1059, %broadcast_in_dim3A_1062, %broadcast_in_dim3A_1063 : vector<16xi1>, vector<16xi32>
    %add3A_1065 = arith.addi %add3A_1056, %select_n3A_1064 : vector<16xi32>
    %eq3A_1066 = arith.constant 6 : i32
    %eq3A_1067 = vector.broadcast %eq3A_1066 : i32 to vector<16xi32>
    %eq3A_1068 = arith.cmpi eq, %get3A_40, %eq3A_1067 : vector<16xi32>
    %jit3A_1069 = arith.constant 1 : i32
    %jit3A_1070 = arith.constant 0 : i32
    %broadcast_in_dim3A_1071 = vector.broadcast %jit3A_1069 : i32 to vector<16xi32>
    %broadcast_in_dim3A_1072 = vector.broadcast %jit3A_1070 : i32 to vector<16xi32>
    %select_n3A_1073 = arith.select %eq3A_1068, %broadcast_in_dim3A_1071, %broadcast_in_dim3A_1072 : vector<16xi1>, vector<16xi32>
    %add3A_1074 = arith.addi %add3A_1065, %select_n3A_1073 : vector<16xi32>
    %eq3A_1075 = arith.constant 6 : i32
    %eq3A_1076 = vector.broadcast %eq3A_1075 : i32 to vector<16xi32>
    %eq3A_1077 = arith.cmpi eq, %get3A_43, %eq3A_1076 : vector<16xi32>
    %jit3A_1078 = arith.constant 1 : i32
    %jit3A_1079 = arith.constant 0 : i32
    %broadcast_in_dim3A_1080 = vector.broadcast %jit3A_1078 : i32 to vector<16xi32>
    %broadcast_in_dim3A_1081 = vector.broadcast %jit3A_1079 : i32 to vector<16xi32>
    %select_n3A_1082 = arith.select %eq3A_1077, %broadcast_in_dim3A_1080, %broadcast_in_dim3A_1081 : vector<16xi1>, vector<16xi32>
    %add3A_1083 = arith.addi %add3A_1074, %select_n3A_1082 : vector<16xi32>
    %eq3A_1084 = arith.constant 6 : i32
    %eq3A_1085 = vector.broadcast %eq3A_1084 : i32 to vector<16xi32>
    %eq3A_1086 = arith.cmpi eq, %get3A_46, %eq3A_1085 : vector<16xi32>
    %jit3A_1087 = arith.constant 1 : i32
    %jit3A_1088 = arith.constant 0 : i32
    %broadcast_in_dim3A_1089 = vector.broadcast %jit3A_1087 : i32 to vector<16xi32>
    %broadcast_in_dim3A_1090 = vector.broadcast %jit3A_1088 : i32 to vector<16xi32>
    %select_n3A_1091 = arith.select %eq3A_1086, %broadcast_in_dim3A_1089, %broadcast_in_dim3A_1090 : vector<16xi1>, vector<16xi32>
    %add3A_1092 = arith.addi %add3A_1083, %select_n3A_1091 : vector<16xi32>
    %eq3A_1093 = arith.constant 6 : i32
    %eq3A_1094 = vector.broadcast %eq3A_1093 : i32 to vector<16xi32>
    %eq3A_1095 = arith.cmpi eq, %get3A_49, %eq3A_1094 : vector<16xi32>
    %jit3A_1096 = arith.constant 1 : i32
    %jit3A_1097 = arith.constant 0 : i32
    %broadcast_in_dim3A_1098 = vector.broadcast %jit3A_1096 : i32 to vector<16xi32>
    %broadcast_in_dim3A_1099 = vector.broadcast %jit3A_1097 : i32 to vector<16xi32>
    %select_n3A_1100 = arith.select %eq3A_1095, %broadcast_in_dim3A_1098, %broadcast_in_dim3A_1099 : vector<16xi1>, vector<16xi32>
    %add3A_1101 = arith.addi %add3A_1092, %select_n3A_1100 : vector<16xi32>
    %swap3A_1102 = arith.constant 6 : i32
    %swap3A_1103 = arith.index_cast %swap3A_1102 : i32 to index
    %swap3A_1104 = arith.constant 0 : index
    %swap3A_1105 = tpu.vector_load %arg5[%swap3A_1103, %swap3A_1104] {strides = array<i32>} : memref<32x16xi32, #tpu.memory_space<vmem>>, vector<1x16xi32>,
    %swap3A_1106 = vector.shape_cast %swap3A_1105 : vector<1x16xi32> to vector<16xi32>
    %swap3A_1107 = vector.shape_cast %add3A_1101 : vector<16xi32> to vector<1x16xi32>
    tpu.vector_store %arg5[%swap3A_1103, %swap3A_1104], %swap3A_1107 {strides = array<i32>} : memref<32x16xi32, #tpu.memory_space<vmem>>, vector<1x16xi32>,
    %broadcast_in_dim3A_1108 = arith.constant 0 : i32
    %broadcast_in_dim3A_1109 = vector.broadcast %broadcast_in_dim3A_1108 : i32 to vector<16xi32>
    %eq3A_1110 = arith.constant 7 : i32
    %eq3A_1111 = vector.broadcast %eq3A_1110 : i32 to vector<16xi32>
    %eq3A_1112 = arith.cmpi eq, %get3A_4, %eq3A_1111 : vector<16xi32>
    %jit3A_1113 = arith.constant 1 : i32
    %jit3A_1114 = arith.constant 0 : i32
    %broadcast_in_dim3A_1115 = vector.broadcast %jit3A_1113 : i32 to vector<16xi32>
    %broadcast_in_dim3A_1116 = vector.broadcast %jit3A_1114 : i32 to vector<16xi32>
    %select_n3A_1117 = arith.select %eq3A_1112, %broadcast_in_dim3A_1115, %broadcast_in_dim3A_1116 : vector<16xi1>, vector<16xi32>
    %add3A_1118 = arith.addi %broadcast_in_dim3A_1109, %select_n3A_1117 : vector<16xi32>
    %eq3A_1119 = arith.constant 7 : i32
    %eq3A_1120 = vector.broadcast %eq3A_1119 : i32 to vector<16xi32>
    %eq3A_1121 = arith.cmpi eq, %get3A_7, %eq3A_1120 : vector<16xi32>
    %jit3A_1122 = arith.constant 1 : i32
    %jit3A_1123 = arith.constant 0 : i32
    %broadcast_in_dim3A_1124 = vector.broadcast %jit3A_1122 : i32 to vector<16xi32>
    %broadcast_in_dim3A_1125 = vector.broadcast %jit3A_1123 : i32 to vector<16xi32>
    %select_n3A_1126 = arith.select %eq3A_1121, %broadcast_in_dim3A_1124, %broadcast_in_dim3A_1125 : vector<16xi1>, vector<16xi32>
    %add3A_1127 = arith.addi %add3A_1118, %select_n3A_1126 : vector<16xi32>
    %eq3A_1128 = arith.constant 7 : i32
    %eq3A_1129 = vector.broadcast %eq3A_1128 : i32 to vector<16xi32>
    %eq3A_1130 = arith.cmpi eq, %get3A_10, %eq3A_1129 : vector<16xi32>
    %jit3A_1131 = arith.constant 1 : i32
    %jit3A_1132 = arith.constant 0 : i32
    %broadcast_in_dim3A_1133 = vector.broadcast %jit3A_1131 : i32 to vector<16xi32>
    %broadcast_in_dim3A_1134 = vector.broadcast %jit3A_1132 : i32 to vector<16xi32>
    %select_n3A_1135 = arith.select %eq3A_1130, %broadcast_in_dim3A_1133, %broadcast_in_dim3A_1134 : vector<16xi1>, vector<16xi32>
    %add3A_1136 = arith.addi %add3A_1127, %select_n3A_1135 : vector<16xi32>
    %eq3A_1137 = arith.constant 7 : i32
    %eq3A_1138 = vector.broadcast %eq3A_1137 : i32 to vector<16xi32>
    %eq3A_1139 = arith.cmpi eq, %get3A_13, %eq3A_1138 : vector<16xi32>
    %jit3A_1140 = arith.constant 1 : i32
    %jit3A_1141 = arith.constant 0 : i32
    %broadcast_in_dim3A_1142 = vector.broadcast %jit3A_1140 : i32 to vector<16xi32>
    %broadcast_in_dim3A_1143 = vector.broadcast %jit3A_1141 : i32 to vector<16xi32>
    %select_n3A_1144 = arith.select %eq3A_1139, %broadcast_in_dim3A_1142, %broadcast_in_dim3A_1143 : vector<16xi1>, vector<16xi32>
    %add3A_1145 = arith.addi %add3A_1136, %select_n3A_1144 : vector<16xi32>
    %eq3A_1146 = arith.constant 7 : i32
    %eq3A_1147 = vector.broadcast %eq3A_1146 : i32 to vector<16xi32>
    %eq3A_1148 = arith.cmpi eq, %get3A_16, %eq3A_1147 : vector<16xi32>
    %jit3A_1149 = arith.constant 1 : i32
    %jit3A_1150 = arith.constant 0 : i32
    %broadcast_in_dim3A_1151 = vector.broadcast %jit3A_1149 : i32 to vector<16xi32>
    %broadcast_in_dim3A_1152 = vector.broadcast %jit3A_1150 : i32 to vector<16xi32>
    %select_n3A_1153 = arith.select %eq3A_1148, %broadcast_in_dim3A_1151, %broadcast_in_dim3A_1152 : vector<16xi1>, vector<16xi32>
    %add3A_1154 = arith.addi %add3A_1145, %select_n3A_1153 : vector<16xi32>
    %eq3A_1155 = arith.constant 7 : i32
    %eq3A_1156 = vector.broadcast %eq3A_1155 : i32 to vector<16xi32>
    %eq3A_1157 = arith.cmpi eq, %get3A_19, %eq3A_1156 : vector<16xi32>
    %jit3A_1158 = arith.constant 1 : i32
    %jit3A_1159 = arith.constant 0 : i32
    %broadcast_in_dim3A_1160 = vector.broadcast %jit3A_1158 : i32 to vector<16xi32>
    %broadcast_in_dim3A_1161 = vector.broadcast %jit3A_1159 : i32 to vector<16xi32>
    %select_n3A_1162 = arith.select %eq3A_1157, %broadcast_in_dim3A_1160, %broadcast_in_dim3A_1161 : vector<16xi1>, vector<16xi32>
    %add3A_1163 = arith.addi %add3A_1154, %select_n3A_1162 : vector<16xi32>
    %eq3A_1164 = arith.constant 7 : i32
    %eq3A_1165 = vector.broadcast %eq3A_1164 : i32 to vector<16xi32>
    %eq3A_1166 = arith.cmpi eq, %get3A_22, %eq3A_1165 : vector<16xi32>
    %jit3A_1167 = arith.constant 1 : i32
    %jit3A_1168 = arith.constant 0 : i32
    %broadcast_in_dim3A_1169 = vector.broadcast %jit3A_1167 : i32 to vector<16xi32>
    %broadcast_in_dim3A_1170 = vector.broadcast %jit3A_1168 : i32 to vector<16xi32>
    %select_n3A_1171 = arith.select %eq3A_1166, %broadcast_in_dim3A_1169, %broadcast_in_dim3A_1170 : vector<16xi1>, vector<16xi32>
    %add3A_1172 = arith.addi %add3A_1163, %select_n3A_1171 : vector<16xi32>
    %eq3A_1173 = arith.constant 7 : i32
    %eq3A_1174 = vector.broadcast %eq3A_1173 : i32 to vector<16xi32>
    %eq3A_1175 = arith.cmpi eq, %get3A_25, %eq3A_1174 : vector<16xi32>
    %jit3A_1176 = arith.constant 1 : i32
    %jit3A_1177 = arith.constant 0 : i32
    %broadcast_in_dim3A_1178 = vector.broadcast %jit3A_1176 : i32 to vector<16xi32>
    %broadcast_in_dim3A_1179 = vector.broadcast %jit3A_1177 : i32 to vector<16xi32>
    %select_n3A_1180 = arith.select %eq3A_1175, %broadcast_in_dim3A_1178, %broadcast_in_dim3A_1179 : vector<16xi1>, vector<16xi32>
    %add3A_1181 = arith.addi %add3A_1172, %select_n3A_1180 : vector<16xi32>
    %eq3A_1182 = arith.constant 7 : i32
    %eq3A_1183 = vector.broadcast %eq3A_1182 : i32 to vector<16xi32>
    %eq3A_1184 = arith.cmpi eq, %get3A_28, %eq3A_1183 : vector<16xi32>
    %jit3A_1185 = arith.constant 1 : i32
    %jit3A_1186 = arith.constant 0 : i32
    %broadcast_in_dim3A_1187 = vector.broadcast %jit3A_1185 : i32 to vector<16xi32>
    %broadcast_in_dim3A_1188 = vector.broadcast %jit3A_1186 : i32 to vector<16xi32>
    %select_n3A_1189 = arith.select %eq3A_1184, %broadcast_in_dim3A_1187, %broadcast_in_dim3A_1188 : vector<16xi1>, vector<16xi32>
    %add3A_1190 = arith.addi %add3A_1181, %select_n3A_1189 : vector<16xi32>
    %eq3A_1191 = arith.constant 7 : i32
    %eq3A_1192 = vector.broadcast %eq3A_1191 : i32 to vector<16xi32>
    %eq3A_1193 = arith.cmpi eq, %get3A_31, %eq3A_1192 : vector<16xi32>
    %jit3A_1194 = arith.constant 1 : i32
    %jit3A_1195 = arith.constant 0 : i32
    %broadcast_in_dim3A_1196 = vector.broadcast %jit3A_1194 : i32 to vector<16xi32>
    %broadcast_in_dim3A_1197 = vector.broadcast %jit3A_1195 : i32 to vector<16xi32>
    %select_n3A_1198 = arith.select %eq3A_1193, %broadcast_in_dim3A_1196, %broadcast_in_dim3A_1197 : vector<16xi1>, vector<16xi32>
    %add3A_1199 = arith.addi %add3A_1190, %select_n3A_1198 : vector<16xi32>
    %eq3A_1200 = arith.constant 7 : i32
    %eq3A_1201 = vector.broadcast %eq3A_1200 : i32 to vector<16xi32>
    %eq3A_1202 = arith.cmpi eq, %get3A_34, %eq3A_1201 : vector<16xi32>
    %jit3A_1203 = arith.constant 1 : i32
    %jit3A_1204 = arith.constant 0 : i32
    %broadcast_in_dim3A_1205 = vector.broadcast %jit3A_1203 : i32 to vector<16xi32>
    %broadcast_in_dim3A_1206 = vector.broadcast %jit3A_1204 : i32 to vector<16xi32>
    %select_n3A_1207 = arith.select %eq3A_1202, %broadcast_in_dim3A_1205, %broadcast_in_dim3A_1206 : vector<16xi1>, vector<16xi32>
    %add3A_1208 = arith.addi %add3A_1199, %select_n3A_1207 : vector<16xi32>
    %eq3A_1209 = arith.constant 7 : i32
    %eq3A_1210 = vector.broadcast %eq3A_1209 : i32 to vector<16xi32>
    %eq3A_1211 = arith.cmpi eq, %get3A_37, %eq3A_1210 : vector<16xi32>
    %jit3A_1212 = arith.constant 1 : i32
    %jit3A_1213 = arith.constant 0 : i32
    %broadcast_in_dim3A_1214 = vector.broadcast %jit3A_1212 : i32 to vector<16xi32>
    %broadcast_in_dim3A_1215 = vector.broadcast %jit3A_1213 : i32 to vector<16xi32>
    %select_n3A_1216 = arith.select %eq3A_1211, %broadcast_in_dim3A_1214, %broadcast_in_dim3A_1215 : vector<16xi1>, vector<16xi32>
    %add3A_1217 = arith.addi %add3A_1208, %select_n3A_1216 : vector<16xi32>
    %eq3A_1218 = arith.constant 7 : i32
    %eq3A_1219 = vector.broadcast %eq3A_1218 : i32 to vector<16xi32>
    %eq3A_1220 = arith.cmpi eq, %get3A_40, %eq3A_1219 : vector<16xi32>
    %jit3A_1221 = arith.constant 1 : i32
    %jit3A_1222 = arith.constant 0 : i32
    %broadcast_in_dim3A_1223 = vector.broadcast %jit3A_1221 : i32 to vector<16xi32>
    %broadcast_in_dim3A_1224 = vector.broadcast %jit3A_1222 : i32 to vector<16xi32>
    %select_n3A_1225 = arith.select %eq3A_1220, %broadcast_in_dim3A_1223, %broadcast_in_dim3A_1224 : vector<16xi1>, vector<16xi32>
    %add3A_1226 = arith.addi %add3A_1217, %select_n3A_1225 : vector<16xi32>
    %eq3A_1227 = arith.constant 7 : i32
    %eq3A_1228 = vector.broadcast %eq3A_1227 : i32 to vector<16xi32>
    %eq3A_1229 = arith.cmpi eq, %get3A_43, %eq3A_1228 : vector<16xi32>
    %jit3A_1230 = arith.constant 1 : i32
    %jit3A_1231 = arith.constant 0 : i32
    %broadcast_in_dim3A_1232 = vector.broadcast %jit3A_1230 : i32 to vector<16xi32>
    %broadcast_in_dim3A_1233 = vector.broadcast %jit3A_1231 : i32 to vector<16xi32>
    %select_n3A_1234 = arith.select %eq3A_1229, %broadcast_in_dim3A_1232, %broadcast_in_dim3A_1233 : vector<16xi1>, vector<16xi32>
    %add3A_1235 = arith.addi %add3A_1226, %select_n3A_1234 : vector<16xi32>
    %eq3A_1236 = arith.constant 7 : i32
    %eq3A_1237 = vector.broadcast %eq3A_1236 : i32 to vector<16xi32>
    %eq3A_1238 = arith.cmpi eq, %get3A_46, %eq3A_1237 : vector<16xi32>
    %jit3A_1239 = arith.constant 1 : i32
    %jit3A_1240 = arith.constant 0 : i32
    %broadcast_in_dim3A_1241 = vector.broadcast %jit3A_1239 : i32 to vector<16xi32>
    %broadcast_in_dim3A_1242 = vector.broadcast %jit3A_1240 : i32 to vector<16xi32>
    %select_n3A_1243 = arith.select %eq3A_1238, %broadcast_in_dim3A_1241, %broadcast_in_dim3A_1242 : vector<16xi1>, vector<16xi32>
    %add3A_1244 = arith.addi %add3A_1235, %select_n3A_1243 : vector<16xi32>
    %eq3A_1245 = arith.constant 7 : i32
    %eq3A_1246 = vector.broadcast %eq3A_1245 : i32 to vector<16xi32>
    %eq3A_1247 = arith.cmpi eq, %get3A_49, %eq3A_1246 : vector<16xi32>
    %jit3A_1248 = arith.constant 1 : i32
    %jit3A_1249 = arith.constant 0 : i32
    %broadcast_in_dim3A_1250 = vector.broadcast %jit3A_1248 : i32 to vector<16xi32>
    %broadcast_in_dim3A_1251 = vector.broadcast %jit3A_1249 : i32 to vector<16xi32>
    %select_n3A_1252 = arith.select %eq3A_1247, %broadcast_in_dim3A_1250, %broadcast_in_dim3A_1251 : vector<16xi1>, vector<16xi32>
    %add3A_1253 = arith.addi %add3A_1244, %select_n3A_1252 : vector<16xi32>
    %swap3A_1254 = arith.constant 7 : i32
    %swap3A_1255 = arith.index_cast %swap3A_1254 : i32 to index
    %swap3A_1256 = arith.constant 0 : index
    %swap3A_1257 = tpu.vector_load %arg5[%swap3A_1255, %swap3A_1256] {strides = array<i32>} : memref<32x16xi32, #tpu.memory_space<vmem>>, vector<1x16xi32>,
    %swap3A_1258 = vector.shape_cast %swap3A_1257 : vector<1x16xi32> to vector<16xi32>
    %swap3A_1259 = vector.shape_cast %add3A_1253 : vector<16xi32> to vector<1x16xi32>
    tpu.vector_store %arg5[%swap3A_1255, %swap3A_1256], %swap3A_1259 {strides = array<i32>} : memref<32x16xi32, #tpu.memory_space<vmem>>, vector<1x16xi32>,
    %broadcast_in_dim3A_1260 = arith.constant 0 : i32
    %broadcast_in_dim3A_1261 = vector.broadcast %broadcast_in_dim3A_1260 : i32 to vector<16xi32>
    %eq3A_1262 = arith.constant 8 : i32
    %eq3A_1263 = vector.broadcast %eq3A_1262 : i32 to vector<16xi32>
    %eq3A_1264 = arith.cmpi eq, %get3A_4, %eq3A_1263 : vector<16xi32>
    %jit3A_1265 = arith.constant 1 : i32
    %jit3A_1266 = arith.constant 0 : i32
    %broadcast_in_dim3A_1267 = vector.broadcast %jit3A_1265 : i32 to vector<16xi32>
    %broadcast_in_dim3A_1268 = vector.broadcast %jit3A_1266 : i32 to vector<16xi32>
    %select_n3A_1269 = arith.select %eq3A_1264, %broadcast_in_dim3A_1267, %broadcast_in_dim3A_1268 : vector<16xi1>, vector<16xi32>
    %add3A_1270 = arith.addi %broadcast_in_dim3A_1261, %select_n3A_1269 : vector<16xi32>
    %eq3A_1271 = arith.constant 8 : i32
    %eq3A_1272 = vector.broadcast %eq3A_1271 : i32 to vector<16xi32>
    %eq3A_1273 = arith.cmpi eq, %get3A_7, %eq3A_1272 : vector<16xi32>
    %jit3A_1274 = arith.constant 1 : i32
    %jit3A_1275 = arith.constant 0 : i32
    %broadcast_in_dim3A_1276 = vector.broadcast %jit3A_1274 : i32 to vector<16xi32>
    %broadcast_in_dim3A_1277 = vector.broadcast %jit3A_1275 : i32 to vector<16xi32>
    %select_n3A_1278 = arith.select %eq3A_1273, %broadcast_in_dim3A_1276, %broadcast_in_dim3A_1277 : vector<16xi1>, vector<16xi32>
    %add3A_1279 = arith.addi %add3A_1270, %select_n3A_1278 : vector<16xi32>
    %eq3A_1280 = arith.constant 8 : i32
    %eq3A_1281 = vector.broadcast %eq3A_1280 : i32 to vector<16xi32>
    %eq3A_1282 = arith.cmpi eq, %get3A_10, %eq3A_1281 : vector<16xi32>
    %jit3A_1283 = arith.constant 1 : i32
    %jit3A_1284 = arith.constant 0 : i32
    %broadcast_in_dim3A_1285 = vector.broadcast %jit3A_1283 : i32 to vector<16xi32>
    %broadcast_in_dim3A_1286 = vector.broadcast %jit3A_1284 : i32 to vector<16xi32>
    %select_n3A_1287 = arith.select %eq3A_1282, %broadcast_in_dim3A_1285, %broadcast_in_dim3A_1286 : vector<16xi1>, vector<16xi32>
    %add3A_1288 = arith.addi %add3A_1279, %select_n3A_1287 : vector<16xi32>
    %eq3A_1289 = arith.constant 8 : i32
    %eq3A_1290 = vector.broadcast %eq3A_1289 : i32 to vector<16xi32>
    %eq3A_1291 = arith.cmpi eq, %get3A_13, %eq3A_1290 : vector<16xi32>
    %jit3A_1292 = arith.constant 1 : i32
    %jit3A_1293 = arith.constant 0 : i32
    %broadcast_in_dim3A_1294 = vector.broadcast %jit3A_1292 : i32 to vector<16xi32>
    %broadcast_in_dim3A_1295 = vector.broadcast %jit3A_1293 : i32 to vector<16xi32>
    %select_n3A_1296 = arith.select %eq3A_1291, %broadcast_in_dim3A_1294, %broadcast_in_dim3A_1295 : vector<16xi1>, vector<16xi32>
    %add3A_1297 = arith.addi %add3A_1288, %select_n3A_1296 : vector<16xi32>
    %eq3A_1298 = arith.constant 8 : i32
    %eq3A_1299 = vector.broadcast %eq3A_1298 : i32 to vector<16xi32>
    %eq3A_1300 = arith.cmpi eq, %get3A_16, %eq3A_1299 : vector<16xi32>
    %jit3A_1301 = arith.constant 1 : i32
    %jit3A_1302 = arith.constant 0 : i32
    %broadcast_in_dim3A_1303 = vector.broadcast %jit3A_1301 : i32 to vector<16xi32>
    %broadcast_in_dim3A_1304 = vector.broadcast %jit3A_1302 : i32 to vector<16xi32>
    %select_n3A_1305 = arith.select %eq3A_1300, %broadcast_in_dim3A_1303, %broadcast_in_dim3A_1304 : vector<16xi1>, vector<16xi32>
    %add3A_1306 = arith.addi %add3A_1297, %select_n3A_1305 : vector<16xi32>
    %eq3A_1307 = arith.constant 8 : i32
    %eq3A_1308 = vector.broadcast %eq3A_1307 : i32 to vector<16xi32>
    %eq3A_1309 = arith.cmpi eq, %get3A_19, %eq3A_1308 : vector<16xi32>
    %jit3A_1310 = arith.constant 1 : i32
    %jit3A_1311 = arith.constant 0 : i32
    %broadcast_in_dim3A_1312 = vector.broadcast %jit3A_1310 : i32 to vector<16xi32>
    %broadcast_in_dim3A_1313 = vector.broadcast %jit3A_1311 : i32 to vector<16xi32>
    %select_n3A_1314 = arith.select %eq3A_1309, %broadcast_in_dim3A_1312, %broadcast_in_dim3A_1313 : vector<16xi1>, vector<16xi32>
    %add3A_1315 = arith.addi %add3A_1306, %select_n3A_1314 : vector<16xi32>
    %eq3A_1316 = arith.constant 8 : i32
    %eq3A_1317 = vector.broadcast %eq3A_1316 : i32 to vector<16xi32>
    %eq3A_1318 = arith.cmpi eq, %get3A_22, %eq3A_1317 : vector<16xi32>
    %jit3A_1319 = arith.constant 1 : i32
    %jit3A_1320 = arith.constant 0 : i32
    %broadcast_in_dim3A_1321 = vector.broadcast %jit3A_1319 : i32 to vector<16xi32>
    %broadcast_in_dim3A_1322 = vector.broadcast %jit3A_1320 : i32 to vector<16xi32>
    %select_n3A_1323 = arith.select %eq3A_1318, %broadcast_in_dim3A_1321, %broadcast_in_dim3A_1322 : vector<16xi1>, vector<16xi32>
    %add3A_1324 = arith.addi %add3A_1315, %select_n3A_1323 : vector<16xi32>
    %eq3A_1325 = arith.constant 8 : i32
    %eq3A_1326 = vector.broadcast %eq3A_1325 : i32 to vector<16xi32>
    %eq3A_1327 = arith.cmpi eq, %get3A_25, %eq3A_1326 : vector<16xi32>
    %jit3A_1328 = arith.constant 1 : i32
    %jit3A_1329 = arith.constant 0 : i32
    %broadcast_in_dim3A_1330 = vector.broadcast %jit3A_1328 : i32 to vector<16xi32>
    %broadcast_in_dim3A_1331 = vector.broadcast %jit3A_1329 : i32 to vector<16xi32>
    %select_n3A_1332 = arith.select %eq3A_1327, %broadcast_in_dim3A_1330, %broadcast_in_dim3A_1331 : vector<16xi1>, vector<16xi32>
    %add3A_1333 = arith.addi %add3A_1324, %select_n3A_1332 : vector<16xi32>
    %eq3A_1334 = arith.constant 8 : i32
    %eq3A_1335 = vector.broadcast %eq3A_1334 : i32 to vector<16xi32>
    %eq3A_1336 = arith.cmpi eq, %get3A_28, %eq3A_1335 : vector<16xi32>
    %jit3A_1337 = arith.constant 1 : i32
    %jit3A_1338 = arith.constant 0 : i32
    %broadcast_in_dim3A_1339 = vector.broadcast %jit3A_1337 : i32 to vector<16xi32>
    %broadcast_in_dim3A_1340 = vector.broadcast %jit3A_1338 : i32 to vector<16xi32>
    %select_n3A_1341 = arith.select %eq3A_1336, %broadcast_in_dim3A_1339, %broadcast_in_dim3A_1340 : vector<16xi1>, vector<16xi32>
    %add3A_1342 = arith.addi %add3A_1333, %select_n3A_1341 : vector<16xi32>
    %eq3A_1343 = arith.constant 8 : i32
    %eq3A_1344 = vector.broadcast %eq3A_1343 : i32 to vector<16xi32>
    %eq3A_1345 = arith.cmpi eq, %get3A_31, %eq3A_1344 : vector<16xi32>
    %jit3A_1346 = arith.constant 1 : i32
    %jit3A_1347 = arith.constant 0 : i32
    %broadcast_in_dim3A_1348 = vector.broadcast %jit3A_1346 : i32 to vector<16xi32>
    %broadcast_in_dim3A_1349 = vector.broadcast %jit3A_1347 : i32 to vector<16xi32>
    %select_n3A_1350 = arith.select %eq3A_1345, %broadcast_in_dim3A_1348, %broadcast_in_dim3A_1349 : vector<16xi1>, vector<16xi32>
    %add3A_1351 = arith.addi %add3A_1342, %select_n3A_1350 : vector<16xi32>
    %eq3A_1352 = arith.constant 8 : i32
    %eq3A_1353 = vector.broadcast %eq3A_1352 : i32 to vector<16xi32>
    %eq3A_1354 = arith.cmpi eq, %get3A_34, %eq3A_1353 : vector<16xi32>
    %jit3A_1355 = arith.constant 1 : i32
    %jit3A_1356 = arith.constant 0 : i32
    %broadcast_in_dim3A_1357 = vector.broadcast %jit3A_1355 : i32 to vector<16xi32>
    %broadcast_in_dim3A_1358 = vector.broadcast %jit3A_1356 : i32 to vector<16xi32>
    %select_n3A_1359 = arith.select %eq3A_1354, %broadcast_in_dim3A_1357, %broadcast_in_dim3A_1358 : vector<16xi1>, vector<16xi32>
    %add3A_1360 = arith.addi %add3A_1351, %select_n3A_1359 : vector<16xi32>
    %eq3A_1361 = arith.constant 8 : i32
    %eq3A_1362 = vector.broadcast %eq3A_1361 : i32 to vector<16xi32>
    %eq3A_1363 = arith.cmpi eq, %get3A_37, %eq3A_1362 : vector<16xi32>
    %jit3A_1364 = arith.constant 1 : i32
    %jit3A_1365 = arith.constant 0 : i32
    %broadcast_in_dim3A_1366 = vector.broadcast %jit3A_1364 : i32 to vector<16xi32>
    %broadcast_in_dim3A_1367 = vector.broadcast %jit3A_1365 : i32 to vector<16xi32>
    %select_n3A_1368 = arith.select %eq3A_1363, %broadcast_in_dim3A_1366, %broadcast_in_dim3A_1367 : vector<16xi1>, vector<16xi32>
    %add3A_1369 = arith.addi %add3A_1360, %select_n3A_1368 : vector<16xi32>
    %eq3A_1370 = arith.constant 8 : i32
    %eq3A_1371 = vector.broadcast %eq3A_1370 : i32 to vector<16xi32>
    %eq3A_1372 = arith.cmpi eq, %get3A_40, %eq3A_1371 : vector<16xi32>
    %jit3A_1373 = arith.constant 1 : i32
    %jit3A_1374 = arith.constant 0 : i32
    %broadcast_in_dim3A_1375 = vector.broadcast %jit3A_1373 : i32 to vector<16xi32>
    %broadcast_in_dim3A_1376 = vector.broadcast %jit3A_1374 : i32 to vector<16xi32>
    %select_n3A_1377 = arith.select %eq3A_1372, %broadcast_in_dim3A_1375, %broadcast_in_dim3A_1376 : vector<16xi1>, vector<16xi32>
    %add3A_1378 = arith.addi %add3A_1369, %select_n3A_1377 : vector<16xi32>
    %eq3A_1379 = arith.constant 8 : i32
    %eq3A_1380 = vector.broadcast %eq3A_1379 : i32 to vector<16xi32>
    %eq3A_1381 = arith.cmpi eq, %get3A_43, %eq3A_1380 : vector<16xi32>
    %jit3A_1382 = arith.constant 1 : i32
    %jit3A_1383 = arith.constant 0 : i32
    %broadcast_in_dim3A_1384 = vector.broadcast %jit3A_1382 : i32 to vector<16xi32>
    %broadcast_in_dim3A_1385 = vector.broadcast %jit3A_1383 : i32 to vector<16xi32>
    %select_n3A_1386 = arith.select %eq3A_1381, %broadcast_in_dim3A_1384, %broadcast_in_dim3A_1385 : vector<16xi1>, vector<16xi32>
    %add3A_1387 = arith.addi %add3A_1378, %select_n3A_1386 : vector<16xi32>
    %eq3A_1388 = arith.constant 8 : i32
    %eq3A_1389 = vector.broadcast %eq3A_1388 : i32 to vector<16xi32>
    %eq3A_1390 = arith.cmpi eq, %get3A_46, %eq3A_1389 : vector<16xi32>
    %jit3A_1391 = arith.constant 1 : i32
    %jit3A_1392 = arith.constant 0 : i32
    %broadcast_in_dim3A_1393 = vector.broadcast %jit3A_1391 : i32 to vector<16xi32>
    %broadcast_in_dim3A_1394 = vector.broadcast %jit3A_1392 : i32 to vector<16xi32>
    %select_n3A_1395 = arith.select %eq3A_1390, %broadcast_in_dim3A_1393, %broadcast_in_dim3A_1394 : vector<16xi1>, vector<16xi32>
    %add3A_1396 = arith.addi %add3A_1387, %select_n3A_1395 : vector<16xi32>
    %eq3A_1397 = arith.constant 8 : i32
    %eq3A_1398 = vector.broadcast %eq3A_1397 : i32 to vector<16xi32>
    %eq3A_1399 = arith.cmpi eq, %get3A_49, %eq3A_1398 : vector<16xi32>
    %jit3A_1400 = arith.constant 1 : i32
    %jit3A_1401 = arith.constant 0 : i32
    %broadcast_in_dim3A_1402 = vector.broadcast %jit3A_1400 : i32 to vector<16xi32>
    %broadcast_in_dim3A_1403 = vector.broadcast %jit3A_1401 : i32 to vector<16xi32>
    %select_n3A_1404 = arith.select %eq3A_1399, %broadcast_in_dim3A_1402, %broadcast_in_dim3A_1403 : vector<16xi1>, vector<16xi32>
    %add3A_1405 = arith.addi %add3A_1396, %select_n3A_1404 : vector<16xi32>
    %swap3A_1406 = arith.constant 8 : i32
    %swap3A_1407 = arith.index_cast %swap3A_1406 : i32 to index
    %swap3A_1408 = arith.constant 0 : index
    %swap3A_1409 = tpu.vector_load %arg5[%swap3A_1407, %swap3A_1408] {strides = array<i32>} : memref<32x16xi32, #tpu.memory_space<vmem>>, vector<1x16xi32>,
    %swap3A_1410 = vector.shape_cast %swap3A_1409 : vector<1x16xi32> to vector<16xi32>
    %swap3A_1411 = vector.shape_cast %add3A_1405 : vector<16xi32> to vector<1x16xi32>
    tpu.vector_store %arg5[%swap3A_1407, %swap3A_1408], %swap3A_1411 {strides = array<i32>} : memref<32x16xi32, #tpu.memory_space<vmem>>, vector<1x16xi32>,
    %broadcast_in_dim3A_1412 = arith.constant 0 : i32
    %broadcast_in_dim3A_1413 = vector.broadcast %broadcast_in_dim3A_1412 : i32 to vector<16xi32>
    %eq3A_1414 = arith.constant 9 : i32
    %eq3A_1415 = vector.broadcast %eq3A_1414 : i32 to vector<16xi32>
    %eq3A_1416 = arith.cmpi eq, %get3A_4, %eq3A_1415 : vector<16xi32>
    %jit3A_1417 = arith.constant 1 : i32
    %jit3A_1418 = arith.constant 0 : i32
    %broadcast_in_dim3A_1419 = vector.broadcast %jit3A_1417 : i32 to vector<16xi32>
    %broadcast_in_dim3A_1420 = vector.broadcast %jit3A_1418 : i32 to vector<16xi32>
    %select_n3A_1421 = arith.select %eq3A_1416, %broadcast_in_dim3A_1419, %broadcast_in_dim3A_1420 : vector<16xi1>, vector<16xi32>
    %add3A_1422 = arith.addi %broadcast_in_dim3A_1413, %select_n3A_1421 : vector<16xi32>
    %eq3A_1423 = arith.constant 9 : i32
    %eq3A_1424 = vector.broadcast %eq3A_1423 : i32 to vector<16xi32>
    %eq3A_1425 = arith.cmpi eq, %get3A_7, %eq3A_1424 : vector<16xi32>
    %jit3A_1426 = arith.constant 1 : i32
    %jit3A_1427 = arith.constant 0 : i32
    %broadcast_in_dim3A_1428 = vector.broadcast %jit3A_1426 : i32 to vector<16xi32>
    %broadcast_in_dim3A_1429 = vector.broadcast %jit3A_1427 : i32 to vector<16xi32>
    %select_n3A_1430 = arith.select %eq3A_1425, %broadcast_in_dim3A_1428, %broadcast_in_dim3A_1429 : vector<16xi1>, vector<16xi32>
    %add3A_1431 = arith.addi %add3A_1422, %select_n3A_1430 : vector<16xi32>
    %eq3A_1432 = arith.constant 9 : i32
    %eq3A_1433 = vector.broadcast %eq3A_1432 : i32 to vector<16xi32>
    %eq3A_1434 = arith.cmpi eq, %get3A_10, %eq3A_1433 : vector<16xi32>
    %jit3A_1435 = arith.constant 1 : i32
    %jit3A_1436 = arith.constant 0 : i32
    %broadcast_in_dim3A_1437 = vector.broadcast %jit3A_1435 : i32 to vector<16xi32>
    %broadcast_in_dim3A_1438 = vector.broadcast %jit3A_1436 : i32 to vector<16xi32>
    %select_n3A_1439 = arith.select %eq3A_1434, %broadcast_in_dim3A_1437, %broadcast_in_dim3A_1438 : vector<16xi1>, vector<16xi32>
    %add3A_1440 = arith.addi %add3A_1431, %select_n3A_1439 : vector<16xi32>
    %eq3A_1441 = arith.constant 9 : i32
    %eq3A_1442 = vector.broadcast %eq3A_1441 : i32 to vector<16xi32>
    %eq3A_1443 = arith.cmpi eq, %get3A_13, %eq3A_1442 : vector<16xi32>
    %jit3A_1444 = arith.constant 1 : i32
    %jit3A_1445 = arith.constant 0 : i32
    %broadcast_in_dim3A_1446 = vector.broadcast %jit3A_1444 : i32 to vector<16xi32>
    %broadcast_in_dim3A_1447 = vector.broadcast %jit3A_1445 : i32 to vector<16xi32>
    %select_n3A_1448 = arith.select %eq3A_1443, %broadcast_in_dim3A_1446, %broadcast_in_dim3A_1447 : vector<16xi1>, vector<16xi32>
    %add3A_1449 = arith.addi %add3A_1440, %select_n3A_1448 : vector<16xi32>
    %eq3A_1450 = arith.constant 9 : i32
    %eq3A_1451 = vector.broadcast %eq3A_1450 : i32 to vector<16xi32>
    %eq3A_1452 = arith.cmpi eq, %get3A_16, %eq3A_1451 : vector<16xi32>
    %jit3A_1453 = arith.constant 1 : i32
    %jit3A_1454 = arith.constant 0 : i32
    %broadcast_in_dim3A_1455 = vector.broadcast %jit3A_1453 : i32 to vector<16xi32>
    %broadcast_in_dim3A_1456 = vector.broadcast %jit3A_1454 : i32 to vector<16xi32>
    %select_n3A_1457 = arith.select %eq3A_1452, %broadcast_in_dim3A_1455, %broadcast_in_dim3A_1456 : vector<16xi1>, vector<16xi32>
    %add3A_1458 = arith.addi %add3A_1449, %select_n3A_1457 : vector<16xi32>
    %eq3A_1459 = arith.constant 9 : i32
    %eq3A_1460 = vector.broadcast %eq3A_1459 : i32 to vector<16xi32>
    %eq3A_1461 = arith.cmpi eq, %get3A_19, %eq3A_1460 : vector<16xi32>
    %jit3A_1462 = arith.constant 1 : i32
    %jit3A_1463 = arith.constant 0 : i32
    %broadcast_in_dim3A_1464 = vector.broadcast %jit3A_1462 : i32 to vector<16xi32>
    %broadcast_in_dim3A_1465 = vector.broadcast %jit3A_1463 : i32 to vector<16xi32>
    %select_n3A_1466 = arith.select %eq3A_1461, %broadcast_in_dim3A_1464, %broadcast_in_dim3A_1465 : vector<16xi1>, vector<16xi32>
    %add3A_1467 = arith.addi %add3A_1458, %select_n3A_1466 : vector<16xi32>
    %eq3A_1468 = arith.constant 9 : i32
    %eq3A_1469 = vector.broadcast %eq3A_1468 : i32 to vector<16xi32>
    %eq3A_1470 = arith.cmpi eq, %get3A_22, %eq3A_1469 : vector<16xi32>
    %jit3A_1471 = arith.constant 1 : i32
    %jit3A_1472 = arith.constant 0 : i32
    %broadcast_in_dim3A_1473 = vector.broadcast %jit3A_1471 : i32 to vector<16xi32>
    %broadcast_in_dim3A_1474 = vector.broadcast %jit3A_1472 : i32 to vector<16xi32>
    %select_n3A_1475 = arith.select %eq3A_1470, %broadcast_in_dim3A_1473, %broadcast_in_dim3A_1474 : vector<16xi1>, vector<16xi32>
    %add3A_1476 = arith.addi %add3A_1467, %select_n3A_1475 : vector<16xi32>
    %eq3A_1477 = arith.constant 9 : i32
    %eq3A_1478 = vector.broadcast %eq3A_1477 : i32 to vector<16xi32>
    %eq3A_1479 = arith.cmpi eq, %get3A_25, %eq3A_1478 : vector<16xi32>
    %jit3A_1480 = arith.constant 1 : i32
    %jit3A_1481 = arith.constant 0 : i32
    %broadcast_in_dim3A_1482 = vector.broadcast %jit3A_1480 : i32 to vector<16xi32>
    %broadcast_in_dim3A_1483 = vector.broadcast %jit3A_1481 : i32 to vector<16xi32>
    %select_n3A_1484 = arith.select %eq3A_1479, %broadcast_in_dim3A_1482, %broadcast_in_dim3A_1483 : vector<16xi1>, vector<16xi32>
    %add3A_1485 = arith.addi %add3A_1476, %select_n3A_1484 : vector<16xi32>
    %eq3A_1486 = arith.constant 9 : i32
    %eq3A_1487 = vector.broadcast %eq3A_1486 : i32 to vector<16xi32>
    %eq3A_1488 = arith.cmpi eq, %get3A_28, %eq3A_1487 : vector<16xi32>
    %jit3A_1489 = arith.constant 1 : i32
    %jit3A_1490 = arith.constant 0 : i32
    %broadcast_in_dim3A_1491 = vector.broadcast %jit3A_1489 : i32 to vector<16xi32>
    %broadcast_in_dim3A_1492 = vector.broadcast %jit3A_1490 : i32 to vector<16xi32>
    %select_n3A_1493 = arith.select %eq3A_1488, %broadcast_in_dim3A_1491, %broadcast_in_dim3A_1492 : vector<16xi1>, vector<16xi32>
    %add3A_1494 = arith.addi %add3A_1485, %select_n3A_1493 : vector<16xi32>
    %eq3A_1495 = arith.constant 9 : i32
    %eq3A_1496 = vector.broadcast %eq3A_1495 : i32 to vector<16xi32>
    %eq3A_1497 = arith.cmpi eq, %get3A_31, %eq3A_1496 : vector<16xi32>
    %jit3A_1498 = arith.constant 1 : i32
    %jit3A_1499 = arith.constant 0 : i32
    %broadcast_in_dim3A_1500 = vector.broadcast %jit3A_1498 : i32 to vector<16xi32>
    %broadcast_in_dim3A_1501 = vector.broadcast %jit3A_1499 : i32 to vector<16xi32>
    %select_n3A_1502 = arith.select %eq3A_1497, %broadcast_in_dim3A_1500, %broadcast_in_dim3A_1501 : vector<16xi1>, vector<16xi32>
    %add3A_1503 = arith.addi %add3A_1494, %select_n3A_1502 : vector<16xi32>
    %eq3A_1504 = arith.constant 9 : i32
    %eq3A_1505 = vector.broadcast %eq3A_1504 : i32 to vector<16xi32>
    %eq3A_1506 = arith.cmpi eq, %get3A_34, %eq3A_1505 : vector<16xi32>
    %jit3A_1507 = arith.constant 1 : i32
    %jit3A_1508 = arith.constant 0 : i32
    %broadcast_in_dim3A_1509 = vector.broadcast %jit3A_1507 : i32 to vector<16xi32>
    %broadcast_in_dim3A_1510 = vector.broadcast %jit3A_1508 : i32 to vector<16xi32>
    %select_n3A_1511 = arith.select %eq3A_1506, %broadcast_in_dim3A_1509, %broadcast_in_dim3A_1510 : vector<16xi1>, vector<16xi32>
    %add3A_1512 = arith.addi %add3A_1503, %select_n3A_1511 : vector<16xi32>
    %eq3A_1513 = arith.constant 9 : i32
    %eq3A_1514 = vector.broadcast %eq3A_1513 : i32 to vector<16xi32>
    %eq3A_1515 = arith.cmpi eq, %get3A_37, %eq3A_1514 : vector<16xi32>
    %jit3A_1516 = arith.constant 1 : i32
    %jit3A_1517 = arith.constant 0 : i32
    %broadcast_in_dim3A_1518 = vector.broadcast %jit3A_1516 : i32 to vector<16xi32>
    %broadcast_in_dim3A_1519 = vector.broadcast %jit3A_1517 : i32 to vector<16xi32>
    %select_n3A_1520 = arith.select %eq3A_1515, %broadcast_in_dim3A_1518, %broadcast_in_dim3A_1519 : vector<16xi1>, vector<16xi32>
    %add3A_1521 = arith.addi %add3A_1512, %select_n3A_1520 : vector<16xi32>
    %eq3A_1522 = arith.constant 9 : i32
    %eq3A_1523 = vector.broadcast %eq3A_1522 : i32 to vector<16xi32>
    %eq3A_1524 = arith.cmpi eq, %get3A_40, %eq3A_1523 : vector<16xi32>
    %jit3A_1525 = arith.constant 1 : i32
    %jit3A_1526 = arith.constant 0 : i32
    %broadcast_in_dim3A_1527 = vector.broadcast %jit3A_1525 : i32 to vector<16xi32>
    %broadcast_in_dim3A_1528 = vector.broadcast %jit3A_1526 : i32 to vector<16xi32>
    %select_n3A_1529 = arith.select %eq3A_1524, %broadcast_in_dim3A_1527, %broadcast_in_dim3A_1528 : vector<16xi1>, vector<16xi32>
    %add3A_1530 = arith.addi %add3A_1521, %select_n3A_1529 : vector<16xi32>
    %eq3A_1531 = arith.constant 9 : i32
    %eq3A_1532 = vector.broadcast %eq3A_1531 : i32 to vector<16xi32>
    %eq3A_1533 = arith.cmpi eq, %get3A_43, %eq3A_1532 : vector<16xi32>
    %jit3A_1534 = arith.constant 1 : i32
    %jit3A_1535 = arith.constant 0 : i32
    %broadcast_in_dim3A_1536 = vector.broadcast %jit3A_1534 : i32 to vector<16xi32>
    %broadcast_in_dim3A_1537 = vector.broadcast %jit3A_1535 : i32 to vector<16xi32>
    %select_n3A_1538 = arith.select %eq3A_1533, %broadcast_in_dim3A_1536, %broadcast_in_dim3A_1537 : vector<16xi1>, vector<16xi32>
    %add3A_1539 = arith.addi %add3A_1530, %select_n3A_1538 : vector<16xi32>
    %eq3A_1540 = arith.constant 9 : i32
    %eq3A_1541 = vector.broadcast %eq3A_1540 : i32 to vector<16xi32>
    %eq3A_1542 = arith.cmpi eq, %get3A_46, %eq3A_1541 : vector<16xi32>
    %jit3A_1543 = arith.constant 1 : i32
    %jit3A_1544 = arith.constant 0 : i32
    %broadcast_in_dim3A_1545 = vector.broadcast %jit3A_1543 : i32 to vector<16xi32>
    %broadcast_in_dim3A_1546 = vector.broadcast %jit3A_1544 : i32 to vector<16xi32>
    %select_n3A_1547 = arith.select %eq3A_1542, %broadcast_in_dim3A_1545, %broadcast_in_dim3A_1546 : vector<16xi1>, vector<16xi32>
    %add3A_1548 = arith.addi %add3A_1539, %select_n3A_1547 : vector<16xi32>
    %eq3A_1549 = arith.constant 9 : i32
    %eq3A_1550 = vector.broadcast %eq3A_1549 : i32 to vector<16xi32>
    %eq3A_1551 = arith.cmpi eq, %get3A_49, %eq3A_1550 : vector<16xi32>
    %jit3A_1552 = arith.constant 1 : i32
    %jit3A_1553 = arith.constant 0 : i32
    %broadcast_in_dim3A_1554 = vector.broadcast %jit3A_1552 : i32 to vector<16xi32>
    %broadcast_in_dim3A_1555 = vector.broadcast %jit3A_1553 : i32 to vector<16xi32>
    %select_n3A_1556 = arith.select %eq3A_1551, %broadcast_in_dim3A_1554, %broadcast_in_dim3A_1555 : vector<16xi1>, vector<16xi32>
    %add3A_1557 = arith.addi %add3A_1548, %select_n3A_1556 : vector<16xi32>
    %swap3A_1558 = arith.constant 9 : i32
    %swap3A_1559 = arith.index_cast %swap3A_1558 : i32 to index
    %swap3A_1560 = arith.constant 0 : index
    %swap3A_1561 = tpu.vector_load %arg5[%swap3A_1559, %swap3A_1560] {strides = array<i32>} : memref<32x16xi32, #tpu.memory_space<vmem>>, vector<1x16xi32>,
    %swap3A_1562 = vector.shape_cast %swap3A_1561 : vector<1x16xi32> to vector<16xi32>
    %swap3A_1563 = vector.shape_cast %add3A_1557 : vector<16xi32> to vector<1x16xi32>
    tpu.vector_store %arg5[%swap3A_1559, %swap3A_1560], %swap3A_1563 {strides = array<i32>} : memref<32x16xi32, #tpu.memory_space<vmem>>, vector<1x16xi32>,
    %broadcast_in_dim3A_1564 = arith.constant 0 : i32
    %broadcast_in_dim3A_1565 = vector.broadcast %broadcast_in_dim3A_1564 : i32 to vector<16xi32>
    %eq3A_1566 = arith.constant 10 : i32
    %eq3A_1567 = vector.broadcast %eq3A_1566 : i32 to vector<16xi32>
    %eq3A_1568 = arith.cmpi eq, %get3A_4, %eq3A_1567 : vector<16xi32>
    %jit3A_1569 = arith.constant 1 : i32
    %jit3A_1570 = arith.constant 0 : i32
    %broadcast_in_dim3A_1571 = vector.broadcast %jit3A_1569 : i32 to vector<16xi32>
    %broadcast_in_dim3A_1572 = vector.broadcast %jit3A_1570 : i32 to vector<16xi32>
    %select_n3A_1573 = arith.select %eq3A_1568, %broadcast_in_dim3A_1571, %broadcast_in_dim3A_1572 : vector<16xi1>, vector<16xi32>
    %add3A_1574 = arith.addi %broadcast_in_dim3A_1565, %select_n3A_1573 : vector<16xi32>
    %eq3A_1575 = arith.constant 10 : i32
    %eq3A_1576 = vector.broadcast %eq3A_1575 : i32 to vector<16xi32>
    %eq3A_1577 = arith.cmpi eq, %get3A_7, %eq3A_1576 : vector<16xi32>
    %jit3A_1578 = arith.constant 1 : i32
    %jit3A_1579 = arith.constant 0 : i32
    %broadcast_in_dim3A_1580 = vector.broadcast %jit3A_1578 : i32 to vector<16xi32>
    %broadcast_in_dim3A_1581 = vector.broadcast %jit3A_1579 : i32 to vector<16xi32>
    %select_n3A_1582 = arith.select %eq3A_1577, %broadcast_in_dim3A_1580, %broadcast_in_dim3A_1581 : vector<16xi1>, vector<16xi32>
    %add3A_1583 = arith.addi %add3A_1574, %select_n3A_1582 : vector<16xi32>
    %eq3A_1584 = arith.constant 10 : i32
    %eq3A_1585 = vector.broadcast %eq3A_1584 : i32 to vector<16xi32>
    %eq3A_1586 = arith.cmpi eq, %get3A_10, %eq3A_1585 : vector<16xi32>
    %jit3A_1587 = arith.constant 1 : i32
    %jit3A_1588 = arith.constant 0 : i32
    %broadcast_in_dim3A_1589 = vector.broadcast %jit3A_1587 : i32 to vector<16xi32>
    %broadcast_in_dim3A_1590 = vector.broadcast %jit3A_1588 : i32 to vector<16xi32>
    %select_n3A_1591 = arith.select %eq3A_1586, %broadcast_in_dim3A_1589, %broadcast_in_dim3A_1590 : vector<16xi1>, vector<16xi32>
    %add3A_1592 = arith.addi %add3A_1583, %select_n3A_1591 : vector<16xi32>
    %eq3A_1593 = arith.constant 10 : i32
    %eq3A_1594 = vector.broadcast %eq3A_1593 : i32 to vector<16xi32>
    %eq3A_1595 = arith.cmpi eq, %get3A_13, %eq3A_1594 : vector<16xi32>
    %jit3A_1596 = arith.constant 1 : i32
    %jit3A_1597 = arith.constant 0 : i32
    %broadcast_in_dim3A_1598 = vector.broadcast %jit3A_1596 : i32 to vector<16xi32>
    %broadcast_in_dim3A_1599 = vector.broadcast %jit3A_1597 : i32 to vector<16xi32>
    %select_n3A_1600 = arith.select %eq3A_1595, %broadcast_in_dim3A_1598, %broadcast_in_dim3A_1599 : vector<16xi1>, vector<16xi32>
    %add3A_1601 = arith.addi %add3A_1592, %select_n3A_1600 : vector<16xi32>
    %eq3A_1602 = arith.constant 10 : i32
    %eq3A_1603 = vector.broadcast %eq3A_1602 : i32 to vector<16xi32>
    %eq3A_1604 = arith.cmpi eq, %get3A_16, %eq3A_1603 : vector<16xi32>
    %jit3A_1605 = arith.constant 1 : i32
    %jit3A_1606 = arith.constant 0 : i32
    %broadcast_in_dim3A_1607 = vector.broadcast %jit3A_1605 : i32 to vector<16xi32>
    %broadcast_in_dim3A_1608 = vector.broadcast %jit3A_1606 : i32 to vector<16xi32>
    %select_n3A_1609 = arith.select %eq3A_1604, %broadcast_in_dim3A_1607, %broadcast_in_dim3A_1608 : vector<16xi1>, vector<16xi32>
    %add3A_1610 = arith.addi %add3A_1601, %select_n3A_1609 : vector<16xi32>
    %eq3A_1611 = arith.constant 10 : i32
    %eq3A_1612 = vector.broadcast %eq3A_1611 : i32 to vector<16xi32>
    %eq3A_1613 = arith.cmpi eq, %get3A_19, %eq3A_1612 : vector<16xi32>
    %jit3A_1614 = arith.constant 1 : i32
    %jit3A_1615 = arith.constant 0 : i32
    %broadcast_in_dim3A_1616 = vector.broadcast %jit3A_1614 : i32 to vector<16xi32>
    %broadcast_in_dim3A_1617 = vector.broadcast %jit3A_1615 : i32 to vector<16xi32>
    %select_n3A_1618 = arith.select %eq3A_1613, %broadcast_in_dim3A_1616, %broadcast_in_dim3A_1617 : vector<16xi1>, vector<16xi32>
    %add3A_1619 = arith.addi %add3A_1610, %select_n3A_1618 : vector<16xi32>
    %eq3A_1620 = arith.constant 10 : i32
    %eq3A_1621 = vector.broadcast %eq3A_1620 : i32 to vector<16xi32>
    %eq3A_1622 = arith.cmpi eq, %get3A_22, %eq3A_1621 : vector<16xi32>
    %jit3A_1623 = arith.constant 1 : i32
    %jit3A_1624 = arith.constant 0 : i32
    %broadcast_in_dim3A_1625 = vector.broadcast %jit3A_1623 : i32 to vector<16xi32>
    %broadcast_in_dim3A_1626 = vector.broadcast %jit3A_1624 : i32 to vector<16xi32>
    %select_n3A_1627 = arith.select %eq3A_1622, %broadcast_in_dim3A_1625, %broadcast_in_dim3A_1626 : vector<16xi1>, vector<16xi32>
    %add3A_1628 = arith.addi %add3A_1619, %select_n3A_1627 : vector<16xi32>
    %eq3A_1629 = arith.constant 10 : i32
    %eq3A_1630 = vector.broadcast %eq3A_1629 : i32 to vector<16xi32>
    %eq3A_1631 = arith.cmpi eq, %get3A_25, %eq3A_1630 : vector<16xi32>
    %jit3A_1632 = arith.constant 1 : i32
    %jit3A_1633 = arith.constant 0 : i32
    %broadcast_in_dim3A_1634 = vector.broadcast %jit3A_1632 : i32 to vector<16xi32>
    %broadcast_in_dim3A_1635 = vector.broadcast %jit3A_1633 : i32 to vector<16xi32>
    %select_n3A_1636 = arith.select %eq3A_1631, %broadcast_in_dim3A_1634, %broadcast_in_dim3A_1635 : vector<16xi1>, vector<16xi32>
    %add3A_1637 = arith.addi %add3A_1628, %select_n3A_1636 : vector<16xi32>
    %eq3A_1638 = arith.constant 10 : i32
    %eq3A_1639 = vector.broadcast %eq3A_1638 : i32 to vector<16xi32>
    %eq3A_1640 = arith.cmpi eq, %get3A_28, %eq3A_1639 : vector<16xi32>
    %jit3A_1641 = arith.constant 1 : i32
    %jit3A_1642 = arith.constant 0 : i32
    %broadcast_in_dim3A_1643 = vector.broadcast %jit3A_1641 : i32 to vector<16xi32>
    %broadcast_in_dim3A_1644 = vector.broadcast %jit3A_1642 : i32 to vector<16xi32>
    %select_n3A_1645 = arith.select %eq3A_1640, %broadcast_in_dim3A_1643, %broadcast_in_dim3A_1644 : vector<16xi1>, vector<16xi32>
    %add3A_1646 = arith.addi %add3A_1637, %select_n3A_1645 : vector<16xi32>
    %eq3A_1647 = arith.constant 10 : i32
    %eq3A_1648 = vector.broadcast %eq3A_1647 : i32 to vector<16xi32>
    %eq3A_1649 = arith.cmpi eq, %get3A_31, %eq3A_1648 : vector<16xi32>
    %jit3A_1650 = arith.constant 1 : i32
    %jit3A_1651 = arith.constant 0 : i32
    %broadcast_in_dim3A_1652 = vector.broadcast %jit3A_1650 : i32 to vector<16xi32>
    %broadcast_in_dim3A_1653 = vector.broadcast %jit3A_1651 : i32 to vector<16xi32>
    %select_n3A_1654 = arith.select %eq3A_1649, %broadcast_in_dim3A_1652, %broadcast_in_dim3A_1653 : vector<16xi1>, vector<16xi32>
    %add3A_1655 = arith.addi %add3A_1646, %select_n3A_1654 : vector<16xi32>
    %eq3A_1656 = arith.constant 10 : i32
    %eq3A_1657 = vector.broadcast %eq3A_1656 : i32 to vector<16xi32>
    %eq3A_1658 = arith.cmpi eq, %get3A_34, %eq3A_1657 : vector<16xi32>
    %jit3A_1659 = arith.constant 1 : i32
    %jit3A_1660 = arith.constant 0 : i32
    %broadcast_in_dim3A_1661 = vector.broadcast %jit3A_1659 : i32 to vector<16xi32>
    %broadcast_in_dim3A_1662 = vector.broadcast %jit3A_1660 : i32 to vector<16xi32>
    %select_n3A_1663 = arith.select %eq3A_1658, %broadcast_in_dim3A_1661, %broadcast_in_dim3A_1662 : vector<16xi1>, vector<16xi32>
    %add3A_1664 = arith.addi %add3A_1655, %select_n3A_1663 : vector<16xi32>
    %eq3A_1665 = arith.constant 10 : i32
    %eq3A_1666 = vector.broadcast %eq3A_1665 : i32 to vector<16xi32>
    %eq3A_1667 = arith.cmpi eq, %get3A_37, %eq3A_1666 : vector<16xi32>
    %jit3A_1668 = arith.constant 1 : i32
    %jit3A_1669 = arith.constant 0 : i32
    %broadcast_in_dim3A_1670 = vector.broadcast %jit3A_1668 : i32 to vector<16xi32>
    %broadcast_in_dim3A_1671 = vector.broadcast %jit3A_1669 : i32 to vector<16xi32>
    %select_n3A_1672 = arith.select %eq3A_1667, %broadcast_in_dim3A_1670, %broadcast_in_dim3A_1671 : vector<16xi1>, vector<16xi32>
    %add3A_1673 = arith.addi %add3A_1664, %select_n3A_1672 : vector<16xi32>
    %eq3A_1674 = arith.constant 10 : i32
    %eq3A_1675 = vector.broadcast %eq3A_1674 : i32 to vector<16xi32>
    %eq3A_1676 = arith.cmpi eq, %get3A_40, %eq3A_1675 : vector<16xi32>
    %jit3A_1677 = arith.constant 1 : i32
    %jit3A_1678 = arith.constant 0 : i32
    %broadcast_in_dim3A_1679 = vector.broadcast %jit3A_1677 : i32 to vector<16xi32>
    %broadcast_in_dim3A_1680 = vector.broadcast %jit3A_1678 : i32 to vector<16xi32>
    %select_n3A_1681 = arith.select %eq3A_1676, %broadcast_in_dim3A_1679, %broadcast_in_dim3A_1680 : vector<16xi1>, vector<16xi32>
    %add3A_1682 = arith.addi %add3A_1673, %select_n3A_1681 : vector<16xi32>
    %eq3A_1683 = arith.constant 10 : i32
    %eq3A_1684 = vector.broadcast %eq3A_1683 : i32 to vector<16xi32>
    %eq3A_1685 = arith.cmpi eq, %get3A_43, %eq3A_1684 : vector<16xi32>
    %jit3A_1686 = arith.constant 1 : i32
    %jit3A_1687 = arith.constant 0 : i32
    %broadcast_in_dim3A_1688 = vector.broadcast %jit3A_1686 : i32 to vector<16xi32>
    %broadcast_in_dim3A_1689 = vector.broadcast %jit3A_1687 : i32 to vector<16xi32>
    %select_n3A_1690 = arith.select %eq3A_1685, %broadcast_in_dim3A_1688, %broadcast_in_dim3A_1689 : vector<16xi1>, vector<16xi32>
    %add3A_1691 = arith.addi %add3A_1682, %select_n3A_1690 : vector<16xi32>
    %eq3A_1692 = arith.constant 10 : i32
    %eq3A_1693 = vector.broadcast %eq3A_1692 : i32 to vector<16xi32>
    %eq3A_1694 = arith.cmpi eq, %get3A_46, %eq3A_1693 : vector<16xi32>
    %jit3A_1695 = arith.constant 1 : i32
    %jit3A_1696 = arith.constant 0 : i32
    %broadcast_in_dim3A_1697 = vector.broadcast %jit3A_1695 : i32 to vector<16xi32>
    %broadcast_in_dim3A_1698 = vector.broadcast %jit3A_1696 : i32 to vector<16xi32>
    %select_n3A_1699 = arith.select %eq3A_1694, %broadcast_in_dim3A_1697, %broadcast_in_dim3A_1698 : vector<16xi1>, vector<16xi32>
    %add3A_1700 = arith.addi %add3A_1691, %select_n3A_1699 : vector<16xi32>
    %eq3A_1701 = arith.constant 10 : i32
    %eq3A_1702 = vector.broadcast %eq3A_1701 : i32 to vector<16xi32>
    %eq3A_1703 = arith.cmpi eq, %get3A_49, %eq3A_1702 : vector<16xi32>
    %jit3A_1704 = arith.constant 1 : i32
    %jit3A_1705 = arith.constant 0 : i32
    %broadcast_in_dim3A_1706 = vector.broadcast %jit3A_1704 : i32 to vector<16xi32>
    %broadcast_in_dim3A_1707 = vector.broadcast %jit3A_1705 : i32 to vector<16xi32>
    %select_n3A_1708 = arith.select %eq3A_1703, %broadcast_in_dim3A_1706, %broadcast_in_dim3A_1707 : vector<16xi1>, vector<16xi32>
    %add3A_1709 = arith.addi %add3A_1700, %select_n3A_1708 : vector<16xi32>
    %swap3A_1710 = arith.constant 10 : i32
    %swap3A_1711 = arith.index_cast %swap3A_1710 : i32 to index
    %swap3A_1712 = arith.constant 0 : index
    %swap3A_1713 = tpu.vector_load %arg5[%swap3A_1711, %swap3A_1712] {strides = array<i32>} : memref<32x16xi32, #tpu.memory_space<vmem>>, vector<1x16xi32>,
    %swap3A_1714 = vector.shape_cast %swap3A_1713 : vector<1x16xi32> to vector<16xi32>
    %swap3A_1715 = vector.shape_cast %add3A_1709 : vector<16xi32> to vector<1x16xi32>
    tpu.vector_store %arg5[%swap3A_1711, %swap3A_1712], %swap3A_1715 {strides = array<i32>} : memref<32x16xi32, #tpu.memory_space<vmem>>, vector<1x16xi32>,
    %broadcast_in_dim3A_1716 = arith.constant 0 : i32
    %broadcast_in_dim3A_1717 = vector.broadcast %broadcast_in_dim3A_1716 : i32 to vector<16xi32>
    %eq3A_1718 = arith.constant 11 : i32
    %eq3A_1719 = vector.broadcast %eq3A_1718 : i32 to vector<16xi32>
    %eq3A_1720 = arith.cmpi eq, %get3A_4, %eq3A_1719 : vector<16xi32>
    %jit3A_1721 = arith.constant 1 : i32
    %jit3A_1722 = arith.constant 0 : i32
    %broadcast_in_dim3A_1723 = vector.broadcast %jit3A_1721 : i32 to vector<16xi32>
    %broadcast_in_dim3A_1724 = vector.broadcast %jit3A_1722 : i32 to vector<16xi32>
    %select_n3A_1725 = arith.select %eq3A_1720, %broadcast_in_dim3A_1723, %broadcast_in_dim3A_1724 : vector<16xi1>, vector<16xi32>
    %add3A_1726 = arith.addi %broadcast_in_dim3A_1717, %select_n3A_1725 : vector<16xi32>
    %eq3A_1727 = arith.constant 11 : i32
    %eq3A_1728 = vector.broadcast %eq3A_1727 : i32 to vector<16xi32>
    %eq3A_1729 = arith.cmpi eq, %get3A_7, %eq3A_1728 : vector<16xi32>
    %jit3A_1730 = arith.constant 1 : i32
    %jit3A_1731 = arith.constant 0 : i32
    %broadcast_in_dim3A_1732 = vector.broadcast %jit3A_1730 : i32 to vector<16xi32>
    %broadcast_in_dim3A_1733 = vector.broadcast %jit3A_1731 : i32 to vector<16xi32>
    %select_n3A_1734 = arith.select %eq3A_1729, %broadcast_in_dim3A_1732, %broadcast_in_dim3A_1733 : vector<16xi1>, vector<16xi32>
    %add3A_1735 = arith.addi %add3A_1726, %select_n3A_1734 : vector<16xi32>
    %eq3A_1736 = arith.constant 11 : i32
    %eq3A_1737 = vector.broadcast %eq3A_1736 : i32 to vector<16xi32>
    %eq3A_1738 = arith.cmpi eq, %get3A_10, %eq3A_1737 : vector<16xi32>
    %jit3A_1739 = arith.constant 1 : i32
    %jit3A_1740 = arith.constant 0 : i32
    %broadcast_in_dim3A_1741 = vector.broadcast %jit3A_1739 : i32 to vector<16xi32>
    %broadcast_in_dim3A_1742 = vector.broadcast %jit3A_1740 : i32 to vector<16xi32>
    %select_n3A_1743 = arith.select %eq3A_1738, %broadcast_in_dim3A_1741, %broadcast_in_dim3A_1742 : vector<16xi1>, vector<16xi32>
    %add3A_1744 = arith.addi %add3A_1735, %select_n3A_1743 : vector<16xi32>
    %eq3A_1745 = arith.constant 11 : i32
    %eq3A_1746 = vector.broadcast %eq3A_1745 : i32 to vector<16xi32>
    %eq3A_1747 = arith.cmpi eq, %get3A_13, %eq3A_1746 : vector<16xi32>
    %jit3A_1748 = arith.constant 1 : i32
    %jit3A_1749 = arith.constant 0 : i32
    %broadcast_in_dim3A_1750 = vector.broadcast %jit3A_1748 : i32 to vector<16xi32>
    %broadcast_in_dim3A_1751 = vector.broadcast %jit3A_1749 : i32 to vector<16xi32>
    %select_n3A_1752 = arith.select %eq3A_1747, %broadcast_in_dim3A_1750, %broadcast_in_dim3A_1751 : vector<16xi1>, vector<16xi32>
    %add3A_1753 = arith.addi %add3A_1744, %select_n3A_1752 : vector<16xi32>
    %eq3A_1754 = arith.constant 11 : i32
    %eq3A_1755 = vector.broadcast %eq3A_1754 : i32 to vector<16xi32>
    %eq3A_1756 = arith.cmpi eq, %get3A_16, %eq3A_1755 : vector<16xi32>
    %jit3A_1757 = arith.constant 1 : i32
    %jit3A_1758 = arith.constant 0 : i32
    %broadcast_in_dim3A_1759 = vector.broadcast %jit3A_1757 : i32 to vector<16xi32>
    %broadcast_in_dim3A_1760 = vector.broadcast %jit3A_1758 : i32 to vector<16xi32>
    %select_n3A_1761 = arith.select %eq3A_1756, %broadcast_in_dim3A_1759, %broadcast_in_dim3A_1760 : vector<16xi1>, vector<16xi32>
    %add3A_1762 = arith.addi %add3A_1753, %select_n3A_1761 : vector<16xi32>
    %eq3A_1763 = arith.constant 11 : i32
    %eq3A_1764 = vector.broadcast %eq3A_1763 : i32 to vector<16xi32>
    %eq3A_1765 = arith.cmpi eq, %get3A_19, %eq3A_1764 : vector<16xi32>
    %jit3A_1766 = arith.constant 1 : i32
    %jit3A_1767 = arith.constant 0 : i32
    %broadcast_in_dim3A_1768 = vector.broadcast %jit3A_1766 : i32 to vector<16xi32>
    %broadcast_in_dim3A_1769 = vector.broadcast %jit3A_1767 : i32 to vector<16xi32>
    %select_n3A_1770 = arith.select %eq3A_1765, %broadcast_in_dim3A_1768, %broadcast_in_dim3A_1769 : vector<16xi1>, vector<16xi32>
    %add3A_1771 = arith.addi %add3A_1762, %select_n3A_1770 : vector<16xi32>
    %eq3A_1772 = arith.constant 11 : i32
    %eq3A_1773 = vector.broadcast %eq3A_1772 : i32 to vector<16xi32>
    %eq3A_1774 = arith.cmpi eq, %get3A_22, %eq3A_1773 : vector<16xi32>
    %jit3A_1775 = arith.constant 1 : i32
    %jit3A_1776 = arith.constant 0 : i32
    %broadcast_in_dim3A_1777 = vector.broadcast %jit3A_1775 : i32 to vector<16xi32>
    %broadcast_in_dim3A_1778 = vector.broadcast %jit3A_1776 : i32 to vector<16xi32>
    %select_n3A_1779 = arith.select %eq3A_1774, %broadcast_in_dim3A_1777, %broadcast_in_dim3A_1778 : vector<16xi1>, vector<16xi32>
    %add3A_1780 = arith.addi %add3A_1771, %select_n3A_1779 : vector<16xi32>
    %eq3A_1781 = arith.constant 11 : i32
    %eq3A_1782 = vector.broadcast %eq3A_1781 : i32 to vector<16xi32>
    %eq3A_1783 = arith.cmpi eq, %get3A_25, %eq3A_1782 : vector<16xi32>
    %jit3A_1784 = arith.constant 1 : i32
    %jit3A_1785 = arith.constant 0 : i32
    %broadcast_in_dim3A_1786 = vector.broadcast %jit3A_1784 : i32 to vector<16xi32>
    %broadcast_in_dim3A_1787 = vector.broadcast %jit3A_1785 : i32 to vector<16xi32>
    %select_n3A_1788 = arith.select %eq3A_1783, %broadcast_in_dim3A_1786, %broadcast_in_dim3A_1787 : vector<16xi1>, vector<16xi32>
    %add3A_1789 = arith.addi %add3A_1780, %select_n3A_1788 : vector<16xi32>
    %eq3A_1790 = arith.constant 11 : i32
    %eq3A_1791 = vector.broadcast %eq3A_1790 : i32 to vector<16xi32>
    %eq3A_1792 = arith.cmpi eq, %get3A_28, %eq3A_1791 : vector<16xi32>
    %jit3A_1793 = arith.constant 1 : i32
    %jit3A_1794 = arith.constant 0 : i32
    %broadcast_in_dim3A_1795 = vector.broadcast %jit3A_1793 : i32 to vector<16xi32>
    %broadcast_in_dim3A_1796 = vector.broadcast %jit3A_1794 : i32 to vector<16xi32>
    %select_n3A_1797 = arith.select %eq3A_1792, %broadcast_in_dim3A_1795, %broadcast_in_dim3A_1796 : vector<16xi1>, vector<16xi32>
    %add3A_1798 = arith.addi %add3A_1789, %select_n3A_1797 : vector<16xi32>
    %eq3A_1799 = arith.constant 11 : i32
    %eq3A_1800 = vector.broadcast %eq3A_1799 : i32 to vector<16xi32>
    %eq3A_1801 = arith.cmpi eq, %get3A_31, %eq3A_1800 : vector<16xi32>
    %jit3A_1802 = arith.constant 1 : i32
    %jit3A_1803 = arith.constant 0 : i32
    %broadcast_in_dim3A_1804 = vector.broadcast %jit3A_1802 : i32 to vector<16xi32>
    %broadcast_in_dim3A_1805 = vector.broadcast %jit3A_1803 : i32 to vector<16xi32>
    %select_n3A_1806 = arith.select %eq3A_1801, %broadcast_in_dim3A_1804, %broadcast_in_dim3A_1805 : vector<16xi1>, vector<16xi32>
    %add3A_1807 = arith.addi %add3A_1798, %select_n3A_1806 : vector<16xi32>
    %eq3A_1808 = arith.constant 11 : i32
    %eq3A_1809 = vector.broadcast %eq3A_1808 : i32 to vector<16xi32>
    %eq3A_1810 = arith.cmpi eq, %get3A_34, %eq3A_1809 : vector<16xi32>
    %jit3A_1811 = arith.constant 1 : i32
    %jit3A_1812 = arith.constant 0 : i32
    %broadcast_in_dim3A_1813 = vector.broadcast %jit3A_1811 : i32 to vector<16xi32>
    %broadcast_in_dim3A_1814 = vector.broadcast %jit3A_1812 : i32 to vector<16xi32>
    %select_n3A_1815 = arith.select %eq3A_1810, %broadcast_in_dim3A_1813, %broadcast_in_dim3A_1814 : vector<16xi1>, vector<16xi32>
    %add3A_1816 = arith.addi %add3A_1807, %select_n3A_1815 : vector<16xi32>
    %eq3A_1817 = arith.constant 11 : i32
    %eq3A_1818 = vector.broadcast %eq3A_1817 : i32 to vector<16xi32>
    %eq3A_1819 = arith.cmpi eq, %get3A_37, %eq3A_1818 : vector<16xi32>
    %jit3A_1820 = arith.constant 1 : i32
    %jit3A_1821 = arith.constant 0 : i32
    %broadcast_in_dim3A_1822 = vector.broadcast %jit3A_1820 : i32 to vector<16xi32>
    %broadcast_in_dim3A_1823 = vector.broadcast %jit3A_1821 : i32 to vector<16xi32>
    %select_n3A_1824 = arith.select %eq3A_1819, %broadcast_in_dim3A_1822, %broadcast_in_dim3A_1823 : vector<16xi1>, vector<16xi32>
    %add3A_1825 = arith.addi %add3A_1816, %select_n3A_1824 : vector<16xi32>
    %eq3A_1826 = arith.constant 11 : i32
    %eq3A_1827 = vector.broadcast %eq3A_1826 : i32 to vector<16xi32>
    %eq3A_1828 = arith.cmpi eq, %get3A_40, %eq3A_1827 : vector<16xi32>
    %jit3A_1829 = arith.constant 1 : i32
    %jit3A_1830 = arith.constant 0 : i32
    %broadcast_in_dim3A_1831 = vector.broadcast %jit3A_1829 : i32 to vector<16xi32>
    %broadcast_in_dim3A_1832 = vector.broadcast %jit3A_1830 : i32 to vector<16xi32>
    %select_n3A_1833 = arith.select %eq3A_1828, %broadcast_in_dim3A_1831, %broadcast_in_dim3A_1832 : vector<16xi1>, vector<16xi32>
    %add3A_1834 = arith.addi %add3A_1825, %select_n3A_1833 : vector<16xi32>
    %eq3A_1835 = arith.constant 11 : i32
    %eq3A_1836 = vector.broadcast %eq3A_1835 : i32 to vector<16xi32>
    %eq3A_1837 = arith.cmpi eq, %get3A_43, %eq3A_1836 : vector<16xi32>
    %jit3A_1838 = arith.constant 1 : i32
    %jit3A_1839 = arith.constant 0 : i32
    %broadcast_in_dim3A_1840 = vector.broadcast %jit3A_1838 : i32 to vector<16xi32>
    %broadcast_in_dim3A_1841 = vector.broadcast %jit3A_1839 : i32 to vector<16xi32>
    %select_n3A_1842 = arith.select %eq3A_1837, %broadcast_in_dim3A_1840, %broadcast_in_dim3A_1841 : vector<16xi1>, vector<16xi32>
    %add3A_1843 = arith.addi %add3A_1834, %select_n3A_1842 : vector<16xi32>
    %eq3A_1844 = arith.constant 11 : i32
    %eq3A_1845 = vector.broadcast %eq3A_1844 : i32 to vector<16xi32>
    %eq3A_1846 = arith.cmpi eq, %get3A_46, %eq3A_1845 : vector<16xi32>
    %jit3A_1847 = arith.constant 1 : i32
    %jit3A_1848 = arith.constant 0 : i32
    %broadcast_in_dim3A_1849 = vector.broadcast %jit3A_1847 : i32 to vector<16xi32>
    %broadcast_in_dim3A_1850 = vector.broadcast %jit3A_1848 : i32 to vector<16xi32>
    %select_n3A_1851 = arith.select %eq3A_1846, %broadcast_in_dim3A_1849, %broadcast_in_dim3A_1850 : vector<16xi1>, vector<16xi32>
    %add3A_1852 = arith.addi %add3A_1843, %select_n3A_1851 : vector<16xi32>
    %eq3A_1853 = arith.constant 11 : i32
    %eq3A_1854 = vector.broadcast %eq3A_1853 : i32 to vector<16xi32>
    %eq3A_1855 = arith.cmpi eq, %get3A_49, %eq3A_1854 : vector<16xi32>
    %jit3A_1856 = arith.constant 1 : i32
    %jit3A_1857 = arith.constant 0 : i32
    %broadcast_in_dim3A_1858 = vector.broadcast %jit3A_1856 : i32 to vector<16xi32>
    %broadcast_in_dim3A_1859 = vector.broadcast %jit3A_1857 : i32 to vector<16xi32>
    %select_n3A_1860 = arith.select %eq3A_1855, %broadcast_in_dim3A_1858, %broadcast_in_dim3A_1859 : vector<16xi1>, vector<16xi32>
    %add3A_1861 = arith.addi %add3A_1852, %select_n3A_1860 : vector<16xi32>
    %swap3A_1862 = arith.constant 11 : i32
    %swap3A_1863 = arith.index_cast %swap3A_1862 : i32 to index
    %swap3A_1864 = arith.constant 0 : index
    %swap3A_1865 = tpu.vector_load %arg5[%swap3A_1863, %swap3A_1864] {strides = array<i32>} : memref<32x16xi32, #tpu.memory_space<vmem>>, vector<1x16xi32>,
    %swap3A_1866 = vector.shape_cast %swap3A_1865 : vector<1x16xi32> to vector<16xi32>
    %swap3A_1867 = vector.shape_cast %add3A_1861 : vector<16xi32> to vector<1x16xi32>
    tpu.vector_store %arg5[%swap3A_1863, %swap3A_1864], %swap3A_1867 {strides = array<i32>} : memref<32x16xi32, #tpu.memory_space<vmem>>, vector<1x16xi32>,
    %broadcast_in_dim3A_1868 = arith.constant 0 : i32
    %broadcast_in_dim3A_1869 = vector.broadcast %broadcast_in_dim3A_1868 : i32 to vector<16xi32>
    %eq3A_1870 = arith.constant 12 : i32
    %eq3A_1871 = vector.broadcast %eq3A_1870 : i32 to vector<16xi32>
    %eq3A_1872 = arith.cmpi eq, %get3A_4, %eq3A_1871 : vector<16xi32>
    %jit3A_1873 = arith.constant 1 : i32
    %jit3A_1874 = arith.constant 0 : i32
    %broadcast_in_dim3A_1875 = vector.broadcast %jit3A_1873 : i32 to vector<16xi32>
    %broadcast_in_dim3A_1876 = vector.broadcast %jit3A_1874 : i32 to vector<16xi32>
    %select_n3A_1877 = arith.select %eq3A_1872, %broadcast_in_dim3A_1875, %broadcast_in_dim3A_1876 : vector<16xi1>, vector<16xi32>
    %add3A_1878 = arith.addi %broadcast_in_dim3A_1869, %select_n3A_1877 : vector<16xi32>
    %eq3A_1879 = arith.constant 12 : i32
    %eq3A_1880 = vector.broadcast %eq3A_1879 : i32 to vector<16xi32>
    %eq3A_1881 = arith.cmpi eq, %get3A_7, %eq3A_1880 : vector<16xi32>
    %jit3A_1882 = arith.constant 1 : i32
    %jit3A_1883 = arith.constant 0 : i32
    %broadcast_in_dim3A_1884 = vector.broadcast %jit3A_1882 : i32 to vector<16xi32>
    %broadcast_in_dim3A_1885 = vector.broadcast %jit3A_1883 : i32 to vector<16xi32>
    %select_n3A_1886 = arith.select %eq3A_1881, %broadcast_in_dim3A_1884, %broadcast_in_dim3A_1885 : vector<16xi1>, vector<16xi32>
    %add3A_1887 = arith.addi %add3A_1878, %select_n3A_1886 : vector<16xi32>
    %eq3A_1888 = arith.constant 12 : i32
    %eq3A_1889 = vector.broadcast %eq3A_1888 : i32 to vector<16xi32>
    %eq3A_1890 = arith.cmpi eq, %get3A_10, %eq3A_1889 : vector<16xi32>
    %jit3A_1891 = arith.constant 1 : i32
    %jit3A_1892 = arith.constant 0 : i32
    %broadcast_in_dim3A_1893 = vector.broadcast %jit3A_1891 : i32 to vector<16xi32>
    %broadcast_in_dim3A_1894 = vector.broadcast %jit3A_1892 : i32 to vector<16xi32>
    %select_n3A_1895 = arith.select %eq3A_1890, %broadcast_in_dim3A_1893, %broadcast_in_dim3A_1894 : vector<16xi1>, vector<16xi32>
    %add3A_1896 = arith.addi %add3A_1887, %select_n3A_1895 : vector<16xi32>
    %eq3A_1897 = arith.constant 12 : i32
    %eq3A_1898 = vector.broadcast %eq3A_1897 : i32 to vector<16xi32>
    %eq3A_1899 = arith.cmpi eq, %get3A_13, %eq3A_1898 : vector<16xi32>
    %jit3A_1900 = arith.constant 1 : i32
    %jit3A_1901 = arith.constant 0 : i32
    %broadcast_in_dim3A_1902 = vector.broadcast %jit3A_1900 : i32 to vector<16xi32>
    %broadcast_in_dim3A_1903 = vector.broadcast %jit3A_1901 : i32 to vector<16xi32>
    %select_n3A_1904 = arith.select %eq3A_1899, %broadcast_in_dim3A_1902, %broadcast_in_dim3A_1903 : vector<16xi1>, vector<16xi32>
    %add3A_1905 = arith.addi %add3A_1896, %select_n3A_1904 : vector<16xi32>
    %eq3A_1906 = arith.constant 12 : i32
    %eq3A_1907 = vector.broadcast %eq3A_1906 : i32 to vector<16xi32>
    %eq3A_1908 = arith.cmpi eq, %get3A_16, %eq3A_1907 : vector<16xi32>
    %jit3A_1909 = arith.constant 1 : i32
    %jit3A_1910 = arith.constant 0 : i32
    %broadcast_in_dim3A_1911 = vector.broadcast %jit3A_1909 : i32 to vector<16xi32>
    %broadcast_in_dim3A_1912 = vector.broadcast %jit3A_1910 : i32 to vector<16xi32>
    %select_n3A_1913 = arith.select %eq3A_1908, %broadcast_in_dim3A_1911, %broadcast_in_dim3A_1912 : vector<16xi1>, vector<16xi32>
    %add3A_1914 = arith.addi %add3A_1905, %select_n3A_1913 : vector<16xi32>
    %eq3A_1915 = arith.constant 12 : i32
    %eq3A_1916 = vector.broadcast %eq3A_1915 : i32 to vector<16xi32>
    %eq3A_1917 = arith.cmpi eq, %get3A_19, %eq3A_1916 : vector<16xi32>
    %jit3A_1918 = arith.constant 1 : i32
    %jit3A_1919 = arith.constant 0 : i32
    %broadcast_in_dim3A_1920 = vector.broadcast %jit3A_1918 : i32 to vector<16xi32>
    %broadcast_in_dim3A_1921 = vector.broadcast %jit3A_1919 : i32 to vector<16xi32>
    %select_n3A_1922 = arith.select %eq3A_1917, %broadcast_in_dim3A_1920, %broadcast_in_dim3A_1921 : vector<16xi1>, vector<16xi32>
    %add3A_1923 = arith.addi %add3A_1914, %select_n3A_1922 : vector<16xi32>
    %eq3A_1924 = arith.constant 12 : i32
    %eq3A_1925 = vector.broadcast %eq3A_1924 : i32 to vector<16xi32>
    %eq3A_1926 = arith.cmpi eq, %get3A_22, %eq3A_1925 : vector<16xi32>
    %jit3A_1927 = arith.constant 1 : i32
    %jit3A_1928 = arith.constant 0 : i32
    %broadcast_in_dim3A_1929 = vector.broadcast %jit3A_1927 : i32 to vector<16xi32>
    %broadcast_in_dim3A_1930 = vector.broadcast %jit3A_1928 : i32 to vector<16xi32>
    %select_n3A_1931 = arith.select %eq3A_1926, %broadcast_in_dim3A_1929, %broadcast_in_dim3A_1930 : vector<16xi1>, vector<16xi32>
    %add3A_1932 = arith.addi %add3A_1923, %select_n3A_1931 : vector<16xi32>
    %eq3A_1933 = arith.constant 12 : i32
    %eq3A_1934 = vector.broadcast %eq3A_1933 : i32 to vector<16xi32>
    %eq3A_1935 = arith.cmpi eq, %get3A_25, %eq3A_1934 : vector<16xi32>
    %jit3A_1936 = arith.constant 1 : i32
    %jit3A_1937 = arith.constant 0 : i32
    %broadcast_in_dim3A_1938 = vector.broadcast %jit3A_1936 : i32 to vector<16xi32>
    %broadcast_in_dim3A_1939 = vector.broadcast %jit3A_1937 : i32 to vector<16xi32>
    %select_n3A_1940 = arith.select %eq3A_1935, %broadcast_in_dim3A_1938, %broadcast_in_dim3A_1939 : vector<16xi1>, vector<16xi32>
    %add3A_1941 = arith.addi %add3A_1932, %select_n3A_1940 : vector<16xi32>
    %eq3A_1942 = arith.constant 12 : i32
    %eq3A_1943 = vector.broadcast %eq3A_1942 : i32 to vector<16xi32>
    %eq3A_1944 = arith.cmpi eq, %get3A_28, %eq3A_1943 : vector<16xi32>
    %jit3A_1945 = arith.constant 1 : i32
    %jit3A_1946 = arith.constant 0 : i32
    %broadcast_in_dim3A_1947 = vector.broadcast %jit3A_1945 : i32 to vector<16xi32>
    %broadcast_in_dim3A_1948 = vector.broadcast %jit3A_1946 : i32 to vector<16xi32>
    %select_n3A_1949 = arith.select %eq3A_1944, %broadcast_in_dim3A_1947, %broadcast_in_dim3A_1948 : vector<16xi1>, vector<16xi32>
    %add3A_1950 = arith.addi %add3A_1941, %select_n3A_1949 : vector<16xi32>
    %eq3A_1951 = arith.constant 12 : i32
    %eq3A_1952 = vector.broadcast %eq3A_1951 : i32 to vector<16xi32>
    %eq3A_1953 = arith.cmpi eq, %get3A_31, %eq3A_1952 : vector<16xi32>
    %jit3A_1954 = arith.constant 1 : i32
    %jit3A_1955 = arith.constant 0 : i32
    %broadcast_in_dim3A_1956 = vector.broadcast %jit3A_1954 : i32 to vector<16xi32>
    %broadcast_in_dim3A_1957 = vector.broadcast %jit3A_1955 : i32 to vector<16xi32>
    %select_n3A_1958 = arith.select %eq3A_1953, %broadcast_in_dim3A_1956, %broadcast_in_dim3A_1957 : vector<16xi1>, vector<16xi32>
    %add3A_1959 = arith.addi %add3A_1950, %select_n3A_1958 : vector<16xi32>
    %eq3A_1960 = arith.constant 12 : i32
    %eq3A_1961 = vector.broadcast %eq3A_1960 : i32 to vector<16xi32>
    %eq3A_1962 = arith.cmpi eq, %get3A_34, %eq3A_1961 : vector<16xi32>
    %jit3A_1963 = arith.constant 1 : i32
    %jit3A_1964 = arith.constant 0 : i32
    %broadcast_in_dim3A_1965 = vector.broadcast %jit3A_1963 : i32 to vector<16xi32>
    %broadcast_in_dim3A_1966 = vector.broadcast %jit3A_1964 : i32 to vector<16xi32>
    %select_n3A_1967 = arith.select %eq3A_1962, %broadcast_in_dim3A_1965, %broadcast_in_dim3A_1966 : vector<16xi1>, vector<16xi32>
    %add3A_1968 = arith.addi %add3A_1959, %select_n3A_1967 : vector<16xi32>
    %eq3A_1969 = arith.constant 12 : i32
    %eq3A_1970 = vector.broadcast %eq3A_1969 : i32 to vector<16xi32>
    %eq3A_1971 = arith.cmpi eq, %get3A_37, %eq3A_1970 : vector<16xi32>
    %jit3A_1972 = arith.constant 1 : i32
    %jit3A_1973 = arith.constant 0 : i32
    %broadcast_in_dim3A_1974 = vector.broadcast %jit3A_1972 : i32 to vector<16xi32>
    %broadcast_in_dim3A_1975 = vector.broadcast %jit3A_1973 : i32 to vector<16xi32>
    %select_n3A_1976 = arith.select %eq3A_1971, %broadcast_in_dim3A_1974, %broadcast_in_dim3A_1975 : vector<16xi1>, vector<16xi32>
    %add3A_1977 = arith.addi %add3A_1968, %select_n3A_1976 : vector<16xi32>
    %eq3A_1978 = arith.constant 12 : i32
    %eq3A_1979 = vector.broadcast %eq3A_1978 : i32 to vector<16xi32>
    %eq3A_1980 = arith.cmpi eq, %get3A_40, %eq3A_1979 : vector<16xi32>
    %jit3A_1981 = arith.constant 1 : i32
    %jit3A_1982 = arith.constant 0 : i32
    %broadcast_in_dim3A_1983 = vector.broadcast %jit3A_1981 : i32 to vector<16xi32>
    %broadcast_in_dim3A_1984 = vector.broadcast %jit3A_1982 : i32 to vector<16xi32>
    %select_n3A_1985 = arith.select %eq3A_1980, %broadcast_in_dim3A_1983, %broadcast_in_dim3A_1984 : vector<16xi1>, vector<16xi32>
    %add3A_1986 = arith.addi %add3A_1977, %select_n3A_1985 : vector<16xi32>
    %eq3A_1987 = arith.constant 12 : i32
    %eq3A_1988 = vector.broadcast %eq3A_1987 : i32 to vector<16xi32>
    %eq3A_1989 = arith.cmpi eq, %get3A_43, %eq3A_1988 : vector<16xi32>
    %jit3A_1990 = arith.constant 1 : i32
    %jit3A_1991 = arith.constant 0 : i32
    %broadcast_in_dim3A_1992 = vector.broadcast %jit3A_1990 : i32 to vector<16xi32>
    %broadcast_in_dim3A_1993 = vector.broadcast %jit3A_1991 : i32 to vector<16xi32>
    %select_n3A_1994 = arith.select %eq3A_1989, %broadcast_in_dim3A_1992, %broadcast_in_dim3A_1993 : vector<16xi1>, vector<16xi32>
    %add3A_1995 = arith.addi %add3A_1986, %select_n3A_1994 : vector<16xi32>
    %eq3A_1996 = arith.constant 12 : i32
    %eq3A_1997 = vector.broadcast %eq3A_1996 : i32 to vector<16xi32>
    %eq3A_1998 = arith.cmpi eq, %get3A_46, %eq3A_1997 : vector<16xi32>
    %jit3A_1999 = arith.constant 1 : i32
    %jit3A_2000 = arith.constant 0 : i32
    %broadcast_in_dim3A_2001 = vector.broadcast %jit3A_1999 : i32 to vector<16xi32>
    %broadcast_in_dim3A_2002 = vector.broadcast %jit3A_2000 : i32 to vector<16xi32>
    %select_n3A_2003 = arith.select %eq3A_1998, %broadcast_in_dim3A_2001, %broadcast_in_dim3A_2002 : vector<16xi1>, vector<16xi32>
    %add3A_2004 = arith.addi %add3A_1995, %select_n3A_2003 : vector<16xi32>
    %eq3A_2005 = arith.constant 12 : i32
    %eq3A_2006 = vector.broadcast %eq3A_2005 : i32 to vector<16xi32>
    %eq3A_2007 = arith.cmpi eq, %get3A_49, %eq3A_2006 : vector<16xi32>
    %jit3A_2008 = arith.constant 1 : i32
    %jit3A_2009 = arith.constant 0 : i32
    %broadcast_in_dim3A_2010 = vector.broadcast %jit3A_2008 : i32 to vector<16xi32>
    %broadcast_in_dim3A_2011 = vector.broadcast %jit3A_2009 : i32 to vector<16xi32>
    %select_n3A_2012 = arith.select %eq3A_2007, %broadcast_in_dim3A_2010, %broadcast_in_dim3A_2011 : vector<16xi1>, vector<16xi32>
    %add3A_2013 = arith.addi %add3A_2004, %select_n3A_2012 : vector<16xi32>
    %swap3A_2014 = arith.constant 12 : i32
    %swap3A_2015 = arith.index_cast %swap3A_2014 : i32 to index
    %swap3A_2016 = arith.constant 0 : index
    %swap3A_2017 = tpu.vector_load %arg5[%swap3A_2015, %swap3A_2016] {strides = array<i32>} : memref<32x16xi32, #tpu.memory_space<vmem>>, vector<1x16xi32>,
    %swap3A_2018 = vector.shape_cast %swap3A_2017 : vector<1x16xi32> to vector<16xi32>
    %swap3A_2019 = vector.shape_cast %add3A_2013 : vector<16xi32> to vector<1x16xi32>
    tpu.vector_store %arg5[%swap3A_2015, %swap3A_2016], %swap3A_2019 {strides = array<i32>} : memref<32x16xi32, #tpu.memory_space<vmem>>, vector<1x16xi32>,
    %broadcast_in_dim3A_2020 = arith.constant 0 : i32
    %broadcast_in_dim3A_2021 = vector.broadcast %broadcast_in_dim3A_2020 : i32 to vector<16xi32>
    %eq3A_2022 = arith.constant 13 : i32
    %eq3A_2023 = vector.broadcast %eq3A_2022 : i32 to vector<16xi32>
    %eq3A_2024 = arith.cmpi eq, %get3A_4, %eq3A_2023 : vector<16xi32>
    %jit3A_2025 = arith.constant 1 : i32
    %jit3A_2026 = arith.constant 0 : i32
    %broadcast_in_dim3A_2027 = vector.broadcast %jit3A_2025 : i32 to vector<16xi32>
    %broadcast_in_dim3A_2028 = vector.broadcast %jit3A_2026 : i32 to vector<16xi32>
    %select_n3A_2029 = arith.select %eq3A_2024, %broadcast_in_dim3A_2027, %broadcast_in_dim3A_2028 : vector<16xi1>, vector<16xi32>
    %add3A_2030 = arith.addi %broadcast_in_dim3A_2021, %select_n3A_2029 : vector<16xi32>
    %eq3A_2031 = arith.constant 13 : i32
    %eq3A_2032 = vector.broadcast %eq3A_2031 : i32 to vector<16xi32>
    %eq3A_2033 = arith.cmpi eq, %get3A_7, %eq3A_2032 : vector<16xi32>
    %jit3A_2034 = arith.constant 1 : i32
    %jit3A_2035 = arith.constant 0 : i32
    %broadcast_in_dim3A_2036 = vector.broadcast %jit3A_2034 : i32 to vector<16xi32>
    %broadcast_in_dim3A_2037 = vector.broadcast %jit3A_2035 : i32 to vector<16xi32>
    %select_n3A_2038 = arith.select %eq3A_2033, %broadcast_in_dim3A_2036, %broadcast_in_dim3A_2037 : vector<16xi1>, vector<16xi32>
    %add3A_2039 = arith.addi %add3A_2030, %select_n3A_2038 : vector<16xi32>
    %eq3A_2040 = arith.constant 13 : i32
    %eq3A_2041 = vector.broadcast %eq3A_2040 : i32 to vector<16xi32>
    %eq3A_2042 = arith.cmpi eq, %get3A_10, %eq3A_2041 : vector<16xi32>
    %jit3A_2043 = arith.constant 1 : i32
    %jit3A_2044 = arith.constant 0 : i32
    %broadcast_in_dim3A_2045 = vector.broadcast %jit3A_2043 : i32 to vector<16xi32>
    %broadcast_in_dim3A_2046 = vector.broadcast %jit3A_2044 : i32 to vector<16xi32>
    %select_n3A_2047 = arith.select %eq3A_2042, %broadcast_in_dim3A_2045, %broadcast_in_dim3A_2046 : vector<16xi1>, vector<16xi32>
    %add3A_2048 = arith.addi %add3A_2039, %select_n3A_2047 : vector<16xi32>
    %eq3A_2049 = arith.constant 13 : i32
    %eq3A_2050 = vector.broadcast %eq3A_2049 : i32 to vector<16xi32>
    %eq3A_2051 = arith.cmpi eq, %get3A_13, %eq3A_2050 : vector<16xi32>
    %jit3A_2052 = arith.constant 1 : i32
    %jit3A_2053 = arith.constant 0 : i32
    %broadcast_in_dim3A_2054 = vector.broadcast %jit3A_2052 : i32 to vector<16xi32>
    %broadcast_in_dim3A_2055 = vector.broadcast %jit3A_2053 : i32 to vector<16xi32>
    %select_n3A_2056 = arith.select %eq3A_2051, %broadcast_in_dim3A_2054, %broadcast_in_dim3A_2055 : vector<16xi1>, vector<16xi32>
    %add3A_2057 = arith.addi %add3A_2048, %select_n3A_2056 : vector<16xi32>
    %eq3A_2058 = arith.constant 13 : i32
    %eq3A_2059 = vector.broadcast %eq3A_2058 : i32 to vector<16xi32>
    %eq3A_2060 = arith.cmpi eq, %get3A_16, %eq3A_2059 : vector<16xi32>
    %jit3A_2061 = arith.constant 1 : i32
    %jit3A_2062 = arith.constant 0 : i32
    %broadcast_in_dim3A_2063 = vector.broadcast %jit3A_2061 : i32 to vector<16xi32>
    %broadcast_in_dim3A_2064 = vector.broadcast %jit3A_2062 : i32 to vector<16xi32>
    %select_n3A_2065 = arith.select %eq3A_2060, %broadcast_in_dim3A_2063, %broadcast_in_dim3A_2064 : vector<16xi1>, vector<16xi32>
    %add3A_2066 = arith.addi %add3A_2057, %select_n3A_2065 : vector<16xi32>
    %eq3A_2067 = arith.constant 13 : i32
    %eq3A_2068 = vector.broadcast %eq3A_2067 : i32 to vector<16xi32>
    %eq3A_2069 = arith.cmpi eq, %get3A_19, %eq3A_2068 : vector<16xi32>
    %jit3A_2070 = arith.constant 1 : i32
    %jit3A_2071 = arith.constant 0 : i32
    %broadcast_in_dim3A_2072 = vector.broadcast %jit3A_2070 : i32 to vector<16xi32>
    %broadcast_in_dim3A_2073 = vector.broadcast %jit3A_2071 : i32 to vector<16xi32>
    %select_n3A_2074 = arith.select %eq3A_2069, %broadcast_in_dim3A_2072, %broadcast_in_dim3A_2073 : vector<16xi1>, vector<16xi32>
    %add3A_2075 = arith.addi %add3A_2066, %select_n3A_2074 : vector<16xi32>
    %eq3A_2076 = arith.constant 13 : i32
    %eq3A_2077 = vector.broadcast %eq3A_2076 : i32 to vector<16xi32>
    %eq3A_2078 = arith.cmpi eq, %get3A_22, %eq3A_2077 : vector<16xi32>
    %jit3A_2079 = arith.constant 1 : i32
    %jit3A_2080 = arith.constant 0 : i32
    %broadcast_in_dim3A_2081 = vector.broadcast %jit3A_2079 : i32 to vector<16xi32>
    %broadcast_in_dim3A_2082 = vector.broadcast %jit3A_2080 : i32 to vector<16xi32>
    %select_n3A_2083 = arith.select %eq3A_2078, %broadcast_in_dim3A_2081, %broadcast_in_dim3A_2082 : vector<16xi1>, vector<16xi32>
    %add3A_2084 = arith.addi %add3A_2075, %select_n3A_2083 : vector<16xi32>
    %eq3A_2085 = arith.constant 13 : i32
    %eq3A_2086 = vector.broadcast %eq3A_2085 : i32 to vector<16xi32>
    %eq3A_2087 = arith.cmpi eq, %get3A_25, %eq3A_2086 : vector<16xi32>
    %jit3A_2088 = arith.constant 1 : i32
    %jit3A_2089 = arith.constant 0 : i32
    %broadcast_in_dim3A_2090 = vector.broadcast %jit3A_2088 : i32 to vector<16xi32>
    %broadcast_in_dim3A_2091 = vector.broadcast %jit3A_2089 : i32 to vector<16xi32>
    %select_n3A_2092 = arith.select %eq3A_2087, %broadcast_in_dim3A_2090, %broadcast_in_dim3A_2091 : vector<16xi1>, vector<16xi32>
    %add3A_2093 = arith.addi %add3A_2084, %select_n3A_2092 : vector<16xi32>
    %eq3A_2094 = arith.constant 13 : i32
    %eq3A_2095 = vector.broadcast %eq3A_2094 : i32 to vector<16xi32>
    %eq3A_2096 = arith.cmpi eq, %get3A_28, %eq3A_2095 : vector<16xi32>
    %jit3A_2097 = arith.constant 1 : i32
    %jit3A_2098 = arith.constant 0 : i32
    %broadcast_in_dim3A_2099 = vector.broadcast %jit3A_2097 : i32 to vector<16xi32>
    %broadcast_in_dim3A_2100 = vector.broadcast %jit3A_2098 : i32 to vector<16xi32>
    %select_n3A_2101 = arith.select %eq3A_2096, %broadcast_in_dim3A_2099, %broadcast_in_dim3A_2100 : vector<16xi1>, vector<16xi32>
    %add3A_2102 = arith.addi %add3A_2093, %select_n3A_2101 : vector<16xi32>
    %eq3A_2103 = arith.constant 13 : i32
    %eq3A_2104 = vector.broadcast %eq3A_2103 : i32 to vector<16xi32>
    %eq3A_2105 = arith.cmpi eq, %get3A_31, %eq3A_2104 : vector<16xi32>
    %jit3A_2106 = arith.constant 1 : i32
    %jit3A_2107 = arith.constant 0 : i32
    %broadcast_in_dim3A_2108 = vector.broadcast %jit3A_2106 : i32 to vector<16xi32>
    %broadcast_in_dim3A_2109 = vector.broadcast %jit3A_2107 : i32 to vector<16xi32>
    %select_n3A_2110 = arith.select %eq3A_2105, %broadcast_in_dim3A_2108, %broadcast_in_dim3A_2109 : vector<16xi1>, vector<16xi32>
    %add3A_2111 = arith.addi %add3A_2102, %select_n3A_2110 : vector<16xi32>
    %eq3A_2112 = arith.constant 13 : i32
    %eq3A_2113 = vector.broadcast %eq3A_2112 : i32 to vector<16xi32>
    %eq3A_2114 = arith.cmpi eq, %get3A_34, %eq3A_2113 : vector<16xi32>
    %jit3A_2115 = arith.constant 1 : i32
    %jit3A_2116 = arith.constant 0 : i32
    %broadcast_in_dim3A_2117 = vector.broadcast %jit3A_2115 : i32 to vector<16xi32>
    %broadcast_in_dim3A_2118 = vector.broadcast %jit3A_2116 : i32 to vector<16xi32>
    %select_n3A_2119 = arith.select %eq3A_2114, %broadcast_in_dim3A_2117, %broadcast_in_dim3A_2118 : vector<16xi1>, vector<16xi32>
    %add3A_2120 = arith.addi %add3A_2111, %select_n3A_2119 : vector<16xi32>
    %eq3A_2121 = arith.constant 13 : i32
    %eq3A_2122 = vector.broadcast %eq3A_2121 : i32 to vector<16xi32>
    %eq3A_2123 = arith.cmpi eq, %get3A_37, %eq3A_2122 : vector<16xi32>
    %jit3A_2124 = arith.constant 1 : i32
    %jit3A_2125 = arith.constant 0 : i32
    %broadcast_in_dim3A_2126 = vector.broadcast %jit3A_2124 : i32 to vector<16xi32>
    %broadcast_in_dim3A_2127 = vector.broadcast %jit3A_2125 : i32 to vector<16xi32>
    %select_n3A_2128 = arith.select %eq3A_2123, %broadcast_in_dim3A_2126, %broadcast_in_dim3A_2127 : vector<16xi1>, vector<16xi32>
    %add3A_2129 = arith.addi %add3A_2120, %select_n3A_2128 : vector<16xi32>
    %eq3A_2130 = arith.constant 13 : i32
    %eq3A_2131 = vector.broadcast %eq3A_2130 : i32 to vector<16xi32>
    %eq3A_2132 = arith.cmpi eq, %get3A_40, %eq3A_2131 : vector<16xi32>
    %jit3A_2133 = arith.constant 1 : i32
    %jit3A_2134 = arith.constant 0 : i32
    %broadcast_in_dim3A_2135 = vector.broadcast %jit3A_2133 : i32 to vector<16xi32>
    %broadcast_in_dim3A_2136 = vector.broadcast %jit3A_2134 : i32 to vector<16xi32>
    %select_n3A_2137 = arith.select %eq3A_2132, %broadcast_in_dim3A_2135, %broadcast_in_dim3A_2136 : vector<16xi1>, vector<16xi32>
    %add3A_2138 = arith.addi %add3A_2129, %select_n3A_2137 : vector<16xi32>
    %eq3A_2139 = arith.constant 13 : i32
    %eq3A_2140 = vector.broadcast %eq3A_2139 : i32 to vector<16xi32>
    %eq3A_2141 = arith.cmpi eq, %get3A_43, %eq3A_2140 : vector<16xi32>
    %jit3A_2142 = arith.constant 1 : i32
    %jit3A_2143 = arith.constant 0 : i32
    %broadcast_in_dim3A_2144 = vector.broadcast %jit3A_2142 : i32 to vector<16xi32>
    %broadcast_in_dim3A_2145 = vector.broadcast %jit3A_2143 : i32 to vector<16xi32>
    %select_n3A_2146 = arith.select %eq3A_2141, %broadcast_in_dim3A_2144, %broadcast_in_dim3A_2145 : vector<16xi1>, vector<16xi32>
    %add3A_2147 = arith.addi %add3A_2138, %select_n3A_2146 : vector<16xi32>
    %eq3A_2148 = arith.constant 13 : i32
    %eq3A_2149 = vector.broadcast %eq3A_2148 : i32 to vector<16xi32>
    %eq3A_2150 = arith.cmpi eq, %get3A_46, %eq3A_2149 : vector<16xi32>
    %jit3A_2151 = arith.constant 1 : i32
    %jit3A_2152 = arith.constant 0 : i32
    %broadcast_in_dim3A_2153 = vector.broadcast %jit3A_2151 : i32 to vector<16xi32>
    %broadcast_in_dim3A_2154 = vector.broadcast %jit3A_2152 : i32 to vector<16xi32>
    %select_n3A_2155 = arith.select %eq3A_2150, %broadcast_in_dim3A_2153, %broadcast_in_dim3A_2154 : vector<16xi1>, vector<16xi32>
    %add3A_2156 = arith.addi %add3A_2147, %select_n3A_2155 : vector<16xi32>
    %eq3A_2157 = arith.constant 13 : i32
    %eq3A_2158 = vector.broadcast %eq3A_2157 : i32 to vector<16xi32>
    %eq3A_2159 = arith.cmpi eq, %get3A_49, %eq3A_2158 : vector<16xi32>
    %jit3A_2160 = arith.constant 1 : i32
    %jit3A_2161 = arith.constant 0 : i32
    %broadcast_in_dim3A_2162 = vector.broadcast %jit3A_2160 : i32 to vector<16xi32>
    %broadcast_in_dim3A_2163 = vector.broadcast %jit3A_2161 : i32 to vector<16xi32>
    %select_n3A_2164 = arith.select %eq3A_2159, %broadcast_in_dim3A_2162, %broadcast_in_dim3A_2163 : vector<16xi1>, vector<16xi32>
    %add3A_2165 = arith.addi %add3A_2156, %select_n3A_2164 : vector<16xi32>
    %swap3A_2166 = arith.constant 13 : i32
    %swap3A_2167 = arith.index_cast %swap3A_2166 : i32 to index
    %swap3A_2168 = arith.constant 0 : index
    %swap3A_2169 = tpu.vector_load %arg5[%swap3A_2167, %swap3A_2168] {strides = array<i32>} : memref<32x16xi32, #tpu.memory_space<vmem>>, vector<1x16xi32>,
    %swap3A_2170 = vector.shape_cast %swap3A_2169 : vector<1x16xi32> to vector<16xi32>
    %swap3A_2171 = vector.shape_cast %add3A_2165 : vector<16xi32> to vector<1x16xi32>
    tpu.vector_store %arg5[%swap3A_2167, %swap3A_2168], %swap3A_2171 {strides = array<i32>} : memref<32x16xi32, #tpu.memory_space<vmem>>, vector<1x16xi32>,
    %broadcast_in_dim3A_2172 = arith.constant 0 : i32
    %broadcast_in_dim3A_2173 = vector.broadcast %broadcast_in_dim3A_2172 : i32 to vector<16xi32>
    %eq3A_2174 = arith.constant 14 : i32
    %eq3A_2175 = vector.broadcast %eq3A_2174 : i32 to vector<16xi32>
    %eq3A_2176 = arith.cmpi eq, %get3A_4, %eq3A_2175 : vector<16xi32>
    %jit3A_2177 = arith.constant 1 : i32
    %jit3A_2178 = arith.constant 0 : i32
    %broadcast_in_dim3A_2179 = vector.broadcast %jit3A_2177 : i32 to vector<16xi32>
    %broadcast_in_dim3A_2180 = vector.broadcast %jit3A_2178 : i32 to vector<16xi32>
    %select_n3A_2181 = arith.select %eq3A_2176, %broadcast_in_dim3A_2179, %broadcast_in_dim3A_2180 : vector<16xi1>, vector<16xi32>
    %add3A_2182 = arith.addi %broadcast_in_dim3A_2173, %select_n3A_2181 : vector<16xi32>
    %eq3A_2183 = arith.constant 14 : i32
    %eq3A_2184 = vector.broadcast %eq3A_2183 : i32 to vector<16xi32>
    %eq3A_2185 = arith.cmpi eq, %get3A_7, %eq3A_2184 : vector<16xi32>
    %jit3A_2186 = arith.constant 1 : i32
    %jit3A_2187 = arith.constant 0 : i32
    %broadcast_in_dim3A_2188 = vector.broadcast %jit3A_2186 : i32 to vector<16xi32>
    %broadcast_in_dim3A_2189 = vector.broadcast %jit3A_2187 : i32 to vector<16xi32>
    %select_n3A_2190 = arith.select %eq3A_2185, %broadcast_in_dim3A_2188, %broadcast_in_dim3A_2189 : vector<16xi1>, vector<16xi32>
    %add3A_2191 = arith.addi %add3A_2182, %select_n3A_2190 : vector<16xi32>
    %eq3A_2192 = arith.constant 14 : i32
    %eq3A_2193 = vector.broadcast %eq3A_2192 : i32 to vector<16xi32>
    %eq3A_2194 = arith.cmpi eq, %get3A_10, %eq3A_2193 : vector<16xi32>
    %jit3A_2195 = arith.constant 1 : i32
    %jit3A_2196 = arith.constant 0 : i32
    %broadcast_in_dim3A_2197 = vector.broadcast %jit3A_2195 : i32 to vector<16xi32>
    %broadcast_in_dim3A_2198 = vector.broadcast %jit3A_2196 : i32 to vector<16xi32>
    %select_n3A_2199 = arith.select %eq3A_2194, %broadcast_in_dim3A_2197, %broadcast_in_dim3A_2198 : vector<16xi1>, vector<16xi32>
    %add3A_2200 = arith.addi %add3A_2191, %select_n3A_2199 : vector<16xi32>
    %eq3A_2201 = arith.constant 14 : i32
    %eq3A_2202 = vector.broadcast %eq3A_2201 : i32 to vector<16xi32>
    %eq3A_2203 = arith.cmpi eq, %get3A_13, %eq3A_2202 : vector<16xi32>
    %jit3A_2204 = arith.constant 1 : i32
    %jit3A_2205 = arith.constant 0 : i32
    %broadcast_in_dim3A_2206 = vector.broadcast %jit3A_2204 : i32 to vector<16xi32>
    %broadcast_in_dim3A_2207 = vector.broadcast %jit3A_2205 : i32 to vector<16xi32>
    %select_n3A_2208 = arith.select %eq3A_2203, %broadcast_in_dim3A_2206, %broadcast_in_dim3A_2207 : vector<16xi1>, vector<16xi32>
    %add3A_2209 = arith.addi %add3A_2200, %select_n3A_2208 : vector<16xi32>
    %eq3A_2210 = arith.constant 14 : i32
    %eq3A_2211 = vector.broadcast %eq3A_2210 : i32 to vector<16xi32>
    %eq3A_2212 = arith.cmpi eq, %get3A_16, %eq3A_2211 : vector<16xi32>
    %jit3A_2213 = arith.constant 1 : i32
    %jit3A_2214 = arith.constant 0 : i32
    %broadcast_in_dim3A_2215 = vector.broadcast %jit3A_2213 : i32 to vector<16xi32>
    %broadcast_in_dim3A_2216 = vector.broadcast %jit3A_2214 : i32 to vector<16xi32>
    %select_n3A_2217 = arith.select %eq3A_2212, %broadcast_in_dim3A_2215, %broadcast_in_dim3A_2216 : vector<16xi1>, vector<16xi32>
    %add3A_2218 = arith.addi %add3A_2209, %select_n3A_2217 : vector<16xi32>
    %eq3A_2219 = arith.constant 14 : i32
    %eq3A_2220 = vector.broadcast %eq3A_2219 : i32 to vector<16xi32>
    %eq3A_2221 = arith.cmpi eq, %get3A_19, %eq3A_2220 : vector<16xi32>
    %jit3A_2222 = arith.constant 1 : i32
    %jit3A_2223 = arith.constant 0 : i32
    %broadcast_in_dim3A_2224 = vector.broadcast %jit3A_2222 : i32 to vector<16xi32>
    %broadcast_in_dim3A_2225 = vector.broadcast %jit3A_2223 : i32 to vector<16xi32>
    %select_n3A_2226 = arith.select %eq3A_2221, %broadcast_in_dim3A_2224, %broadcast_in_dim3A_2225 : vector<16xi1>, vector<16xi32>
    %add3A_2227 = arith.addi %add3A_2218, %select_n3A_2226 : vector<16xi32>
    %eq3A_2228 = arith.constant 14 : i32
    %eq3A_2229 = vector.broadcast %eq3A_2228 : i32 to vector<16xi32>
    %eq3A_2230 = arith.cmpi eq, %get3A_22, %eq3A_2229 : vector<16xi32>
    %jit3A_2231 = arith.constant 1 : i32
    %jit3A_2232 = arith.constant 0 : i32
    %broadcast_in_dim3A_2233 = vector.broadcast %jit3A_2231 : i32 to vector<16xi32>
    %broadcast_in_dim3A_2234 = vector.broadcast %jit3A_2232 : i32 to vector<16xi32>
    %select_n3A_2235 = arith.select %eq3A_2230, %broadcast_in_dim3A_2233, %broadcast_in_dim3A_2234 : vector<16xi1>, vector<16xi32>
    %add3A_2236 = arith.addi %add3A_2227, %select_n3A_2235 : vector<16xi32>
    %eq3A_2237 = arith.constant 14 : i32
    %eq3A_2238 = vector.broadcast %eq3A_2237 : i32 to vector<16xi32>
    %eq3A_2239 = arith.cmpi eq, %get3A_25, %eq3A_2238 : vector<16xi32>
    %jit3A_2240 = arith.constant 1 : i32
    %jit3A_2241 = arith.constant 0 : i32
    %broadcast_in_dim3A_2242 = vector.broadcast %jit3A_2240 : i32 to vector<16xi32>
    %broadcast_in_dim3A_2243 = vector.broadcast %jit3A_2241 : i32 to vector<16xi32>
    %select_n3A_2244 = arith.select %eq3A_2239, %broadcast_in_dim3A_2242, %broadcast_in_dim3A_2243 : vector<16xi1>, vector<16xi32>
    %add3A_2245 = arith.addi %add3A_2236, %select_n3A_2244 : vector<16xi32>
    %eq3A_2246 = arith.constant 14 : i32
    %eq3A_2247 = vector.broadcast %eq3A_2246 : i32 to vector<16xi32>
    %eq3A_2248 = arith.cmpi eq, %get3A_28, %eq3A_2247 : vector<16xi32>
    %jit3A_2249 = arith.constant 1 : i32
    %jit3A_2250 = arith.constant 0 : i32
    %broadcast_in_dim3A_2251 = vector.broadcast %jit3A_2249 : i32 to vector<16xi32>
    %broadcast_in_dim3A_2252 = vector.broadcast %jit3A_2250 : i32 to vector<16xi32>
    %select_n3A_2253 = arith.select %eq3A_2248, %broadcast_in_dim3A_2251, %broadcast_in_dim3A_2252 : vector<16xi1>, vector<16xi32>
    %add3A_2254 = arith.addi %add3A_2245, %select_n3A_2253 : vector<16xi32>
    %eq3A_2255 = arith.constant 14 : i32
    %eq3A_2256 = vector.broadcast %eq3A_2255 : i32 to vector<16xi32>
    %eq3A_2257 = arith.cmpi eq, %get3A_31, %eq3A_2256 : vector<16xi32>
    %jit3A_2258 = arith.constant 1 : i32
    %jit3A_2259 = arith.constant 0 : i32
    %broadcast_in_dim3A_2260 = vector.broadcast %jit3A_2258 : i32 to vector<16xi32>
    %broadcast_in_dim3A_2261 = vector.broadcast %jit3A_2259 : i32 to vector<16xi32>
    %select_n3A_2262 = arith.select %eq3A_2257, %broadcast_in_dim3A_2260, %broadcast_in_dim3A_2261 : vector<16xi1>, vector<16xi32>
    %add3A_2263 = arith.addi %add3A_2254, %select_n3A_2262 : vector<16xi32>
    %eq3A_2264 = arith.constant 14 : i32
    %eq3A_2265 = vector.broadcast %eq3A_2264 : i32 to vector<16xi32>
    %eq3A_2266 = arith.cmpi eq, %get3A_34, %eq3A_2265 : vector<16xi32>
    %jit3A_2267 = arith.constant 1 : i32
    %jit3A_2268 = arith.constant 0 : i32
    %broadcast_in_dim3A_2269 = vector.broadcast %jit3A_2267 : i32 to vector<16xi32>
    %broadcast_in_dim3A_2270 = vector.broadcast %jit3A_2268 : i32 to vector<16xi32>
    %select_n3A_2271 = arith.select %eq3A_2266, %broadcast_in_dim3A_2269, %broadcast_in_dim3A_2270 : vector<16xi1>, vector<16xi32>
    %add3A_2272 = arith.addi %add3A_2263, %select_n3A_2271 : vector<16xi32>
    %eq3A_2273 = arith.constant 14 : i32
    %eq3A_2274 = vector.broadcast %eq3A_2273 : i32 to vector<16xi32>
    %eq3A_2275 = arith.cmpi eq, %get3A_37, %eq3A_2274 : vector<16xi32>
    %jit3A_2276 = arith.constant 1 : i32
    %jit3A_2277 = arith.constant 0 : i32
    %broadcast_in_dim3A_2278 = vector.broadcast %jit3A_2276 : i32 to vector<16xi32>
    %broadcast_in_dim3A_2279 = vector.broadcast %jit3A_2277 : i32 to vector<16xi32>
    %select_n3A_2280 = arith.select %eq3A_2275, %broadcast_in_dim3A_2278, %broadcast_in_dim3A_2279 : vector<16xi1>, vector<16xi32>
    %add3A_2281 = arith.addi %add3A_2272, %select_n3A_2280 : vector<16xi32>
    %eq3A_2282 = arith.constant 14 : i32
    %eq3A_2283 = vector.broadcast %eq3A_2282 : i32 to vector<16xi32>
    %eq3A_2284 = arith.cmpi eq, %get3A_40, %eq3A_2283 : vector<16xi32>
    %jit3A_2285 = arith.constant 1 : i32
    %jit3A_2286 = arith.constant 0 : i32
    %broadcast_in_dim3A_2287 = vector.broadcast %jit3A_2285 : i32 to vector<16xi32>
    %broadcast_in_dim3A_2288 = vector.broadcast %jit3A_2286 : i32 to vector<16xi32>
    %select_n3A_2289 = arith.select %eq3A_2284, %broadcast_in_dim3A_2287, %broadcast_in_dim3A_2288 : vector<16xi1>, vector<16xi32>
    %add3A_2290 = arith.addi %add3A_2281, %select_n3A_2289 : vector<16xi32>
    %eq3A_2291 = arith.constant 14 : i32
    %eq3A_2292 = vector.broadcast %eq3A_2291 : i32 to vector<16xi32>
    %eq3A_2293 = arith.cmpi eq, %get3A_43, %eq3A_2292 : vector<16xi32>
    %jit3A_2294 = arith.constant 1 : i32
    %jit3A_2295 = arith.constant 0 : i32
    %broadcast_in_dim3A_2296 = vector.broadcast %jit3A_2294 : i32 to vector<16xi32>
    %broadcast_in_dim3A_2297 = vector.broadcast %jit3A_2295 : i32 to vector<16xi32>
    %select_n3A_2298 = arith.select %eq3A_2293, %broadcast_in_dim3A_2296, %broadcast_in_dim3A_2297 : vector<16xi1>, vector<16xi32>
    %add3A_2299 = arith.addi %add3A_2290, %select_n3A_2298 : vector<16xi32>
    %eq3A_2300 = arith.constant 14 : i32
    %eq3A_2301 = vector.broadcast %eq3A_2300 : i32 to vector<16xi32>
    %eq3A_2302 = arith.cmpi eq, %get3A_46, %eq3A_2301 : vector<16xi32>
    %jit3A_2303 = arith.constant 1 : i32
    %jit3A_2304 = arith.constant 0 : i32
    %broadcast_in_dim3A_2305 = vector.broadcast %jit3A_2303 : i32 to vector<16xi32>
    %broadcast_in_dim3A_2306 = vector.broadcast %jit3A_2304 : i32 to vector<16xi32>
    %select_n3A_2307 = arith.select %eq3A_2302, %broadcast_in_dim3A_2305, %broadcast_in_dim3A_2306 : vector<16xi1>, vector<16xi32>
    %add3A_2308 = arith.addi %add3A_2299, %select_n3A_2307 : vector<16xi32>
    %eq3A_2309 = arith.constant 14 : i32
    %eq3A_2310 = vector.broadcast %eq3A_2309 : i32 to vector<16xi32>
    %eq3A_2311 = arith.cmpi eq, %get3A_49, %eq3A_2310 : vector<16xi32>
    %jit3A_2312 = arith.constant 1 : i32
    %jit3A_2313 = arith.constant 0 : i32
    %broadcast_in_dim3A_2314 = vector.broadcast %jit3A_2312 : i32 to vector<16xi32>
    %broadcast_in_dim3A_2315 = vector.broadcast %jit3A_2313 : i32 to vector<16xi32>
    %select_n3A_2316 = arith.select %eq3A_2311, %broadcast_in_dim3A_2314, %broadcast_in_dim3A_2315 : vector<16xi1>, vector<16xi32>
    %add3A_2317 = arith.addi %add3A_2308, %select_n3A_2316 : vector<16xi32>
    %swap3A_2318 = arith.constant 14 : i32
    %swap3A_2319 = arith.index_cast %swap3A_2318 : i32 to index
    %swap3A_2320 = arith.constant 0 : index
    %swap3A_2321 = tpu.vector_load %arg5[%swap3A_2319, %swap3A_2320] {strides = array<i32>} : memref<32x16xi32, #tpu.memory_space<vmem>>, vector<1x16xi32>,
    %swap3A_2322 = vector.shape_cast %swap3A_2321 : vector<1x16xi32> to vector<16xi32>
    %swap3A_2323 = vector.shape_cast %add3A_2317 : vector<16xi32> to vector<1x16xi32>
    tpu.vector_store %arg5[%swap3A_2319, %swap3A_2320], %swap3A_2323 {strides = array<i32>} : memref<32x16xi32, #tpu.memory_space<vmem>>, vector<1x16xi32>,
    %broadcast_in_dim3A_2324 = arith.constant 0 : i32
    %broadcast_in_dim3A_2325 = vector.broadcast %broadcast_in_dim3A_2324 : i32 to vector<16xi32>
    %eq3A_2326 = arith.constant 15 : i32
    %eq3A_2327 = vector.broadcast %eq3A_2326 : i32 to vector<16xi32>
    %eq3A_2328 = arith.cmpi eq, %get3A_4, %eq3A_2327 : vector<16xi32>
    %jit3A_2329 = arith.constant 1 : i32
    %jit3A_2330 = arith.constant 0 : i32
    %broadcast_in_dim3A_2331 = vector.broadcast %jit3A_2329 : i32 to vector<16xi32>
    %broadcast_in_dim3A_2332 = vector.broadcast %jit3A_2330 : i32 to vector<16xi32>
    %select_n3A_2333 = arith.select %eq3A_2328, %broadcast_in_dim3A_2331, %broadcast_in_dim3A_2332 : vector<16xi1>, vector<16xi32>
    %add3A_2334 = arith.addi %broadcast_in_dim3A_2325, %select_n3A_2333 : vector<16xi32>
    %eq3A_2335 = arith.constant 15 : i32
    %eq3A_2336 = vector.broadcast %eq3A_2335 : i32 to vector<16xi32>
    %eq3A_2337 = arith.cmpi eq, %get3A_7, %eq3A_2336 : vector<16xi32>
    %jit3A_2338 = arith.constant 1 : i32
    %jit3A_2339 = arith.constant 0 : i32
    %broadcast_in_dim3A_2340 = vector.broadcast %jit3A_2338 : i32 to vector<16xi32>
    %broadcast_in_dim3A_2341 = vector.broadcast %jit3A_2339 : i32 to vector<16xi32>
    %select_n3A_2342 = arith.select %eq3A_2337, %broadcast_in_dim3A_2340, %broadcast_in_dim3A_2341 : vector<16xi1>, vector<16xi32>
    %add3A_2343 = arith.addi %add3A_2334, %select_n3A_2342 : vector<16xi32>
    %eq3A_2344 = arith.constant 15 : i32
    %eq3A_2345 = vector.broadcast %eq3A_2344 : i32 to vector<16xi32>
    %eq3A_2346 = arith.cmpi eq, %get3A_10, %eq3A_2345 : vector<16xi32>
    %jit3A_2347 = arith.constant 1 : i32
    %jit3A_2348 = arith.constant 0 : i32
    %broadcast_in_dim3A_2349 = vector.broadcast %jit3A_2347 : i32 to vector<16xi32>
    %broadcast_in_dim3A_2350 = vector.broadcast %jit3A_2348 : i32 to vector<16xi32>
    %select_n3A_2351 = arith.select %eq3A_2346, %broadcast_in_dim3A_2349, %broadcast_in_dim3A_2350 : vector<16xi1>, vector<16xi32>
    %add3A_2352 = arith.addi %add3A_2343, %select_n3A_2351 : vector<16xi32>
    %eq3A_2353 = arith.constant 15 : i32
    %eq3A_2354 = vector.broadcast %eq3A_2353 : i32 to vector<16xi32>
    %eq3A_2355 = arith.cmpi eq, %get3A_13, %eq3A_2354 : vector<16xi32>
    %jit3A_2356 = arith.constant 1 : i32
    %jit3A_2357 = arith.constant 0 : i32
    %broadcast_in_dim3A_2358 = vector.broadcast %jit3A_2356 : i32 to vector<16xi32>
    %broadcast_in_dim3A_2359 = vector.broadcast %jit3A_2357 : i32 to vector<16xi32>
    %select_n3A_2360 = arith.select %eq3A_2355, %broadcast_in_dim3A_2358, %broadcast_in_dim3A_2359 : vector<16xi1>, vector<16xi32>
    %add3A_2361 = arith.addi %add3A_2352, %select_n3A_2360 : vector<16xi32>
    %eq3A_2362 = arith.constant 15 : i32
    %eq3A_2363 = vector.broadcast %eq3A_2362 : i32 to vector<16xi32>
    %eq3A_2364 = arith.cmpi eq, %get3A_16, %eq3A_2363 : vector<16xi32>
    %jit3A_2365 = arith.constant 1 : i32
    %jit3A_2366 = arith.constant 0 : i32
    %broadcast_in_dim3A_2367 = vector.broadcast %jit3A_2365 : i32 to vector<16xi32>
    %broadcast_in_dim3A_2368 = vector.broadcast %jit3A_2366 : i32 to vector<16xi32>
    %select_n3A_2369 = arith.select %eq3A_2364, %broadcast_in_dim3A_2367, %broadcast_in_dim3A_2368 : vector<16xi1>, vector<16xi32>
    %add3A_2370 = arith.addi %add3A_2361, %select_n3A_2369 : vector<16xi32>
    %eq3A_2371 = arith.constant 15 : i32
    %eq3A_2372 = vector.broadcast %eq3A_2371 : i32 to vector<16xi32>
    %eq3A_2373 = arith.cmpi eq, %get3A_19, %eq3A_2372 : vector<16xi32>
    %jit3A_2374 = arith.constant 1 : i32
    %jit3A_2375 = arith.constant 0 : i32
    %broadcast_in_dim3A_2376 = vector.broadcast %jit3A_2374 : i32 to vector<16xi32>
    %broadcast_in_dim3A_2377 = vector.broadcast %jit3A_2375 : i32 to vector<16xi32>
    %select_n3A_2378 = arith.select %eq3A_2373, %broadcast_in_dim3A_2376, %broadcast_in_dim3A_2377 : vector<16xi1>, vector<16xi32>
    %add3A_2379 = arith.addi %add3A_2370, %select_n3A_2378 : vector<16xi32>
    %eq3A_2380 = arith.constant 15 : i32
    %eq3A_2381 = vector.broadcast %eq3A_2380 : i32 to vector<16xi32>
    %eq3A_2382 = arith.cmpi eq, %get3A_22, %eq3A_2381 : vector<16xi32>
    %jit3A_2383 = arith.constant 1 : i32
    %jit3A_2384 = arith.constant 0 : i32
    %broadcast_in_dim3A_2385 = vector.broadcast %jit3A_2383 : i32 to vector<16xi32>
    %broadcast_in_dim3A_2386 = vector.broadcast %jit3A_2384 : i32 to vector<16xi32>
    %select_n3A_2387 = arith.select %eq3A_2382, %broadcast_in_dim3A_2385, %broadcast_in_dim3A_2386 : vector<16xi1>, vector<16xi32>
    %add3A_2388 = arith.addi %add3A_2379, %select_n3A_2387 : vector<16xi32>
    %eq3A_2389 = arith.constant 15 : i32
    %eq3A_2390 = vector.broadcast %eq3A_2389 : i32 to vector<16xi32>
    %eq3A_2391 = arith.cmpi eq, %get3A_25, %eq3A_2390 : vector<16xi32>
    %jit3A_2392 = arith.constant 1 : i32
    %jit3A_2393 = arith.constant 0 : i32
    %broadcast_in_dim3A_2394 = vector.broadcast %jit3A_2392 : i32 to vector<16xi32>
    %broadcast_in_dim3A_2395 = vector.broadcast %jit3A_2393 : i32 to vector<16xi32>
    %select_n3A_2396 = arith.select %eq3A_2391, %broadcast_in_dim3A_2394, %broadcast_in_dim3A_2395 : vector<16xi1>, vector<16xi32>
    %add3A_2397 = arith.addi %add3A_2388, %select_n3A_2396 : vector<16xi32>
    %eq3A_2398 = arith.constant 15 : i32
    %eq3A_2399 = vector.broadcast %eq3A_2398 : i32 to vector<16xi32>
    %eq3A_2400 = arith.cmpi eq, %get3A_28, %eq3A_2399 : vector<16xi32>
    %jit3A_2401 = arith.constant 1 : i32
    %jit3A_2402 = arith.constant 0 : i32
    %broadcast_in_dim3A_2403 = vector.broadcast %jit3A_2401 : i32 to vector<16xi32>
    %broadcast_in_dim3A_2404 = vector.broadcast %jit3A_2402 : i32 to vector<16xi32>
    %select_n3A_2405 = arith.select %eq3A_2400, %broadcast_in_dim3A_2403, %broadcast_in_dim3A_2404 : vector<16xi1>, vector<16xi32>
    %add3A_2406 = arith.addi %add3A_2397, %select_n3A_2405 : vector<16xi32>
    %eq3A_2407 = arith.constant 15 : i32
    %eq3A_2408 = vector.broadcast %eq3A_2407 : i32 to vector<16xi32>
    %eq3A_2409 = arith.cmpi eq, %get3A_31, %eq3A_2408 : vector<16xi32>
    %jit3A_2410 = arith.constant 1 : i32
    %jit3A_2411 = arith.constant 0 : i32
    %broadcast_in_dim3A_2412 = vector.broadcast %jit3A_2410 : i32 to vector<16xi32>
    %broadcast_in_dim3A_2413 = vector.broadcast %jit3A_2411 : i32 to vector<16xi32>
    %select_n3A_2414 = arith.select %eq3A_2409, %broadcast_in_dim3A_2412, %broadcast_in_dim3A_2413 : vector<16xi1>, vector<16xi32>
    %add3A_2415 = arith.addi %add3A_2406, %select_n3A_2414 : vector<16xi32>
    %eq3A_2416 = arith.constant 15 : i32
    %eq3A_2417 = vector.broadcast %eq3A_2416 : i32 to vector<16xi32>
    %eq3A_2418 = arith.cmpi eq, %get3A_34, %eq3A_2417 : vector<16xi32>
    %jit3A_2419 = arith.constant 1 : i32
    %jit3A_2420 = arith.constant 0 : i32
    %broadcast_in_dim3A_2421 = vector.broadcast %jit3A_2419 : i32 to vector<16xi32>
    %broadcast_in_dim3A_2422 = vector.broadcast %jit3A_2420 : i32 to vector<16xi32>
    %select_n3A_2423 = arith.select %eq3A_2418, %broadcast_in_dim3A_2421, %broadcast_in_dim3A_2422 : vector<16xi1>, vector<16xi32>
    %add3A_2424 = arith.addi %add3A_2415, %select_n3A_2423 : vector<16xi32>
    %eq3A_2425 = arith.constant 15 : i32
    %eq3A_2426 = vector.broadcast %eq3A_2425 : i32 to vector<16xi32>
    %eq3A_2427 = arith.cmpi eq, %get3A_37, %eq3A_2426 : vector<16xi32>
    %jit3A_2428 = arith.constant 1 : i32
    %jit3A_2429 = arith.constant 0 : i32
    %broadcast_in_dim3A_2430 = vector.broadcast %jit3A_2428 : i32 to vector<16xi32>
    %broadcast_in_dim3A_2431 = vector.broadcast %jit3A_2429 : i32 to vector<16xi32>
    %select_n3A_2432 = arith.select %eq3A_2427, %broadcast_in_dim3A_2430, %broadcast_in_dim3A_2431 : vector<16xi1>, vector<16xi32>
    %add3A_2433 = arith.addi %add3A_2424, %select_n3A_2432 : vector<16xi32>
    %eq3A_2434 = arith.constant 15 : i32
    %eq3A_2435 = vector.broadcast %eq3A_2434 : i32 to vector<16xi32>
    %eq3A_2436 = arith.cmpi eq, %get3A_40, %eq3A_2435 : vector<16xi32>
    %jit3A_2437 = arith.constant 1 : i32
    %jit3A_2438 = arith.constant 0 : i32
    %broadcast_in_dim3A_2439 = vector.broadcast %jit3A_2437 : i32 to vector<16xi32>
    %broadcast_in_dim3A_2440 = vector.broadcast %jit3A_2438 : i32 to vector<16xi32>
    %select_n3A_2441 = arith.select %eq3A_2436, %broadcast_in_dim3A_2439, %broadcast_in_dim3A_2440 : vector<16xi1>, vector<16xi32>
    %add3A_2442 = arith.addi %add3A_2433, %select_n3A_2441 : vector<16xi32>
    %eq3A_2443 = arith.constant 15 : i32
    %eq3A_2444 = vector.broadcast %eq3A_2443 : i32 to vector<16xi32>
    %eq3A_2445 = arith.cmpi eq, %get3A_43, %eq3A_2444 : vector<16xi32>
    %jit3A_2446 = arith.constant 1 : i32
    %jit3A_2447 = arith.constant 0 : i32
    %broadcast_in_dim3A_2448 = vector.broadcast %jit3A_2446 : i32 to vector<16xi32>
    %broadcast_in_dim3A_2449 = vector.broadcast %jit3A_2447 : i32 to vector<16xi32>
    %select_n3A_2450 = arith.select %eq3A_2445, %broadcast_in_dim3A_2448, %broadcast_in_dim3A_2449 : vector<16xi1>, vector<16xi32>
    %add3A_2451 = arith.addi %add3A_2442, %select_n3A_2450 : vector<16xi32>
    %eq3A_2452 = arith.constant 15 : i32
    %eq3A_2453 = vector.broadcast %eq3A_2452 : i32 to vector<16xi32>
    %eq3A_2454 = arith.cmpi eq, %get3A_46, %eq3A_2453 : vector<16xi32>
    %jit3A_2455 = arith.constant 1 : i32
    %jit3A_2456 = arith.constant 0 : i32
    %broadcast_in_dim3A_2457 = vector.broadcast %jit3A_2455 : i32 to vector<16xi32>
    %broadcast_in_dim3A_2458 = vector.broadcast %jit3A_2456 : i32 to vector<16xi32>
    %select_n3A_2459 = arith.select %eq3A_2454, %broadcast_in_dim3A_2457, %broadcast_in_dim3A_2458 : vector<16xi1>, vector<16xi32>
    %add3A_2460 = arith.addi %add3A_2451, %select_n3A_2459 : vector<16xi32>
    %eq3A_2461 = arith.constant 15 : i32
    %eq3A_2462 = vector.broadcast %eq3A_2461 : i32 to vector<16xi32>
    %eq3A_2463 = arith.cmpi eq, %get3A_49, %eq3A_2462 : vector<16xi32>
    %jit3A_2464 = arith.constant 1 : i32
    %jit3A_2465 = arith.constant 0 : i32
    %broadcast_in_dim3A_2466 = vector.broadcast %jit3A_2464 : i32 to vector<16xi32>
    %broadcast_in_dim3A_2467 = vector.broadcast %jit3A_2465 : i32 to vector<16xi32>
    %select_n3A_2468 = arith.select %eq3A_2463, %broadcast_in_dim3A_2466, %broadcast_in_dim3A_2467 : vector<16xi1>, vector<16xi32>
    %add3A_2469 = arith.addi %add3A_2460, %select_n3A_2468 : vector<16xi32>
    %swap3A_2470 = arith.constant 15 : i32
    %swap3A_2471 = arith.index_cast %swap3A_2470 : i32 to index
    %swap3A_2472 = arith.constant 0 : index
    %swap3A_2473 = tpu.vector_load %arg5[%swap3A_2471, %swap3A_2472] {strides = array<i32>} : memref<32x16xi32, #tpu.memory_space<vmem>>, vector<1x16xi32>,
    %swap3A_2474 = vector.shape_cast %swap3A_2473 : vector<1x16xi32> to vector<16xi32>
    %swap3A_2475 = vector.shape_cast %add3A_2469 : vector<16xi32> to vector<1x16xi32>
    tpu.vector_store %arg5[%swap3A_2471, %swap3A_2472], %swap3A_2475 {strides = array<i32>} : memref<32x16xi32, #tpu.memory_space<vmem>>, vector<1x16xi32>,
    %broadcast_in_dim3A_2476 = arith.constant 0 : i32
    %broadcast_in_dim3A_2477 = vector.broadcast %broadcast_in_dim3A_2476 : i32 to vector<16xi32>
    %eq3A_2478 = arith.constant 16 : i32
    %eq3A_2479 = vector.broadcast %eq3A_2478 : i32 to vector<16xi32>
    %eq3A_2480 = arith.cmpi eq, %get3A_4, %eq3A_2479 : vector<16xi32>
    %jit3A_2481 = arith.constant 1 : i32
    %jit3A_2482 = arith.constant 0 : i32
    %broadcast_in_dim3A_2483 = vector.broadcast %jit3A_2481 : i32 to vector<16xi32>
    %broadcast_in_dim3A_2484 = vector.broadcast %jit3A_2482 : i32 to vector<16xi32>
    %select_n3A_2485 = arith.select %eq3A_2480, %broadcast_in_dim3A_2483, %broadcast_in_dim3A_2484 : vector<16xi1>, vector<16xi32>
    %add3A_2486 = arith.addi %broadcast_in_dim3A_2477, %select_n3A_2485 : vector<16xi32>
    %eq3A_2487 = arith.constant 16 : i32
    %eq3A_2488 = vector.broadcast %eq3A_2487 : i32 to vector<16xi32>
    %eq3A_2489 = arith.cmpi eq, %get3A_7, %eq3A_2488 : vector<16xi32>
    %jit3A_2490 = arith.constant 1 : i32
    %jit3A_2491 = arith.constant 0 : i32
    %broadcast_in_dim3A_2492 = vector.broadcast %jit3A_2490 : i32 to vector<16xi32>
    %broadcast_in_dim3A_2493 = vector.broadcast %jit3A_2491 : i32 to vector<16xi32>
    %select_n3A_2494 = arith.select %eq3A_2489, %broadcast_in_dim3A_2492, %broadcast_in_dim3A_2493 : vector<16xi1>, vector<16xi32>
    %add3A_2495 = arith.addi %add3A_2486, %select_n3A_2494 : vector<16xi32>
    %eq3A_2496 = arith.constant 16 : i32
    %eq3A_2497 = vector.broadcast %eq3A_2496 : i32 to vector<16xi32>
    %eq3A_2498 = arith.cmpi eq, %get3A_10, %eq3A_2497 : vector<16xi32>
    %jit3A_2499 = arith.constant 1 : i32
    %jit3A_2500 = arith.constant 0 : i32
    %broadcast_in_dim3A_2501 = vector.broadcast %jit3A_2499 : i32 to vector<16xi32>
    %broadcast_in_dim3A_2502 = vector.broadcast %jit3A_2500 : i32 to vector<16xi32>
    %select_n3A_2503 = arith.select %eq3A_2498, %broadcast_in_dim3A_2501, %broadcast_in_dim3A_2502 : vector<16xi1>, vector<16xi32>
    %add3A_2504 = arith.addi %add3A_2495, %select_n3A_2503 : vector<16xi32>
    %eq3A_2505 = arith.constant 16 : i32
    %eq3A_2506 = vector.broadcast %eq3A_2505 : i32 to vector<16xi32>
    %eq3A_2507 = arith.cmpi eq, %get3A_13, %eq3A_2506 : vector<16xi32>
    %jit3A_2508 = arith.constant 1 : i32
    %jit3A_2509 = arith.constant 0 : i32
    %broadcast_in_dim3A_2510 = vector.broadcast %jit3A_2508 : i32 to vector<16xi32>
    %broadcast_in_dim3A_2511 = vector.broadcast %jit3A_2509 : i32 to vector<16xi32>
    %select_n3A_2512 = arith.select %eq3A_2507, %broadcast_in_dim3A_2510, %broadcast_in_dim3A_2511 : vector<16xi1>, vector<16xi32>
    %add3A_2513 = arith.addi %add3A_2504, %select_n3A_2512 : vector<16xi32>
    %eq3A_2514 = arith.constant 16 : i32
    %eq3A_2515 = vector.broadcast %eq3A_2514 : i32 to vector<16xi32>
    %eq3A_2516 = arith.cmpi eq, %get3A_16, %eq3A_2515 : vector<16xi32>
    %jit3A_2517 = arith.constant 1 : i32
    %jit3A_2518 = arith.constant 0 : i32
    %broadcast_in_dim3A_2519 = vector.broadcast %jit3A_2517 : i32 to vector<16xi32>
    %broadcast_in_dim3A_2520 = vector.broadcast %jit3A_2518 : i32 to vector<16xi32>
    %select_n3A_2521 = arith.select %eq3A_2516, %broadcast_in_dim3A_2519, %broadcast_in_dim3A_2520 : vector<16xi1>, vector<16xi32>
    %add3A_2522 = arith.addi %add3A_2513, %select_n3A_2521 : vector<16xi32>
    %eq3A_2523 = arith.constant 16 : i32
    %eq3A_2524 = vector.broadcast %eq3A_2523 : i32 to vector<16xi32>
    %eq3A_2525 = arith.cmpi eq, %get3A_19, %eq3A_2524 : vector<16xi32>
    %jit3A_2526 = arith.constant 1 : i32
    %jit3A_2527 = arith.constant 0 : i32
    %broadcast_in_dim3A_2528 = vector.broadcast %jit3A_2526 : i32 to vector<16xi32>
    %broadcast_in_dim3A_2529 = vector.broadcast %jit3A_2527 : i32 to vector<16xi32>
    %select_n3A_2530 = arith.select %eq3A_2525, %broadcast_in_dim3A_2528, %broadcast_in_dim3A_2529 : vector<16xi1>, vector<16xi32>
    %add3A_2531 = arith.addi %add3A_2522, %select_n3A_2530 : vector<16xi32>
    %eq3A_2532 = arith.constant 16 : i32
    %eq3A_2533 = vector.broadcast %eq3A_2532 : i32 to vector<16xi32>
    %eq3A_2534 = arith.cmpi eq, %get3A_22, %eq3A_2533 : vector<16xi32>
    %jit3A_2535 = arith.constant 1 : i32
    %jit3A_2536 = arith.constant 0 : i32
    %broadcast_in_dim3A_2537 = vector.broadcast %jit3A_2535 : i32 to vector<16xi32>
    %broadcast_in_dim3A_2538 = vector.broadcast %jit3A_2536 : i32 to vector<16xi32>
    %select_n3A_2539 = arith.select %eq3A_2534, %broadcast_in_dim3A_2537, %broadcast_in_dim3A_2538 : vector<16xi1>, vector<16xi32>
    %add3A_2540 = arith.addi %add3A_2531, %select_n3A_2539 : vector<16xi32>
    %eq3A_2541 = arith.constant 16 : i32
    %eq3A_2542 = vector.broadcast %eq3A_2541 : i32 to vector<16xi32>
    %eq3A_2543 = arith.cmpi eq, %get3A_25, %eq3A_2542 : vector<16xi32>
    %jit3A_2544 = arith.constant 1 : i32
    %jit3A_2545 = arith.constant 0 : i32
    %broadcast_in_dim3A_2546 = vector.broadcast %jit3A_2544 : i32 to vector<16xi32>
    %broadcast_in_dim3A_2547 = vector.broadcast %jit3A_2545 : i32 to vector<16xi32>
    %select_n3A_2548 = arith.select %eq3A_2543, %broadcast_in_dim3A_2546, %broadcast_in_dim3A_2547 : vector<16xi1>, vector<16xi32>
    %add3A_2549 = arith.addi %add3A_2540, %select_n3A_2548 : vector<16xi32>
    %eq3A_2550 = arith.constant 16 : i32
    %eq3A_2551 = vector.broadcast %eq3A_2550 : i32 to vector<16xi32>
    %eq3A_2552 = arith.cmpi eq, %get3A_28, %eq3A_2551 : vector<16xi32>
    %jit3A_2553 = arith.constant 1 : i32
    %jit3A_2554 = arith.constant 0 : i32
    %broadcast_in_dim3A_2555 = vector.broadcast %jit3A_2553 : i32 to vector<16xi32>
    %broadcast_in_dim3A_2556 = vector.broadcast %jit3A_2554 : i32 to vector<16xi32>
    %select_n3A_2557 = arith.select %eq3A_2552, %broadcast_in_dim3A_2555, %broadcast_in_dim3A_2556 : vector<16xi1>, vector<16xi32>
    %add3A_2558 = arith.addi %add3A_2549, %select_n3A_2557 : vector<16xi32>
    %eq3A_2559 = arith.constant 16 : i32
    %eq3A_2560 = vector.broadcast %eq3A_2559 : i32 to vector<16xi32>
    %eq3A_2561 = arith.cmpi eq, %get3A_31, %eq3A_2560 : vector<16xi32>
    %jit3A_2562 = arith.constant 1 : i32
    %jit3A_2563 = arith.constant 0 : i32
    %broadcast_in_dim3A_2564 = vector.broadcast %jit3A_2562 : i32 to vector<16xi32>
    %broadcast_in_dim3A_2565 = vector.broadcast %jit3A_2563 : i32 to vector<16xi32>
    %select_n3A_2566 = arith.select %eq3A_2561, %broadcast_in_dim3A_2564, %broadcast_in_dim3A_2565 : vector<16xi1>, vector<16xi32>
    %add3A_2567 = arith.addi %add3A_2558, %select_n3A_2566 : vector<16xi32>
    %eq3A_2568 = arith.constant 16 : i32
    %eq3A_2569 = vector.broadcast %eq3A_2568 : i32 to vector<16xi32>
    %eq3A_2570 = arith.cmpi eq, %get3A_34, %eq3A_2569 : vector<16xi32>
    %jit3A_2571 = arith.constant 1 : i32
    %jit3A_2572 = arith.constant 0 : i32
    %broadcast_in_dim3A_2573 = vector.broadcast %jit3A_2571 : i32 to vector<16xi32>
    %broadcast_in_dim3A_2574 = vector.broadcast %jit3A_2572 : i32 to vector<16xi32>
    %select_n3A_2575 = arith.select %eq3A_2570, %broadcast_in_dim3A_2573, %broadcast_in_dim3A_2574 : vector<16xi1>, vector<16xi32>
    %add3A_2576 = arith.addi %add3A_2567, %select_n3A_2575 : vector<16xi32>
    %eq3A_2577 = arith.constant 16 : i32
    %eq3A_2578 = vector.broadcast %eq3A_2577 : i32 to vector<16xi32>
    %eq3A_2579 = arith.cmpi eq, %get3A_37, %eq3A_2578 : vector<16xi32>
    %jit3A_2580 = arith.constant 1 : i32
    %jit3A_2581 = arith.constant 0 : i32
    %broadcast_in_dim3A_2582 = vector.broadcast %jit3A_2580 : i32 to vector<16xi32>
    %broadcast_in_dim3A_2583 = vector.broadcast %jit3A_2581 : i32 to vector<16xi32>
    %select_n3A_2584 = arith.select %eq3A_2579, %broadcast_in_dim3A_2582, %broadcast_in_dim3A_2583 : vector<16xi1>, vector<16xi32>
    %add3A_2585 = arith.addi %add3A_2576, %select_n3A_2584 : vector<16xi32>
    %eq3A_2586 = arith.constant 16 : i32
    %eq3A_2587 = vector.broadcast %eq3A_2586 : i32 to vector<16xi32>
    %eq3A_2588 = arith.cmpi eq, %get3A_40, %eq3A_2587 : vector<16xi32>
    %jit3A_2589 = arith.constant 1 : i32
    %jit3A_2590 = arith.constant 0 : i32
    %broadcast_in_dim3A_2591 = vector.broadcast %jit3A_2589 : i32 to vector<16xi32>
    %broadcast_in_dim3A_2592 = vector.broadcast %jit3A_2590 : i32 to vector<16xi32>
    %select_n3A_2593 = arith.select %eq3A_2588, %broadcast_in_dim3A_2591, %broadcast_in_dim3A_2592 : vector<16xi1>, vector<16xi32>
    %add3A_2594 = arith.addi %add3A_2585, %select_n3A_2593 : vector<16xi32>
    %eq3A_2595 = arith.constant 16 : i32
    %eq3A_2596 = vector.broadcast %eq3A_2595 : i32 to vector<16xi32>
    %eq3A_2597 = arith.cmpi eq, %get3A_43, %eq3A_2596 : vector<16xi32>
    %jit3A_2598 = arith.constant 1 : i32
    %jit3A_2599 = arith.constant 0 : i32
    %broadcast_in_dim3A_2600 = vector.broadcast %jit3A_2598 : i32 to vector<16xi32>
    %broadcast_in_dim3A_2601 = vector.broadcast %jit3A_2599 : i32 to vector<16xi32>
    %select_n3A_2602 = arith.select %eq3A_2597, %broadcast_in_dim3A_2600, %broadcast_in_dim3A_2601 : vector<16xi1>, vector<16xi32>
    %add3A_2603 = arith.addi %add3A_2594, %select_n3A_2602 : vector<16xi32>
    %eq3A_2604 = arith.constant 16 : i32
    %eq3A_2605 = vector.broadcast %eq3A_2604 : i32 to vector<16xi32>
    %eq3A_2606 = arith.cmpi eq, %get3A_46, %eq3A_2605 : vector<16xi32>
    %jit3A_2607 = arith.constant 1 : i32
    %jit3A_2608 = arith.constant 0 : i32
    %broadcast_in_dim3A_2609 = vector.broadcast %jit3A_2607 : i32 to vector<16xi32>
    %broadcast_in_dim3A_2610 = vector.broadcast %jit3A_2608 : i32 to vector<16xi32>
    %select_n3A_2611 = arith.select %eq3A_2606, %broadcast_in_dim3A_2609, %broadcast_in_dim3A_2610 : vector<16xi1>, vector<16xi32>
    %add3A_2612 = arith.addi %add3A_2603, %select_n3A_2611 : vector<16xi32>
    %eq3A_2613 = arith.constant 16 : i32
    %eq3A_2614 = vector.broadcast %eq3A_2613 : i32 to vector<16xi32>
    %eq3A_2615 = arith.cmpi eq, %get3A_49, %eq3A_2614 : vector<16xi32>
    %jit3A_2616 = arith.constant 1 : i32
    %jit3A_2617 = arith.constant 0 : i32
    %broadcast_in_dim3A_2618 = vector.broadcast %jit3A_2616 : i32 to vector<16xi32>
    %broadcast_in_dim3A_2619 = vector.broadcast %jit3A_2617 : i32 to vector<16xi32>
    %select_n3A_2620 = arith.select %eq3A_2615, %broadcast_in_dim3A_2618, %broadcast_in_dim3A_2619 : vector<16xi1>, vector<16xi32>
    %add3A_2621 = arith.addi %add3A_2612, %select_n3A_2620 : vector<16xi32>
    %swap3A_2622 = arith.constant 16 : i32
    %swap3A_2623 = arith.index_cast %swap3A_2622 : i32 to index
    %swap3A_2624 = arith.constant 0 : index
    %swap3A_2625 = tpu.vector_load %arg5[%swap3A_2623, %swap3A_2624] {strides = array<i32>} : memref<32x16xi32, #tpu.memory_space<vmem>>, vector<1x16xi32>,
    %swap3A_2626 = vector.shape_cast %swap3A_2625 : vector<1x16xi32> to vector<16xi32>
    %swap3A_2627 = vector.shape_cast %add3A_2621 : vector<16xi32> to vector<1x16xi32>
    tpu.vector_store %arg5[%swap3A_2623, %swap3A_2624], %swap3A_2627 {strides = array<i32>} : memref<32x16xi32, #tpu.memory_space<vmem>>, vector<1x16xi32>,
    %broadcast_in_dim3A_2628 = arith.constant 0 : i32
    %broadcast_in_dim3A_2629 = vector.broadcast %broadcast_in_dim3A_2628 : i32 to vector<16xi32>
    %eq3A_2630 = arith.constant 17 : i32
    %eq3A_2631 = vector.broadcast %eq3A_2630 : i32 to vector<16xi32>
    %eq3A_2632 = arith.cmpi eq, %get3A_4, %eq3A_2631 : vector<16xi32>
    %jit3A_2633 = arith.constant 1 : i32
    %jit3A_2634 = arith.constant 0 : i32
    %broadcast_in_dim3A_2635 = vector.broadcast %jit3A_2633 : i32 to vector<16xi32>
    %broadcast_in_dim3A_2636 = vector.broadcast %jit3A_2634 : i32 to vector<16xi32>
    %select_n3A_2637 = arith.select %eq3A_2632, %broadcast_in_dim3A_2635, %broadcast_in_dim3A_2636 : vector<16xi1>, vector<16xi32>
    %add3A_2638 = arith.addi %broadcast_in_dim3A_2629, %select_n3A_2637 : vector<16xi32>
    %eq3A_2639 = arith.constant 17 : i32
    %eq3A_2640 = vector.broadcast %eq3A_2639 : i32 to vector<16xi32>
    %eq3A_2641 = arith.cmpi eq, %get3A_7, %eq3A_2640 : vector<16xi32>
    %jit3A_2642 = arith.constant 1 : i32
    %jit3A_2643 = arith.constant 0 : i32
    %broadcast_in_dim3A_2644 = vector.broadcast %jit3A_2642 : i32 to vector<16xi32>
    %broadcast_in_dim3A_2645 = vector.broadcast %jit3A_2643 : i32 to vector<16xi32>
    %select_n3A_2646 = arith.select %eq3A_2641, %broadcast_in_dim3A_2644, %broadcast_in_dim3A_2645 : vector<16xi1>, vector<16xi32>
    %add3A_2647 = arith.addi %add3A_2638, %select_n3A_2646 : vector<16xi32>
    %eq3A_2648 = arith.constant 17 : i32
    %eq3A_2649 = vector.broadcast %eq3A_2648 : i32 to vector<16xi32>
    %eq3A_2650 = arith.cmpi eq, %get3A_10, %eq3A_2649 : vector<16xi32>
    %jit3A_2651 = arith.constant 1 : i32
    %jit3A_2652 = arith.constant 0 : i32
    %broadcast_in_dim3A_2653 = vector.broadcast %jit3A_2651 : i32 to vector<16xi32>
    %broadcast_in_dim3A_2654 = vector.broadcast %jit3A_2652 : i32 to vector<16xi32>
    %select_n3A_2655 = arith.select %eq3A_2650, %broadcast_in_dim3A_2653, %broadcast_in_dim3A_2654 : vector<16xi1>, vector<16xi32>
    %add3A_2656 = arith.addi %add3A_2647, %select_n3A_2655 : vector<16xi32>
    %eq3A_2657 = arith.constant 17 : i32
    %eq3A_2658 = vector.broadcast %eq3A_2657 : i32 to vector<16xi32>
    %eq3A_2659 = arith.cmpi eq, %get3A_13, %eq3A_2658 : vector<16xi32>
    %jit3A_2660 = arith.constant 1 : i32
    %jit3A_2661 = arith.constant 0 : i32
    %broadcast_in_dim3A_2662 = vector.broadcast %jit3A_2660 : i32 to vector<16xi32>
    %broadcast_in_dim3A_2663 = vector.broadcast %jit3A_2661 : i32 to vector<16xi32>
    %select_n3A_2664 = arith.select %eq3A_2659, %broadcast_in_dim3A_2662, %broadcast_in_dim3A_2663 : vector<16xi1>, vector<16xi32>
    %add3A_2665 = arith.addi %add3A_2656, %select_n3A_2664 : vector<16xi32>
    %eq3A_2666 = arith.constant 17 : i32
    %eq3A_2667 = vector.broadcast %eq3A_2666 : i32 to vector<16xi32>
    %eq3A_2668 = arith.cmpi eq, %get3A_16, %eq3A_2667 : vector<16xi32>
    %jit3A_2669 = arith.constant 1 : i32
    %jit3A_2670 = arith.constant 0 : i32
    %broadcast_in_dim3A_2671 = vector.broadcast %jit3A_2669 : i32 to vector<16xi32>
    %broadcast_in_dim3A_2672 = vector.broadcast %jit3A_2670 : i32 to vector<16xi32>
    %select_n3A_2673 = arith.select %eq3A_2668, %broadcast_in_dim3A_2671, %broadcast_in_dim3A_2672 : vector<16xi1>, vector<16xi32>
    %add3A_2674 = arith.addi %add3A_2665, %select_n3A_2673 : vector<16xi32>
    %eq3A_2675 = arith.constant 17 : i32
    %eq3A_2676 = vector.broadcast %eq3A_2675 : i32 to vector<16xi32>
    %eq3A_2677 = arith.cmpi eq, %get3A_19, %eq3A_2676 : vector<16xi32>
    %jit3A_2678 = arith.constant 1 : i32
    %jit3A_2679 = arith.constant 0 : i32
    %broadcast_in_dim3A_2680 = vector.broadcast %jit3A_2678 : i32 to vector<16xi32>
    %broadcast_in_dim3A_2681 = vector.broadcast %jit3A_2679 : i32 to vector<16xi32>
    %select_n3A_2682 = arith.select %eq3A_2677, %broadcast_in_dim3A_2680, %broadcast_in_dim3A_2681 : vector<16xi1>, vector<16xi32>
    %add3A_2683 = arith.addi %add3A_2674, %select_n3A_2682 : vector<16xi32>
    %eq3A_2684 = arith.constant 17 : i32
    %eq3A_2685 = vector.broadcast %eq3A_2684 : i32 to vector<16xi32>
    %eq3A_2686 = arith.cmpi eq, %get3A_22, %eq3A_2685 : vector<16xi32>
    %jit3A_2687 = arith.constant 1 : i32
    %jit3A_2688 = arith.constant 0 : i32
    %broadcast_in_dim3A_2689 = vector.broadcast %jit3A_2687 : i32 to vector<16xi32>
    %broadcast_in_dim3A_2690 = vector.broadcast %jit3A_2688 : i32 to vector<16xi32>
    %select_n3A_2691 = arith.select %eq3A_2686, %broadcast_in_dim3A_2689, %broadcast_in_dim3A_2690 : vector<16xi1>, vector<16xi32>
    %add3A_2692 = arith.addi %add3A_2683, %select_n3A_2691 : vector<16xi32>
    %eq3A_2693 = arith.constant 17 : i32
    %eq3A_2694 = vector.broadcast %eq3A_2693 : i32 to vector<16xi32>
    %eq3A_2695 = arith.cmpi eq, %get3A_25, %eq3A_2694 : vector<16xi32>
    %jit3A_2696 = arith.constant 1 : i32
    %jit3A_2697 = arith.constant 0 : i32
    %broadcast_in_dim3A_2698 = vector.broadcast %jit3A_2696 : i32 to vector<16xi32>
    %broadcast_in_dim3A_2699 = vector.broadcast %jit3A_2697 : i32 to vector<16xi32>
    %select_n3A_2700 = arith.select %eq3A_2695, %broadcast_in_dim3A_2698, %broadcast_in_dim3A_2699 : vector<16xi1>, vector<16xi32>
    %add3A_2701 = arith.addi %add3A_2692, %select_n3A_2700 : vector<16xi32>
    %eq3A_2702 = arith.constant 17 : i32
    %eq3A_2703 = vector.broadcast %eq3A_2702 : i32 to vector<16xi32>
    %eq3A_2704 = arith.cmpi eq, %get3A_28, %eq3A_2703 : vector<16xi32>
    %jit3A_2705 = arith.constant 1 : i32
    %jit3A_2706 = arith.constant 0 : i32
    %broadcast_in_dim3A_2707 = vector.broadcast %jit3A_2705 : i32 to vector<16xi32>
    %broadcast_in_dim3A_2708 = vector.broadcast %jit3A_2706 : i32 to vector<16xi32>
    %select_n3A_2709 = arith.select %eq3A_2704, %broadcast_in_dim3A_2707, %broadcast_in_dim3A_2708 : vector<16xi1>, vector<16xi32>
    %add3A_2710 = arith.addi %add3A_2701, %select_n3A_2709 : vector<16xi32>
    %eq3A_2711 = arith.constant 17 : i32
    %eq3A_2712 = vector.broadcast %eq3A_2711 : i32 to vector<16xi32>
    %eq3A_2713 = arith.cmpi eq, %get3A_31, %eq3A_2712 : vector<16xi32>
    %jit3A_2714 = arith.constant 1 : i32
    %jit3A_2715 = arith.constant 0 : i32
    %broadcast_in_dim3A_2716 = vector.broadcast %jit3A_2714 : i32 to vector<16xi32>
    %broadcast_in_dim3A_2717 = vector.broadcast %jit3A_2715 : i32 to vector<16xi32>
    %select_n3A_2718 = arith.select %eq3A_2713, %broadcast_in_dim3A_2716, %broadcast_in_dim3A_2717 : vector<16xi1>, vector<16xi32>
    %add3A_2719 = arith.addi %add3A_2710, %select_n3A_2718 : vector<16xi32>
    %eq3A_2720 = arith.constant 17 : i32
    %eq3A_2721 = vector.broadcast %eq3A_2720 : i32 to vector<16xi32>
    %eq3A_2722 = arith.cmpi eq, %get3A_34, %eq3A_2721 : vector<16xi32>
    %jit3A_2723 = arith.constant 1 : i32
    %jit3A_2724 = arith.constant 0 : i32
    %broadcast_in_dim3A_2725 = vector.broadcast %jit3A_2723 : i32 to vector<16xi32>
    %broadcast_in_dim3A_2726 = vector.broadcast %jit3A_2724 : i32 to vector<16xi32>
    %select_n3A_2727 = arith.select %eq3A_2722, %broadcast_in_dim3A_2725, %broadcast_in_dim3A_2726 : vector<16xi1>, vector<16xi32>
    %add3A_2728 = arith.addi %add3A_2719, %select_n3A_2727 : vector<16xi32>
    %eq3A_2729 = arith.constant 17 : i32
    %eq3A_2730 = vector.broadcast %eq3A_2729 : i32 to vector<16xi32>
    %eq3A_2731 = arith.cmpi eq, %get3A_37, %eq3A_2730 : vector<16xi32>
    %jit3A_2732 = arith.constant 1 : i32
    %jit3A_2733 = arith.constant 0 : i32
    %broadcast_in_dim3A_2734 = vector.broadcast %jit3A_2732 : i32 to vector<16xi32>
    %broadcast_in_dim3A_2735 = vector.broadcast %jit3A_2733 : i32 to vector<16xi32>
    %select_n3A_2736 = arith.select %eq3A_2731, %broadcast_in_dim3A_2734, %broadcast_in_dim3A_2735 : vector<16xi1>, vector<16xi32>
    %add3A_2737 = arith.addi %add3A_2728, %select_n3A_2736 : vector<16xi32>
    %eq3A_2738 = arith.constant 17 : i32
    %eq3A_2739 = vector.broadcast %eq3A_2738 : i32 to vector<16xi32>
    %eq3A_2740 = arith.cmpi eq, %get3A_40, %eq3A_2739 : vector<16xi32>
    %jit3A_2741 = arith.constant 1 : i32
    %jit3A_2742 = arith.constant 0 : i32
    %broadcast_in_dim3A_2743 = vector.broadcast %jit3A_2741 : i32 to vector<16xi32>
    %broadcast_in_dim3A_2744 = vector.broadcast %jit3A_2742 : i32 to vector<16xi32>
    %select_n3A_2745 = arith.select %eq3A_2740, %broadcast_in_dim3A_2743, %broadcast_in_dim3A_2744 : vector<16xi1>, vector<16xi32>
    %add3A_2746 = arith.addi %add3A_2737, %select_n3A_2745 : vector<16xi32>
    %eq3A_2747 = arith.constant 17 : i32
    %eq3A_2748 = vector.broadcast %eq3A_2747 : i32 to vector<16xi32>
    %eq3A_2749 = arith.cmpi eq, %get3A_43, %eq3A_2748 : vector<16xi32>
    %jit3A_2750 = arith.constant 1 : i32
    %jit3A_2751 = arith.constant 0 : i32
    %broadcast_in_dim3A_2752 = vector.broadcast %jit3A_2750 : i32 to vector<16xi32>
    %broadcast_in_dim3A_2753 = vector.broadcast %jit3A_2751 : i32 to vector<16xi32>
    %select_n3A_2754 = arith.select %eq3A_2749, %broadcast_in_dim3A_2752, %broadcast_in_dim3A_2753 : vector<16xi1>, vector<16xi32>
    %add3A_2755 = arith.addi %add3A_2746, %select_n3A_2754 : vector<16xi32>
    %eq3A_2756 = arith.constant 17 : i32
    %eq3A_2757 = vector.broadcast %eq3A_2756 : i32 to vector<16xi32>
    %eq3A_2758 = arith.cmpi eq, %get3A_46, %eq3A_2757 : vector<16xi32>
    %jit3A_2759 = arith.constant 1 : i32
    %jit3A_2760 = arith.constant 0 : i32
    %broadcast_in_dim3A_2761 = vector.broadcast %jit3A_2759 : i32 to vector<16xi32>
    %broadcast_in_dim3A_2762 = vector.broadcast %jit3A_2760 : i32 to vector<16xi32>
    %select_n3A_2763 = arith.select %eq3A_2758, %broadcast_in_dim3A_2761, %broadcast_in_dim3A_2762 : vector<16xi1>, vector<16xi32>
    %add3A_2764 = arith.addi %add3A_2755, %select_n3A_2763 : vector<16xi32>
    %eq3A_2765 = arith.constant 17 : i32
    %eq3A_2766 = vector.broadcast %eq3A_2765 : i32 to vector<16xi32>
    %eq3A_2767 = arith.cmpi eq, %get3A_49, %eq3A_2766 : vector<16xi32>
    %jit3A_2768 = arith.constant 1 : i32
    %jit3A_2769 = arith.constant 0 : i32
    %broadcast_in_dim3A_2770 = vector.broadcast %jit3A_2768 : i32 to vector<16xi32>
    %broadcast_in_dim3A_2771 = vector.broadcast %jit3A_2769 : i32 to vector<16xi32>
    %select_n3A_2772 = arith.select %eq3A_2767, %broadcast_in_dim3A_2770, %broadcast_in_dim3A_2771 : vector<16xi1>, vector<16xi32>
    %add3A_2773 = arith.addi %add3A_2764, %select_n3A_2772 : vector<16xi32>
    %swap3A_2774 = arith.constant 17 : i32
    %swap3A_2775 = arith.index_cast %swap3A_2774 : i32 to index
    %swap3A_2776 = arith.constant 0 : index
    %swap3A_2777 = tpu.vector_load %arg5[%swap3A_2775, %swap3A_2776] {strides = array<i32>} : memref<32x16xi32, #tpu.memory_space<vmem>>, vector<1x16xi32>,
    %swap3A_2778 = vector.shape_cast %swap3A_2777 : vector<1x16xi32> to vector<16xi32>
    %swap3A_2779 = vector.shape_cast %add3A_2773 : vector<16xi32> to vector<1x16xi32>
    tpu.vector_store %arg5[%swap3A_2775, %swap3A_2776], %swap3A_2779 {strides = array<i32>} : memref<32x16xi32, #tpu.memory_space<vmem>>, vector<1x16xi32>,
    %broadcast_in_dim3A_2780 = arith.constant 0 : i32
    %broadcast_in_dim3A_2781 = vector.broadcast %broadcast_in_dim3A_2780 : i32 to vector<16xi32>
    %eq3A_2782 = arith.constant 18 : i32
    %eq3A_2783 = vector.broadcast %eq3A_2782 : i32 to vector<16xi32>
    %eq3A_2784 = arith.cmpi eq, %get3A_4, %eq3A_2783 : vector<16xi32>
    %jit3A_2785 = arith.constant 1 : i32
    %jit3A_2786 = arith.constant 0 : i32
    %broadcast_in_dim3A_2787 = vector.broadcast %jit3A_2785 : i32 to vector<16xi32>
    %broadcast_in_dim3A_2788 = vector.broadcast %jit3A_2786 : i32 to vector<16xi32>
    %select_n3A_2789 = arith.select %eq3A_2784, %broadcast_in_dim3A_2787, %broadcast_in_dim3A_2788 : vector<16xi1>, vector<16xi32>
    %add3A_2790 = arith.addi %broadcast_in_dim3A_2781, %select_n3A_2789 : vector<16xi32>
    %eq3A_2791 = arith.constant 18 : i32
    %eq3A_2792 = vector.broadcast %eq3A_2791 : i32 to vector<16xi32>
    %eq3A_2793 = arith.cmpi eq, %get3A_7, %eq3A_2792 : vector<16xi32>
    %jit3A_2794 = arith.constant 1 : i32
    %jit3A_2795 = arith.constant 0 : i32
    %broadcast_in_dim3A_2796 = vector.broadcast %jit3A_2794 : i32 to vector<16xi32>
    %broadcast_in_dim3A_2797 = vector.broadcast %jit3A_2795 : i32 to vector<16xi32>
    %select_n3A_2798 = arith.select %eq3A_2793, %broadcast_in_dim3A_2796, %broadcast_in_dim3A_2797 : vector<16xi1>, vector<16xi32>
    %add3A_2799 = arith.addi %add3A_2790, %select_n3A_2798 : vector<16xi32>
    %eq3A_2800 = arith.constant 18 : i32
    %eq3A_2801 = vector.broadcast %eq3A_2800 : i32 to vector<16xi32>
    %eq3A_2802 = arith.cmpi eq, %get3A_10, %eq3A_2801 : vector<16xi32>
    %jit3A_2803 = arith.constant 1 : i32
    %jit3A_2804 = arith.constant 0 : i32
    %broadcast_in_dim3A_2805 = vector.broadcast %jit3A_2803 : i32 to vector<16xi32>
    %broadcast_in_dim3A_2806 = vector.broadcast %jit3A_2804 : i32 to vector<16xi32>
    %select_n3A_2807 = arith.select %eq3A_2802, %broadcast_in_dim3A_2805, %broadcast_in_dim3A_2806 : vector<16xi1>, vector<16xi32>
    %add3A_2808 = arith.addi %add3A_2799, %select_n3A_2807 : vector<16xi32>
    %eq3A_2809 = arith.constant 18 : i32
    %eq3A_2810 = vector.broadcast %eq3A_2809 : i32 to vector<16xi32>
    %eq3A_2811 = arith.cmpi eq, %get3A_13, %eq3A_2810 : vector<16xi32>
    %jit3A_2812 = arith.constant 1 : i32
    %jit3A_2813 = arith.constant 0 : i32
    %broadcast_in_dim3A_2814 = vector.broadcast %jit3A_2812 : i32 to vector<16xi32>
    %broadcast_in_dim3A_2815 = vector.broadcast %jit3A_2813 : i32 to vector<16xi32>
    %select_n3A_2816 = arith.select %eq3A_2811, %broadcast_in_dim3A_2814, %broadcast_in_dim3A_2815 : vector<16xi1>, vector<16xi32>
    %add3A_2817 = arith.addi %add3A_2808, %select_n3A_2816 : vector<16xi32>
    %eq3A_2818 = arith.constant 18 : i32
    %eq3A_2819 = vector.broadcast %eq3A_2818 : i32 to vector<16xi32>
    %eq3A_2820 = arith.cmpi eq, %get3A_16, %eq3A_2819 : vector<16xi32>
    %jit3A_2821 = arith.constant 1 : i32
    %jit3A_2822 = arith.constant 0 : i32
    %broadcast_in_dim3A_2823 = vector.broadcast %jit3A_2821 : i32 to vector<16xi32>
    %broadcast_in_dim3A_2824 = vector.broadcast %jit3A_2822 : i32 to vector<16xi32>
    %select_n3A_2825 = arith.select %eq3A_2820, %broadcast_in_dim3A_2823, %broadcast_in_dim3A_2824 : vector<16xi1>, vector<16xi32>
    %add3A_2826 = arith.addi %add3A_2817, %select_n3A_2825 : vector<16xi32>
    %eq3A_2827 = arith.constant 18 : i32
    %eq3A_2828 = vector.broadcast %eq3A_2827 : i32 to vector<16xi32>
    %eq3A_2829 = arith.cmpi eq, %get3A_19, %eq3A_2828 : vector<16xi32>
    %jit3A_2830 = arith.constant 1 : i32
    %jit3A_2831 = arith.constant 0 : i32
    %broadcast_in_dim3A_2832 = vector.broadcast %jit3A_2830 : i32 to vector<16xi32>
    %broadcast_in_dim3A_2833 = vector.broadcast %jit3A_2831 : i32 to vector<16xi32>
    %select_n3A_2834 = arith.select %eq3A_2829, %broadcast_in_dim3A_2832, %broadcast_in_dim3A_2833 : vector<16xi1>, vector<16xi32>
    %add3A_2835 = arith.addi %add3A_2826, %select_n3A_2834 : vector<16xi32>
    %eq3A_2836 = arith.constant 18 : i32
    %eq3A_2837 = vector.broadcast %eq3A_2836 : i32 to vector<16xi32>
    %eq3A_2838 = arith.cmpi eq, %get3A_22, %eq3A_2837 : vector<16xi32>
    %jit3A_2839 = arith.constant 1 : i32
    %jit3A_2840 = arith.constant 0 : i32
    %broadcast_in_dim3A_2841 = vector.broadcast %jit3A_2839 : i32 to vector<16xi32>
    %broadcast_in_dim3A_2842 = vector.broadcast %jit3A_2840 : i32 to vector<16xi32>
    %select_n3A_2843 = arith.select %eq3A_2838, %broadcast_in_dim3A_2841, %broadcast_in_dim3A_2842 : vector<16xi1>, vector<16xi32>
    %add3A_2844 = arith.addi %add3A_2835, %select_n3A_2843 : vector<16xi32>
    %eq3A_2845 = arith.constant 18 : i32
    %eq3A_2846 = vector.broadcast %eq3A_2845 : i32 to vector<16xi32>
    %eq3A_2847 = arith.cmpi eq, %get3A_25, %eq3A_2846 : vector<16xi32>
    %jit3A_2848 = arith.constant 1 : i32
    %jit3A_2849 = arith.constant 0 : i32
    %broadcast_in_dim3A_2850 = vector.broadcast %jit3A_2848 : i32 to vector<16xi32>
    %broadcast_in_dim3A_2851 = vector.broadcast %jit3A_2849 : i32 to vector<16xi32>
    %select_n3A_2852 = arith.select %eq3A_2847, %broadcast_in_dim3A_2850, %broadcast_in_dim3A_2851 : vector<16xi1>, vector<16xi32>
    %add3A_2853 = arith.addi %add3A_2844, %select_n3A_2852 : vector<16xi32>
    %eq3A_2854 = arith.constant 18 : i32
    %eq3A_2855 = vector.broadcast %eq3A_2854 : i32 to vector<16xi32>
    %eq3A_2856 = arith.cmpi eq, %get3A_28, %eq3A_2855 : vector<16xi32>
    %jit3A_2857 = arith.constant 1 : i32
    %jit3A_2858 = arith.constant 0 : i32
    %broadcast_in_dim3A_2859 = vector.broadcast %jit3A_2857 : i32 to vector<16xi32>
    %broadcast_in_dim3A_2860 = vector.broadcast %jit3A_2858 : i32 to vector<16xi32>
    %select_n3A_2861 = arith.select %eq3A_2856, %broadcast_in_dim3A_2859, %broadcast_in_dim3A_2860 : vector<16xi1>, vector<16xi32>
    %add3A_2862 = arith.addi %add3A_2853, %select_n3A_2861 : vector<16xi32>
    %eq3A_2863 = arith.constant 18 : i32
    %eq3A_2864 = vector.broadcast %eq3A_2863 : i32 to vector<16xi32>
    %eq3A_2865 = arith.cmpi eq, %get3A_31, %eq3A_2864 : vector<16xi32>
    %jit3A_2866 = arith.constant 1 : i32
    %jit3A_2867 = arith.constant 0 : i32
    %broadcast_in_dim3A_2868 = vector.broadcast %jit3A_2866 : i32 to vector<16xi32>
    %broadcast_in_dim3A_2869 = vector.broadcast %jit3A_2867 : i32 to vector<16xi32>
    %select_n3A_2870 = arith.select %eq3A_2865, %broadcast_in_dim3A_2868, %broadcast_in_dim3A_2869 : vector<16xi1>, vector<16xi32>
    %add3A_2871 = arith.addi %add3A_2862, %select_n3A_2870 : vector<16xi32>
    %eq3A_2872 = arith.constant 18 : i32
    %eq3A_2873 = vector.broadcast %eq3A_2872 : i32 to vector<16xi32>
    %eq3A_2874 = arith.cmpi eq, %get3A_34, %eq3A_2873 : vector<16xi32>
    %jit3A_2875 = arith.constant 1 : i32
    %jit3A_2876 = arith.constant 0 : i32
    %broadcast_in_dim3A_2877 = vector.broadcast %jit3A_2875 : i32 to vector<16xi32>
    %broadcast_in_dim3A_2878 = vector.broadcast %jit3A_2876 : i32 to vector<16xi32>
    %select_n3A_2879 = arith.select %eq3A_2874, %broadcast_in_dim3A_2877, %broadcast_in_dim3A_2878 : vector<16xi1>, vector<16xi32>
    %add3A_2880 = arith.addi %add3A_2871, %select_n3A_2879 : vector<16xi32>
    %eq3A_2881 = arith.constant 18 : i32
    %eq3A_2882 = vector.broadcast %eq3A_2881 : i32 to vector<16xi32>
    %eq3A_2883 = arith.cmpi eq, %get3A_37, %eq3A_2882 : vector<16xi32>
    %jit3A_2884 = arith.constant 1 : i32
    %jit3A_2885 = arith.constant 0 : i32
    %broadcast_in_dim3A_2886 = vector.broadcast %jit3A_2884 : i32 to vector<16xi32>
    %broadcast_in_dim3A_2887 = vector.broadcast %jit3A_2885 : i32 to vector<16xi32>
    %select_n3A_2888 = arith.select %eq3A_2883, %broadcast_in_dim3A_2886, %broadcast_in_dim3A_2887 : vector<16xi1>, vector<16xi32>
    %add3A_2889 = arith.addi %add3A_2880, %select_n3A_2888 : vector<16xi32>
    %eq3A_2890 = arith.constant 18 : i32
    %eq3A_2891 = vector.broadcast %eq3A_2890 : i32 to vector<16xi32>
    %eq3A_2892 = arith.cmpi eq, %get3A_40, %eq3A_2891 : vector<16xi32>
    %jit3A_2893 = arith.constant 1 : i32
    %jit3A_2894 = arith.constant 0 : i32
    %broadcast_in_dim3A_2895 = vector.broadcast %jit3A_2893 : i32 to vector<16xi32>
    %broadcast_in_dim3A_2896 = vector.broadcast %jit3A_2894 : i32 to vector<16xi32>
    %select_n3A_2897 = arith.select %eq3A_2892, %broadcast_in_dim3A_2895, %broadcast_in_dim3A_2896 : vector<16xi1>, vector<16xi32>
    %add3A_2898 = arith.addi %add3A_2889, %select_n3A_2897 : vector<16xi32>
    %eq3A_2899 = arith.constant 18 : i32
    %eq3A_2900 = vector.broadcast %eq3A_2899 : i32 to vector<16xi32>
    %eq3A_2901 = arith.cmpi eq, %get3A_43, %eq3A_2900 : vector<16xi32>
    %jit3A_2902 = arith.constant 1 : i32
    %jit3A_2903 = arith.constant 0 : i32
    %broadcast_in_dim3A_2904 = vector.broadcast %jit3A_2902 : i32 to vector<16xi32>
    %broadcast_in_dim3A_2905 = vector.broadcast %jit3A_2903 : i32 to vector<16xi32>
    %select_n3A_2906 = arith.select %eq3A_2901, %broadcast_in_dim3A_2904, %broadcast_in_dim3A_2905 : vector<16xi1>, vector<16xi32>
    %add3A_2907 = arith.addi %add3A_2898, %select_n3A_2906 : vector<16xi32>
    %eq3A_2908 = arith.constant 18 : i32
    %eq3A_2909 = vector.broadcast %eq3A_2908 : i32 to vector<16xi32>
    %eq3A_2910 = arith.cmpi eq, %get3A_46, %eq3A_2909 : vector<16xi32>
    %jit3A_2911 = arith.constant 1 : i32
    %jit3A_2912 = arith.constant 0 : i32
    %broadcast_in_dim3A_2913 = vector.broadcast %jit3A_2911 : i32 to vector<16xi32>
    %broadcast_in_dim3A_2914 = vector.broadcast %jit3A_2912 : i32 to vector<16xi32>
    %select_n3A_2915 = arith.select %eq3A_2910, %broadcast_in_dim3A_2913, %broadcast_in_dim3A_2914 : vector<16xi1>, vector<16xi32>
    %add3A_2916 = arith.addi %add3A_2907, %select_n3A_2915 : vector<16xi32>
    %eq3A_2917 = arith.constant 18 : i32
    %eq3A_2918 = vector.broadcast %eq3A_2917 : i32 to vector<16xi32>
    %eq3A_2919 = arith.cmpi eq, %get3A_49, %eq3A_2918 : vector<16xi32>
    %jit3A_2920 = arith.constant 1 : i32
    %jit3A_2921 = arith.constant 0 : i32
    %broadcast_in_dim3A_2922 = vector.broadcast %jit3A_2920 : i32 to vector<16xi32>
    %broadcast_in_dim3A_2923 = vector.broadcast %jit3A_2921 : i32 to vector<16xi32>
    %select_n3A_2924 = arith.select %eq3A_2919, %broadcast_in_dim3A_2922, %broadcast_in_dim3A_2923 : vector<16xi1>, vector<16xi32>
    %add3A_2925 = arith.addi %add3A_2916, %select_n3A_2924 : vector<16xi32>
    %swap3A_2926 = arith.constant 18 : i32
    %swap3A_2927 = arith.index_cast %swap3A_2926 : i32 to index
    %swap3A_2928 = arith.constant 0 : index
    %swap3A_2929 = tpu.vector_load %arg5[%swap3A_2927, %swap3A_2928] {strides = array<i32>} : memref<32x16xi32, #tpu.memory_space<vmem>>, vector<1x16xi32>,
    %swap3A_2930 = vector.shape_cast %swap3A_2929 : vector<1x16xi32> to vector<16xi32>
    %swap3A_2931 = vector.shape_cast %add3A_2925 : vector<16xi32> to vector<1x16xi32>
    tpu.vector_store %arg5[%swap3A_2927, %swap3A_2928], %swap3A_2931 {strides = array<i32>} : memref<32x16xi32, #tpu.memory_space<vmem>>, vector<1x16xi32>,
    %broadcast_in_dim3A_2932 = arith.constant 0 : i32
    %broadcast_in_dim3A_2933 = vector.broadcast %broadcast_in_dim3A_2932 : i32 to vector<16xi32>
    %eq3A_2934 = arith.constant 19 : i32
    %eq3A_2935 = vector.broadcast %eq3A_2934 : i32 to vector<16xi32>
    %eq3A_2936 = arith.cmpi eq, %get3A_4, %eq3A_2935 : vector<16xi32>
    %jit3A_2937 = arith.constant 1 : i32
    %jit3A_2938 = arith.constant 0 : i32
    %broadcast_in_dim3A_2939 = vector.broadcast %jit3A_2937 : i32 to vector<16xi32>
    %broadcast_in_dim3A_2940 = vector.broadcast %jit3A_2938 : i32 to vector<16xi32>
    %select_n3A_2941 = arith.select %eq3A_2936, %broadcast_in_dim3A_2939, %broadcast_in_dim3A_2940 : vector<16xi1>, vector<16xi32>
    %add3A_2942 = arith.addi %broadcast_in_dim3A_2933, %select_n3A_2941 : vector<16xi32>
    %eq3A_2943 = arith.constant 19 : i32
    %eq3A_2944 = vector.broadcast %eq3A_2943 : i32 to vector<16xi32>
    %eq3A_2945 = arith.cmpi eq, %get3A_7, %eq3A_2944 : vector<16xi32>
    %jit3A_2946 = arith.constant 1 : i32
    %jit3A_2947 = arith.constant 0 : i32
    %broadcast_in_dim3A_2948 = vector.broadcast %jit3A_2946 : i32 to vector<16xi32>
    %broadcast_in_dim3A_2949 = vector.broadcast %jit3A_2947 : i32 to vector<16xi32>
    %select_n3A_2950 = arith.select %eq3A_2945, %broadcast_in_dim3A_2948, %broadcast_in_dim3A_2949 : vector<16xi1>, vector<16xi32>
    %add3A_2951 = arith.addi %add3A_2942, %select_n3A_2950 : vector<16xi32>
    %eq3A_2952 = arith.constant 19 : i32
    %eq3A_2953 = vector.broadcast %eq3A_2952 : i32 to vector<16xi32>
    %eq3A_2954 = arith.cmpi eq, %get3A_10, %eq3A_2953 : vector<16xi32>
    %jit3A_2955 = arith.constant 1 : i32
    %jit3A_2956 = arith.constant 0 : i32
    %broadcast_in_dim3A_2957 = vector.broadcast %jit3A_2955 : i32 to vector<16xi32>
    %broadcast_in_dim3A_2958 = vector.broadcast %jit3A_2956 : i32 to vector<16xi32>
    %select_n3A_2959 = arith.select %eq3A_2954, %broadcast_in_dim3A_2957, %broadcast_in_dim3A_2958 : vector<16xi1>, vector<16xi32>
    %add3A_2960 = arith.addi %add3A_2951, %select_n3A_2959 : vector<16xi32>
    %eq3A_2961 = arith.constant 19 : i32
    %eq3A_2962 = vector.broadcast %eq3A_2961 : i32 to vector<16xi32>
    %eq3A_2963 = arith.cmpi eq, %get3A_13, %eq3A_2962 : vector<16xi32>
    %jit3A_2964 = arith.constant 1 : i32
    %jit3A_2965 = arith.constant 0 : i32
    %broadcast_in_dim3A_2966 = vector.broadcast %jit3A_2964 : i32 to vector<16xi32>
    %broadcast_in_dim3A_2967 = vector.broadcast %jit3A_2965 : i32 to vector<16xi32>
    %select_n3A_2968 = arith.select %eq3A_2963, %broadcast_in_dim3A_2966, %broadcast_in_dim3A_2967 : vector<16xi1>, vector<16xi32>
    %add3A_2969 = arith.addi %add3A_2960, %select_n3A_2968 : vector<16xi32>
    %eq3A_2970 = arith.constant 19 : i32
    %eq3A_2971 = vector.broadcast %eq3A_2970 : i32 to vector<16xi32>
    %eq3A_2972 = arith.cmpi eq, %get3A_16, %eq3A_2971 : vector<16xi32>
    %jit3A_2973 = arith.constant 1 : i32
    %jit3A_2974 = arith.constant 0 : i32
    %broadcast_in_dim3A_2975 = vector.broadcast %jit3A_2973 : i32 to vector<16xi32>
    %broadcast_in_dim3A_2976 = vector.broadcast %jit3A_2974 : i32 to vector<16xi32>
    %select_n3A_2977 = arith.select %eq3A_2972, %broadcast_in_dim3A_2975, %broadcast_in_dim3A_2976 : vector<16xi1>, vector<16xi32>
    %add3A_2978 = arith.addi %add3A_2969, %select_n3A_2977 : vector<16xi32>
    %eq3A_2979 = arith.constant 19 : i32
    %eq3A_2980 = vector.broadcast %eq3A_2979 : i32 to vector<16xi32>
    %eq3A_2981 = arith.cmpi eq, %get3A_19, %eq3A_2980 : vector<16xi32>
    %jit3A_2982 = arith.constant 1 : i32
    %jit3A_2983 = arith.constant 0 : i32
    %broadcast_in_dim3A_2984 = vector.broadcast %jit3A_2982 : i32 to vector<16xi32>
    %broadcast_in_dim3A_2985 = vector.broadcast %jit3A_2983 : i32 to vector<16xi32>
    %select_n3A_2986 = arith.select %eq3A_2981, %broadcast_in_dim3A_2984, %broadcast_in_dim3A_2985 : vector<16xi1>, vector<16xi32>
    %add3A_2987 = arith.addi %add3A_2978, %select_n3A_2986 : vector<16xi32>
    %eq3A_2988 = arith.constant 19 : i32
    %eq3A_2989 = vector.broadcast %eq3A_2988 : i32 to vector<16xi32>
    %eq3A_2990 = arith.cmpi eq, %get3A_22, %eq3A_2989 : vector<16xi32>
    %jit3A_2991 = arith.constant 1 : i32
    %jit3A_2992 = arith.constant 0 : i32
    %broadcast_in_dim3A_2993 = vector.broadcast %jit3A_2991 : i32 to vector<16xi32>
    %broadcast_in_dim3A_2994 = vector.broadcast %jit3A_2992 : i32 to vector<16xi32>
    %select_n3A_2995 = arith.select %eq3A_2990, %broadcast_in_dim3A_2993, %broadcast_in_dim3A_2994 : vector<16xi1>, vector<16xi32>
    %add3A_2996 = arith.addi %add3A_2987, %select_n3A_2995 : vector<16xi32>
    %eq3A_2997 = arith.constant 19 : i32
    %eq3A_2998 = vector.broadcast %eq3A_2997 : i32 to vector<16xi32>
    %eq3A_2999 = arith.cmpi eq, %get3A_25, %eq3A_2998 : vector<16xi32>
    %jit3A_3000 = arith.constant 1 : i32
    %jit3A_3001 = arith.constant 0 : i32
    %broadcast_in_dim3A_3002 = vector.broadcast %jit3A_3000 : i32 to vector<16xi32>
    %broadcast_in_dim3A_3003 = vector.broadcast %jit3A_3001 : i32 to vector<16xi32>
    %select_n3A_3004 = arith.select %eq3A_2999, %broadcast_in_dim3A_3002, %broadcast_in_dim3A_3003 : vector<16xi1>, vector<16xi32>
    %add3A_3005 = arith.addi %add3A_2996, %select_n3A_3004 : vector<16xi32>
    %eq3A_3006 = arith.constant 19 : i32
    %eq3A_3007 = vector.broadcast %eq3A_3006 : i32 to vector<16xi32>
    %eq3A_3008 = arith.cmpi eq, %get3A_28, %eq3A_3007 : vector<16xi32>
    %jit3A_3009 = arith.constant 1 : i32
    %jit3A_3010 = arith.constant 0 : i32
    %broadcast_in_dim3A_3011 = vector.broadcast %jit3A_3009 : i32 to vector<16xi32>
    %broadcast_in_dim3A_3012 = vector.broadcast %jit3A_3010 : i32 to vector<16xi32>
    %select_n3A_3013 = arith.select %eq3A_3008, %broadcast_in_dim3A_3011, %broadcast_in_dim3A_3012 : vector<16xi1>, vector<16xi32>
    %add3A_3014 = arith.addi %add3A_3005, %select_n3A_3013 : vector<16xi32>
    %eq3A_3015 = arith.constant 19 : i32
    %eq3A_3016 = vector.broadcast %eq3A_3015 : i32 to vector<16xi32>
    %eq3A_3017 = arith.cmpi eq, %get3A_31, %eq3A_3016 : vector<16xi32>
    %jit3A_3018 = arith.constant 1 : i32
    %jit3A_3019 = arith.constant 0 : i32
    %broadcast_in_dim3A_3020 = vector.broadcast %jit3A_3018 : i32 to vector<16xi32>
    %broadcast_in_dim3A_3021 = vector.broadcast %jit3A_3019 : i32 to vector<16xi32>
    %select_n3A_3022 = arith.select %eq3A_3017, %broadcast_in_dim3A_3020, %broadcast_in_dim3A_3021 : vector<16xi1>, vector<16xi32>
    %add3A_3023 = arith.addi %add3A_3014, %select_n3A_3022 : vector<16xi32>
    %eq3A_3024 = arith.constant 19 : i32
    %eq3A_3025 = vector.broadcast %eq3A_3024 : i32 to vector<16xi32>
    %eq3A_3026 = arith.cmpi eq, %get3A_34, %eq3A_3025 : vector<16xi32>
    %jit3A_3027 = arith.constant 1 : i32
    %jit3A_3028 = arith.constant 0 : i32
    %broadcast_in_dim3A_3029 = vector.broadcast %jit3A_3027 : i32 to vector<16xi32>
    %broadcast_in_dim3A_3030 = vector.broadcast %jit3A_3028 : i32 to vector<16xi32>
    %select_n3A_3031 = arith.select %eq3A_3026, %broadcast_in_dim3A_3029, %broadcast_in_dim3A_3030 : vector<16xi1>, vector<16xi32>
    %add3A_3032 = arith.addi %add3A_3023, %select_n3A_3031 : vector<16xi32>
    %eq3A_3033 = arith.constant 19 : i32
    %eq3A_3034 = vector.broadcast %eq3A_3033 : i32 to vector<16xi32>
    %eq3A_3035 = arith.cmpi eq, %get3A_37, %eq3A_3034 : vector<16xi32>
    %jit3A_3036 = arith.constant 1 : i32
    %jit3A_3037 = arith.constant 0 : i32
    %broadcast_in_dim3A_3038 = vector.broadcast %jit3A_3036 : i32 to vector<16xi32>
    %broadcast_in_dim3A_3039 = vector.broadcast %jit3A_3037 : i32 to vector<16xi32>
    %select_n3A_3040 = arith.select %eq3A_3035, %broadcast_in_dim3A_3038, %broadcast_in_dim3A_3039 : vector<16xi1>, vector<16xi32>
    %add3A_3041 = arith.addi %add3A_3032, %select_n3A_3040 : vector<16xi32>
    %eq3A_3042 = arith.constant 19 : i32
    %eq3A_3043 = vector.broadcast %eq3A_3042 : i32 to vector<16xi32>
    %eq3A_3044 = arith.cmpi eq, %get3A_40, %eq3A_3043 : vector<16xi32>
    %jit3A_3045 = arith.constant 1 : i32
    %jit3A_3046 = arith.constant 0 : i32
    %broadcast_in_dim3A_3047 = vector.broadcast %jit3A_3045 : i32 to vector<16xi32>
    %broadcast_in_dim3A_3048 = vector.broadcast %jit3A_3046 : i32 to vector<16xi32>
    %select_n3A_3049 = arith.select %eq3A_3044, %broadcast_in_dim3A_3047, %broadcast_in_dim3A_3048 : vector<16xi1>, vector<16xi32>
    %add3A_3050 = arith.addi %add3A_3041, %select_n3A_3049 : vector<16xi32>
    %eq3A_3051 = arith.constant 19 : i32
    %eq3A_3052 = vector.broadcast %eq3A_3051 : i32 to vector<16xi32>
    %eq3A_3053 = arith.cmpi eq, %get3A_43, %eq3A_3052 : vector<16xi32>
    %jit3A_3054 = arith.constant 1 : i32
    %jit3A_3055 = arith.constant 0 : i32
    %broadcast_in_dim3A_3056 = vector.broadcast %jit3A_3054 : i32 to vector<16xi32>
    %broadcast_in_dim3A_3057 = vector.broadcast %jit3A_3055 : i32 to vector<16xi32>
    %select_n3A_3058 = arith.select %eq3A_3053, %broadcast_in_dim3A_3056, %broadcast_in_dim3A_3057 : vector<16xi1>, vector<16xi32>
    %add3A_3059 = arith.addi %add3A_3050, %select_n3A_3058 : vector<16xi32>
    %eq3A_3060 = arith.constant 19 : i32
    %eq3A_3061 = vector.broadcast %eq3A_3060 : i32 to vector<16xi32>
    %eq3A_3062 = arith.cmpi eq, %get3A_46, %eq3A_3061 : vector<16xi32>
    %jit3A_3063 = arith.constant 1 : i32
    %jit3A_3064 = arith.constant 0 : i32
    %broadcast_in_dim3A_3065 = vector.broadcast %jit3A_3063 : i32 to vector<16xi32>
    %broadcast_in_dim3A_3066 = vector.broadcast %jit3A_3064 : i32 to vector<16xi32>
    %select_n3A_3067 = arith.select %eq3A_3062, %broadcast_in_dim3A_3065, %broadcast_in_dim3A_3066 : vector<16xi1>, vector<16xi32>
    %add3A_3068 = arith.addi %add3A_3059, %select_n3A_3067 : vector<16xi32>
    %eq3A_3069 = arith.constant 19 : i32
    %eq3A_3070 = vector.broadcast %eq3A_3069 : i32 to vector<16xi32>
    %eq3A_3071 = arith.cmpi eq, %get3A_49, %eq3A_3070 : vector<16xi32>
    %jit3A_3072 = arith.constant 1 : i32
    %jit3A_3073 = arith.constant 0 : i32
    %broadcast_in_dim3A_3074 = vector.broadcast %jit3A_3072 : i32 to vector<16xi32>
    %broadcast_in_dim3A_3075 = vector.broadcast %jit3A_3073 : i32 to vector<16xi32>
    %select_n3A_3076 = arith.select %eq3A_3071, %broadcast_in_dim3A_3074, %broadcast_in_dim3A_3075 : vector<16xi1>, vector<16xi32>
    %add3A_3077 = arith.addi %add3A_3068, %select_n3A_3076 : vector<16xi32>
    %swap3A_3078 = arith.constant 19 : i32
    %swap3A_3079 = arith.index_cast %swap3A_3078 : i32 to index
    %swap3A_3080 = arith.constant 0 : index
    %swap3A_3081 = tpu.vector_load %arg5[%swap3A_3079, %swap3A_3080] {strides = array<i32>} : memref<32x16xi32, #tpu.memory_space<vmem>>, vector<1x16xi32>,
    %swap3A_3082 = vector.shape_cast %swap3A_3081 : vector<1x16xi32> to vector<16xi32>
    %swap3A_3083 = vector.shape_cast %add3A_3077 : vector<16xi32> to vector<1x16xi32>
    tpu.vector_store %arg5[%swap3A_3079, %swap3A_3080], %swap3A_3083 {strides = array<i32>} : memref<32x16xi32, #tpu.memory_space<vmem>>, vector<1x16xi32>,
    %broadcast_in_dim3A_3084 = arith.constant 0 : i32
    %broadcast_in_dim3A_3085 = vector.broadcast %broadcast_in_dim3A_3084 : i32 to vector<16xi32>
    %eq3A_3086 = arith.constant 20 : i32
    %eq3A_3087 = vector.broadcast %eq3A_3086 : i32 to vector<16xi32>
    %eq3A_3088 = arith.cmpi eq, %get3A_4, %eq3A_3087 : vector<16xi32>
    %jit3A_3089 = arith.constant 1 : i32
    %jit3A_3090 = arith.constant 0 : i32
    %broadcast_in_dim3A_3091 = vector.broadcast %jit3A_3089 : i32 to vector<16xi32>
    %broadcast_in_dim3A_3092 = vector.broadcast %jit3A_3090 : i32 to vector<16xi32>
    %select_n3A_3093 = arith.select %eq3A_3088, %broadcast_in_dim3A_3091, %broadcast_in_dim3A_3092 : vector<16xi1>, vector<16xi32>
    %add3A_3094 = arith.addi %broadcast_in_dim3A_3085, %select_n3A_3093 : vector<16xi32>
    %eq3A_3095 = arith.constant 20 : i32
    %eq3A_3096 = vector.broadcast %eq3A_3095 : i32 to vector<16xi32>
    %eq3A_3097 = arith.cmpi eq, %get3A_7, %eq3A_3096 : vector<16xi32>
    %jit3A_3098 = arith.constant 1 : i32
    %jit3A_3099 = arith.constant 0 : i32
    %broadcast_in_dim3A_3100 = vector.broadcast %jit3A_3098 : i32 to vector<16xi32>
    %broadcast_in_dim3A_3101 = vector.broadcast %jit3A_3099 : i32 to vector<16xi32>
    %select_n3A_3102 = arith.select %eq3A_3097, %broadcast_in_dim3A_3100, %broadcast_in_dim3A_3101 : vector<16xi1>, vector<16xi32>
    %add3A_3103 = arith.addi %add3A_3094, %select_n3A_3102 : vector<16xi32>
    %eq3A_3104 = arith.constant 20 : i32
    %eq3A_3105 = vector.broadcast %eq3A_3104 : i32 to vector<16xi32>
    %eq3A_3106 = arith.cmpi eq, %get3A_10, %eq3A_3105 : vector<16xi32>
    %jit3A_3107 = arith.constant 1 : i32
    %jit3A_3108 = arith.constant 0 : i32
    %broadcast_in_dim3A_3109 = vector.broadcast %jit3A_3107 : i32 to vector<16xi32>
    %broadcast_in_dim3A_3110 = vector.broadcast %jit3A_3108 : i32 to vector<16xi32>
    %select_n3A_3111 = arith.select %eq3A_3106, %broadcast_in_dim3A_3109, %broadcast_in_dim3A_3110 : vector<16xi1>, vector<16xi32>
    %add3A_3112 = arith.addi %add3A_3103, %select_n3A_3111 : vector<16xi32>
    %eq3A_3113 = arith.constant 20 : i32
    %eq3A_3114 = vector.broadcast %eq3A_3113 : i32 to vector<16xi32>
    %eq3A_3115 = arith.cmpi eq, %get3A_13, %eq3A_3114 : vector<16xi32>
    %jit3A_3116 = arith.constant 1 : i32
    %jit3A_3117 = arith.constant 0 : i32
    %broadcast_in_dim3A_3118 = vector.broadcast %jit3A_3116 : i32 to vector<16xi32>
    %broadcast_in_dim3A_3119 = vector.broadcast %jit3A_3117 : i32 to vector<16xi32>
    %select_n3A_3120 = arith.select %eq3A_3115, %broadcast_in_dim3A_3118, %broadcast_in_dim3A_3119 : vector<16xi1>, vector<16xi32>
    %add3A_3121 = arith.addi %add3A_3112, %select_n3A_3120 : vector<16xi32>
    %eq3A_3122 = arith.constant 20 : i32
    %eq3A_3123 = vector.broadcast %eq3A_3122 : i32 to vector<16xi32>
    %eq3A_3124 = arith.cmpi eq, %get3A_16, %eq3A_3123 : vector<16xi32>
    %jit3A_3125 = arith.constant 1 : i32
    %jit3A_3126 = arith.constant 0 : i32
    %broadcast_in_dim3A_3127 = vector.broadcast %jit3A_3125 : i32 to vector<16xi32>
    %broadcast_in_dim3A_3128 = vector.broadcast %jit3A_3126 : i32 to vector<16xi32>
    %select_n3A_3129 = arith.select %eq3A_3124, %broadcast_in_dim3A_3127, %broadcast_in_dim3A_3128 : vector<16xi1>, vector<16xi32>
    %add3A_3130 = arith.addi %add3A_3121, %select_n3A_3129 : vector<16xi32>
    %eq3A_3131 = arith.constant 20 : i32
    %eq3A_3132 = vector.broadcast %eq3A_3131 : i32 to vector<16xi32>
    %eq3A_3133 = arith.cmpi eq, %get3A_19, %eq3A_3132 : vector<16xi32>
    %jit3A_3134 = arith.constant 1 : i32
    %jit3A_3135 = arith.constant 0 : i32
    %broadcast_in_dim3A_3136 = vector.broadcast %jit3A_3134 : i32 to vector<16xi32>
    %broadcast_in_dim3A_3137 = vector.broadcast %jit3A_3135 : i32 to vector<16xi32>
    %select_n3A_3138 = arith.select %eq3A_3133, %broadcast_in_dim3A_3136, %broadcast_in_dim3A_3137 : vector<16xi1>, vector<16xi32>
    %add3A_3139 = arith.addi %add3A_3130, %select_n3A_3138 : vector<16xi32>
    %eq3A_3140 = arith.constant 20 : i32
    %eq3A_3141 = vector.broadcast %eq3A_3140 : i32 to vector<16xi32>
    %eq3A_3142 = arith.cmpi eq, %get3A_22, %eq3A_3141 : vector<16xi32>
    %jit3A_3143 = arith.constant 1 : i32
    %jit3A_3144 = arith.constant 0 : i32
    %broadcast_in_dim3A_3145 = vector.broadcast %jit3A_3143 : i32 to vector<16xi32>
    %broadcast_in_dim3A_3146 = vector.broadcast %jit3A_3144 : i32 to vector<16xi32>
    %select_n3A_3147 = arith.select %eq3A_3142, %broadcast_in_dim3A_3145, %broadcast_in_dim3A_3146 : vector<16xi1>, vector<16xi32>
    %add3A_3148 = arith.addi %add3A_3139, %select_n3A_3147 : vector<16xi32>
    %eq3A_3149 = arith.constant 20 : i32
    %eq3A_3150 = vector.broadcast %eq3A_3149 : i32 to vector<16xi32>
    %eq3A_3151 = arith.cmpi eq, %get3A_25, %eq3A_3150 : vector<16xi32>
    %jit3A_3152 = arith.constant 1 : i32
    %jit3A_3153 = arith.constant 0 : i32
    %broadcast_in_dim3A_3154 = vector.broadcast %jit3A_3152 : i32 to vector<16xi32>
    %broadcast_in_dim3A_3155 = vector.broadcast %jit3A_3153 : i32 to vector<16xi32>
    %select_n3A_3156 = arith.select %eq3A_3151, %broadcast_in_dim3A_3154, %broadcast_in_dim3A_3155 : vector<16xi1>, vector<16xi32>
    %add3A_3157 = arith.addi %add3A_3148, %select_n3A_3156 : vector<16xi32>
    %eq3A_3158 = arith.constant 20 : i32
    %eq3A_3159 = vector.broadcast %eq3A_3158 : i32 to vector<16xi32>
    %eq3A_3160 = arith.cmpi eq, %get3A_28, %eq3A_3159 : vector<16xi32>
    %jit3A_3161 = arith.constant 1 : i32
    %jit3A_3162 = arith.constant 0 : i32
    %broadcast_in_dim3A_3163 = vector.broadcast %jit3A_3161 : i32 to vector<16xi32>
    %broadcast_in_dim3A_3164 = vector.broadcast %jit3A_3162 : i32 to vector<16xi32>
    %select_n3A_3165 = arith.select %eq3A_3160, %broadcast_in_dim3A_3163, %broadcast_in_dim3A_3164 : vector<16xi1>, vector<16xi32>
    %add3A_3166 = arith.addi %add3A_3157, %select_n3A_3165 : vector<16xi32>
    %eq3A_3167 = arith.constant 20 : i32
    %eq3A_3168 = vector.broadcast %eq3A_3167 : i32 to vector<16xi32>
    %eq3A_3169 = arith.cmpi eq, %get3A_31, %eq3A_3168 : vector<16xi32>
    %jit3A_3170 = arith.constant 1 : i32
    %jit3A_3171 = arith.constant 0 : i32
    %broadcast_in_dim3A_3172 = vector.broadcast %jit3A_3170 : i32 to vector<16xi32>
    %broadcast_in_dim3A_3173 = vector.broadcast %jit3A_3171 : i32 to vector<16xi32>
    %select_n3A_3174 = arith.select %eq3A_3169, %broadcast_in_dim3A_3172, %broadcast_in_dim3A_3173 : vector<16xi1>, vector<16xi32>
    %add3A_3175 = arith.addi %add3A_3166, %select_n3A_3174 : vector<16xi32>
    %eq3A_3176 = arith.constant 20 : i32
    %eq3A_3177 = vector.broadcast %eq3A_3176 : i32 to vector<16xi32>
    %eq3A_3178 = arith.cmpi eq, %get3A_34, %eq3A_3177 : vector<16xi32>
    %jit3A_3179 = arith.constant 1 : i32
    %jit3A_3180 = arith.constant 0 : i32
    %broadcast_in_dim3A_3181 = vector.broadcast %jit3A_3179 : i32 to vector<16xi32>
    %broadcast_in_dim3A_3182 = vector.broadcast %jit3A_3180 : i32 to vector<16xi32>
    %select_n3A_3183 = arith.select %eq3A_3178, %broadcast_in_dim3A_3181, %broadcast_in_dim3A_3182 : vector<16xi1>, vector<16xi32>
    %add3A_3184 = arith.addi %add3A_3175, %select_n3A_3183 : vector<16xi32>
    %eq3A_3185 = arith.constant 20 : i32
    %eq3A_3186 = vector.broadcast %eq3A_3185 : i32 to vector<16xi32>
    %eq3A_3187 = arith.cmpi eq, %get3A_37, %eq3A_3186 : vector<16xi32>
    %jit3A_3188 = arith.constant 1 : i32
    %jit3A_3189 = arith.constant 0 : i32
    %broadcast_in_dim3A_3190 = vector.broadcast %jit3A_3188 : i32 to vector<16xi32>
    %broadcast_in_dim3A_3191 = vector.broadcast %jit3A_3189 : i32 to vector<16xi32>
    %select_n3A_3192 = arith.select %eq3A_3187, %broadcast_in_dim3A_3190, %broadcast_in_dim3A_3191 : vector<16xi1>, vector<16xi32>
    %add3A_3193 = arith.addi %add3A_3184, %select_n3A_3192 : vector<16xi32>
    %eq3A_3194 = arith.constant 20 : i32
    %eq3A_3195 = vector.broadcast %eq3A_3194 : i32 to vector<16xi32>
    %eq3A_3196 = arith.cmpi eq, %get3A_40, %eq3A_3195 : vector<16xi32>
    %jit3A_3197 = arith.constant 1 : i32
    %jit3A_3198 = arith.constant 0 : i32
    %broadcast_in_dim3A_3199 = vector.broadcast %jit3A_3197 : i32 to vector<16xi32>
    %broadcast_in_dim3A_3200 = vector.broadcast %jit3A_3198 : i32 to vector<16xi32>
    %select_n3A_3201 = arith.select %eq3A_3196, %broadcast_in_dim3A_3199, %broadcast_in_dim3A_3200 : vector<16xi1>, vector<16xi32>
    %add3A_3202 = arith.addi %add3A_3193, %select_n3A_3201 : vector<16xi32>
    %eq3A_3203 = arith.constant 20 : i32
    %eq3A_3204 = vector.broadcast %eq3A_3203 : i32 to vector<16xi32>
    %eq3A_3205 = arith.cmpi eq, %get3A_43, %eq3A_3204 : vector<16xi32>
    %jit3A_3206 = arith.constant 1 : i32
    %jit3A_3207 = arith.constant 0 : i32
    %broadcast_in_dim3A_3208 = vector.broadcast %jit3A_3206 : i32 to vector<16xi32>
    %broadcast_in_dim3A_3209 = vector.broadcast %jit3A_3207 : i32 to vector<16xi32>
    %select_n3A_3210 = arith.select %eq3A_3205, %broadcast_in_dim3A_3208, %broadcast_in_dim3A_3209 : vector<16xi1>, vector<16xi32>
    %add3A_3211 = arith.addi %add3A_3202, %select_n3A_3210 : vector<16xi32>
    %eq3A_3212 = arith.constant 20 : i32
    %eq3A_3213 = vector.broadcast %eq3A_3212 : i32 to vector<16xi32>
    %eq3A_3214 = arith.cmpi eq, %get3A_46, %eq3A_3213 : vector<16xi32>
    %jit3A_3215 = arith.constant 1 : i32
    %jit3A_3216 = arith.constant 0 : i32
    %broadcast_in_dim3A_3217 = vector.broadcast %jit3A_3215 : i32 to vector<16xi32>
    %broadcast_in_dim3A_3218 = vector.broadcast %jit3A_3216 : i32 to vector<16xi32>
    %select_n3A_3219 = arith.select %eq3A_3214, %broadcast_in_dim3A_3217, %broadcast_in_dim3A_3218 : vector<16xi1>, vector<16xi32>
    %add3A_3220 = arith.addi %add3A_3211, %select_n3A_3219 : vector<16xi32>
    %eq3A_3221 = arith.constant 20 : i32
    %eq3A_3222 = vector.broadcast %eq3A_3221 : i32 to vector<16xi32>
    %eq3A_3223 = arith.cmpi eq, %get3A_49, %eq3A_3222 : vector<16xi32>
    %jit3A_3224 = arith.constant 1 : i32
    %jit3A_3225 = arith.constant 0 : i32
    %broadcast_in_dim3A_3226 = vector.broadcast %jit3A_3224 : i32 to vector<16xi32>
    %broadcast_in_dim3A_3227 = vector.broadcast %jit3A_3225 : i32 to vector<16xi32>
    %select_n3A_3228 = arith.select %eq3A_3223, %broadcast_in_dim3A_3226, %broadcast_in_dim3A_3227 : vector<16xi1>, vector<16xi32>
    %add3A_3229 = arith.addi %add3A_3220, %select_n3A_3228 : vector<16xi32>
    %swap3A_3230 = arith.constant 20 : i32
    %swap3A_3231 = arith.index_cast %swap3A_3230 : i32 to index
    %swap3A_3232 = arith.constant 0 : index
    %swap3A_3233 = tpu.vector_load %arg5[%swap3A_3231, %swap3A_3232] {strides = array<i32>} : memref<32x16xi32, #tpu.memory_space<vmem>>, vector<1x16xi32>,
    %swap3A_3234 = vector.shape_cast %swap3A_3233 : vector<1x16xi32> to vector<16xi32>
    %swap3A_3235 = vector.shape_cast %add3A_3229 : vector<16xi32> to vector<1x16xi32>
    tpu.vector_store %arg5[%swap3A_3231, %swap3A_3232], %swap3A_3235 {strides = array<i32>} : memref<32x16xi32, #tpu.memory_space<vmem>>, vector<1x16xi32>,
    %broadcast_in_dim3A_3236 = arith.constant 0 : i32
    %broadcast_in_dim3A_3237 = vector.broadcast %broadcast_in_dim3A_3236 : i32 to vector<16xi32>
    %eq3A_3238 = arith.constant 21 : i32
    %eq3A_3239 = vector.broadcast %eq3A_3238 : i32 to vector<16xi32>
    %eq3A_3240 = arith.cmpi eq, %get3A_4, %eq3A_3239 : vector<16xi32>
    %jit3A_3241 = arith.constant 1 : i32
    %jit3A_3242 = arith.constant 0 : i32
    %broadcast_in_dim3A_3243 = vector.broadcast %jit3A_3241 : i32 to vector<16xi32>
    %broadcast_in_dim3A_3244 = vector.broadcast %jit3A_3242 : i32 to vector<16xi32>
    %select_n3A_3245 = arith.select %eq3A_3240, %broadcast_in_dim3A_3243, %broadcast_in_dim3A_3244 : vector<16xi1>, vector<16xi32>
    %add3A_3246 = arith.addi %broadcast_in_dim3A_3237, %select_n3A_3245 : vector<16xi32>
    %eq3A_3247 = arith.constant 21 : i32
    %eq3A_3248 = vector.broadcast %eq3A_3247 : i32 to vector<16xi32>
    %eq3A_3249 = arith.cmpi eq, %get3A_7, %eq3A_3248 : vector<16xi32>
    %jit3A_3250 = arith.constant 1 : i32
    %jit3A_3251 = arith.constant 0 : i32
    %broadcast_in_dim3A_3252 = vector.broadcast %jit3A_3250 : i32 to vector<16xi32>
    %broadcast_in_dim3A_3253 = vector.broadcast %jit3A_3251 : i32 to vector<16xi32>
    %select_n3A_3254 = arith.select %eq3A_3249, %broadcast_in_dim3A_3252, %broadcast_in_dim3A_3253 : vector<16xi1>, vector<16xi32>
    %add3A_3255 = arith.addi %add3A_3246, %select_n3A_3254 : vector<16xi32>
    %eq3A_3256 = arith.constant 21 : i32
    %eq3A_3257 = vector.broadcast %eq3A_3256 : i32 to vector<16xi32>
    %eq3A_3258 = arith.cmpi eq, %get3A_10, %eq3A_3257 : vector<16xi32>
    %jit3A_3259 = arith.constant 1 : i32
    %jit3A_3260 = arith.constant 0 : i32
    %broadcast_in_dim3A_3261 = vector.broadcast %jit3A_3259 : i32 to vector<16xi32>
    %broadcast_in_dim3A_3262 = vector.broadcast %jit3A_3260 : i32 to vector<16xi32>
    %select_n3A_3263 = arith.select %eq3A_3258, %broadcast_in_dim3A_3261, %broadcast_in_dim3A_3262 : vector<16xi1>, vector<16xi32>
    %add3A_3264 = arith.addi %add3A_3255, %select_n3A_3263 : vector<16xi32>
    %eq3A_3265 = arith.constant 21 : i32
    %eq3A_3266 = vector.broadcast %eq3A_3265 : i32 to vector<16xi32>
    %eq3A_3267 = arith.cmpi eq, %get3A_13, %eq3A_3266 : vector<16xi32>
    %jit3A_3268 = arith.constant 1 : i32
    %jit3A_3269 = arith.constant 0 : i32
    %broadcast_in_dim3A_3270 = vector.broadcast %jit3A_3268 : i32 to vector<16xi32>
    %broadcast_in_dim3A_3271 = vector.broadcast %jit3A_3269 : i32 to vector<16xi32>
    %select_n3A_3272 = arith.select %eq3A_3267, %broadcast_in_dim3A_3270, %broadcast_in_dim3A_3271 : vector<16xi1>, vector<16xi32>
    %add3A_3273 = arith.addi %add3A_3264, %select_n3A_3272 : vector<16xi32>
    %eq3A_3274 = arith.constant 21 : i32
    %eq3A_3275 = vector.broadcast %eq3A_3274 : i32 to vector<16xi32>
    %eq3A_3276 = arith.cmpi eq, %get3A_16, %eq3A_3275 : vector<16xi32>
    %jit3A_3277 = arith.constant 1 : i32
    %jit3A_3278 = arith.constant 0 : i32
    %broadcast_in_dim3A_3279 = vector.broadcast %jit3A_3277 : i32 to vector<16xi32>
    %broadcast_in_dim3A_3280 = vector.broadcast %jit3A_3278 : i32 to vector<16xi32>
    %select_n3A_3281 = arith.select %eq3A_3276, %broadcast_in_dim3A_3279, %broadcast_in_dim3A_3280 : vector<16xi1>, vector<16xi32>
    %add3A_3282 = arith.addi %add3A_3273, %select_n3A_3281 : vector<16xi32>
    %eq3A_3283 = arith.constant 21 : i32
    %eq3A_3284 = vector.broadcast %eq3A_3283 : i32 to vector<16xi32>
    %eq3A_3285 = arith.cmpi eq, %get3A_19, %eq3A_3284 : vector<16xi32>
    %jit3A_3286 = arith.constant 1 : i32
    %jit3A_3287 = arith.constant 0 : i32
    %broadcast_in_dim3A_3288 = vector.broadcast %jit3A_3286 : i32 to vector<16xi32>
    %broadcast_in_dim3A_3289 = vector.broadcast %jit3A_3287 : i32 to vector<16xi32>
    %select_n3A_3290 = arith.select %eq3A_3285, %broadcast_in_dim3A_3288, %broadcast_in_dim3A_3289 : vector<16xi1>, vector<16xi32>
    %add3A_3291 = arith.addi %add3A_3282, %select_n3A_3290 : vector<16xi32>
    %eq3A_3292 = arith.constant 21 : i32
    %eq3A_3293 = vector.broadcast %eq3A_3292 : i32 to vector<16xi32>
    %eq3A_3294 = arith.cmpi eq, %get3A_22, %eq3A_3293 : vector<16xi32>
    %jit3A_3295 = arith.constant 1 : i32
    %jit3A_3296 = arith.constant 0 : i32
    %broadcast_in_dim3A_3297 = vector.broadcast %jit3A_3295 : i32 to vector<16xi32>
    %broadcast_in_dim3A_3298 = vector.broadcast %jit3A_3296 : i32 to vector<16xi32>
    %select_n3A_3299 = arith.select %eq3A_3294, %broadcast_in_dim3A_3297, %broadcast_in_dim3A_3298 : vector<16xi1>, vector<16xi32>
    %add3A_3300 = arith.addi %add3A_3291, %select_n3A_3299 : vector<16xi32>
    %eq3A_3301 = arith.constant 21 : i32
    %eq3A_3302 = vector.broadcast %eq3A_3301 : i32 to vector<16xi32>
    %eq3A_3303 = arith.cmpi eq, %get3A_25, %eq3A_3302 : vector<16xi32>
    %jit3A_3304 = arith.constant 1 : i32
    %jit3A_3305 = arith.constant 0 : i32
    %broadcast_in_dim3A_3306 = vector.broadcast %jit3A_3304 : i32 to vector<16xi32>
    %broadcast_in_dim3A_3307 = vector.broadcast %jit3A_3305 : i32 to vector<16xi32>
    %select_n3A_3308 = arith.select %eq3A_3303, %broadcast_in_dim3A_3306, %broadcast_in_dim3A_3307 : vector<16xi1>, vector<16xi32>
    %add3A_3309 = arith.addi %add3A_3300, %select_n3A_3308 : vector<16xi32>
    %eq3A_3310 = arith.constant 21 : i32
    %eq3A_3311 = vector.broadcast %eq3A_3310 : i32 to vector<16xi32>
    %eq3A_3312 = arith.cmpi eq, %get3A_28, %eq3A_3311 : vector<16xi32>
    %jit3A_3313 = arith.constant 1 : i32
    %jit3A_3314 = arith.constant 0 : i32
    %broadcast_in_dim3A_3315 = vector.broadcast %jit3A_3313 : i32 to vector<16xi32>
    %broadcast_in_dim3A_3316 = vector.broadcast %jit3A_3314 : i32 to vector<16xi32>
    %select_n3A_3317 = arith.select %eq3A_3312, %broadcast_in_dim3A_3315, %broadcast_in_dim3A_3316 : vector<16xi1>, vector<16xi32>
    %add3A_3318 = arith.addi %add3A_3309, %select_n3A_3317 : vector<16xi32>
    %eq3A_3319 = arith.constant 21 : i32
    %eq3A_3320 = vector.broadcast %eq3A_3319 : i32 to vector<16xi32>
    %eq3A_3321 = arith.cmpi eq, %get3A_31, %eq3A_3320 : vector<16xi32>
    %jit3A_3322 = arith.constant 1 : i32
    %jit3A_3323 = arith.constant 0 : i32
    %broadcast_in_dim3A_3324 = vector.broadcast %jit3A_3322 : i32 to vector<16xi32>
    %broadcast_in_dim3A_3325 = vector.broadcast %jit3A_3323 : i32 to vector<16xi32>
    %select_n3A_3326 = arith.select %eq3A_3321, %broadcast_in_dim3A_3324, %broadcast_in_dim3A_3325 : vector<16xi1>, vector<16xi32>
    %add3A_3327 = arith.addi %add3A_3318, %select_n3A_3326 : vector<16xi32>
    %eq3A_3328 = arith.constant 21 : i32
    %eq3A_3329 = vector.broadcast %eq3A_3328 : i32 to vector<16xi32>
    %eq3A_3330 = arith.cmpi eq, %get3A_34, %eq3A_3329 : vector<16xi32>
    %jit3A_3331 = arith.constant 1 : i32
    %jit3A_3332 = arith.constant 0 : i32
    %broadcast_in_dim3A_3333 = vector.broadcast %jit3A_3331 : i32 to vector<16xi32>
    %broadcast_in_dim3A_3334 = vector.broadcast %jit3A_3332 : i32 to vector<16xi32>
    %select_n3A_3335 = arith.select %eq3A_3330, %broadcast_in_dim3A_3333, %broadcast_in_dim3A_3334 : vector<16xi1>, vector<16xi32>
    %add3A_3336 = arith.addi %add3A_3327, %select_n3A_3335 : vector<16xi32>
    %eq3A_3337 = arith.constant 21 : i32
    %eq3A_3338 = vector.broadcast %eq3A_3337 : i32 to vector<16xi32>
    %eq3A_3339 = arith.cmpi eq, %get3A_37, %eq3A_3338 : vector<16xi32>
    %jit3A_3340 = arith.constant 1 : i32
    %jit3A_3341 = arith.constant 0 : i32
    %broadcast_in_dim3A_3342 = vector.broadcast %jit3A_3340 : i32 to vector<16xi32>
    %broadcast_in_dim3A_3343 = vector.broadcast %jit3A_3341 : i32 to vector<16xi32>
    %select_n3A_3344 = arith.select %eq3A_3339, %broadcast_in_dim3A_3342, %broadcast_in_dim3A_3343 : vector<16xi1>, vector<16xi32>
    %add3A_3345 = arith.addi %add3A_3336, %select_n3A_3344 : vector<16xi32>
    %eq3A_3346 = arith.constant 21 : i32
    %eq3A_3347 = vector.broadcast %eq3A_3346 : i32 to vector<16xi32>
    %eq3A_3348 = arith.cmpi eq, %get3A_40, %eq3A_3347 : vector<16xi32>
    %jit3A_3349 = arith.constant 1 : i32
    %jit3A_3350 = arith.constant 0 : i32
    %broadcast_in_dim3A_3351 = vector.broadcast %jit3A_3349 : i32 to vector<16xi32>
    %broadcast_in_dim3A_3352 = vector.broadcast %jit3A_3350 : i32 to vector<16xi32>
    %select_n3A_3353 = arith.select %eq3A_3348, %broadcast_in_dim3A_3351, %broadcast_in_dim3A_3352 : vector<16xi1>, vector<16xi32>
    %add3A_3354 = arith.addi %add3A_3345, %select_n3A_3353 : vector<16xi32>
    %eq3A_3355 = arith.constant 21 : i32
    %eq3A_3356 = vector.broadcast %eq3A_3355 : i32 to vector<16xi32>
    %eq3A_3357 = arith.cmpi eq, %get3A_43, %eq3A_3356 : vector<16xi32>
    %jit3A_3358 = arith.constant 1 : i32
    %jit3A_3359 = arith.constant 0 : i32
    %broadcast_in_dim3A_3360 = vector.broadcast %jit3A_3358 : i32 to vector<16xi32>
    %broadcast_in_dim3A_3361 = vector.broadcast %jit3A_3359 : i32 to vector<16xi32>
    %select_n3A_3362 = arith.select %eq3A_3357, %broadcast_in_dim3A_3360, %broadcast_in_dim3A_3361 : vector<16xi1>, vector<16xi32>
    %add3A_3363 = arith.addi %add3A_3354, %select_n3A_3362 : vector<16xi32>
    %eq3A_3364 = arith.constant 21 : i32
    %eq3A_3365 = vector.broadcast %eq3A_3364 : i32 to vector<16xi32>
    %eq3A_3366 = arith.cmpi eq, %get3A_46, %eq3A_3365 : vector<16xi32>
    %jit3A_3367 = arith.constant 1 : i32
    %jit3A_3368 = arith.constant 0 : i32
    %broadcast_in_dim3A_3369 = vector.broadcast %jit3A_3367 : i32 to vector<16xi32>
    %broadcast_in_dim3A_3370 = vector.broadcast %jit3A_3368 : i32 to vector<16xi32>
    %select_n3A_3371 = arith.select %eq3A_3366, %broadcast_in_dim3A_3369, %broadcast_in_dim3A_3370 : vector<16xi1>, vector<16xi32>
    %add3A_3372 = arith.addi %add3A_3363, %select_n3A_3371 : vector<16xi32>
    %eq3A_3373 = arith.constant 21 : i32
    %eq3A_3374 = vector.broadcast %eq3A_3373 : i32 to vector<16xi32>
    %eq3A_3375 = arith.cmpi eq, %get3A_49, %eq3A_3374 : vector<16xi32>
    %jit3A_3376 = arith.constant 1 : i32
    %jit3A_3377 = arith.constant 0 : i32
    %broadcast_in_dim3A_3378 = vector.broadcast %jit3A_3376 : i32 to vector<16xi32>
    %broadcast_in_dim3A_3379 = vector.broadcast %jit3A_3377 : i32 to vector<16xi32>
    %select_n3A_3380 = arith.select %eq3A_3375, %broadcast_in_dim3A_3378, %broadcast_in_dim3A_3379 : vector<16xi1>, vector<16xi32>
    %add3A_3381 = arith.addi %add3A_3372, %select_n3A_3380 : vector<16xi32>
    %swap3A_3382 = arith.constant 21 : i32
    %swap3A_3383 = arith.index_cast %swap3A_3382 : i32 to index
    %swap3A_3384 = arith.constant 0 : index
    %swap3A_3385 = tpu.vector_load %arg5[%swap3A_3383, %swap3A_3384] {strides = array<i32>} : memref<32x16xi32, #tpu.memory_space<vmem>>, vector<1x16xi32>,
    %swap3A_3386 = vector.shape_cast %swap3A_3385 : vector<1x16xi32> to vector<16xi32>
    %swap3A_3387 = vector.shape_cast %add3A_3381 : vector<16xi32> to vector<1x16xi32>
    tpu.vector_store %arg5[%swap3A_3383, %swap3A_3384], %swap3A_3387 {strides = array<i32>} : memref<32x16xi32, #tpu.memory_space<vmem>>, vector<1x16xi32>,
    %broadcast_in_dim3A_3388 = arith.constant 0 : i32
    %broadcast_in_dim3A_3389 = vector.broadcast %broadcast_in_dim3A_3388 : i32 to vector<16xi32>
    %eq3A_3390 = arith.constant 22 : i32
    %eq3A_3391 = vector.broadcast %eq3A_3390 : i32 to vector<16xi32>
    %eq3A_3392 = arith.cmpi eq, %get3A_4, %eq3A_3391 : vector<16xi32>
    %jit3A_3393 = arith.constant 1 : i32
    %jit3A_3394 = arith.constant 0 : i32
    %broadcast_in_dim3A_3395 = vector.broadcast %jit3A_3393 : i32 to vector<16xi32>
    %broadcast_in_dim3A_3396 = vector.broadcast %jit3A_3394 : i32 to vector<16xi32>
    %select_n3A_3397 = arith.select %eq3A_3392, %broadcast_in_dim3A_3395, %broadcast_in_dim3A_3396 : vector<16xi1>, vector<16xi32>
    %add3A_3398 = arith.addi %broadcast_in_dim3A_3389, %select_n3A_3397 : vector<16xi32>
    %eq3A_3399 = arith.constant 22 : i32
    %eq3A_3400 = vector.broadcast %eq3A_3399 : i32 to vector<16xi32>
    %eq3A_3401 = arith.cmpi eq, %get3A_7, %eq3A_3400 : vector<16xi32>
    %jit3A_3402 = arith.constant 1 : i32
    %jit3A_3403 = arith.constant 0 : i32
    %broadcast_in_dim3A_3404 = vector.broadcast %jit3A_3402 : i32 to vector<16xi32>
    %broadcast_in_dim3A_3405 = vector.broadcast %jit3A_3403 : i32 to vector<16xi32>
    %select_n3A_3406 = arith.select %eq3A_3401, %broadcast_in_dim3A_3404, %broadcast_in_dim3A_3405 : vector<16xi1>, vector<16xi32>
    %add3A_3407 = arith.addi %add3A_3398, %select_n3A_3406 : vector<16xi32>
    %eq3A_3408 = arith.constant 22 : i32
    %eq3A_3409 = vector.broadcast %eq3A_3408 : i32 to vector<16xi32>
    %eq3A_3410 = arith.cmpi eq, %get3A_10, %eq3A_3409 : vector<16xi32>
    %jit3A_3411 = arith.constant 1 : i32
    %jit3A_3412 = arith.constant 0 : i32
    %broadcast_in_dim3A_3413 = vector.broadcast %jit3A_3411 : i32 to vector<16xi32>
    %broadcast_in_dim3A_3414 = vector.broadcast %jit3A_3412 : i32 to vector<16xi32>
    %select_n3A_3415 = arith.select %eq3A_3410, %broadcast_in_dim3A_3413, %broadcast_in_dim3A_3414 : vector<16xi1>, vector<16xi32>
    %add3A_3416 = arith.addi %add3A_3407, %select_n3A_3415 : vector<16xi32>
    %eq3A_3417 = arith.constant 22 : i32
    %eq3A_3418 = vector.broadcast %eq3A_3417 : i32 to vector<16xi32>
    %eq3A_3419 = arith.cmpi eq, %get3A_13, %eq3A_3418 : vector<16xi32>
    %jit3A_3420 = arith.constant 1 : i32
    %jit3A_3421 = arith.constant 0 : i32
    %broadcast_in_dim3A_3422 = vector.broadcast %jit3A_3420 : i32 to vector<16xi32>
    %broadcast_in_dim3A_3423 = vector.broadcast %jit3A_3421 : i32 to vector<16xi32>
    %select_n3A_3424 = arith.select %eq3A_3419, %broadcast_in_dim3A_3422, %broadcast_in_dim3A_3423 : vector<16xi1>, vector<16xi32>
    %add3A_3425 = arith.addi %add3A_3416, %select_n3A_3424 : vector<16xi32>
    %eq3A_3426 = arith.constant 22 : i32
    %eq3A_3427 = vector.broadcast %eq3A_3426 : i32 to vector<16xi32>
    %eq3A_3428 = arith.cmpi eq, %get3A_16, %eq3A_3427 : vector<16xi32>
    %jit3A_3429 = arith.constant 1 : i32
    %jit3A_3430 = arith.constant 0 : i32
    %broadcast_in_dim3A_3431 = vector.broadcast %jit3A_3429 : i32 to vector<16xi32>
    %broadcast_in_dim3A_3432 = vector.broadcast %jit3A_3430 : i32 to vector<16xi32>
    %select_n3A_3433 = arith.select %eq3A_3428, %broadcast_in_dim3A_3431, %broadcast_in_dim3A_3432 : vector<16xi1>, vector<16xi32>
    %add3A_3434 = arith.addi %add3A_3425, %select_n3A_3433 : vector<16xi32>
    %eq3A_3435 = arith.constant 22 : i32
    %eq3A_3436 = vector.broadcast %eq3A_3435 : i32 to vector<16xi32>
    %eq3A_3437 = arith.cmpi eq, %get3A_19, %eq3A_3436 : vector<16xi32>
    %jit3A_3438 = arith.constant 1 : i32
    %jit3A_3439 = arith.constant 0 : i32
    %broadcast_in_dim3A_3440 = vector.broadcast %jit3A_3438 : i32 to vector<16xi32>
    %broadcast_in_dim3A_3441 = vector.broadcast %jit3A_3439 : i32 to vector<16xi32>
    %select_n3A_3442 = arith.select %eq3A_3437, %broadcast_in_dim3A_3440, %broadcast_in_dim3A_3441 : vector<16xi1>, vector<16xi32>
    %add3A_3443 = arith.addi %add3A_3434, %select_n3A_3442 : vector<16xi32>
    %eq3A_3444 = arith.constant 22 : i32
    %eq3A_3445 = vector.broadcast %eq3A_3444 : i32 to vector<16xi32>
    %eq3A_3446 = arith.cmpi eq, %get3A_22, %eq3A_3445 : vector<16xi32>
    %jit3A_3447 = arith.constant 1 : i32
    %jit3A_3448 = arith.constant 0 : i32
    %broadcast_in_dim3A_3449 = vector.broadcast %jit3A_3447 : i32 to vector<16xi32>
    %broadcast_in_dim3A_3450 = vector.broadcast %jit3A_3448 : i32 to vector<16xi32>
    %select_n3A_3451 = arith.select %eq3A_3446, %broadcast_in_dim3A_3449, %broadcast_in_dim3A_3450 : vector<16xi1>, vector<16xi32>
    %add3A_3452 = arith.addi %add3A_3443, %select_n3A_3451 : vector<16xi32>
    %eq3A_3453 = arith.constant 22 : i32
    %eq3A_3454 = vector.broadcast %eq3A_3453 : i32 to vector<16xi32>
    %eq3A_3455 = arith.cmpi eq, %get3A_25, %eq3A_3454 : vector<16xi32>
    %jit3A_3456 = arith.constant 1 : i32
    %jit3A_3457 = arith.constant 0 : i32
    %broadcast_in_dim3A_3458 = vector.broadcast %jit3A_3456 : i32 to vector<16xi32>
    %broadcast_in_dim3A_3459 = vector.broadcast %jit3A_3457 : i32 to vector<16xi32>
    %select_n3A_3460 = arith.select %eq3A_3455, %broadcast_in_dim3A_3458, %broadcast_in_dim3A_3459 : vector<16xi1>, vector<16xi32>
    %add3A_3461 = arith.addi %add3A_3452, %select_n3A_3460 : vector<16xi32>
    %eq3A_3462 = arith.constant 22 : i32
    %eq3A_3463 = vector.broadcast %eq3A_3462 : i32 to vector<16xi32>
    %eq3A_3464 = arith.cmpi eq, %get3A_28, %eq3A_3463 : vector<16xi32>
    %jit3A_3465 = arith.constant 1 : i32
    %jit3A_3466 = arith.constant 0 : i32
    %broadcast_in_dim3A_3467 = vector.broadcast %jit3A_3465 : i32 to vector<16xi32>
    %broadcast_in_dim3A_3468 = vector.broadcast %jit3A_3466 : i32 to vector<16xi32>
    %select_n3A_3469 = arith.select %eq3A_3464, %broadcast_in_dim3A_3467, %broadcast_in_dim3A_3468 : vector<16xi1>, vector<16xi32>
    %add3A_3470 = arith.addi %add3A_3461, %select_n3A_3469 : vector<16xi32>
    %eq3A_3471 = arith.constant 22 : i32
    %eq3A_3472 = vector.broadcast %eq3A_3471 : i32 to vector<16xi32>
    %eq3A_3473 = arith.cmpi eq, %get3A_31, %eq3A_3472 : vector<16xi32>
    %jit3A_3474 = arith.constant 1 : i32
    %jit3A_3475 = arith.constant 0 : i32
    %broadcast_in_dim3A_3476 = vector.broadcast %jit3A_3474 : i32 to vector<16xi32>
    %broadcast_in_dim3A_3477 = vector.broadcast %jit3A_3475 : i32 to vector<16xi32>
    %select_n3A_3478 = arith.select %eq3A_3473, %broadcast_in_dim3A_3476, %broadcast_in_dim3A_3477 : vector<16xi1>, vector<16xi32>
    %add3A_3479 = arith.addi %add3A_3470, %select_n3A_3478 : vector<16xi32>
    %eq3A_3480 = arith.constant 22 : i32
    %eq3A_3481 = vector.broadcast %eq3A_3480 : i32 to vector<16xi32>
    %eq3A_3482 = arith.cmpi eq, %get3A_34, %eq3A_3481 : vector<16xi32>
    %jit3A_3483 = arith.constant 1 : i32
    %jit3A_3484 = arith.constant 0 : i32
    %broadcast_in_dim3A_3485 = vector.broadcast %jit3A_3483 : i32 to vector<16xi32>
    %broadcast_in_dim3A_3486 = vector.broadcast %jit3A_3484 : i32 to vector<16xi32>
    %select_n3A_3487 = arith.select %eq3A_3482, %broadcast_in_dim3A_3485, %broadcast_in_dim3A_3486 : vector<16xi1>, vector<16xi32>
    %add3A_3488 = arith.addi %add3A_3479, %select_n3A_3487 : vector<16xi32>
    %eq3A_3489 = arith.constant 22 : i32
    %eq3A_3490 = vector.broadcast %eq3A_3489 : i32 to vector<16xi32>
    %eq3A_3491 = arith.cmpi eq, %get3A_37, %eq3A_3490 : vector<16xi32>
    %jit3A_3492 = arith.constant 1 : i32
    %jit3A_3493 = arith.constant 0 : i32
    %broadcast_in_dim3A_3494 = vector.broadcast %jit3A_3492 : i32 to vector<16xi32>
    %broadcast_in_dim3A_3495 = vector.broadcast %jit3A_3493 : i32 to vector<16xi32>
    %select_n3A_3496 = arith.select %eq3A_3491, %broadcast_in_dim3A_3494, %broadcast_in_dim3A_3495 : vector<16xi1>, vector<16xi32>
    %add3A_3497 = arith.addi %add3A_3488, %select_n3A_3496 : vector<16xi32>
    %eq3A_3498 = arith.constant 22 : i32
    %eq3A_3499 = vector.broadcast %eq3A_3498 : i32 to vector<16xi32>
    %eq3A_3500 = arith.cmpi eq, %get3A_40, %eq3A_3499 : vector<16xi32>
    %jit3A_3501 = arith.constant 1 : i32
    %jit3A_3502 = arith.constant 0 : i32
    %broadcast_in_dim3A_3503 = vector.broadcast %jit3A_3501 : i32 to vector<16xi32>
    %broadcast_in_dim3A_3504 = vector.broadcast %jit3A_3502 : i32 to vector<16xi32>
    %select_n3A_3505 = arith.select %eq3A_3500, %broadcast_in_dim3A_3503, %broadcast_in_dim3A_3504 : vector<16xi1>, vector<16xi32>
    %add3A_3506 = arith.addi %add3A_3497, %select_n3A_3505 : vector<16xi32>
    %eq3A_3507 = arith.constant 22 : i32
    %eq3A_3508 = vector.broadcast %eq3A_3507 : i32 to vector<16xi32>
    %eq3A_3509 = arith.cmpi eq, %get3A_43, %eq3A_3508 : vector<16xi32>
    %jit3A_3510 = arith.constant 1 : i32
    %jit3A_3511 = arith.constant 0 : i32
    %broadcast_in_dim3A_3512 = vector.broadcast %jit3A_3510 : i32 to vector<16xi32>
    %broadcast_in_dim3A_3513 = vector.broadcast %jit3A_3511 : i32 to vector<16xi32>
    %select_n3A_3514 = arith.select %eq3A_3509, %broadcast_in_dim3A_3512, %broadcast_in_dim3A_3513 : vector<16xi1>, vector<16xi32>
    %add3A_3515 = arith.addi %add3A_3506, %select_n3A_3514 : vector<16xi32>
    %eq3A_3516 = arith.constant 22 : i32
    %eq3A_3517 = vector.broadcast %eq3A_3516 : i32 to vector<16xi32>
    %eq3A_3518 = arith.cmpi eq, %get3A_46, %eq3A_3517 : vector<16xi32>
    %jit3A_3519 = arith.constant 1 : i32
    %jit3A_3520 = arith.constant 0 : i32
    %broadcast_in_dim3A_3521 = vector.broadcast %jit3A_3519 : i32 to vector<16xi32>
    %broadcast_in_dim3A_3522 = vector.broadcast %jit3A_3520 : i32 to vector<16xi32>
    %select_n3A_3523 = arith.select %eq3A_3518, %broadcast_in_dim3A_3521, %broadcast_in_dim3A_3522 : vector<16xi1>, vector<16xi32>
    %add3A_3524 = arith.addi %add3A_3515, %select_n3A_3523 : vector<16xi32>
    %eq3A_3525 = arith.constant 22 : i32
    %eq3A_3526 = vector.broadcast %eq3A_3525 : i32 to vector<16xi32>
    %eq3A_3527 = arith.cmpi eq, %get3A_49, %eq3A_3526 : vector<16xi32>
    %jit3A_3528 = arith.constant 1 : i32
    %jit3A_3529 = arith.constant 0 : i32
    %broadcast_in_dim3A_3530 = vector.broadcast %jit3A_3528 : i32 to vector<16xi32>
    %broadcast_in_dim3A_3531 = vector.broadcast %jit3A_3529 : i32 to vector<16xi32>
    %select_n3A_3532 = arith.select %eq3A_3527, %broadcast_in_dim3A_3530, %broadcast_in_dim3A_3531 : vector<16xi1>, vector<16xi32>
    %add3A_3533 = arith.addi %add3A_3524, %select_n3A_3532 : vector<16xi32>
    %swap3A_3534 = arith.constant 22 : i32
    %swap3A_3535 = arith.index_cast %swap3A_3534 : i32 to index
    %swap3A_3536 = arith.constant 0 : index
    %swap3A_3537 = tpu.vector_load %arg5[%swap3A_3535, %swap3A_3536] {strides = array<i32>} : memref<32x16xi32, #tpu.memory_space<vmem>>, vector<1x16xi32>,
    %swap3A_3538 = vector.shape_cast %swap3A_3537 : vector<1x16xi32> to vector<16xi32>
    %swap3A_3539 = vector.shape_cast %add3A_3533 : vector<16xi32> to vector<1x16xi32>
    tpu.vector_store %arg5[%swap3A_3535, %swap3A_3536], %swap3A_3539 {strides = array<i32>} : memref<32x16xi32, #tpu.memory_space<vmem>>, vector<1x16xi32>,
    %broadcast_in_dim3A_3540 = arith.constant 0 : i32
    %broadcast_in_dim3A_3541 = vector.broadcast %broadcast_in_dim3A_3540 : i32 to vector<16xi32>
    %eq3A_3542 = arith.constant 23 : i32
    %eq3A_3543 = vector.broadcast %eq3A_3542 : i32 to vector<16xi32>
    %eq3A_3544 = arith.cmpi eq, %get3A_4, %eq3A_3543 : vector<16xi32>
    %jit3A_3545 = arith.constant 1 : i32
    %jit3A_3546 = arith.constant 0 : i32
    %broadcast_in_dim3A_3547 = vector.broadcast %jit3A_3545 : i32 to vector<16xi32>
    %broadcast_in_dim3A_3548 = vector.broadcast %jit3A_3546 : i32 to vector<16xi32>
    %select_n3A_3549 = arith.select %eq3A_3544, %broadcast_in_dim3A_3547, %broadcast_in_dim3A_3548 : vector<16xi1>, vector<16xi32>
    %add3A_3550 = arith.addi %broadcast_in_dim3A_3541, %select_n3A_3549 : vector<16xi32>
    %eq3A_3551 = arith.constant 23 : i32
    %eq3A_3552 = vector.broadcast %eq3A_3551 : i32 to vector<16xi32>
    %eq3A_3553 = arith.cmpi eq, %get3A_7, %eq3A_3552 : vector<16xi32>
    %jit3A_3554 = arith.constant 1 : i32
    %jit3A_3555 = arith.constant 0 : i32
    %broadcast_in_dim3A_3556 = vector.broadcast %jit3A_3554 : i32 to vector<16xi32>
    %broadcast_in_dim3A_3557 = vector.broadcast %jit3A_3555 : i32 to vector<16xi32>
    %select_n3A_3558 = arith.select %eq3A_3553, %broadcast_in_dim3A_3556, %broadcast_in_dim3A_3557 : vector<16xi1>, vector<16xi32>
    %add3A_3559 = arith.addi %add3A_3550, %select_n3A_3558 : vector<16xi32>
    %eq3A_3560 = arith.constant 23 : i32
    %eq3A_3561 = vector.broadcast %eq3A_3560 : i32 to vector<16xi32>
    %eq3A_3562 = arith.cmpi eq, %get3A_10, %eq3A_3561 : vector<16xi32>
    %jit3A_3563 = arith.constant 1 : i32
    %jit3A_3564 = arith.constant 0 : i32
    %broadcast_in_dim3A_3565 = vector.broadcast %jit3A_3563 : i32 to vector<16xi32>
    %broadcast_in_dim3A_3566 = vector.broadcast %jit3A_3564 : i32 to vector<16xi32>
    %select_n3A_3567 = arith.select %eq3A_3562, %broadcast_in_dim3A_3565, %broadcast_in_dim3A_3566 : vector<16xi1>, vector<16xi32>
    %add3A_3568 = arith.addi %add3A_3559, %select_n3A_3567 : vector<16xi32>
    %eq3A_3569 = arith.constant 23 : i32
    %eq3A_3570 = vector.broadcast %eq3A_3569 : i32 to vector<16xi32>
    %eq3A_3571 = arith.cmpi eq, %get3A_13, %eq3A_3570 : vector<16xi32>
    %jit3A_3572 = arith.constant 1 : i32
    %jit3A_3573 = arith.constant 0 : i32
    %broadcast_in_dim3A_3574 = vector.broadcast %jit3A_3572 : i32 to vector<16xi32>
    %broadcast_in_dim3A_3575 = vector.broadcast %jit3A_3573 : i32 to vector<16xi32>
    %select_n3A_3576 = arith.select %eq3A_3571, %broadcast_in_dim3A_3574, %broadcast_in_dim3A_3575 : vector<16xi1>, vector<16xi32>
    %add3A_3577 = arith.addi %add3A_3568, %select_n3A_3576 : vector<16xi32>
    %eq3A_3578 = arith.constant 23 : i32
    %eq3A_3579 = vector.broadcast %eq3A_3578 : i32 to vector<16xi32>
    %eq3A_3580 = arith.cmpi eq, %get3A_16, %eq3A_3579 : vector<16xi32>
    %jit3A_3581 = arith.constant 1 : i32
    %jit3A_3582 = arith.constant 0 : i32
    %broadcast_in_dim3A_3583 = vector.broadcast %jit3A_3581 : i32 to vector<16xi32>
    %broadcast_in_dim3A_3584 = vector.broadcast %jit3A_3582 : i32 to vector<16xi32>
    %select_n3A_3585 = arith.select %eq3A_3580, %broadcast_in_dim3A_3583, %broadcast_in_dim3A_3584 : vector<16xi1>, vector<16xi32>
    %add3A_3586 = arith.addi %add3A_3577, %select_n3A_3585 : vector<16xi32>
    %eq3A_3587 = arith.constant 23 : i32
    %eq3A_3588 = vector.broadcast %eq3A_3587 : i32 to vector<16xi32>
    %eq3A_3589 = arith.cmpi eq, %get3A_19, %eq3A_3588 : vector<16xi32>
    %jit3A_3590 = arith.constant 1 : i32
    %jit3A_3591 = arith.constant 0 : i32
    %broadcast_in_dim3A_3592 = vector.broadcast %jit3A_3590 : i32 to vector<16xi32>
    %broadcast_in_dim3A_3593 = vector.broadcast %jit3A_3591 : i32 to vector<16xi32>
    %select_n3A_3594 = arith.select %eq3A_3589, %broadcast_in_dim3A_3592, %broadcast_in_dim3A_3593 : vector<16xi1>, vector<16xi32>
    %add3A_3595 = arith.addi %add3A_3586, %select_n3A_3594 : vector<16xi32>
    %eq3A_3596 = arith.constant 23 : i32
    %eq3A_3597 = vector.broadcast %eq3A_3596 : i32 to vector<16xi32>
    %eq3A_3598 = arith.cmpi eq, %get3A_22, %eq3A_3597 : vector<16xi32>
    %jit3A_3599 = arith.constant 1 : i32
    %jit3A_3600 = arith.constant 0 : i32
    %broadcast_in_dim3A_3601 = vector.broadcast %jit3A_3599 : i32 to vector<16xi32>
    %broadcast_in_dim3A_3602 = vector.broadcast %jit3A_3600 : i32 to vector<16xi32>
    %select_n3A_3603 = arith.select %eq3A_3598, %broadcast_in_dim3A_3601, %broadcast_in_dim3A_3602 : vector<16xi1>, vector<16xi32>
    %add3A_3604 = arith.addi %add3A_3595, %select_n3A_3603 : vector<16xi32>
    %eq3A_3605 = arith.constant 23 : i32
    %eq3A_3606 = vector.broadcast %eq3A_3605 : i32 to vector<16xi32>
    %eq3A_3607 = arith.cmpi eq, %get3A_25, %eq3A_3606 : vector<16xi32>
    %jit3A_3608 = arith.constant 1 : i32
    %jit3A_3609 = arith.constant 0 : i32
    %broadcast_in_dim3A_3610 = vector.broadcast %jit3A_3608 : i32 to vector<16xi32>
    %broadcast_in_dim3A_3611 = vector.broadcast %jit3A_3609 : i32 to vector<16xi32>
    %select_n3A_3612 = arith.select %eq3A_3607, %broadcast_in_dim3A_3610, %broadcast_in_dim3A_3611 : vector<16xi1>, vector<16xi32>
    %add3A_3613 = arith.addi %add3A_3604, %select_n3A_3612 : vector<16xi32>
    %eq3A_3614 = arith.constant 23 : i32
    %eq3A_3615 = vector.broadcast %eq3A_3614 : i32 to vector<16xi32>
    %eq3A_3616 = arith.cmpi eq, %get3A_28, %eq3A_3615 : vector<16xi32>
    %jit3A_3617 = arith.constant 1 : i32
    %jit3A_3618 = arith.constant 0 : i32
    %broadcast_in_dim3A_3619 = vector.broadcast %jit3A_3617 : i32 to vector<16xi32>
    %broadcast_in_dim3A_3620 = vector.broadcast %jit3A_3618 : i32 to vector<16xi32>
    %select_n3A_3621 = arith.select %eq3A_3616, %broadcast_in_dim3A_3619, %broadcast_in_dim3A_3620 : vector<16xi1>, vector<16xi32>
    %add3A_3622 = arith.addi %add3A_3613, %select_n3A_3621 : vector<16xi32>
    %eq3A_3623 = arith.constant 23 : i32
    %eq3A_3624 = vector.broadcast %eq3A_3623 : i32 to vector<16xi32>
    %eq3A_3625 = arith.cmpi eq, %get3A_31, %eq3A_3624 : vector<16xi32>
    %jit3A_3626 = arith.constant 1 : i32
    %jit3A_3627 = arith.constant 0 : i32
    %broadcast_in_dim3A_3628 = vector.broadcast %jit3A_3626 : i32 to vector<16xi32>
    %broadcast_in_dim3A_3629 = vector.broadcast %jit3A_3627 : i32 to vector<16xi32>
    %select_n3A_3630 = arith.select %eq3A_3625, %broadcast_in_dim3A_3628, %broadcast_in_dim3A_3629 : vector<16xi1>, vector<16xi32>
    %add3A_3631 = arith.addi %add3A_3622, %select_n3A_3630 : vector<16xi32>
    %eq3A_3632 = arith.constant 23 : i32
    %eq3A_3633 = vector.broadcast %eq3A_3632 : i32 to vector<16xi32>
    %eq3A_3634 = arith.cmpi eq, %get3A_34, %eq3A_3633 : vector<16xi32>
    %jit3A_3635 = arith.constant 1 : i32
    %jit3A_3636 = arith.constant 0 : i32
    %broadcast_in_dim3A_3637 = vector.broadcast %jit3A_3635 : i32 to vector<16xi32>
    %broadcast_in_dim3A_3638 = vector.broadcast %jit3A_3636 : i32 to vector<16xi32>
    %select_n3A_3639 = arith.select %eq3A_3634, %broadcast_in_dim3A_3637, %broadcast_in_dim3A_3638 : vector<16xi1>, vector<16xi32>
    %add3A_3640 = arith.addi %add3A_3631, %select_n3A_3639 : vector<16xi32>
    %eq3A_3641 = arith.constant 23 : i32
    %eq3A_3642 = vector.broadcast %eq3A_3641 : i32 to vector<16xi32>
    %eq3A_3643 = arith.cmpi eq, %get3A_37, %eq3A_3642 : vector<16xi32>
    %jit3A_3644 = arith.constant 1 : i32
    %jit3A_3645 = arith.constant 0 : i32
    %broadcast_in_dim3A_3646 = vector.broadcast %jit3A_3644 : i32 to vector<16xi32>
    %broadcast_in_dim3A_3647 = vector.broadcast %jit3A_3645 : i32 to vector<16xi32>
    %select_n3A_3648 = arith.select %eq3A_3643, %broadcast_in_dim3A_3646, %broadcast_in_dim3A_3647 : vector<16xi1>, vector<16xi32>
    %add3A_3649 = arith.addi %add3A_3640, %select_n3A_3648 : vector<16xi32>
    %eq3A_3650 = arith.constant 23 : i32
    %eq3A_3651 = vector.broadcast %eq3A_3650 : i32 to vector<16xi32>
    %eq3A_3652 = arith.cmpi eq, %get3A_40, %eq3A_3651 : vector<16xi32>
    %jit3A_3653 = arith.constant 1 : i32
    %jit3A_3654 = arith.constant 0 : i32
    %broadcast_in_dim3A_3655 = vector.broadcast %jit3A_3653 : i32 to vector<16xi32>
    %broadcast_in_dim3A_3656 = vector.broadcast %jit3A_3654 : i32 to vector<16xi32>
    %select_n3A_3657 = arith.select %eq3A_3652, %broadcast_in_dim3A_3655, %broadcast_in_dim3A_3656 : vector<16xi1>, vector<16xi32>
    %add3A_3658 = arith.addi %add3A_3649, %select_n3A_3657 : vector<16xi32>
    %eq3A_3659 = arith.constant 23 : i32
    %eq3A_3660 = vector.broadcast %eq3A_3659 : i32 to vector<16xi32>
    %eq3A_3661 = arith.cmpi eq, %get3A_43, %eq3A_3660 : vector<16xi32>
    %jit3A_3662 = arith.constant 1 : i32
    %jit3A_3663 = arith.constant 0 : i32
    %broadcast_in_dim3A_3664 = vector.broadcast %jit3A_3662 : i32 to vector<16xi32>
    %broadcast_in_dim3A_3665 = vector.broadcast %jit3A_3663 : i32 to vector<16xi32>
    %select_n3A_3666 = arith.select %eq3A_3661, %broadcast_in_dim3A_3664, %broadcast_in_dim3A_3665 : vector<16xi1>, vector<16xi32>
    %add3A_3667 = arith.addi %add3A_3658, %select_n3A_3666 : vector<16xi32>
    %eq3A_3668 = arith.constant 23 : i32
    %eq3A_3669 = vector.broadcast %eq3A_3668 : i32 to vector<16xi32>
    %eq3A_3670 = arith.cmpi eq, %get3A_46, %eq3A_3669 : vector<16xi32>
    %jit3A_3671 = arith.constant 1 : i32
    %jit3A_3672 = arith.constant 0 : i32
    %broadcast_in_dim3A_3673 = vector.broadcast %jit3A_3671 : i32 to vector<16xi32>
    %broadcast_in_dim3A_3674 = vector.broadcast %jit3A_3672 : i32 to vector<16xi32>
    %select_n3A_3675 = arith.select %eq3A_3670, %broadcast_in_dim3A_3673, %broadcast_in_dim3A_3674 : vector<16xi1>, vector<16xi32>
    %add3A_3676 = arith.addi %add3A_3667, %select_n3A_3675 : vector<16xi32>
    %eq3A_3677 = arith.constant 23 : i32
    %eq3A_3678 = vector.broadcast %eq3A_3677 : i32 to vector<16xi32>
    %eq3A_3679 = arith.cmpi eq, %get3A_49, %eq3A_3678 : vector<16xi32>
    %jit3A_3680 = arith.constant 1 : i32
    %jit3A_3681 = arith.constant 0 : i32
    %broadcast_in_dim3A_3682 = vector.broadcast %jit3A_3680 : i32 to vector<16xi32>
    %broadcast_in_dim3A_3683 = vector.broadcast %jit3A_3681 : i32 to vector<16xi32>
    %select_n3A_3684 = arith.select %eq3A_3679, %broadcast_in_dim3A_3682, %broadcast_in_dim3A_3683 : vector<16xi1>, vector<16xi32>
    %add3A_3685 = arith.addi %add3A_3676, %select_n3A_3684 : vector<16xi32>
    %swap3A_3686 = arith.constant 23 : i32
    %swap3A_3687 = arith.index_cast %swap3A_3686 : i32 to index
    %swap3A_3688 = arith.constant 0 : index
    %swap3A_3689 = tpu.vector_load %arg5[%swap3A_3687, %swap3A_3688] {strides = array<i32>} : memref<32x16xi32, #tpu.memory_space<vmem>>, vector<1x16xi32>,
    %swap3A_3690 = vector.shape_cast %swap3A_3689 : vector<1x16xi32> to vector<16xi32>
    %swap3A_3691 = vector.shape_cast %add3A_3685 : vector<16xi32> to vector<1x16xi32>
    tpu.vector_store %arg5[%swap3A_3687, %swap3A_3688], %swap3A_3691 {strides = array<i32>} : memref<32x16xi32, #tpu.memory_space<vmem>>, vector<1x16xi32>,
    %broadcast_in_dim3A_3692 = arith.constant 0 : i32
    %broadcast_in_dim3A_3693 = vector.broadcast %broadcast_in_dim3A_3692 : i32 to vector<16xi32>
    %eq3A_3694 = arith.constant 24 : i32
    %eq3A_3695 = vector.broadcast %eq3A_3694 : i32 to vector<16xi32>
    %eq3A_3696 = arith.cmpi eq, %get3A_4, %eq3A_3695 : vector<16xi32>
    %jit3A_3697 = arith.constant 1 : i32
    %jit3A_3698 = arith.constant 0 : i32
    %broadcast_in_dim3A_3699 = vector.broadcast %jit3A_3697 : i32 to vector<16xi32>
    %broadcast_in_dim3A_3700 = vector.broadcast %jit3A_3698 : i32 to vector<16xi32>
    %select_n3A_3701 = arith.select %eq3A_3696, %broadcast_in_dim3A_3699, %broadcast_in_dim3A_3700 : vector<16xi1>, vector<16xi32>
    %add3A_3702 = arith.addi %broadcast_in_dim3A_3693, %select_n3A_3701 : vector<16xi32>
    %eq3A_3703 = arith.constant 24 : i32
    %eq3A_3704 = vector.broadcast %eq3A_3703 : i32 to vector<16xi32>
    %eq3A_3705 = arith.cmpi eq, %get3A_7, %eq3A_3704 : vector<16xi32>
    %jit3A_3706 = arith.constant 1 : i32
    %jit3A_3707 = arith.constant 0 : i32
    %broadcast_in_dim3A_3708 = vector.broadcast %jit3A_3706 : i32 to vector<16xi32>
    %broadcast_in_dim3A_3709 = vector.broadcast %jit3A_3707 : i32 to vector<16xi32>
    %select_n3A_3710 = arith.select %eq3A_3705, %broadcast_in_dim3A_3708, %broadcast_in_dim3A_3709 : vector<16xi1>, vector<16xi32>
    %add3A_3711 = arith.addi %add3A_3702, %select_n3A_3710 : vector<16xi32>
    %eq3A_3712 = arith.constant 24 : i32
    %eq3A_3713 = vector.broadcast %eq3A_3712 : i32 to vector<16xi32>
    %eq3A_3714 = arith.cmpi eq, %get3A_10, %eq3A_3713 : vector<16xi32>
    %jit3A_3715 = arith.constant 1 : i32
    %jit3A_3716 = arith.constant 0 : i32
    %broadcast_in_dim3A_3717 = vector.broadcast %jit3A_3715 : i32 to vector<16xi32>
    %broadcast_in_dim3A_3718 = vector.broadcast %jit3A_3716 : i32 to vector<16xi32>
    %select_n3A_3719 = arith.select %eq3A_3714, %broadcast_in_dim3A_3717, %broadcast_in_dim3A_3718 : vector<16xi1>, vector<16xi32>
    %add3A_3720 = arith.addi %add3A_3711, %select_n3A_3719 : vector<16xi32>
    %eq3A_3721 = arith.constant 24 : i32
    %eq3A_3722 = vector.broadcast %eq3A_3721 : i32 to vector<16xi32>
    %eq3A_3723 = arith.cmpi eq, %get3A_13, %eq3A_3722 : vector<16xi32>
    %jit3A_3724 = arith.constant 1 : i32
    %jit3A_3725 = arith.constant 0 : i32
    %broadcast_in_dim3A_3726 = vector.broadcast %jit3A_3724 : i32 to vector<16xi32>
    %broadcast_in_dim3A_3727 = vector.broadcast %jit3A_3725 : i32 to vector<16xi32>
    %select_n3A_3728 = arith.select %eq3A_3723, %broadcast_in_dim3A_3726, %broadcast_in_dim3A_3727 : vector<16xi1>, vector<16xi32>
    %add3A_3729 = arith.addi %add3A_3720, %select_n3A_3728 : vector<16xi32>
    %eq3A_3730 = arith.constant 24 : i32
    %eq3A_3731 = vector.broadcast %eq3A_3730 : i32 to vector<16xi32>
    %eq3A_3732 = arith.cmpi eq, %get3A_16, %eq3A_3731 : vector<16xi32>
    %jit3A_3733 = arith.constant 1 : i32
    %jit3A_3734 = arith.constant 0 : i32
    %broadcast_in_dim3A_3735 = vector.broadcast %jit3A_3733 : i32 to vector<16xi32>
    %broadcast_in_dim3A_3736 = vector.broadcast %jit3A_3734 : i32 to vector<16xi32>
    %select_n3A_3737 = arith.select %eq3A_3732, %broadcast_in_dim3A_3735, %broadcast_in_dim3A_3736 : vector<16xi1>, vector<16xi32>
    %add3A_3738 = arith.addi %add3A_3729, %select_n3A_3737 : vector<16xi32>
    %eq3A_3739 = arith.constant 24 : i32
    %eq3A_3740 = vector.broadcast %eq3A_3739 : i32 to vector<16xi32>
    %eq3A_3741 = arith.cmpi eq, %get3A_19, %eq3A_3740 : vector<16xi32>
    %jit3A_3742 = arith.constant 1 : i32
    %jit3A_3743 = arith.constant 0 : i32
    %broadcast_in_dim3A_3744 = vector.broadcast %jit3A_3742 : i32 to vector<16xi32>
    %broadcast_in_dim3A_3745 = vector.broadcast %jit3A_3743 : i32 to vector<16xi32>
    %select_n3A_3746 = arith.select %eq3A_3741, %broadcast_in_dim3A_3744, %broadcast_in_dim3A_3745 : vector<16xi1>, vector<16xi32>
    %add3A_3747 = arith.addi %add3A_3738, %select_n3A_3746 : vector<16xi32>
    %eq3A_3748 = arith.constant 24 : i32
    %eq3A_3749 = vector.broadcast %eq3A_3748 : i32 to vector<16xi32>
    %eq3A_3750 = arith.cmpi eq, %get3A_22, %eq3A_3749 : vector<16xi32>
    %jit3A_3751 = arith.constant 1 : i32
    %jit3A_3752 = arith.constant 0 : i32
    %broadcast_in_dim3A_3753 = vector.broadcast %jit3A_3751 : i32 to vector<16xi32>
    %broadcast_in_dim3A_3754 = vector.broadcast %jit3A_3752 : i32 to vector<16xi32>
    %select_n3A_3755 = arith.select %eq3A_3750, %broadcast_in_dim3A_3753, %broadcast_in_dim3A_3754 : vector<16xi1>, vector<16xi32>
    %add3A_3756 = arith.addi %add3A_3747, %select_n3A_3755 : vector<16xi32>
    %eq3A_3757 = arith.constant 24 : i32
    %eq3A_3758 = vector.broadcast %eq3A_3757 : i32 to vector<16xi32>
    %eq3A_3759 = arith.cmpi eq, %get3A_25, %eq3A_3758 : vector<16xi32>
    %jit3A_3760 = arith.constant 1 : i32
    %jit3A_3761 = arith.constant 0 : i32
    %broadcast_in_dim3A_3762 = vector.broadcast %jit3A_3760 : i32 to vector<16xi32>
    %broadcast_in_dim3A_3763 = vector.broadcast %jit3A_3761 : i32 to vector<16xi32>
    %select_n3A_3764 = arith.select %eq3A_3759, %broadcast_in_dim3A_3762, %broadcast_in_dim3A_3763 : vector<16xi1>, vector<16xi32>
    %add3A_3765 = arith.addi %add3A_3756, %select_n3A_3764 : vector<16xi32>
    %eq3A_3766 = arith.constant 24 : i32
    %eq3A_3767 = vector.broadcast %eq3A_3766 : i32 to vector<16xi32>
    %eq3A_3768 = arith.cmpi eq, %get3A_28, %eq3A_3767 : vector<16xi32>
    %jit3A_3769 = arith.constant 1 : i32
    %jit3A_3770 = arith.constant 0 : i32
    %broadcast_in_dim3A_3771 = vector.broadcast %jit3A_3769 : i32 to vector<16xi32>
    %broadcast_in_dim3A_3772 = vector.broadcast %jit3A_3770 : i32 to vector<16xi32>
    %select_n3A_3773 = arith.select %eq3A_3768, %broadcast_in_dim3A_3771, %broadcast_in_dim3A_3772 : vector<16xi1>, vector<16xi32>
    %add3A_3774 = arith.addi %add3A_3765, %select_n3A_3773 : vector<16xi32>
    %eq3A_3775 = arith.constant 24 : i32
    %eq3A_3776 = vector.broadcast %eq3A_3775 : i32 to vector<16xi32>
    %eq3A_3777 = arith.cmpi eq, %get3A_31, %eq3A_3776 : vector<16xi32>
    %jit3A_3778 = arith.constant 1 : i32
    %jit3A_3779 = arith.constant 0 : i32
    %broadcast_in_dim3A_3780 = vector.broadcast %jit3A_3778 : i32 to vector<16xi32>
    %broadcast_in_dim3A_3781 = vector.broadcast %jit3A_3779 : i32 to vector<16xi32>
    %select_n3A_3782 = arith.select %eq3A_3777, %broadcast_in_dim3A_3780, %broadcast_in_dim3A_3781 : vector<16xi1>, vector<16xi32>
    %add3A_3783 = arith.addi %add3A_3774, %select_n3A_3782 : vector<16xi32>
    %eq3A_3784 = arith.constant 24 : i32
    %eq3A_3785 = vector.broadcast %eq3A_3784 : i32 to vector<16xi32>
    %eq3A_3786 = arith.cmpi eq, %get3A_34, %eq3A_3785 : vector<16xi32>
    %jit3A_3787 = arith.constant 1 : i32
    %jit3A_3788 = arith.constant 0 : i32
    %broadcast_in_dim3A_3789 = vector.broadcast %jit3A_3787 : i32 to vector<16xi32>
    %broadcast_in_dim3A_3790 = vector.broadcast %jit3A_3788 : i32 to vector<16xi32>
    %select_n3A_3791 = arith.select %eq3A_3786, %broadcast_in_dim3A_3789, %broadcast_in_dim3A_3790 : vector<16xi1>, vector<16xi32>
    %add3A_3792 = arith.addi %add3A_3783, %select_n3A_3791 : vector<16xi32>
    %eq3A_3793 = arith.constant 24 : i32
    %eq3A_3794 = vector.broadcast %eq3A_3793 : i32 to vector<16xi32>
    %eq3A_3795 = arith.cmpi eq, %get3A_37, %eq3A_3794 : vector<16xi32>
    %jit3A_3796 = arith.constant 1 : i32
    %jit3A_3797 = arith.constant 0 : i32
    %broadcast_in_dim3A_3798 = vector.broadcast %jit3A_3796 : i32 to vector<16xi32>
    %broadcast_in_dim3A_3799 = vector.broadcast %jit3A_3797 : i32 to vector<16xi32>
    %select_n3A_3800 = arith.select %eq3A_3795, %broadcast_in_dim3A_3798, %broadcast_in_dim3A_3799 : vector<16xi1>, vector<16xi32>
    %add3A_3801 = arith.addi %add3A_3792, %select_n3A_3800 : vector<16xi32>
    %eq3A_3802 = arith.constant 24 : i32
    %eq3A_3803 = vector.broadcast %eq3A_3802 : i32 to vector<16xi32>
    %eq3A_3804 = arith.cmpi eq, %get3A_40, %eq3A_3803 : vector<16xi32>
    %jit3A_3805 = arith.constant 1 : i32
    %jit3A_3806 = arith.constant 0 : i32
    %broadcast_in_dim3A_3807 = vector.broadcast %jit3A_3805 : i32 to vector<16xi32>
    %broadcast_in_dim3A_3808 = vector.broadcast %jit3A_3806 : i32 to vector<16xi32>
    %select_n3A_3809 = arith.select %eq3A_3804, %broadcast_in_dim3A_3807, %broadcast_in_dim3A_3808 : vector<16xi1>, vector<16xi32>
    %add3A_3810 = arith.addi %add3A_3801, %select_n3A_3809 : vector<16xi32>
    %eq3A_3811 = arith.constant 24 : i32
    %eq3A_3812 = vector.broadcast %eq3A_3811 : i32 to vector<16xi32>
    %eq3A_3813 = arith.cmpi eq, %get3A_43, %eq3A_3812 : vector<16xi32>
    %jit3A_3814 = arith.constant 1 : i32
    %jit3A_3815 = arith.constant 0 : i32
    %broadcast_in_dim3A_3816 = vector.broadcast %jit3A_3814 : i32 to vector<16xi32>
    %broadcast_in_dim3A_3817 = vector.broadcast %jit3A_3815 : i32 to vector<16xi32>
    %select_n3A_3818 = arith.select %eq3A_3813, %broadcast_in_dim3A_3816, %broadcast_in_dim3A_3817 : vector<16xi1>, vector<16xi32>
    %add3A_3819 = arith.addi %add3A_3810, %select_n3A_3818 : vector<16xi32>
    %eq3A_3820 = arith.constant 24 : i32
    %eq3A_3821 = vector.broadcast %eq3A_3820 : i32 to vector<16xi32>
    %eq3A_3822 = arith.cmpi eq, %get3A_46, %eq3A_3821 : vector<16xi32>
    %jit3A_3823 = arith.constant 1 : i32
    %jit3A_3824 = arith.constant 0 : i32
    %broadcast_in_dim3A_3825 = vector.broadcast %jit3A_3823 : i32 to vector<16xi32>
    %broadcast_in_dim3A_3826 = vector.broadcast %jit3A_3824 : i32 to vector<16xi32>
    %select_n3A_3827 = arith.select %eq3A_3822, %broadcast_in_dim3A_3825, %broadcast_in_dim3A_3826 : vector<16xi1>, vector<16xi32>
    %add3A_3828 = arith.addi %add3A_3819, %select_n3A_3827 : vector<16xi32>
    %eq3A_3829 = arith.constant 24 : i32
    %eq3A_3830 = vector.broadcast %eq3A_3829 : i32 to vector<16xi32>
    %eq3A_3831 = arith.cmpi eq, %get3A_49, %eq3A_3830 : vector<16xi32>
    %jit3A_3832 = arith.constant 1 : i32
    %jit3A_3833 = arith.constant 0 : i32
    %broadcast_in_dim3A_3834 = vector.broadcast %jit3A_3832 : i32 to vector<16xi32>
    %broadcast_in_dim3A_3835 = vector.broadcast %jit3A_3833 : i32 to vector<16xi32>
    %select_n3A_3836 = arith.select %eq3A_3831, %broadcast_in_dim3A_3834, %broadcast_in_dim3A_3835 : vector<16xi1>, vector<16xi32>
    %add3A_3837 = arith.addi %add3A_3828, %select_n3A_3836 : vector<16xi32>
    %swap3A_3838 = arith.constant 24 : i32
    %swap3A_3839 = arith.index_cast %swap3A_3838 : i32 to index
    %swap3A_3840 = arith.constant 0 : index
    %swap3A_3841 = tpu.vector_load %arg5[%swap3A_3839, %swap3A_3840] {strides = array<i32>} : memref<32x16xi32, #tpu.memory_space<vmem>>, vector<1x16xi32>,
    %swap3A_3842 = vector.shape_cast %swap3A_3841 : vector<1x16xi32> to vector<16xi32>
    %swap3A_3843 = vector.shape_cast %add3A_3837 : vector<16xi32> to vector<1x16xi32>
    tpu.vector_store %arg5[%swap3A_3839, %swap3A_3840], %swap3A_3843 {strides = array<i32>} : memref<32x16xi32, #tpu.memory_space<vmem>>, vector<1x16xi32>,
    %broadcast_in_dim3A_3844 = arith.constant 0 : i32
    %broadcast_in_dim3A_3845 = vector.broadcast %broadcast_in_dim3A_3844 : i32 to vector<16xi32>
    %eq3A_3846 = arith.constant 25 : i32
    %eq3A_3847 = vector.broadcast %eq3A_3846 : i32 to vector<16xi32>
    %eq3A_3848 = arith.cmpi eq, %get3A_4, %eq3A_3847 : vector<16xi32>
    %jit3A_3849 = arith.constant 1 : i32
    %jit3A_3850 = arith.constant 0 : i32
    %broadcast_in_dim3A_3851 = vector.broadcast %jit3A_3849 : i32 to vector<16xi32>
    %broadcast_in_dim3A_3852 = vector.broadcast %jit3A_3850 : i32 to vector<16xi32>
    %select_n3A_3853 = arith.select %eq3A_3848, %broadcast_in_dim3A_3851, %broadcast_in_dim3A_3852 : vector<16xi1>, vector<16xi32>
    %add3A_3854 = arith.addi %broadcast_in_dim3A_3845, %select_n3A_3853 : vector<16xi32>
    %eq3A_3855 = arith.constant 25 : i32
    %eq3A_3856 = vector.broadcast %eq3A_3855 : i32 to vector<16xi32>
    %eq3A_3857 = arith.cmpi eq, %get3A_7, %eq3A_3856 : vector<16xi32>
    %jit3A_3858 = arith.constant 1 : i32
    %jit3A_3859 = arith.constant 0 : i32
    %broadcast_in_dim3A_3860 = vector.broadcast %jit3A_3858 : i32 to vector<16xi32>
    %broadcast_in_dim3A_3861 = vector.broadcast %jit3A_3859 : i32 to vector<16xi32>
    %select_n3A_3862 = arith.select %eq3A_3857, %broadcast_in_dim3A_3860, %broadcast_in_dim3A_3861 : vector<16xi1>, vector<16xi32>
    %add3A_3863 = arith.addi %add3A_3854, %select_n3A_3862 : vector<16xi32>
    %eq3A_3864 = arith.constant 25 : i32
    %eq3A_3865 = vector.broadcast %eq3A_3864 : i32 to vector<16xi32>
    %eq3A_3866 = arith.cmpi eq, %get3A_10, %eq3A_3865 : vector<16xi32>
    %jit3A_3867 = arith.constant 1 : i32
    %jit3A_3868 = arith.constant 0 : i32
    %broadcast_in_dim3A_3869 = vector.broadcast %jit3A_3867 : i32 to vector<16xi32>
    %broadcast_in_dim3A_3870 = vector.broadcast %jit3A_3868 : i32 to vector<16xi32>
    %select_n3A_3871 = arith.select %eq3A_3866, %broadcast_in_dim3A_3869, %broadcast_in_dim3A_3870 : vector<16xi1>, vector<16xi32>
    %add3A_3872 = arith.addi %add3A_3863, %select_n3A_3871 : vector<16xi32>
    %eq3A_3873 = arith.constant 25 : i32
    %eq3A_3874 = vector.broadcast %eq3A_3873 : i32 to vector<16xi32>
    %eq3A_3875 = arith.cmpi eq, %get3A_13, %eq3A_3874 : vector<16xi32>
    %jit3A_3876 = arith.constant 1 : i32
    %jit3A_3877 = arith.constant 0 : i32
    %broadcast_in_dim3A_3878 = vector.broadcast %jit3A_3876 : i32 to vector<16xi32>
    %broadcast_in_dim3A_3879 = vector.broadcast %jit3A_3877 : i32 to vector<16xi32>
    %select_n3A_3880 = arith.select %eq3A_3875, %broadcast_in_dim3A_3878, %broadcast_in_dim3A_3879 : vector<16xi1>, vector<16xi32>
    %add3A_3881 = arith.addi %add3A_3872, %select_n3A_3880 : vector<16xi32>
    %eq3A_3882 = arith.constant 25 : i32
    %eq3A_3883 = vector.broadcast %eq3A_3882 : i32 to vector<16xi32>
    %eq3A_3884 = arith.cmpi eq, %get3A_16, %eq3A_3883 : vector<16xi32>
    %jit3A_3885 = arith.constant 1 : i32
    %jit3A_3886 = arith.constant 0 : i32
    %broadcast_in_dim3A_3887 = vector.broadcast %jit3A_3885 : i32 to vector<16xi32>
    %broadcast_in_dim3A_3888 = vector.broadcast %jit3A_3886 : i32 to vector<16xi32>
    %select_n3A_3889 = arith.select %eq3A_3884, %broadcast_in_dim3A_3887, %broadcast_in_dim3A_3888 : vector<16xi1>, vector<16xi32>
    %add3A_3890 = arith.addi %add3A_3881, %select_n3A_3889 : vector<16xi32>
    %eq3A_3891 = arith.constant 25 : i32
    %eq3A_3892 = vector.broadcast %eq3A_3891 : i32 to vector<16xi32>
    %eq3A_3893 = arith.cmpi eq, %get3A_19, %eq3A_3892 : vector<16xi32>
    %jit3A_3894 = arith.constant 1 : i32
    %jit3A_3895 = arith.constant 0 : i32
    %broadcast_in_dim3A_3896 = vector.broadcast %jit3A_3894 : i32 to vector<16xi32>
    %broadcast_in_dim3A_3897 = vector.broadcast %jit3A_3895 : i32 to vector<16xi32>
    %select_n3A_3898 = arith.select %eq3A_3893, %broadcast_in_dim3A_3896, %broadcast_in_dim3A_3897 : vector<16xi1>, vector<16xi32>
    %add3A_3899 = arith.addi %add3A_3890, %select_n3A_3898 : vector<16xi32>
    %eq3A_3900 = arith.constant 25 : i32
    %eq3A_3901 = vector.broadcast %eq3A_3900 : i32 to vector<16xi32>
    %eq3A_3902 = arith.cmpi eq, %get3A_22, %eq3A_3901 : vector<16xi32>
    %jit3A_3903 = arith.constant 1 : i32
    %jit3A_3904 = arith.constant 0 : i32
    %broadcast_in_dim3A_3905 = vector.broadcast %jit3A_3903 : i32 to vector<16xi32>
    %broadcast_in_dim3A_3906 = vector.broadcast %jit3A_3904 : i32 to vector<16xi32>
    %select_n3A_3907 = arith.select %eq3A_3902, %broadcast_in_dim3A_3905, %broadcast_in_dim3A_3906 : vector<16xi1>, vector<16xi32>
    %add3A_3908 = arith.addi %add3A_3899, %select_n3A_3907 : vector<16xi32>
    %eq3A_3909 = arith.constant 25 : i32
    %eq3A_3910 = vector.broadcast %eq3A_3909 : i32 to vector<16xi32>
    %eq3A_3911 = arith.cmpi eq, %get3A_25, %eq3A_3910 : vector<16xi32>
    %jit3A_3912 = arith.constant 1 : i32
    %jit3A_3913 = arith.constant 0 : i32
    %broadcast_in_dim3A_3914 = vector.broadcast %jit3A_3912 : i32 to vector<16xi32>
    %broadcast_in_dim3A_3915 = vector.broadcast %jit3A_3913 : i32 to vector<16xi32>
    %select_n3A_3916 = arith.select %eq3A_3911, %broadcast_in_dim3A_3914, %broadcast_in_dim3A_3915 : vector<16xi1>, vector<16xi32>
    %add3A_3917 = arith.addi %add3A_3908, %select_n3A_3916 : vector<16xi32>
    %eq3A_3918 = arith.constant 25 : i32
    %eq3A_3919 = vector.broadcast %eq3A_3918 : i32 to vector<16xi32>
    %eq3A_3920 = arith.cmpi eq, %get3A_28, %eq3A_3919 : vector<16xi32>
    %jit3A_3921 = arith.constant 1 : i32
    %jit3A_3922 = arith.constant 0 : i32
    %broadcast_in_dim3A_3923 = vector.broadcast %jit3A_3921 : i32 to vector<16xi32>
    %broadcast_in_dim3A_3924 = vector.broadcast %jit3A_3922 : i32 to vector<16xi32>
    %select_n3A_3925 = arith.select %eq3A_3920, %broadcast_in_dim3A_3923, %broadcast_in_dim3A_3924 : vector<16xi1>, vector<16xi32>
    %add3A_3926 = arith.addi %add3A_3917, %select_n3A_3925 : vector<16xi32>
    %eq3A_3927 = arith.constant 25 : i32
    %eq3A_3928 = vector.broadcast %eq3A_3927 : i32 to vector<16xi32>
    %eq3A_3929 = arith.cmpi eq, %get3A_31, %eq3A_3928 : vector<16xi32>
    %jit3A_3930 = arith.constant 1 : i32
    %jit3A_3931 = arith.constant 0 : i32
    %broadcast_in_dim3A_3932 = vector.broadcast %jit3A_3930 : i32 to vector<16xi32>
    %broadcast_in_dim3A_3933 = vector.broadcast %jit3A_3931 : i32 to vector<16xi32>
    %select_n3A_3934 = arith.select %eq3A_3929, %broadcast_in_dim3A_3932, %broadcast_in_dim3A_3933 : vector<16xi1>, vector<16xi32>
    %add3A_3935 = arith.addi %add3A_3926, %select_n3A_3934 : vector<16xi32>
    %eq3A_3936 = arith.constant 25 : i32
    %eq3A_3937 = vector.broadcast %eq3A_3936 : i32 to vector<16xi32>
    %eq3A_3938 = arith.cmpi eq, %get3A_34, %eq3A_3937 : vector<16xi32>
    %jit3A_3939 = arith.constant 1 : i32
    %jit3A_3940 = arith.constant 0 : i32
    %broadcast_in_dim3A_3941 = vector.broadcast %jit3A_3939 : i32 to vector<16xi32>
    %broadcast_in_dim3A_3942 = vector.broadcast %jit3A_3940 : i32 to vector<16xi32>
    %select_n3A_3943 = arith.select %eq3A_3938, %broadcast_in_dim3A_3941, %broadcast_in_dim3A_3942 : vector<16xi1>, vector<16xi32>
    %add3A_3944 = arith.addi %add3A_3935, %select_n3A_3943 : vector<16xi32>
    %eq3A_3945 = arith.constant 25 : i32
    %eq3A_3946 = vector.broadcast %eq3A_3945 : i32 to vector<16xi32>
    %eq3A_3947 = arith.cmpi eq, %get3A_37, %eq3A_3946 : vector<16xi32>
    %jit3A_3948 = arith.constant 1 : i32
    %jit3A_3949 = arith.constant 0 : i32
    %broadcast_in_dim3A_3950 = vector.broadcast %jit3A_3948 : i32 to vector<16xi32>
    %broadcast_in_dim3A_3951 = vector.broadcast %jit3A_3949 : i32 to vector<16xi32>
    %select_n3A_3952 = arith.select %eq3A_3947, %broadcast_in_dim3A_3950, %broadcast_in_dim3A_3951 : vector<16xi1>, vector<16xi32>
    %add3A_3953 = arith.addi %add3A_3944, %select_n3A_3952 : vector<16xi32>
    %eq3A_3954 = arith.constant 25 : i32
    %eq3A_3955 = vector.broadcast %eq3A_3954 : i32 to vector<16xi32>
    %eq3A_3956 = arith.cmpi eq, %get3A_40, %eq3A_3955 : vector<16xi32>
    %jit3A_3957 = arith.constant 1 : i32
    %jit3A_3958 = arith.constant 0 : i32
    %broadcast_in_dim3A_3959 = vector.broadcast %jit3A_3957 : i32 to vector<16xi32>
    %broadcast_in_dim3A_3960 = vector.broadcast %jit3A_3958 : i32 to vector<16xi32>
    %select_n3A_3961 = arith.select %eq3A_3956, %broadcast_in_dim3A_3959, %broadcast_in_dim3A_3960 : vector<16xi1>, vector<16xi32>
    %add3A_3962 = arith.addi %add3A_3953, %select_n3A_3961 : vector<16xi32>
    %eq3A_3963 = arith.constant 25 : i32
    %eq3A_3964 = vector.broadcast %eq3A_3963 : i32 to vector<16xi32>
    %eq3A_3965 = arith.cmpi eq, %get3A_43, %eq3A_3964 : vector<16xi32>
    %jit3A_3966 = arith.constant 1 : i32
    %jit3A_3967 = arith.constant 0 : i32
    %broadcast_in_dim3A_3968 = vector.broadcast %jit3A_3966 : i32 to vector<16xi32>
    %broadcast_in_dim3A_3969 = vector.broadcast %jit3A_3967 : i32 to vector<16xi32>
    %select_n3A_3970 = arith.select %eq3A_3965, %broadcast_in_dim3A_3968, %broadcast_in_dim3A_3969 : vector<16xi1>, vector<16xi32>
    %add3A_3971 = arith.addi %add3A_3962, %select_n3A_3970 : vector<16xi32>
    %eq3A_3972 = arith.constant 25 : i32
    %eq3A_3973 = vector.broadcast %eq3A_3972 : i32 to vector<16xi32>
    %eq3A_3974 = arith.cmpi eq, %get3A_46, %eq3A_3973 : vector<16xi32>
    %jit3A_3975 = arith.constant 1 : i32
    %jit3A_3976 = arith.constant 0 : i32
    %broadcast_in_dim3A_3977 = vector.broadcast %jit3A_3975 : i32 to vector<16xi32>
    %broadcast_in_dim3A_3978 = vector.broadcast %jit3A_3976 : i32 to vector<16xi32>
    %select_n3A_3979 = arith.select %eq3A_3974, %broadcast_in_dim3A_3977, %broadcast_in_dim3A_3978 : vector<16xi1>, vector<16xi32>
    %add3A_3980 = arith.addi %add3A_3971, %select_n3A_3979 : vector<16xi32>
    %eq3A_3981 = arith.constant 25 : i32
    %eq3A_3982 = vector.broadcast %eq3A_3981 : i32 to vector<16xi32>
    %eq3A_3983 = arith.cmpi eq, %get3A_49, %eq3A_3982 : vector<16xi32>
    %jit3A_3984 = arith.constant 1 : i32
    %jit3A_3985 = arith.constant 0 : i32
    %broadcast_in_dim3A_3986 = vector.broadcast %jit3A_3984 : i32 to vector<16xi32>
    %broadcast_in_dim3A_3987 = vector.broadcast %jit3A_3985 : i32 to vector<16xi32>
    %select_n3A_3988 = arith.select %eq3A_3983, %broadcast_in_dim3A_3986, %broadcast_in_dim3A_3987 : vector<16xi1>, vector<16xi32>
    %add3A_3989 = arith.addi %add3A_3980, %select_n3A_3988 : vector<16xi32>
    %swap3A_3990 = arith.constant 25 : i32
    %swap3A_3991 = arith.index_cast %swap3A_3990 : i32 to index
    %swap3A_3992 = arith.constant 0 : index
    %swap3A_3993 = tpu.vector_load %arg5[%swap3A_3991, %swap3A_3992] {strides = array<i32>} : memref<32x16xi32, #tpu.memory_space<vmem>>, vector<1x16xi32>,
    %swap3A_3994 = vector.shape_cast %swap3A_3993 : vector<1x16xi32> to vector<16xi32>
    %swap3A_3995 = vector.shape_cast %add3A_3989 : vector<16xi32> to vector<1x16xi32>
    tpu.vector_store %arg5[%swap3A_3991, %swap3A_3992], %swap3A_3995 {strides = array<i32>} : memref<32x16xi32, #tpu.memory_space<vmem>>, vector<1x16xi32>,
    %broadcast_in_dim3A_3996 = arith.constant 0 : i32
    %broadcast_in_dim3A_3997 = vector.broadcast %broadcast_in_dim3A_3996 : i32 to vector<16xi32>
    %eq3A_3998 = arith.constant 26 : i32
    %eq3A_3999 = vector.broadcast %eq3A_3998 : i32 to vector<16xi32>
    %eq3A_4000 = arith.cmpi eq, %get3A_4, %eq3A_3999 : vector<16xi32>
    %jit3A_4001 = arith.constant 1 : i32
    %jit3A_4002 = arith.constant 0 : i32
    %broadcast_in_dim3A_4003 = vector.broadcast %jit3A_4001 : i32 to vector<16xi32>
    %broadcast_in_dim3A_4004 = vector.broadcast %jit3A_4002 : i32 to vector<16xi32>
    %select_n3A_4005 = arith.select %eq3A_4000, %broadcast_in_dim3A_4003, %broadcast_in_dim3A_4004 : vector<16xi1>, vector<16xi32>
    %add3A_4006 = arith.addi %broadcast_in_dim3A_3997, %select_n3A_4005 : vector<16xi32>
    %eq3A_4007 = arith.constant 26 : i32
    %eq3A_4008 = vector.broadcast %eq3A_4007 : i32 to vector<16xi32>
    %eq3A_4009 = arith.cmpi eq, %get3A_7, %eq3A_4008 : vector<16xi32>
    %jit3A_4010 = arith.constant 1 : i32
    %jit3A_4011 = arith.constant 0 : i32
    %broadcast_in_dim3A_4012 = vector.broadcast %jit3A_4010 : i32 to vector<16xi32>
    %broadcast_in_dim3A_4013 = vector.broadcast %jit3A_4011 : i32 to vector<16xi32>
    %select_n3A_4014 = arith.select %eq3A_4009, %broadcast_in_dim3A_4012, %broadcast_in_dim3A_4013 : vector<16xi1>, vector<16xi32>
    %add3A_4015 = arith.addi %add3A_4006, %select_n3A_4014 : vector<16xi32>
    %eq3A_4016 = arith.constant 26 : i32
    %eq3A_4017 = vector.broadcast %eq3A_4016 : i32 to vector<16xi32>
    %eq3A_4018 = arith.cmpi eq, %get3A_10, %eq3A_4017 : vector<16xi32>
    %jit3A_4019 = arith.constant 1 : i32
    %jit3A_4020 = arith.constant 0 : i32
    %broadcast_in_dim3A_4021 = vector.broadcast %jit3A_4019 : i32 to vector<16xi32>
    %broadcast_in_dim3A_4022 = vector.broadcast %jit3A_4020 : i32 to vector<16xi32>
    %select_n3A_4023 = arith.select %eq3A_4018, %broadcast_in_dim3A_4021, %broadcast_in_dim3A_4022 : vector<16xi1>, vector<16xi32>
    %add3A_4024 = arith.addi %add3A_4015, %select_n3A_4023 : vector<16xi32>
    %eq3A_4025 = arith.constant 26 : i32
    %eq3A_4026 = vector.broadcast %eq3A_4025 : i32 to vector<16xi32>
    %eq3A_4027 = arith.cmpi eq, %get3A_13, %eq3A_4026 : vector<16xi32>
    %jit3A_4028 = arith.constant 1 : i32
    %jit3A_4029 = arith.constant 0 : i32
    %broadcast_in_dim3A_4030 = vector.broadcast %jit3A_4028 : i32 to vector<16xi32>
    %broadcast_in_dim3A_4031 = vector.broadcast %jit3A_4029 : i32 to vector<16xi32>
    %select_n3A_4032 = arith.select %eq3A_4027, %broadcast_in_dim3A_4030, %broadcast_in_dim3A_4031 : vector<16xi1>, vector<16xi32>
    %add3A_4033 = arith.addi %add3A_4024, %select_n3A_4032 : vector<16xi32>
    %eq3A_4034 = arith.constant 26 : i32
    %eq3A_4035 = vector.broadcast %eq3A_4034 : i32 to vector<16xi32>
    %eq3A_4036 = arith.cmpi eq, %get3A_16, %eq3A_4035 : vector<16xi32>
    %jit3A_4037 = arith.constant 1 : i32
    %jit3A_4038 = arith.constant 0 : i32
    %broadcast_in_dim3A_4039 = vector.broadcast %jit3A_4037 : i32 to vector<16xi32>
    %broadcast_in_dim3A_4040 = vector.broadcast %jit3A_4038 : i32 to vector<16xi32>
    %select_n3A_4041 = arith.select %eq3A_4036, %broadcast_in_dim3A_4039, %broadcast_in_dim3A_4040 : vector<16xi1>, vector<16xi32>
    %add3A_4042 = arith.addi %add3A_4033, %select_n3A_4041 : vector<16xi32>
    %eq3A_4043 = arith.constant 26 : i32
    %eq3A_4044 = vector.broadcast %eq3A_4043 : i32 to vector<16xi32>
    %eq3A_4045 = arith.cmpi eq, %get3A_19, %eq3A_4044 : vector<16xi32>
    %jit3A_4046 = arith.constant 1 : i32
    %jit3A_4047 = arith.constant 0 : i32
    %broadcast_in_dim3A_4048 = vector.broadcast %jit3A_4046 : i32 to vector<16xi32>
    %broadcast_in_dim3A_4049 = vector.broadcast %jit3A_4047 : i32 to vector<16xi32>
    %select_n3A_4050 = arith.select %eq3A_4045, %broadcast_in_dim3A_4048, %broadcast_in_dim3A_4049 : vector<16xi1>, vector<16xi32>
    %add3A_4051 = arith.addi %add3A_4042, %select_n3A_4050 : vector<16xi32>
    %eq3A_4052 = arith.constant 26 : i32
    %eq3A_4053 = vector.broadcast %eq3A_4052 : i32 to vector<16xi32>
    %eq3A_4054 = arith.cmpi eq, %get3A_22, %eq3A_4053 : vector<16xi32>
    %jit3A_4055 = arith.constant 1 : i32
    %jit3A_4056 = arith.constant 0 : i32
    %broadcast_in_dim3A_4057 = vector.broadcast %jit3A_4055 : i32 to vector<16xi32>
    %broadcast_in_dim3A_4058 = vector.broadcast %jit3A_4056 : i32 to vector<16xi32>
    %select_n3A_4059 = arith.select %eq3A_4054, %broadcast_in_dim3A_4057, %broadcast_in_dim3A_4058 : vector<16xi1>, vector<16xi32>
    %add3A_4060 = arith.addi %add3A_4051, %select_n3A_4059 : vector<16xi32>
    %eq3A_4061 = arith.constant 26 : i32
    %eq3A_4062 = vector.broadcast %eq3A_4061 : i32 to vector<16xi32>
    %eq3A_4063 = arith.cmpi eq, %get3A_25, %eq3A_4062 : vector<16xi32>
    %jit3A_4064 = arith.constant 1 : i32
    %jit3A_4065 = arith.constant 0 : i32
    %broadcast_in_dim3A_4066 = vector.broadcast %jit3A_4064 : i32 to vector<16xi32>
    %broadcast_in_dim3A_4067 = vector.broadcast %jit3A_4065 : i32 to vector<16xi32>
    %select_n3A_4068 = arith.select %eq3A_4063, %broadcast_in_dim3A_4066, %broadcast_in_dim3A_4067 : vector<16xi1>, vector<16xi32>
    %add3A_4069 = arith.addi %add3A_4060, %select_n3A_4068 : vector<16xi32>
    %eq3A_4070 = arith.constant 26 : i32
    %eq3A_4071 = vector.broadcast %eq3A_4070 : i32 to vector<16xi32>
    %eq3A_4072 = arith.cmpi eq, %get3A_28, %eq3A_4071 : vector<16xi32>
    %jit3A_4073 = arith.constant 1 : i32
    %jit3A_4074 = arith.constant 0 : i32
    %broadcast_in_dim3A_4075 = vector.broadcast %jit3A_4073 : i32 to vector<16xi32>
    %broadcast_in_dim3A_4076 = vector.broadcast %jit3A_4074 : i32 to vector<16xi32>
    %select_n3A_4077 = arith.select %eq3A_4072, %broadcast_in_dim3A_4075, %broadcast_in_dim3A_4076 : vector<16xi1>, vector<16xi32>
    %add3A_4078 = arith.addi %add3A_4069, %select_n3A_4077 : vector<16xi32>
    %eq3A_4079 = arith.constant 26 : i32
    %eq3A_4080 = vector.broadcast %eq3A_4079 : i32 to vector<16xi32>
    %eq3A_4081 = arith.cmpi eq, %get3A_31, %eq3A_4080 : vector<16xi32>
    %jit3A_4082 = arith.constant 1 : i32
    %jit3A_4083 = arith.constant 0 : i32
    %broadcast_in_dim3A_4084 = vector.broadcast %jit3A_4082 : i32 to vector<16xi32>
    %broadcast_in_dim3A_4085 = vector.broadcast %jit3A_4083 : i32 to vector<16xi32>
    %select_n3A_4086 = arith.select %eq3A_4081, %broadcast_in_dim3A_4084, %broadcast_in_dim3A_4085 : vector<16xi1>, vector<16xi32>
    %add3A_4087 = arith.addi %add3A_4078, %select_n3A_4086 : vector<16xi32>
    %eq3A_4088 = arith.constant 26 : i32
    %eq3A_4089 = vector.broadcast %eq3A_4088 : i32 to vector<16xi32>
    %eq3A_4090 = arith.cmpi eq, %get3A_34, %eq3A_4089 : vector<16xi32>
    %jit3A_4091 = arith.constant 1 : i32
    %jit3A_4092 = arith.constant 0 : i32
    %broadcast_in_dim3A_4093 = vector.broadcast %jit3A_4091 : i32 to vector<16xi32>
    %broadcast_in_dim3A_4094 = vector.broadcast %jit3A_4092 : i32 to vector<16xi32>
    %select_n3A_4095 = arith.select %eq3A_4090, %broadcast_in_dim3A_4093, %broadcast_in_dim3A_4094 : vector<16xi1>, vector<16xi32>
    %add3A_4096 = arith.addi %add3A_4087, %select_n3A_4095 : vector<16xi32>
    %eq3A_4097 = arith.constant 26 : i32
    %eq3A_4098 = vector.broadcast %eq3A_4097 : i32 to vector<16xi32>
    %eq3A_4099 = arith.cmpi eq, %get3A_37, %eq3A_4098 : vector<16xi32>
    %jit3A_4100 = arith.constant 1 : i32
    %jit3A_4101 = arith.constant 0 : i32
    %broadcast_in_dim3A_4102 = vector.broadcast %jit3A_4100 : i32 to vector<16xi32>
    %broadcast_in_dim3A_4103 = vector.broadcast %jit3A_4101 : i32 to vector<16xi32>
    %select_n3A_4104 = arith.select %eq3A_4099, %broadcast_in_dim3A_4102, %broadcast_in_dim3A_4103 : vector<16xi1>, vector<16xi32>
    %add3A_4105 = arith.addi %add3A_4096, %select_n3A_4104 : vector<16xi32>
    %eq3A_4106 = arith.constant 26 : i32
    %eq3A_4107 = vector.broadcast %eq3A_4106 : i32 to vector<16xi32>
    %eq3A_4108 = arith.cmpi eq, %get3A_40, %eq3A_4107 : vector<16xi32>
    %jit3A_4109 = arith.constant 1 : i32
    %jit3A_4110 = arith.constant 0 : i32
    %broadcast_in_dim3A_4111 = vector.broadcast %jit3A_4109 : i32 to vector<16xi32>
    %broadcast_in_dim3A_4112 = vector.broadcast %jit3A_4110 : i32 to vector<16xi32>
    %select_n3A_4113 = arith.select %eq3A_4108, %broadcast_in_dim3A_4111, %broadcast_in_dim3A_4112 : vector<16xi1>, vector<16xi32>
    %add3A_4114 = arith.addi %add3A_4105, %select_n3A_4113 : vector<16xi32>
    %eq3A_4115 = arith.constant 26 : i32
    %eq3A_4116 = vector.broadcast %eq3A_4115 : i32 to vector<16xi32>
    %eq3A_4117 = arith.cmpi eq, %get3A_43, %eq3A_4116 : vector<16xi32>
    %jit3A_4118 = arith.constant 1 : i32
    %jit3A_4119 = arith.constant 0 : i32
    %broadcast_in_dim3A_4120 = vector.broadcast %jit3A_4118 : i32 to vector<16xi32>
    %broadcast_in_dim3A_4121 = vector.broadcast %jit3A_4119 : i32 to vector<16xi32>
    %select_n3A_4122 = arith.select %eq3A_4117, %broadcast_in_dim3A_4120, %broadcast_in_dim3A_4121 : vector<16xi1>, vector<16xi32>
    %add3A_4123 = arith.addi %add3A_4114, %select_n3A_4122 : vector<16xi32>
    %eq3A_4124 = arith.constant 26 : i32
    %eq3A_4125 = vector.broadcast %eq3A_4124 : i32 to vector<16xi32>
    %eq3A_4126 = arith.cmpi eq, %get3A_46, %eq3A_4125 : vector<16xi32>
    %jit3A_4127 = arith.constant 1 : i32
    %jit3A_4128 = arith.constant 0 : i32
    %broadcast_in_dim3A_4129 = vector.broadcast %jit3A_4127 : i32 to vector<16xi32>
    %broadcast_in_dim3A_4130 = vector.broadcast %jit3A_4128 : i32 to vector<16xi32>
    %select_n3A_4131 = arith.select %eq3A_4126, %broadcast_in_dim3A_4129, %broadcast_in_dim3A_4130 : vector<16xi1>, vector<16xi32>
    %add3A_4132 = arith.addi %add3A_4123, %select_n3A_4131 : vector<16xi32>
    %eq3A_4133 = arith.constant 26 : i32
    %eq3A_4134 = vector.broadcast %eq3A_4133 : i32 to vector<16xi32>
    %eq3A_4135 = arith.cmpi eq, %get3A_49, %eq3A_4134 : vector<16xi32>
    %jit3A_4136 = arith.constant 1 : i32
    %jit3A_4137 = arith.constant 0 : i32
    %broadcast_in_dim3A_4138 = vector.broadcast %jit3A_4136 : i32 to vector<16xi32>
    %broadcast_in_dim3A_4139 = vector.broadcast %jit3A_4137 : i32 to vector<16xi32>
    %select_n3A_4140 = arith.select %eq3A_4135, %broadcast_in_dim3A_4138, %broadcast_in_dim3A_4139 : vector<16xi1>, vector<16xi32>
    %add3A_4141 = arith.addi %add3A_4132, %select_n3A_4140 : vector<16xi32>
    %swap3A_4142 = arith.constant 26 : i32
    %swap3A_4143 = arith.index_cast %swap3A_4142 : i32 to index
    %swap3A_4144 = arith.constant 0 : index
    %swap3A_4145 = tpu.vector_load %arg5[%swap3A_4143, %swap3A_4144] {strides = array<i32>} : memref<32x16xi32, #tpu.memory_space<vmem>>, vector<1x16xi32>,
    %swap3A_4146 = vector.shape_cast %swap3A_4145 : vector<1x16xi32> to vector<16xi32>
    %swap3A_4147 = vector.shape_cast %add3A_4141 : vector<16xi32> to vector<1x16xi32>
    tpu.vector_store %arg5[%swap3A_4143, %swap3A_4144], %swap3A_4147 {strides = array<i32>} : memref<32x16xi32, #tpu.memory_space<vmem>>, vector<1x16xi32>,
    %broadcast_in_dim3A_4148 = arith.constant 0 : i32
    %broadcast_in_dim3A_4149 = vector.broadcast %broadcast_in_dim3A_4148 : i32 to vector<16xi32>
    %eq3A_4150 = arith.constant 27 : i32
    %eq3A_4151 = vector.broadcast %eq3A_4150 : i32 to vector<16xi32>
    %eq3A_4152 = arith.cmpi eq, %get3A_4, %eq3A_4151 : vector<16xi32>
    %jit3A_4153 = arith.constant 1 : i32
    %jit3A_4154 = arith.constant 0 : i32
    %broadcast_in_dim3A_4155 = vector.broadcast %jit3A_4153 : i32 to vector<16xi32>
    %broadcast_in_dim3A_4156 = vector.broadcast %jit3A_4154 : i32 to vector<16xi32>
    %select_n3A_4157 = arith.select %eq3A_4152, %broadcast_in_dim3A_4155, %broadcast_in_dim3A_4156 : vector<16xi1>, vector<16xi32>
    %add3A_4158 = arith.addi %broadcast_in_dim3A_4149, %select_n3A_4157 : vector<16xi32>
    %eq3A_4159 = arith.constant 27 : i32
    %eq3A_4160 = vector.broadcast %eq3A_4159 : i32 to vector<16xi32>
    %eq3A_4161 = arith.cmpi eq, %get3A_7, %eq3A_4160 : vector<16xi32>
    %jit3A_4162 = arith.constant 1 : i32
    %jit3A_4163 = arith.constant 0 : i32
    %broadcast_in_dim3A_4164 = vector.broadcast %jit3A_4162 : i32 to vector<16xi32>
    %broadcast_in_dim3A_4165 = vector.broadcast %jit3A_4163 : i32 to vector<16xi32>
    %select_n3A_4166 = arith.select %eq3A_4161, %broadcast_in_dim3A_4164, %broadcast_in_dim3A_4165 : vector<16xi1>, vector<16xi32>
    %add3A_4167 = arith.addi %add3A_4158, %select_n3A_4166 : vector<16xi32>
    %eq3A_4168 = arith.constant 27 : i32
    %eq3A_4169 = vector.broadcast %eq3A_4168 : i32 to vector<16xi32>
    %eq3A_4170 = arith.cmpi eq, %get3A_10, %eq3A_4169 : vector<16xi32>
    %jit3A_4171 = arith.constant 1 : i32
    %jit3A_4172 = arith.constant 0 : i32
    %broadcast_in_dim3A_4173 = vector.broadcast %jit3A_4171 : i32 to vector<16xi32>
    %broadcast_in_dim3A_4174 = vector.broadcast %jit3A_4172 : i32 to vector<16xi32>
    %select_n3A_4175 = arith.select %eq3A_4170, %broadcast_in_dim3A_4173, %broadcast_in_dim3A_4174 : vector<16xi1>, vector<16xi32>
    %add3A_4176 = arith.addi %add3A_4167, %select_n3A_4175 : vector<16xi32>
    %eq3A_4177 = arith.constant 27 : i32
    %eq3A_4178 = vector.broadcast %eq3A_4177 : i32 to vector<16xi32>
    %eq3A_4179 = arith.cmpi eq, %get3A_13, %eq3A_4178 : vector<16xi32>
    %jit3A_4180 = arith.constant 1 : i32
    %jit3A_4181 = arith.constant 0 : i32
    %broadcast_in_dim3A_4182 = vector.broadcast %jit3A_4180 : i32 to vector<16xi32>
    %broadcast_in_dim3A_4183 = vector.broadcast %jit3A_4181 : i32 to vector<16xi32>
    %select_n3A_4184 = arith.select %eq3A_4179, %broadcast_in_dim3A_4182, %broadcast_in_dim3A_4183 : vector<16xi1>, vector<16xi32>
    %add3A_4185 = arith.addi %add3A_4176, %select_n3A_4184 : vector<16xi32>
    %eq3A_4186 = arith.constant 27 : i32
    %eq3A_4187 = vector.broadcast %eq3A_4186 : i32 to vector<16xi32>
    %eq3A_4188 = arith.cmpi eq, %get3A_16, %eq3A_4187 : vector<16xi32>
    %jit3A_4189 = arith.constant 1 : i32
    %jit3A_4190 = arith.constant 0 : i32
    %broadcast_in_dim3A_4191 = vector.broadcast %jit3A_4189 : i32 to vector<16xi32>
    %broadcast_in_dim3A_4192 = vector.broadcast %jit3A_4190 : i32 to vector<16xi32>
    %select_n3A_4193 = arith.select %eq3A_4188, %broadcast_in_dim3A_4191, %broadcast_in_dim3A_4192 : vector<16xi1>, vector<16xi32>
    %add3A_4194 = arith.addi %add3A_4185, %select_n3A_4193 : vector<16xi32>
    %eq3A_4195 = arith.constant 27 : i32
    %eq3A_4196 = vector.broadcast %eq3A_4195 : i32 to vector<16xi32>
    %eq3A_4197 = arith.cmpi eq, %get3A_19, %eq3A_4196 : vector<16xi32>
    %jit3A_4198 = arith.constant 1 : i32
    %jit3A_4199 = arith.constant 0 : i32
    %broadcast_in_dim3A_4200 = vector.broadcast %jit3A_4198 : i32 to vector<16xi32>
    %broadcast_in_dim3A_4201 = vector.broadcast %jit3A_4199 : i32 to vector<16xi32>
    %select_n3A_4202 = arith.select %eq3A_4197, %broadcast_in_dim3A_4200, %broadcast_in_dim3A_4201 : vector<16xi1>, vector<16xi32>
    %add3A_4203 = arith.addi %add3A_4194, %select_n3A_4202 : vector<16xi32>
    %eq3A_4204 = arith.constant 27 : i32
    %eq3A_4205 = vector.broadcast %eq3A_4204 : i32 to vector<16xi32>
    %eq3A_4206 = arith.cmpi eq, %get3A_22, %eq3A_4205 : vector<16xi32>
    %jit3A_4207 = arith.constant 1 : i32
    %jit3A_4208 = arith.constant 0 : i32
    %broadcast_in_dim3A_4209 = vector.broadcast %jit3A_4207 : i32 to vector<16xi32>
    %broadcast_in_dim3A_4210 = vector.broadcast %jit3A_4208 : i32 to vector<16xi32>
    %select_n3A_4211 = arith.select %eq3A_4206, %broadcast_in_dim3A_4209, %broadcast_in_dim3A_4210 : vector<16xi1>, vector<16xi32>
    %add3A_4212 = arith.addi %add3A_4203, %select_n3A_4211 : vector<16xi32>
    %eq3A_4213 = arith.constant 27 : i32
    %eq3A_4214 = vector.broadcast %eq3A_4213 : i32 to vector<16xi32>
    %eq3A_4215 = arith.cmpi eq, %get3A_25, %eq3A_4214 : vector<16xi32>
    %jit3A_4216 = arith.constant 1 : i32
    %jit3A_4217 = arith.constant 0 : i32
    %broadcast_in_dim3A_4218 = vector.broadcast %jit3A_4216 : i32 to vector<16xi32>
    %broadcast_in_dim3A_4219 = vector.broadcast %jit3A_4217 : i32 to vector<16xi32>
    %select_n3A_4220 = arith.select %eq3A_4215, %broadcast_in_dim3A_4218, %broadcast_in_dim3A_4219 : vector<16xi1>, vector<16xi32>
    %add3A_4221 = arith.addi %add3A_4212, %select_n3A_4220 : vector<16xi32>
    %eq3A_4222 = arith.constant 27 : i32
    %eq3A_4223 = vector.broadcast %eq3A_4222 : i32 to vector<16xi32>
    %eq3A_4224 = arith.cmpi eq, %get3A_28, %eq3A_4223 : vector<16xi32>
    %jit3A_4225 = arith.constant 1 : i32
    %jit3A_4226 = arith.constant 0 : i32
    %broadcast_in_dim3A_4227 = vector.broadcast %jit3A_4225 : i32 to vector<16xi32>
    %broadcast_in_dim3A_4228 = vector.broadcast %jit3A_4226 : i32 to vector<16xi32>
    %select_n3A_4229 = arith.select %eq3A_4224, %broadcast_in_dim3A_4227, %broadcast_in_dim3A_4228 : vector<16xi1>, vector<16xi32>
    %add3A_4230 = arith.addi %add3A_4221, %select_n3A_4229 : vector<16xi32>
    %eq3A_4231 = arith.constant 27 : i32
    %eq3A_4232 = vector.broadcast %eq3A_4231 : i32 to vector<16xi32>
    %eq3A_4233 = arith.cmpi eq, %get3A_31, %eq3A_4232 : vector<16xi32>
    %jit3A_4234 = arith.constant 1 : i32
    %jit3A_4235 = arith.constant 0 : i32
    %broadcast_in_dim3A_4236 = vector.broadcast %jit3A_4234 : i32 to vector<16xi32>
    %broadcast_in_dim3A_4237 = vector.broadcast %jit3A_4235 : i32 to vector<16xi32>
    %select_n3A_4238 = arith.select %eq3A_4233, %broadcast_in_dim3A_4236, %broadcast_in_dim3A_4237 : vector<16xi1>, vector<16xi32>
    %add3A_4239 = arith.addi %add3A_4230, %select_n3A_4238 : vector<16xi32>
    %eq3A_4240 = arith.constant 27 : i32
    %eq3A_4241 = vector.broadcast %eq3A_4240 : i32 to vector<16xi32>
    %eq3A_4242 = arith.cmpi eq, %get3A_34, %eq3A_4241 : vector<16xi32>
    %jit3A_4243 = arith.constant 1 : i32
    %jit3A_4244 = arith.constant 0 : i32
    %broadcast_in_dim3A_4245 = vector.broadcast %jit3A_4243 : i32 to vector<16xi32>
    %broadcast_in_dim3A_4246 = vector.broadcast %jit3A_4244 : i32 to vector<16xi32>
    %select_n3A_4247 = arith.select %eq3A_4242, %broadcast_in_dim3A_4245, %broadcast_in_dim3A_4246 : vector<16xi1>, vector<16xi32>
    %add3A_4248 = arith.addi %add3A_4239, %select_n3A_4247 : vector<16xi32>
    %eq3A_4249 = arith.constant 27 : i32
    %eq3A_4250 = vector.broadcast %eq3A_4249 : i32 to vector<16xi32>
    %eq3A_4251 = arith.cmpi eq, %get3A_37, %eq3A_4250 : vector<16xi32>
    %jit3A_4252 = arith.constant 1 : i32
    %jit3A_4253 = arith.constant 0 : i32
    %broadcast_in_dim3A_4254 = vector.broadcast %jit3A_4252 : i32 to vector<16xi32>
    %broadcast_in_dim3A_4255 = vector.broadcast %jit3A_4253 : i32 to vector<16xi32>
    %select_n3A_4256 = arith.select %eq3A_4251, %broadcast_in_dim3A_4254, %broadcast_in_dim3A_4255 : vector<16xi1>, vector<16xi32>
    %add3A_4257 = arith.addi %add3A_4248, %select_n3A_4256 : vector<16xi32>
    %eq3A_4258 = arith.constant 27 : i32
    %eq3A_4259 = vector.broadcast %eq3A_4258 : i32 to vector<16xi32>
    %eq3A_4260 = arith.cmpi eq, %get3A_40, %eq3A_4259 : vector<16xi32>
    %jit3A_4261 = arith.constant 1 : i32
    %jit3A_4262 = arith.constant 0 : i32
    %broadcast_in_dim3A_4263 = vector.broadcast %jit3A_4261 : i32 to vector<16xi32>
    %broadcast_in_dim3A_4264 = vector.broadcast %jit3A_4262 : i32 to vector<16xi32>
    %select_n3A_4265 = arith.select %eq3A_4260, %broadcast_in_dim3A_4263, %broadcast_in_dim3A_4264 : vector<16xi1>, vector<16xi32>
    %add3A_4266 = arith.addi %add3A_4257, %select_n3A_4265 : vector<16xi32>
    %eq3A_4267 = arith.constant 27 : i32
    %eq3A_4268 = vector.broadcast %eq3A_4267 : i32 to vector<16xi32>
    %eq3A_4269 = arith.cmpi eq, %get3A_43, %eq3A_4268 : vector<16xi32>
    %jit3A_4270 = arith.constant 1 : i32
    %jit3A_4271 = arith.constant 0 : i32
    %broadcast_in_dim3A_4272 = vector.broadcast %jit3A_4270 : i32 to vector<16xi32>
    %broadcast_in_dim3A_4273 = vector.broadcast %jit3A_4271 : i32 to vector<16xi32>
    %select_n3A_4274 = arith.select %eq3A_4269, %broadcast_in_dim3A_4272, %broadcast_in_dim3A_4273 : vector<16xi1>, vector<16xi32>
    %add3A_4275 = arith.addi %add3A_4266, %select_n3A_4274 : vector<16xi32>
    %eq3A_4276 = arith.constant 27 : i32
    %eq3A_4277 = vector.broadcast %eq3A_4276 : i32 to vector<16xi32>
    %eq3A_4278 = arith.cmpi eq, %get3A_46, %eq3A_4277 : vector<16xi32>
    %jit3A_4279 = arith.constant 1 : i32
    %jit3A_4280 = arith.constant 0 : i32
    %broadcast_in_dim3A_4281 = vector.broadcast %jit3A_4279 : i32 to vector<16xi32>
    %broadcast_in_dim3A_4282 = vector.broadcast %jit3A_4280 : i32 to vector<16xi32>
    %select_n3A_4283 = arith.select %eq3A_4278, %broadcast_in_dim3A_4281, %broadcast_in_dim3A_4282 : vector<16xi1>, vector<16xi32>
    %add3A_4284 = arith.addi %add3A_4275, %select_n3A_4283 : vector<16xi32>
    %eq3A_4285 = arith.constant 27 : i32
    %eq3A_4286 = vector.broadcast %eq3A_4285 : i32 to vector<16xi32>
    %eq3A_4287 = arith.cmpi eq, %get3A_49, %eq3A_4286 : vector<16xi32>
    %jit3A_4288 = arith.constant 1 : i32
    %jit3A_4289 = arith.constant 0 : i32
    %broadcast_in_dim3A_4290 = vector.broadcast %jit3A_4288 : i32 to vector<16xi32>
    %broadcast_in_dim3A_4291 = vector.broadcast %jit3A_4289 : i32 to vector<16xi32>
    %select_n3A_4292 = arith.select %eq3A_4287, %broadcast_in_dim3A_4290, %broadcast_in_dim3A_4291 : vector<16xi1>, vector<16xi32>
    %add3A_4293 = arith.addi %add3A_4284, %select_n3A_4292 : vector<16xi32>
    %swap3A_4294 = arith.constant 27 : i32
    %swap3A_4295 = arith.index_cast %swap3A_4294 : i32 to index
    %swap3A_4296 = arith.constant 0 : index
    %swap3A_4297 = tpu.vector_load %arg5[%swap3A_4295, %swap3A_4296] {strides = array<i32>} : memref<32x16xi32, #tpu.memory_space<vmem>>, vector<1x16xi32>,
    %swap3A_4298 = vector.shape_cast %swap3A_4297 : vector<1x16xi32> to vector<16xi32>
    %swap3A_4299 = vector.shape_cast %add3A_4293 : vector<16xi32> to vector<1x16xi32>
    tpu.vector_store %arg5[%swap3A_4295, %swap3A_4296], %swap3A_4299 {strides = array<i32>} : memref<32x16xi32, #tpu.memory_space<vmem>>, vector<1x16xi32>,
    %broadcast_in_dim3A_4300 = arith.constant 0 : i32
    %broadcast_in_dim3A_4301 = vector.broadcast %broadcast_in_dim3A_4300 : i32 to vector<16xi32>
    %eq3A_4302 = arith.constant 28 : i32
    %eq3A_4303 = vector.broadcast %eq3A_4302 : i32 to vector<16xi32>
    %eq3A_4304 = arith.cmpi eq, %get3A_4, %eq3A_4303 : vector<16xi32>
    %jit3A_4305 = arith.constant 1 : i32
    %jit3A_4306 = arith.constant 0 : i32
    %broadcast_in_dim3A_4307 = vector.broadcast %jit3A_4305 : i32 to vector<16xi32>
    %broadcast_in_dim3A_4308 = vector.broadcast %jit3A_4306 : i32 to vector<16xi32>
    %select_n3A_4309 = arith.select %eq3A_4304, %broadcast_in_dim3A_4307, %broadcast_in_dim3A_4308 : vector<16xi1>, vector<16xi32>
    %add3A_4310 = arith.addi %broadcast_in_dim3A_4301, %select_n3A_4309 : vector<16xi32>
    %eq3A_4311 = arith.constant 28 : i32
    %eq3A_4312 = vector.broadcast %eq3A_4311 : i32 to vector<16xi32>
    %eq3A_4313 = arith.cmpi eq, %get3A_7, %eq3A_4312 : vector<16xi32>
    %jit3A_4314 = arith.constant 1 : i32
    %jit3A_4315 = arith.constant 0 : i32
    %broadcast_in_dim3A_4316 = vector.broadcast %jit3A_4314 : i32 to vector<16xi32>
    %broadcast_in_dim3A_4317 = vector.broadcast %jit3A_4315 : i32 to vector<16xi32>
    %select_n3A_4318 = arith.select %eq3A_4313, %broadcast_in_dim3A_4316, %broadcast_in_dim3A_4317 : vector<16xi1>, vector<16xi32>
    %add3A_4319 = arith.addi %add3A_4310, %select_n3A_4318 : vector<16xi32>
    %eq3A_4320 = arith.constant 28 : i32
    %eq3A_4321 = vector.broadcast %eq3A_4320 : i32 to vector<16xi32>
    %eq3A_4322 = arith.cmpi eq, %get3A_10, %eq3A_4321 : vector<16xi32>
    %jit3A_4323 = arith.constant 1 : i32
    %jit3A_4324 = arith.constant 0 : i32
    %broadcast_in_dim3A_4325 = vector.broadcast %jit3A_4323 : i32 to vector<16xi32>
    %broadcast_in_dim3A_4326 = vector.broadcast %jit3A_4324 : i32 to vector<16xi32>
    %select_n3A_4327 = arith.select %eq3A_4322, %broadcast_in_dim3A_4325, %broadcast_in_dim3A_4326 : vector<16xi1>, vector<16xi32>
    %add3A_4328 = arith.addi %add3A_4319, %select_n3A_4327 : vector<16xi32>
    %eq3A_4329 = arith.constant 28 : i32
    %eq3A_4330 = vector.broadcast %eq3A_4329 : i32 to vector<16xi32>
    %eq3A_4331 = arith.cmpi eq, %get3A_13, %eq3A_4330 : vector<16xi32>
    %jit3A_4332 = arith.constant 1 : i32
    %jit3A_4333 = arith.constant 0 : i32
    %broadcast_in_dim3A_4334 = vector.broadcast %jit3A_4332 : i32 to vector<16xi32>
    %broadcast_in_dim3A_4335 = vector.broadcast %jit3A_4333 : i32 to vector<16xi32>
    %select_n3A_4336 = arith.select %eq3A_4331, %broadcast_in_dim3A_4334, %broadcast_in_dim3A_4335 : vector<16xi1>, vector<16xi32>
    %add3A_4337 = arith.addi %add3A_4328, %select_n3A_4336 : vector<16xi32>
    %eq3A_4338 = arith.constant 28 : i32
    %eq3A_4339 = vector.broadcast %eq3A_4338 : i32 to vector<16xi32>
    %eq3A_4340 = arith.cmpi eq, %get3A_16, %eq3A_4339 : vector<16xi32>
    %jit3A_4341 = arith.constant 1 : i32
    %jit3A_4342 = arith.constant 0 : i32
    %broadcast_in_dim3A_4343 = vector.broadcast %jit3A_4341 : i32 to vector<16xi32>
    %broadcast_in_dim3A_4344 = vector.broadcast %jit3A_4342 : i32 to vector<16xi32>
    %select_n3A_4345 = arith.select %eq3A_4340, %broadcast_in_dim3A_4343, %broadcast_in_dim3A_4344 : vector<16xi1>, vector<16xi32>
    %add3A_4346 = arith.addi %add3A_4337, %select_n3A_4345 : vector<16xi32>
    %eq3A_4347 = arith.constant 28 : i32
    %eq3A_4348 = vector.broadcast %eq3A_4347 : i32 to vector<16xi32>
    %eq3A_4349 = arith.cmpi eq, %get3A_19, %eq3A_4348 : vector<16xi32>
    %jit3A_4350 = arith.constant 1 : i32
    %jit3A_4351 = arith.constant 0 : i32
    %broadcast_in_dim3A_4352 = vector.broadcast %jit3A_4350 : i32 to vector<16xi32>
    %broadcast_in_dim3A_4353 = vector.broadcast %jit3A_4351 : i32 to vector<16xi32>
    %select_n3A_4354 = arith.select %eq3A_4349, %broadcast_in_dim3A_4352, %broadcast_in_dim3A_4353 : vector<16xi1>, vector<16xi32>
    %add3A_4355 = arith.addi %add3A_4346, %select_n3A_4354 : vector<16xi32>
    %eq3A_4356 = arith.constant 28 : i32
    %eq3A_4357 = vector.broadcast %eq3A_4356 : i32 to vector<16xi32>
    %eq3A_4358 = arith.cmpi eq, %get3A_22, %eq3A_4357 : vector<16xi32>
    %jit3A_4359 = arith.constant 1 : i32
    %jit3A_4360 = arith.constant 0 : i32
    %broadcast_in_dim3A_4361 = vector.broadcast %jit3A_4359 : i32 to vector<16xi32>
    %broadcast_in_dim3A_4362 = vector.broadcast %jit3A_4360 : i32 to vector<16xi32>
    %select_n3A_4363 = arith.select %eq3A_4358, %broadcast_in_dim3A_4361, %broadcast_in_dim3A_4362 : vector<16xi1>, vector<16xi32>
    %add3A_4364 = arith.addi %add3A_4355, %select_n3A_4363 : vector<16xi32>
    %eq3A_4365 = arith.constant 28 : i32
    %eq3A_4366 = vector.broadcast %eq3A_4365 : i32 to vector<16xi32>
    %eq3A_4367 = arith.cmpi eq, %get3A_25, %eq3A_4366 : vector<16xi32>
    %jit3A_4368 = arith.constant 1 : i32
    %jit3A_4369 = arith.constant 0 : i32
    %broadcast_in_dim3A_4370 = vector.broadcast %jit3A_4368 : i32 to vector<16xi32>
    %broadcast_in_dim3A_4371 = vector.broadcast %jit3A_4369 : i32 to vector<16xi32>
    %select_n3A_4372 = arith.select %eq3A_4367, %broadcast_in_dim3A_4370, %broadcast_in_dim3A_4371 : vector<16xi1>, vector<16xi32>
    %add3A_4373 = arith.addi %add3A_4364, %select_n3A_4372 : vector<16xi32>
    %eq3A_4374 = arith.constant 28 : i32
    %eq3A_4375 = vector.broadcast %eq3A_4374 : i32 to vector<16xi32>
    %eq3A_4376 = arith.cmpi eq, %get3A_28, %eq3A_4375 : vector<16xi32>
    %jit3A_4377 = arith.constant 1 : i32
    %jit3A_4378 = arith.constant 0 : i32
    %broadcast_in_dim3A_4379 = vector.broadcast %jit3A_4377 : i32 to vector<16xi32>
    %broadcast_in_dim3A_4380 = vector.broadcast %jit3A_4378 : i32 to vector<16xi32>
    %select_n3A_4381 = arith.select %eq3A_4376, %broadcast_in_dim3A_4379, %broadcast_in_dim3A_4380 : vector<16xi1>, vector<16xi32>
    %add3A_4382 = arith.addi %add3A_4373, %select_n3A_4381 : vector<16xi32>
    %eq3A_4383 = arith.constant 28 : i32
    %eq3A_4384 = vector.broadcast %eq3A_4383 : i32 to vector<16xi32>
    %eq3A_4385 = arith.cmpi eq, %get3A_31, %eq3A_4384 : vector<16xi32>
    %jit3A_4386 = arith.constant 1 : i32
    %jit3A_4387 = arith.constant 0 : i32
    %broadcast_in_dim3A_4388 = vector.broadcast %jit3A_4386 : i32 to vector<16xi32>
    %broadcast_in_dim3A_4389 = vector.broadcast %jit3A_4387 : i32 to vector<16xi32>
    %select_n3A_4390 = arith.select %eq3A_4385, %broadcast_in_dim3A_4388, %broadcast_in_dim3A_4389 : vector<16xi1>, vector<16xi32>
    %add3A_4391 = arith.addi %add3A_4382, %select_n3A_4390 : vector<16xi32>
    %eq3A_4392 = arith.constant 28 : i32
    %eq3A_4393 = vector.broadcast %eq3A_4392 : i32 to vector<16xi32>
    %eq3A_4394 = arith.cmpi eq, %get3A_34, %eq3A_4393 : vector<16xi32>
    %jit3A_4395 = arith.constant 1 : i32
    %jit3A_4396 = arith.constant 0 : i32
    %broadcast_in_dim3A_4397 = vector.broadcast %jit3A_4395 : i32 to vector<16xi32>
    %broadcast_in_dim3A_4398 = vector.broadcast %jit3A_4396 : i32 to vector<16xi32>
    %select_n3A_4399 = arith.select %eq3A_4394, %broadcast_in_dim3A_4397, %broadcast_in_dim3A_4398 : vector<16xi1>, vector<16xi32>
    %add3A_4400 = arith.addi %add3A_4391, %select_n3A_4399 : vector<16xi32>
    %eq3A_4401 = arith.constant 28 : i32
    %eq3A_4402 = vector.broadcast %eq3A_4401 : i32 to vector<16xi32>
    %eq3A_4403 = arith.cmpi eq, %get3A_37, %eq3A_4402 : vector<16xi32>
    %jit3A_4404 = arith.constant 1 : i32
    %jit3A_4405 = arith.constant 0 : i32
    %broadcast_in_dim3A_4406 = vector.broadcast %jit3A_4404 : i32 to vector<16xi32>
    %broadcast_in_dim3A_4407 = vector.broadcast %jit3A_4405 : i32 to vector<16xi32>
    %select_n3A_4408 = arith.select %eq3A_4403, %broadcast_in_dim3A_4406, %broadcast_in_dim3A_4407 : vector<16xi1>, vector<16xi32>
    %add3A_4409 = arith.addi %add3A_4400, %select_n3A_4408 : vector<16xi32>
    %eq3A_4410 = arith.constant 28 : i32
    %eq3A_4411 = vector.broadcast %eq3A_4410 : i32 to vector<16xi32>
    %eq3A_4412 = arith.cmpi eq, %get3A_40, %eq3A_4411 : vector<16xi32>
    %jit3A_4413 = arith.constant 1 : i32
    %jit3A_4414 = arith.constant 0 : i32
    %broadcast_in_dim3A_4415 = vector.broadcast %jit3A_4413 : i32 to vector<16xi32>
    %broadcast_in_dim3A_4416 = vector.broadcast %jit3A_4414 : i32 to vector<16xi32>
    %select_n3A_4417 = arith.select %eq3A_4412, %broadcast_in_dim3A_4415, %broadcast_in_dim3A_4416 : vector<16xi1>, vector<16xi32>
    %add3A_4418 = arith.addi %add3A_4409, %select_n3A_4417 : vector<16xi32>
    %eq3A_4419 = arith.constant 28 : i32
    %eq3A_4420 = vector.broadcast %eq3A_4419 : i32 to vector<16xi32>
    %eq3A_4421 = arith.cmpi eq, %get3A_43, %eq3A_4420 : vector<16xi32>
    %jit3A_4422 = arith.constant 1 : i32
    %jit3A_4423 = arith.constant 0 : i32
    %broadcast_in_dim3A_4424 = vector.broadcast %jit3A_4422 : i32 to vector<16xi32>
    %broadcast_in_dim3A_4425 = vector.broadcast %jit3A_4423 : i32 to vector<16xi32>
    %select_n3A_4426 = arith.select %eq3A_4421, %broadcast_in_dim3A_4424, %broadcast_in_dim3A_4425 : vector<16xi1>, vector<16xi32>
    %add3A_4427 = arith.addi %add3A_4418, %select_n3A_4426 : vector<16xi32>
    %eq3A_4428 = arith.constant 28 : i32
    %eq3A_4429 = vector.broadcast %eq3A_4428 : i32 to vector<16xi32>
    %eq3A_4430 = arith.cmpi eq, %get3A_46, %eq3A_4429 : vector<16xi32>
    %jit3A_4431 = arith.constant 1 : i32
    %jit3A_4432 = arith.constant 0 : i32
    %broadcast_in_dim3A_4433 = vector.broadcast %jit3A_4431 : i32 to vector<16xi32>
    %broadcast_in_dim3A_4434 = vector.broadcast %jit3A_4432 : i32 to vector<16xi32>
    %select_n3A_4435 = arith.select %eq3A_4430, %broadcast_in_dim3A_4433, %broadcast_in_dim3A_4434 : vector<16xi1>, vector<16xi32>
    %add3A_4436 = arith.addi %add3A_4427, %select_n3A_4435 : vector<16xi32>
    %eq3A_4437 = arith.constant 28 : i32
    %eq3A_4438 = vector.broadcast %eq3A_4437 : i32 to vector<16xi32>
    %eq3A_4439 = arith.cmpi eq, %get3A_49, %eq3A_4438 : vector<16xi32>
    %jit3A_4440 = arith.constant 1 : i32
    %jit3A_4441 = arith.constant 0 : i32
    %broadcast_in_dim3A_4442 = vector.broadcast %jit3A_4440 : i32 to vector<16xi32>
    %broadcast_in_dim3A_4443 = vector.broadcast %jit3A_4441 : i32 to vector<16xi32>
    %select_n3A_4444 = arith.select %eq3A_4439, %broadcast_in_dim3A_4442, %broadcast_in_dim3A_4443 : vector<16xi1>, vector<16xi32>
    %add3A_4445 = arith.addi %add3A_4436, %select_n3A_4444 : vector<16xi32>
    %swap3A_4446 = arith.constant 28 : i32
    %swap3A_4447 = arith.index_cast %swap3A_4446 : i32 to index
    %swap3A_4448 = arith.constant 0 : index
    %swap3A_4449 = tpu.vector_load %arg5[%swap3A_4447, %swap3A_4448] {strides = array<i32>} : memref<32x16xi32, #tpu.memory_space<vmem>>, vector<1x16xi32>,
    %swap3A_4450 = vector.shape_cast %swap3A_4449 : vector<1x16xi32> to vector<16xi32>
    %swap3A_4451 = vector.shape_cast %add3A_4445 : vector<16xi32> to vector<1x16xi32>
    tpu.vector_store %arg5[%swap3A_4447, %swap3A_4448], %swap3A_4451 {strides = array<i32>} : memref<32x16xi32, #tpu.memory_space<vmem>>, vector<1x16xi32>,
    %broadcast_in_dim3A_4452 = arith.constant 0 : i32
    %broadcast_in_dim3A_4453 = vector.broadcast %broadcast_in_dim3A_4452 : i32 to vector<16xi32>
    %eq3A_4454 = arith.constant 29 : i32
    %eq3A_4455 = vector.broadcast %eq3A_4454 : i32 to vector<16xi32>
    %eq3A_4456 = arith.cmpi eq, %get3A_4, %eq3A_4455 : vector<16xi32>
    %jit3A_4457 = arith.constant 1 : i32
    %jit3A_4458 = arith.constant 0 : i32
    %broadcast_in_dim3A_4459 = vector.broadcast %jit3A_4457 : i32 to vector<16xi32>
    %broadcast_in_dim3A_4460 = vector.broadcast %jit3A_4458 : i32 to vector<16xi32>
    %select_n3A_4461 = arith.select %eq3A_4456, %broadcast_in_dim3A_4459, %broadcast_in_dim3A_4460 : vector<16xi1>, vector<16xi32>
    %add3A_4462 = arith.addi %broadcast_in_dim3A_4453, %select_n3A_4461 : vector<16xi32>
    %eq3A_4463 = arith.constant 29 : i32
    %eq3A_4464 = vector.broadcast %eq3A_4463 : i32 to vector<16xi32>
    %eq3A_4465 = arith.cmpi eq, %get3A_7, %eq3A_4464 : vector<16xi32>
    %jit3A_4466 = arith.constant 1 : i32
    %jit3A_4467 = arith.constant 0 : i32
    %broadcast_in_dim3A_4468 = vector.broadcast %jit3A_4466 : i32 to vector<16xi32>
    %broadcast_in_dim3A_4469 = vector.broadcast %jit3A_4467 : i32 to vector<16xi32>
    %select_n3A_4470 = arith.select %eq3A_4465, %broadcast_in_dim3A_4468, %broadcast_in_dim3A_4469 : vector<16xi1>, vector<16xi32>
    %add3A_4471 = arith.addi %add3A_4462, %select_n3A_4470 : vector<16xi32>
    %eq3A_4472 = arith.constant 29 : i32
    %eq3A_4473 = vector.broadcast %eq3A_4472 : i32 to vector<16xi32>
    %eq3A_4474 = arith.cmpi eq, %get3A_10, %eq3A_4473 : vector<16xi32>
    %jit3A_4475 = arith.constant 1 : i32
    %jit3A_4476 = arith.constant 0 : i32
    %broadcast_in_dim3A_4477 = vector.broadcast %jit3A_4475 : i32 to vector<16xi32>
    %broadcast_in_dim3A_4478 = vector.broadcast %jit3A_4476 : i32 to vector<16xi32>
    %select_n3A_4479 = arith.select %eq3A_4474, %broadcast_in_dim3A_4477, %broadcast_in_dim3A_4478 : vector<16xi1>, vector<16xi32>
    %add3A_4480 = arith.addi %add3A_4471, %select_n3A_4479 : vector<16xi32>
    %eq3A_4481 = arith.constant 29 : i32
    %eq3A_4482 = vector.broadcast %eq3A_4481 : i32 to vector<16xi32>
    %eq3A_4483 = arith.cmpi eq, %get3A_13, %eq3A_4482 : vector<16xi32>
    %jit3A_4484 = arith.constant 1 : i32
    %jit3A_4485 = arith.constant 0 : i32
    %broadcast_in_dim3A_4486 = vector.broadcast %jit3A_4484 : i32 to vector<16xi32>
    %broadcast_in_dim3A_4487 = vector.broadcast %jit3A_4485 : i32 to vector<16xi32>
    %select_n3A_4488 = arith.select %eq3A_4483, %broadcast_in_dim3A_4486, %broadcast_in_dim3A_4487 : vector<16xi1>, vector<16xi32>
    %add3A_4489 = arith.addi %add3A_4480, %select_n3A_4488 : vector<16xi32>
    %eq3A_4490 = arith.constant 29 : i32
    %eq3A_4491 = vector.broadcast %eq3A_4490 : i32 to vector<16xi32>
    %eq3A_4492 = arith.cmpi eq, %get3A_16, %eq3A_4491 : vector<16xi32>
    %jit3A_4493 = arith.constant 1 : i32
    %jit3A_4494 = arith.constant 0 : i32
    %broadcast_in_dim3A_4495 = vector.broadcast %jit3A_4493 : i32 to vector<16xi32>
    %broadcast_in_dim3A_4496 = vector.broadcast %jit3A_4494 : i32 to vector<16xi32>
    %select_n3A_4497 = arith.select %eq3A_4492, %broadcast_in_dim3A_4495, %broadcast_in_dim3A_4496 : vector<16xi1>, vector<16xi32>
    %add3A_4498 = arith.addi %add3A_4489, %select_n3A_4497 : vector<16xi32>
    %eq3A_4499 = arith.constant 29 : i32
    %eq3A_4500 = vector.broadcast %eq3A_4499 : i32 to vector<16xi32>
    %eq3A_4501 = arith.cmpi eq, %get3A_19, %eq3A_4500 : vector<16xi32>
    %jit3A_4502 = arith.constant 1 : i32
    %jit3A_4503 = arith.constant 0 : i32
    %broadcast_in_dim3A_4504 = vector.broadcast %jit3A_4502 : i32 to vector<16xi32>
    %broadcast_in_dim3A_4505 = vector.broadcast %jit3A_4503 : i32 to vector<16xi32>
    %select_n3A_4506 = arith.select %eq3A_4501, %broadcast_in_dim3A_4504, %broadcast_in_dim3A_4505 : vector<16xi1>, vector<16xi32>
    %add3A_4507 = arith.addi %add3A_4498, %select_n3A_4506 : vector<16xi32>
    %eq3A_4508 = arith.constant 29 : i32
    %eq3A_4509 = vector.broadcast %eq3A_4508 : i32 to vector<16xi32>
    %eq3A_4510 = arith.cmpi eq, %get3A_22, %eq3A_4509 : vector<16xi32>
    %jit3A_4511 = arith.constant 1 : i32
    %jit3A_4512 = arith.constant 0 : i32
    %broadcast_in_dim3A_4513 = vector.broadcast %jit3A_4511 : i32 to vector<16xi32>
    %broadcast_in_dim3A_4514 = vector.broadcast %jit3A_4512 : i32 to vector<16xi32>
    %select_n3A_4515 = arith.select %eq3A_4510, %broadcast_in_dim3A_4513, %broadcast_in_dim3A_4514 : vector<16xi1>, vector<16xi32>
    %add3A_4516 = arith.addi %add3A_4507, %select_n3A_4515 : vector<16xi32>
    %eq3A_4517 = arith.constant 29 : i32
    %eq3A_4518 = vector.broadcast %eq3A_4517 : i32 to vector<16xi32>
    %eq3A_4519 = arith.cmpi eq, %get3A_25, %eq3A_4518 : vector<16xi32>
    %jit3A_4520 = arith.constant 1 : i32
    %jit3A_4521 = arith.constant 0 : i32
    %broadcast_in_dim3A_4522 = vector.broadcast %jit3A_4520 : i32 to vector<16xi32>
    %broadcast_in_dim3A_4523 = vector.broadcast %jit3A_4521 : i32 to vector<16xi32>
    %select_n3A_4524 = arith.select %eq3A_4519, %broadcast_in_dim3A_4522, %broadcast_in_dim3A_4523 : vector<16xi1>, vector<16xi32>
    %add3A_4525 = arith.addi %add3A_4516, %select_n3A_4524 : vector<16xi32>
    %eq3A_4526 = arith.constant 29 : i32
    %eq3A_4527 = vector.broadcast %eq3A_4526 : i32 to vector<16xi32>
    %eq3A_4528 = arith.cmpi eq, %get3A_28, %eq3A_4527 : vector<16xi32>
    %jit3A_4529 = arith.constant 1 : i32
    %jit3A_4530 = arith.constant 0 : i32
    %broadcast_in_dim3A_4531 = vector.broadcast %jit3A_4529 : i32 to vector<16xi32>
    %broadcast_in_dim3A_4532 = vector.broadcast %jit3A_4530 : i32 to vector<16xi32>
    %select_n3A_4533 = arith.select %eq3A_4528, %broadcast_in_dim3A_4531, %broadcast_in_dim3A_4532 : vector<16xi1>, vector<16xi32>
    %add3A_4534 = arith.addi %add3A_4525, %select_n3A_4533 : vector<16xi32>
    %eq3A_4535 = arith.constant 29 : i32
    %eq3A_4536 = vector.broadcast %eq3A_4535 : i32 to vector<16xi32>
    %eq3A_4537 = arith.cmpi eq, %get3A_31, %eq3A_4536 : vector<16xi32>
    %jit3A_4538 = arith.constant 1 : i32
    %jit3A_4539 = arith.constant 0 : i32
    %broadcast_in_dim3A_4540 = vector.broadcast %jit3A_4538 : i32 to vector<16xi32>
    %broadcast_in_dim3A_4541 = vector.broadcast %jit3A_4539 : i32 to vector<16xi32>
    %select_n3A_4542 = arith.select %eq3A_4537, %broadcast_in_dim3A_4540, %broadcast_in_dim3A_4541 : vector<16xi1>, vector<16xi32>
    %add3A_4543 = arith.addi %add3A_4534, %select_n3A_4542 : vector<16xi32>
    %eq3A_4544 = arith.constant 29 : i32
    %eq3A_4545 = vector.broadcast %eq3A_4544 : i32 to vector<16xi32>
    %eq3A_4546 = arith.cmpi eq, %get3A_34, %eq3A_4545 : vector<16xi32>
    %jit3A_4547 = arith.constant 1 : i32
    %jit3A_4548 = arith.constant 0 : i32
    %broadcast_in_dim3A_4549 = vector.broadcast %jit3A_4547 : i32 to vector<16xi32>
    %broadcast_in_dim3A_4550 = vector.broadcast %jit3A_4548 : i32 to vector<16xi32>
    %select_n3A_4551 = arith.select %eq3A_4546, %broadcast_in_dim3A_4549, %broadcast_in_dim3A_4550 : vector<16xi1>, vector<16xi32>
    %add3A_4552 = arith.addi %add3A_4543, %select_n3A_4551 : vector<16xi32>
    %eq3A_4553 = arith.constant 29 : i32
    %eq3A_4554 = vector.broadcast %eq3A_4553 : i32 to vector<16xi32>
    %eq3A_4555 = arith.cmpi eq, %get3A_37, %eq3A_4554 : vector<16xi32>
    %jit3A_4556 = arith.constant 1 : i32
    %jit3A_4557 = arith.constant 0 : i32
    %broadcast_in_dim3A_4558 = vector.broadcast %jit3A_4556 : i32 to vector<16xi32>
    %broadcast_in_dim3A_4559 = vector.broadcast %jit3A_4557 : i32 to vector<16xi32>
    %select_n3A_4560 = arith.select %eq3A_4555, %broadcast_in_dim3A_4558, %broadcast_in_dim3A_4559 : vector<16xi1>, vector<16xi32>
    %add3A_4561 = arith.addi %add3A_4552, %select_n3A_4560 : vector<16xi32>
    %eq3A_4562 = arith.constant 29 : i32
    %eq3A_4563 = vector.broadcast %eq3A_4562 : i32 to vector<16xi32>
    %eq3A_4564 = arith.cmpi eq, %get3A_40, %eq3A_4563 : vector<16xi32>
    %jit3A_4565 = arith.constant 1 : i32
    %jit3A_4566 = arith.constant 0 : i32
    %broadcast_in_dim3A_4567 = vector.broadcast %jit3A_4565 : i32 to vector<16xi32>
    %broadcast_in_dim3A_4568 = vector.broadcast %jit3A_4566 : i32 to vector<16xi32>
    %select_n3A_4569 = arith.select %eq3A_4564, %broadcast_in_dim3A_4567, %broadcast_in_dim3A_4568 : vector<16xi1>, vector<16xi32>
    %add3A_4570 = arith.addi %add3A_4561, %select_n3A_4569 : vector<16xi32>
    %eq3A_4571 = arith.constant 29 : i32
    %eq3A_4572 = vector.broadcast %eq3A_4571 : i32 to vector<16xi32>
    %eq3A_4573 = arith.cmpi eq, %get3A_43, %eq3A_4572 : vector<16xi32>
    %jit3A_4574 = arith.constant 1 : i32
    %jit3A_4575 = arith.constant 0 : i32
    %broadcast_in_dim3A_4576 = vector.broadcast %jit3A_4574 : i32 to vector<16xi32>
    %broadcast_in_dim3A_4577 = vector.broadcast %jit3A_4575 : i32 to vector<16xi32>
    %select_n3A_4578 = arith.select %eq3A_4573, %broadcast_in_dim3A_4576, %broadcast_in_dim3A_4577 : vector<16xi1>, vector<16xi32>
    %add3A_4579 = arith.addi %add3A_4570, %select_n3A_4578 : vector<16xi32>
    %eq3A_4580 = arith.constant 29 : i32
    %eq3A_4581 = vector.broadcast %eq3A_4580 : i32 to vector<16xi32>
    %eq3A_4582 = arith.cmpi eq, %get3A_46, %eq3A_4581 : vector<16xi32>
    %jit3A_4583 = arith.constant 1 : i32
    %jit3A_4584 = arith.constant 0 : i32
    %broadcast_in_dim3A_4585 = vector.broadcast %jit3A_4583 : i32 to vector<16xi32>
    %broadcast_in_dim3A_4586 = vector.broadcast %jit3A_4584 : i32 to vector<16xi32>
    %select_n3A_4587 = arith.select %eq3A_4582, %broadcast_in_dim3A_4585, %broadcast_in_dim3A_4586 : vector<16xi1>, vector<16xi32>
    %add3A_4588 = arith.addi %add3A_4579, %select_n3A_4587 : vector<16xi32>
    %eq3A_4589 = arith.constant 29 : i32
    %eq3A_4590 = vector.broadcast %eq3A_4589 : i32 to vector<16xi32>
    %eq3A_4591 = arith.cmpi eq, %get3A_49, %eq3A_4590 : vector<16xi32>
    %jit3A_4592 = arith.constant 1 : i32
    %jit3A_4593 = arith.constant 0 : i32
    %broadcast_in_dim3A_4594 = vector.broadcast %jit3A_4592 : i32 to vector<16xi32>
    %broadcast_in_dim3A_4595 = vector.broadcast %jit3A_4593 : i32 to vector<16xi32>
    %select_n3A_4596 = arith.select %eq3A_4591, %broadcast_in_dim3A_4594, %broadcast_in_dim3A_4595 : vector<16xi1>, vector<16xi32>
    %add3A_4597 = arith.addi %add3A_4588, %select_n3A_4596 : vector<16xi32>
    %swap3A_4598 = arith.constant 29 : i32
    %swap3A_4599 = arith.index_cast %swap3A_4598 : i32 to index
    %swap3A_4600 = arith.constant 0 : index
    %swap3A_4601 = tpu.vector_load %arg5[%swap3A_4599, %swap3A_4600] {strides = array<i32>} : memref<32x16xi32, #tpu.memory_space<vmem>>, vector<1x16xi32>,
    %swap3A_4602 = vector.shape_cast %swap3A_4601 : vector<1x16xi32> to vector<16xi32>
    %swap3A_4603 = vector.shape_cast %add3A_4597 : vector<16xi32> to vector<1x16xi32>
    tpu.vector_store %arg5[%swap3A_4599, %swap3A_4600], %swap3A_4603 {strides = array<i32>} : memref<32x16xi32, #tpu.memory_space<vmem>>, vector<1x16xi32>,
    %broadcast_in_dim3A_4604 = arith.constant 0 : i32
    %broadcast_in_dim3A_4605 = vector.broadcast %broadcast_in_dim3A_4604 : i32 to vector<16xi32>
    %eq3A_4606 = arith.constant 30 : i32
    %eq3A_4607 = vector.broadcast %eq3A_4606 : i32 to vector<16xi32>
    %eq3A_4608 = arith.cmpi eq, %get3A_4, %eq3A_4607 : vector<16xi32>
    %jit3A_4609 = arith.constant 1 : i32
    %jit3A_4610 = arith.constant 0 : i32
    %broadcast_in_dim3A_4611 = vector.broadcast %jit3A_4609 : i32 to vector<16xi32>
    %broadcast_in_dim3A_4612 = vector.broadcast %jit3A_4610 : i32 to vector<16xi32>
    %select_n3A_4613 = arith.select %eq3A_4608, %broadcast_in_dim3A_4611, %broadcast_in_dim3A_4612 : vector<16xi1>, vector<16xi32>
    %add3A_4614 = arith.addi %broadcast_in_dim3A_4605, %select_n3A_4613 : vector<16xi32>
    %eq3A_4615 = arith.constant 30 : i32
    %eq3A_4616 = vector.broadcast %eq3A_4615 : i32 to vector<16xi32>
    %eq3A_4617 = arith.cmpi eq, %get3A_7, %eq3A_4616 : vector<16xi32>
    %jit3A_4618 = arith.constant 1 : i32
    %jit3A_4619 = arith.constant 0 : i32
    %broadcast_in_dim3A_4620 = vector.broadcast %jit3A_4618 : i32 to vector<16xi32>
    %broadcast_in_dim3A_4621 = vector.broadcast %jit3A_4619 : i32 to vector<16xi32>
    %select_n3A_4622 = arith.select %eq3A_4617, %broadcast_in_dim3A_4620, %broadcast_in_dim3A_4621 : vector<16xi1>, vector<16xi32>
    %add3A_4623 = arith.addi %add3A_4614, %select_n3A_4622 : vector<16xi32>
    %eq3A_4624 = arith.constant 30 : i32
    %eq3A_4625 = vector.broadcast %eq3A_4624 : i32 to vector<16xi32>
    %eq3A_4626 = arith.cmpi eq, %get3A_10, %eq3A_4625 : vector<16xi32>
    %jit3A_4627 = arith.constant 1 : i32
    %jit3A_4628 = arith.constant 0 : i32
    %broadcast_in_dim3A_4629 = vector.broadcast %jit3A_4627 : i32 to vector<16xi32>
    %broadcast_in_dim3A_4630 = vector.broadcast %jit3A_4628 : i32 to vector<16xi32>
    %select_n3A_4631 = arith.select %eq3A_4626, %broadcast_in_dim3A_4629, %broadcast_in_dim3A_4630 : vector<16xi1>, vector<16xi32>
    %add3A_4632 = arith.addi %add3A_4623, %select_n3A_4631 : vector<16xi32>
    %eq3A_4633 = arith.constant 30 : i32
    %eq3A_4634 = vector.broadcast %eq3A_4633 : i32 to vector<16xi32>
    %eq3A_4635 = arith.cmpi eq, %get3A_13, %eq3A_4634 : vector<16xi32>
    %jit3A_4636 = arith.constant 1 : i32
    %jit3A_4637 = arith.constant 0 : i32
    %broadcast_in_dim3A_4638 = vector.broadcast %jit3A_4636 : i32 to vector<16xi32>
    %broadcast_in_dim3A_4639 = vector.broadcast %jit3A_4637 : i32 to vector<16xi32>
    %select_n3A_4640 = arith.select %eq3A_4635, %broadcast_in_dim3A_4638, %broadcast_in_dim3A_4639 : vector<16xi1>, vector<16xi32>
    %add3A_4641 = arith.addi %add3A_4632, %select_n3A_4640 : vector<16xi32>
    %eq3A_4642 = arith.constant 30 : i32
    %eq3A_4643 = vector.broadcast %eq3A_4642 : i32 to vector<16xi32>
    %eq3A_4644 = arith.cmpi eq, %get3A_16, %eq3A_4643 : vector<16xi32>
    %jit3A_4645 = arith.constant 1 : i32
    %jit3A_4646 = arith.constant 0 : i32
    %broadcast_in_dim3A_4647 = vector.broadcast %jit3A_4645 : i32 to vector<16xi32>
    %broadcast_in_dim3A_4648 = vector.broadcast %jit3A_4646 : i32 to vector<16xi32>
    %select_n3A_4649 = arith.select %eq3A_4644, %broadcast_in_dim3A_4647, %broadcast_in_dim3A_4648 : vector<16xi1>, vector<16xi32>
    %add3A_4650 = arith.addi %add3A_4641, %select_n3A_4649 : vector<16xi32>
    %eq3A_4651 = arith.constant 30 : i32
    %eq3A_4652 = vector.broadcast %eq3A_4651 : i32 to vector<16xi32>
    %eq3A_4653 = arith.cmpi eq, %get3A_19, %eq3A_4652 : vector<16xi32>
    %jit3A_4654 = arith.constant 1 : i32
    %jit3A_4655 = arith.constant 0 : i32
    %broadcast_in_dim3A_4656 = vector.broadcast %jit3A_4654 : i32 to vector<16xi32>
    %broadcast_in_dim3A_4657 = vector.broadcast %jit3A_4655 : i32 to vector<16xi32>
    %select_n3A_4658 = arith.select %eq3A_4653, %broadcast_in_dim3A_4656, %broadcast_in_dim3A_4657 : vector<16xi1>, vector<16xi32>
    %add3A_4659 = arith.addi %add3A_4650, %select_n3A_4658 : vector<16xi32>
    %eq3A_4660 = arith.constant 30 : i32
    %eq3A_4661 = vector.broadcast %eq3A_4660 : i32 to vector<16xi32>
    %eq3A_4662 = arith.cmpi eq, %get3A_22, %eq3A_4661 : vector<16xi32>
    %jit3A_4663 = arith.constant 1 : i32
    %jit3A_4664 = arith.constant 0 : i32
    %broadcast_in_dim3A_4665 = vector.broadcast %jit3A_4663 : i32 to vector<16xi32>
    %broadcast_in_dim3A_4666 = vector.broadcast %jit3A_4664 : i32 to vector<16xi32>
    %select_n3A_4667 = arith.select %eq3A_4662, %broadcast_in_dim3A_4665, %broadcast_in_dim3A_4666 : vector<16xi1>, vector<16xi32>
    %add3A_4668 = arith.addi %add3A_4659, %select_n3A_4667 : vector<16xi32>
    %eq3A_4669 = arith.constant 30 : i32
    %eq3A_4670 = vector.broadcast %eq3A_4669 : i32 to vector<16xi32>
    %eq3A_4671 = arith.cmpi eq, %get3A_25, %eq3A_4670 : vector<16xi32>
    %jit3A_4672 = arith.constant 1 : i32
    %jit3A_4673 = arith.constant 0 : i32
    %broadcast_in_dim3A_4674 = vector.broadcast %jit3A_4672 : i32 to vector<16xi32>
    %broadcast_in_dim3A_4675 = vector.broadcast %jit3A_4673 : i32 to vector<16xi32>
    %select_n3A_4676 = arith.select %eq3A_4671, %broadcast_in_dim3A_4674, %broadcast_in_dim3A_4675 : vector<16xi1>, vector<16xi32>
    %add3A_4677 = arith.addi %add3A_4668, %select_n3A_4676 : vector<16xi32>
    %eq3A_4678 = arith.constant 30 : i32
    %eq3A_4679 = vector.broadcast %eq3A_4678 : i32 to vector<16xi32>
    %eq3A_4680 = arith.cmpi eq, %get3A_28, %eq3A_4679 : vector<16xi32>
    %jit3A_4681 = arith.constant 1 : i32
    %jit3A_4682 = arith.constant 0 : i32
    %broadcast_in_dim3A_4683 = vector.broadcast %jit3A_4681 : i32 to vector<16xi32>
    %broadcast_in_dim3A_4684 = vector.broadcast %jit3A_4682 : i32 to vector<16xi32>
    %select_n3A_4685 = arith.select %eq3A_4680, %broadcast_in_dim3A_4683, %broadcast_in_dim3A_4684 : vector<16xi1>, vector<16xi32>
    %add3A_4686 = arith.addi %add3A_4677, %select_n3A_4685 : vector<16xi32>
    %eq3A_4687 = arith.constant 30 : i32
    %eq3A_4688 = vector.broadcast %eq3A_4687 : i32 to vector<16xi32>
    %eq3A_4689 = arith.cmpi eq, %get3A_31, %eq3A_4688 : vector<16xi32>
    %jit3A_4690 = arith.constant 1 : i32
    %jit3A_4691 = arith.constant 0 : i32
    %broadcast_in_dim3A_4692 = vector.broadcast %jit3A_4690 : i32 to vector<16xi32>
    %broadcast_in_dim3A_4693 = vector.broadcast %jit3A_4691 : i32 to vector<16xi32>
    %select_n3A_4694 = arith.select %eq3A_4689, %broadcast_in_dim3A_4692, %broadcast_in_dim3A_4693 : vector<16xi1>, vector<16xi32>
    %add3A_4695 = arith.addi %add3A_4686, %select_n3A_4694 : vector<16xi32>
    %eq3A_4696 = arith.constant 30 : i32
    %eq3A_4697 = vector.broadcast %eq3A_4696 : i32 to vector<16xi32>
    %eq3A_4698 = arith.cmpi eq, %get3A_34, %eq3A_4697 : vector<16xi32>
    %jit3A_4699 = arith.constant 1 : i32
    %jit3A_4700 = arith.constant 0 : i32
    %broadcast_in_dim3A_4701 = vector.broadcast %jit3A_4699 : i32 to vector<16xi32>
    %broadcast_in_dim3A_4702 = vector.broadcast %jit3A_4700 : i32 to vector<16xi32>
    %select_n3A_4703 = arith.select %eq3A_4698, %broadcast_in_dim3A_4701, %broadcast_in_dim3A_4702 : vector<16xi1>, vector<16xi32>
    %add3A_4704 = arith.addi %add3A_4695, %select_n3A_4703 : vector<16xi32>
    %eq3A_4705 = arith.constant 30 : i32
    %eq3A_4706 = vector.broadcast %eq3A_4705 : i32 to vector<16xi32>
    %eq3A_4707 = arith.cmpi eq, %get3A_37, %eq3A_4706 : vector<16xi32>
    %jit3A_4708 = arith.constant 1 : i32
    %jit3A_4709 = arith.constant 0 : i32
    %broadcast_in_dim3A_4710 = vector.broadcast %jit3A_4708 : i32 to vector<16xi32>
    %broadcast_in_dim3A_4711 = vector.broadcast %jit3A_4709 : i32 to vector<16xi32>
    %select_n3A_4712 = arith.select %eq3A_4707, %broadcast_in_dim3A_4710, %broadcast_in_dim3A_4711 : vector<16xi1>, vector<16xi32>
    %add3A_4713 = arith.addi %add3A_4704, %select_n3A_4712 : vector<16xi32>
    %eq3A_4714 = arith.constant 30 : i32
    %eq3A_4715 = vector.broadcast %eq3A_4714 : i32 to vector<16xi32>
    %eq3A_4716 = arith.cmpi eq, %get3A_40, %eq3A_4715 : vector<16xi32>
    %jit3A_4717 = arith.constant 1 : i32
    %jit3A_4718 = arith.constant 0 : i32
    %broadcast_in_dim3A_4719 = vector.broadcast %jit3A_4717 : i32 to vector<16xi32>
    %broadcast_in_dim3A_4720 = vector.broadcast %jit3A_4718 : i32 to vector<16xi32>
    %select_n3A_4721 = arith.select %eq3A_4716, %broadcast_in_dim3A_4719, %broadcast_in_dim3A_4720 : vector<16xi1>, vector<16xi32>
    %add3A_4722 = arith.addi %add3A_4713, %select_n3A_4721 : vector<16xi32>
    %eq3A_4723 = arith.constant 30 : i32
    %eq3A_4724 = vector.broadcast %eq3A_4723 : i32 to vector<16xi32>
    %eq3A_4725 = arith.cmpi eq, %get3A_43, %eq3A_4724 : vector<16xi32>
    %jit3A_4726 = arith.constant 1 : i32
    %jit3A_4727 = arith.constant 0 : i32
    %broadcast_in_dim3A_4728 = vector.broadcast %jit3A_4726 : i32 to vector<16xi32>
    %broadcast_in_dim3A_4729 = vector.broadcast %jit3A_4727 : i32 to vector<16xi32>
    %select_n3A_4730 = arith.select %eq3A_4725, %broadcast_in_dim3A_4728, %broadcast_in_dim3A_4729 : vector<16xi1>, vector<16xi32>
    %add3A_4731 = arith.addi %add3A_4722, %select_n3A_4730 : vector<16xi32>
    %eq3A_4732 = arith.constant 30 : i32
    %eq3A_4733 = vector.broadcast %eq3A_4732 : i32 to vector<16xi32>
    %eq3A_4734 = arith.cmpi eq, %get3A_46, %eq3A_4733 : vector<16xi32>
    %jit3A_4735 = arith.constant 1 : i32
    %jit3A_4736 = arith.constant 0 : i32
    %broadcast_in_dim3A_4737 = vector.broadcast %jit3A_4735 : i32 to vector<16xi32>
    %broadcast_in_dim3A_4738 = vector.broadcast %jit3A_4736 : i32 to vector<16xi32>
    %select_n3A_4739 = arith.select %eq3A_4734, %broadcast_in_dim3A_4737, %broadcast_in_dim3A_4738 : vector<16xi1>, vector<16xi32>
    %add3A_4740 = arith.addi %add3A_4731, %select_n3A_4739 : vector<16xi32>
    %eq3A_4741 = arith.constant 30 : i32
    %eq3A_4742 = vector.broadcast %eq3A_4741 : i32 to vector<16xi32>
    %eq3A_4743 = arith.cmpi eq, %get3A_49, %eq3A_4742 : vector<16xi32>
    %jit3A_4744 = arith.constant 1 : i32
    %jit3A_4745 = arith.constant 0 : i32
    %broadcast_in_dim3A_4746 = vector.broadcast %jit3A_4744 : i32 to vector<16xi32>
    %broadcast_in_dim3A_4747 = vector.broadcast %jit3A_4745 : i32 to vector<16xi32>
    %select_n3A_4748 = arith.select %eq3A_4743, %broadcast_in_dim3A_4746, %broadcast_in_dim3A_4747 : vector<16xi1>, vector<16xi32>
    %add3A_4749 = arith.addi %add3A_4740, %select_n3A_4748 : vector<16xi32>
    %swap3A_4750 = arith.constant 30 : i32
    %swap3A_4751 = arith.index_cast %swap3A_4750 : i32 to index
    %swap3A_4752 = arith.constant 0 : index
    %swap3A_4753 = tpu.vector_load %arg5[%swap3A_4751, %swap3A_4752] {strides = array<i32>} : memref<32x16xi32, #tpu.memory_space<vmem>>, vector<1x16xi32>,
    %swap3A_4754 = vector.shape_cast %swap3A_4753 : vector<1x16xi32> to vector<16xi32>
    %swap3A_4755 = vector.shape_cast %add3A_4749 : vector<16xi32> to vector<1x16xi32>
    tpu.vector_store %arg5[%swap3A_4751, %swap3A_4752], %swap3A_4755 {strides = array<i32>} : memref<32x16xi32, #tpu.memory_space<vmem>>, vector<1x16xi32>,
    %broadcast_in_dim3A_4756 = arith.constant 0 : i32
    %broadcast_in_dim3A_4757 = vector.broadcast %broadcast_in_dim3A_4756 : i32 to vector<16xi32>
    %eq3A_4758 = arith.constant 31 : i32
    %eq3A_4759 = vector.broadcast %eq3A_4758 : i32 to vector<16xi32>
    %eq3A_4760 = arith.cmpi eq, %get3A_4, %eq3A_4759 : vector<16xi32>
    %jit3A_4761 = arith.constant 1 : i32
    %jit3A_4762 = arith.constant 0 : i32
    %broadcast_in_dim3A_4763 = vector.broadcast %jit3A_4761 : i32 to vector<16xi32>
    %broadcast_in_dim3A_4764 = vector.broadcast %jit3A_4762 : i32 to vector<16xi32>
    %select_n3A_4765 = arith.select %eq3A_4760, %broadcast_in_dim3A_4763, %broadcast_in_dim3A_4764 : vector<16xi1>, vector<16xi32>
    %add3A_4766 = arith.addi %broadcast_in_dim3A_4757, %select_n3A_4765 : vector<16xi32>
    %eq3A_4767 = arith.constant 31 : i32
    %eq3A_4768 = vector.broadcast %eq3A_4767 : i32 to vector<16xi32>
    %eq3A_4769 = arith.cmpi eq, %get3A_7, %eq3A_4768 : vector<16xi32>
    %jit3A_4770 = arith.constant 1 : i32
    %jit3A_4771 = arith.constant 0 : i32
    %broadcast_in_dim3A_4772 = vector.broadcast %jit3A_4770 : i32 to vector<16xi32>
    %broadcast_in_dim3A_4773 = vector.broadcast %jit3A_4771 : i32 to vector<16xi32>
    %select_n3A_4774 = arith.select %eq3A_4769, %broadcast_in_dim3A_4772, %broadcast_in_dim3A_4773 : vector<16xi1>, vector<16xi32>
    %add3A_4775 = arith.addi %add3A_4766, %select_n3A_4774 : vector<16xi32>
    %eq3A_4776 = arith.constant 31 : i32
    %eq3A_4777 = vector.broadcast %eq3A_4776 : i32 to vector<16xi32>
    %eq3A_4778 = arith.cmpi eq, %get3A_10, %eq3A_4777 : vector<16xi32>
    %jit3A_4779 = arith.constant 1 : i32
    %jit3A_4780 = arith.constant 0 : i32
    %broadcast_in_dim3A_4781 = vector.broadcast %jit3A_4779 : i32 to vector<16xi32>
    %broadcast_in_dim3A_4782 = vector.broadcast %jit3A_4780 : i32 to vector<16xi32>
    %select_n3A_4783 = arith.select %eq3A_4778, %broadcast_in_dim3A_4781, %broadcast_in_dim3A_4782 : vector<16xi1>, vector<16xi32>
    %add3A_4784 = arith.addi %add3A_4775, %select_n3A_4783 : vector<16xi32>
    %eq3A_4785 = arith.constant 31 : i32
    %eq3A_4786 = vector.broadcast %eq3A_4785 : i32 to vector<16xi32>
    %eq3A_4787 = arith.cmpi eq, %get3A_13, %eq3A_4786 : vector<16xi32>
    %jit3A_4788 = arith.constant 1 : i32
    %jit3A_4789 = arith.constant 0 : i32
    %broadcast_in_dim3A_4790 = vector.broadcast %jit3A_4788 : i32 to vector<16xi32>
    %broadcast_in_dim3A_4791 = vector.broadcast %jit3A_4789 : i32 to vector<16xi32>
    %select_n3A_4792 = arith.select %eq3A_4787, %broadcast_in_dim3A_4790, %broadcast_in_dim3A_4791 : vector<16xi1>, vector<16xi32>
    %add3A_4793 = arith.addi %add3A_4784, %select_n3A_4792 : vector<16xi32>
    %eq3A_4794 = arith.constant 31 : i32
    %eq3A_4795 = vector.broadcast %eq3A_4794 : i32 to vector<16xi32>
    %eq3A_4796 = arith.cmpi eq, %get3A_16, %eq3A_4795 : vector<16xi32>
    %jit3A_4797 = arith.constant 1 : i32
    %jit3A_4798 = arith.constant 0 : i32
    %broadcast_in_dim3A_4799 = vector.broadcast %jit3A_4797 : i32 to vector<16xi32>
    %broadcast_in_dim3A_4800 = vector.broadcast %jit3A_4798 : i32 to vector<16xi32>
    %select_n3A_4801 = arith.select %eq3A_4796, %broadcast_in_dim3A_4799, %broadcast_in_dim3A_4800 : vector<16xi1>, vector<16xi32>
    %add3A_4802 = arith.addi %add3A_4793, %select_n3A_4801 : vector<16xi32>
    %eq3A_4803 = arith.constant 31 : i32
    %eq3A_4804 = vector.broadcast %eq3A_4803 : i32 to vector<16xi32>
    %eq3A_4805 = arith.cmpi eq, %get3A_19, %eq3A_4804 : vector<16xi32>
    %jit3A_4806 = arith.constant 1 : i32
    %jit3A_4807 = arith.constant 0 : i32
    %broadcast_in_dim3A_4808 = vector.broadcast %jit3A_4806 : i32 to vector<16xi32>
    %broadcast_in_dim3A_4809 = vector.broadcast %jit3A_4807 : i32 to vector<16xi32>
    %select_n3A_4810 = arith.select %eq3A_4805, %broadcast_in_dim3A_4808, %broadcast_in_dim3A_4809 : vector<16xi1>, vector<16xi32>
    %add3A_4811 = arith.addi %add3A_4802, %select_n3A_4810 : vector<16xi32>
    %eq3A_4812 = arith.constant 31 : i32
    %eq3A_4813 = vector.broadcast %eq3A_4812 : i32 to vector<16xi32>
    %eq3A_4814 = arith.cmpi eq, %get3A_22, %eq3A_4813 : vector<16xi32>
    %jit3A_4815 = arith.constant 1 : i32
    %jit3A_4816 = arith.constant 0 : i32
    %broadcast_in_dim3A_4817 = vector.broadcast %jit3A_4815 : i32 to vector<16xi32>
    %broadcast_in_dim3A_4818 = vector.broadcast %jit3A_4816 : i32 to vector<16xi32>
    %select_n3A_4819 = arith.select %eq3A_4814, %broadcast_in_dim3A_4817, %broadcast_in_dim3A_4818 : vector<16xi1>, vector<16xi32>
    %add3A_4820 = arith.addi %add3A_4811, %select_n3A_4819 : vector<16xi32>
    %eq3A_4821 = arith.constant 31 : i32
    %eq3A_4822 = vector.broadcast %eq3A_4821 : i32 to vector<16xi32>
    %eq3A_4823 = arith.cmpi eq, %get3A_25, %eq3A_4822 : vector<16xi32>
    %jit3A_4824 = arith.constant 1 : i32
    %jit3A_4825 = arith.constant 0 : i32
    %broadcast_in_dim3A_4826 = vector.broadcast %jit3A_4824 : i32 to vector<16xi32>
    %broadcast_in_dim3A_4827 = vector.broadcast %jit3A_4825 : i32 to vector<16xi32>
    %select_n3A_4828 = arith.select %eq3A_4823, %broadcast_in_dim3A_4826, %broadcast_in_dim3A_4827 : vector<16xi1>, vector<16xi32>
    %add3A_4829 = arith.addi %add3A_4820, %select_n3A_4828 : vector<16xi32>
    %eq3A_4830 = arith.constant 31 : i32
    %eq3A_4831 = vector.broadcast %eq3A_4830 : i32 to vector<16xi32>
    %eq3A_4832 = arith.cmpi eq, %get3A_28, %eq3A_4831 : vector<16xi32>
    %jit3A_4833 = arith.constant 1 : i32
    %jit3A_4834 = arith.constant 0 : i32
    %broadcast_in_dim3A_4835 = vector.broadcast %jit3A_4833 : i32 to vector<16xi32>
    %broadcast_in_dim3A_4836 = vector.broadcast %jit3A_4834 : i32 to vector<16xi32>
    %select_n3A_4837 = arith.select %eq3A_4832, %broadcast_in_dim3A_4835, %broadcast_in_dim3A_4836 : vector<16xi1>, vector<16xi32>
    %add3A_4838 = arith.addi %add3A_4829, %select_n3A_4837 : vector<16xi32>
    %eq3A_4839 = arith.constant 31 : i32
    %eq3A_4840 = vector.broadcast %eq3A_4839 : i32 to vector<16xi32>
    %eq3A_4841 = arith.cmpi eq, %get3A_31, %eq3A_4840 : vector<16xi32>
    %jit3A_4842 = arith.constant 1 : i32
    %jit3A_4843 = arith.constant 0 : i32
    %broadcast_in_dim3A_4844 = vector.broadcast %jit3A_4842 : i32 to vector<16xi32>
    %broadcast_in_dim3A_4845 = vector.broadcast %jit3A_4843 : i32 to vector<16xi32>
    %select_n3A_4846 = arith.select %eq3A_4841, %broadcast_in_dim3A_4844, %broadcast_in_dim3A_4845 : vector<16xi1>, vector<16xi32>
    %add3A_4847 = arith.addi %add3A_4838, %select_n3A_4846 : vector<16xi32>
    %eq3A_4848 = arith.constant 31 : i32
    %eq3A_4849 = vector.broadcast %eq3A_4848 : i32 to vector<16xi32>
    %eq3A_4850 = arith.cmpi eq, %get3A_34, %eq3A_4849 : vector<16xi32>
    %jit3A_4851 = arith.constant 1 : i32
    %jit3A_4852 = arith.constant 0 : i32
    %broadcast_in_dim3A_4853 = vector.broadcast %jit3A_4851 : i32 to vector<16xi32>
    %broadcast_in_dim3A_4854 = vector.broadcast %jit3A_4852 : i32 to vector<16xi32>
    %select_n3A_4855 = arith.select %eq3A_4850, %broadcast_in_dim3A_4853, %broadcast_in_dim3A_4854 : vector<16xi1>, vector<16xi32>
    %add3A_4856 = arith.addi %add3A_4847, %select_n3A_4855 : vector<16xi32>
    %eq3A_4857 = arith.constant 31 : i32
    %eq3A_4858 = vector.broadcast %eq3A_4857 : i32 to vector<16xi32>
    %eq3A_4859 = arith.cmpi eq, %get3A_37, %eq3A_4858 : vector<16xi32>
    %jit3A_4860 = arith.constant 1 : i32
    %jit3A_4861 = arith.constant 0 : i32
    %broadcast_in_dim3A_4862 = vector.broadcast %jit3A_4860 : i32 to vector<16xi32>
    %broadcast_in_dim3A_4863 = vector.broadcast %jit3A_4861 : i32 to vector<16xi32>
    %select_n3A_4864 = arith.select %eq3A_4859, %broadcast_in_dim3A_4862, %broadcast_in_dim3A_4863 : vector<16xi1>, vector<16xi32>
    %add3A_4865 = arith.addi %add3A_4856, %select_n3A_4864 : vector<16xi32>
    %eq3A_4866 = arith.constant 31 : i32
    %eq3A_4867 = vector.broadcast %eq3A_4866 : i32 to vector<16xi32>
    %eq3A_4868 = arith.cmpi eq, %get3A_40, %eq3A_4867 : vector<16xi32>
    %jit3A_4869 = arith.constant 1 : i32
    %jit3A_4870 = arith.constant 0 : i32
    %broadcast_in_dim3A_4871 = vector.broadcast %jit3A_4869 : i32 to vector<16xi32>
    %broadcast_in_dim3A_4872 = vector.broadcast %jit3A_4870 : i32 to vector<16xi32>
    %select_n3A_4873 = arith.select %eq3A_4868, %broadcast_in_dim3A_4871, %broadcast_in_dim3A_4872 : vector<16xi1>, vector<16xi32>
    %add3A_4874 = arith.addi %add3A_4865, %select_n3A_4873 : vector<16xi32>
    %eq3A_4875 = arith.constant 31 : i32
    %eq3A_4876 = vector.broadcast %eq3A_4875 : i32 to vector<16xi32>
    %eq3A_4877 = arith.cmpi eq, %get3A_43, %eq3A_4876 : vector<16xi32>
    %jit3A_4878 = arith.constant 1 : i32
    %jit3A_4879 = arith.constant 0 : i32
    %broadcast_in_dim3A_4880 = vector.broadcast %jit3A_4878 : i32 to vector<16xi32>
    %broadcast_in_dim3A_4881 = vector.broadcast %jit3A_4879 : i32 to vector<16xi32>
    %select_n3A_4882 = arith.select %eq3A_4877, %broadcast_in_dim3A_4880, %broadcast_in_dim3A_4881 : vector<16xi1>, vector<16xi32>
    %add3A_4883 = arith.addi %add3A_4874, %select_n3A_4882 : vector<16xi32>
    %eq3A_4884 = arith.constant 31 : i32
    %eq3A_4885 = vector.broadcast %eq3A_4884 : i32 to vector<16xi32>
    %eq3A_4886 = arith.cmpi eq, %get3A_46, %eq3A_4885 : vector<16xi32>
    %jit3A_4887 = arith.constant 1 : i32
    %jit3A_4888 = arith.constant 0 : i32
    %broadcast_in_dim3A_4889 = vector.broadcast %jit3A_4887 : i32 to vector<16xi32>
    %broadcast_in_dim3A_4890 = vector.broadcast %jit3A_4888 : i32 to vector<16xi32>
    %select_n3A_4891 = arith.select %eq3A_4886, %broadcast_in_dim3A_4889, %broadcast_in_dim3A_4890 : vector<16xi1>, vector<16xi32>
    %add3A_4892 = arith.addi %add3A_4883, %select_n3A_4891 : vector<16xi32>
    %eq3A_4893 = arith.constant 31 : i32
    %eq3A_4894 = vector.broadcast %eq3A_4893 : i32 to vector<16xi32>
    %eq3A_4895 = arith.cmpi eq, %get3A_49, %eq3A_4894 : vector<16xi32>
    %jit3A_4896 = arith.constant 1 : i32
    %jit3A_4897 = arith.constant 0 : i32
    %broadcast_in_dim3A_4898 = vector.broadcast %jit3A_4896 : i32 to vector<16xi32>
    %broadcast_in_dim3A_4899 = vector.broadcast %jit3A_4897 : i32 to vector<16xi32>
    %select_n3A_4900 = arith.select %eq3A_4895, %broadcast_in_dim3A_4898, %broadcast_in_dim3A_4899 : vector<16xi1>, vector<16xi32>
    %add3A_4901 = arith.addi %add3A_4892, %select_n3A_4900 : vector<16xi32>
    %swap3A_4902 = arith.constant 31 : i32
    %swap3A_4903 = arith.index_cast %swap3A_4902 : i32 to index
    %swap3A_4904 = arith.constant 0 : index
    %swap3A_4905 = tpu.vector_load %arg5[%swap3A_4903, %swap3A_4904] {strides = array<i32>} : memref<32x16xi32, #tpu.memory_space<vmem>>, vector<1x16xi32>,
    %swap3A_4906 = vector.shape_cast %swap3A_4905 : vector<1x16xi32> to vector<16xi32>
    %swap3A_4907 = vector.shape_cast %add3A_4901 : vector<16xi32> to vector<1x16xi32>
    tpu.vector_store %arg5[%swap3A_4903, %swap3A_4904], %swap3A_4907 {strides = array<i32>} : memref<32x16xi32, #tpu.memory_space<vmem>>, vector<1x16xi32>,
    %dma_start3A_4908 = arith.constant 0 : i32
    %dma_start3A_4909 = arith.constant 0 : i32
    %dma_start3A_4910 = tpu.memref_slice %arg3[%arg1, %dma_start3A_4908, %dma_start3A_4909] : memref<16x32x16xi32, #tpu.memory_space<hbm>> -> memref<1x32x16xi32, #tpu.memory_space<hbm>>
    %dma_start3A_4911 = tpu.memref_squeeze %dma_start3A_4910 : memref<1x32x16xi32, #tpu.memory_space<hbm>> -> memref<32x16xi32, #tpu.memory_space<hbm>>
    %dma_start3A_4912 = arith.constant 0 : i32
    %dma_start3A_4913 = arith.constant 0 : i32
    %dma_start3A_4914 = tpu.memref_slice %arg3[%arg1, %dma_start3A_4912, %dma_start3A_4913] : memref<16x32x16xi32, #tpu.memory_space<hbm>> -> memref<1x32x16xi32, #tpu.memory_space<hbm>>
    %dma_start3A_4915 = tpu.memref_squeeze %dma_start3A_4914 : memref<1x32x16xi32, #tpu.memory_space<hbm>> -> memref<32x16xi32, #tpu.memory_space<hbm>>
    tpu.enqueue_dma source(%arg5 : memref<32x16xi32, #tpu.memory_space<vmem>>) target(%dma_start3A_4915 : memref<32x16xi32, #tpu.memory_space<hbm>>) target_semaphore(%arg6 : memref<!tpu.dma_semaphore, #tpu.memory_space<semaphore_mem>>)
    %dma_wait3A_4916 = arith.constant 0 : i32
    %dma_wait3A_4917 = arith.constant 0 : i32
    %dma_wait3A_4918 = tpu.memref_slice %arg3[%arg1, %dma_wait3A_4916, %dma_wait3A_4917] : memref<16x32x16xi32, #tpu.memory_space<hbm>> -> memref<1x32x16xi32, #tpu.memory_space<hbm>>
    %dma_wait3A_4919 = tpu.memref_squeeze %dma_wait3A_4918 : memref<1x32x16xi32, #tpu.memory_space<hbm>> -> memref<32x16xi32, #tpu.memory_space<hbm>>
    %dma_wait3A_4920 = arith.constant 0 : i32
    %dma_wait3A_4921 = arith.constant 0 : i32
    %dma_wait3A_4922 = tpu.memref_slice %arg3[%arg1, %dma_wait3A_4920, %dma_wait3A_4921] : memref<16x32x16xi32, #tpu.memory_space<hbm>> -> memref<1x32x16xi32, #tpu.memory_space<hbm>>
    %dma_wait3A_4923 = tpu.memref_squeeze %dma_wait3A_4922 : memref<1x32x16xi32, #tpu.memory_space<hbm>> -> memref<32x16xi32, #tpu.memory_space<hbm>>
    tpu.wait_dma2 semaphore(%arg6 : memref<!tpu.dma_semaphore, #tpu.memory_space<semaphore_mem>>) src(%arg5 : memref<32x16xi32, #tpu.memory_space<vmem>>) dst(%dma_wait3A_4923 : memref<32x16xi32, #tpu.memory_space<hbm>>)
    return
  }
}

module attributes {stable_mosaic.version = 14 : i64} {
  func.func @_kde_body(%arg0: memref<1x4096xf32, #tpu.memory_space<vmem>>, %arg1: memref<1xf32, #tpu.memory_space<smem>>, %arg2: memref<4096x1xf32, #tpu.memory_space<vmem>>, %arg3: memref<4096x1xf32, #tpu.memory_space<vmem>>) attributes {dimension_semantics = [], scalar_prefetch = 0 : i64, scratch_operands = 2 : i64, tpu.core_type = #tpu.core_type<tc>} {
    %get3A = arith.constant 0 : index
    %get3A_0 = arith.constant 0 : index
    %get3A_1 = vector.load %arg0[%get3A, %get3A_0] : memref<1x4096xf32, #tpu.memory_space<vmem>>, vector<1x4096xf32>
    %reshape3A = vector.shape_cast %get3A_1 : vector<1x4096xf32> to vector<4096x1xf32>
    %swap3A = arith.constant 0 : index
    %swap3A_2 = arith.constant 0 : index
    %swap3A_3 = vector.load %arg3[%swap3A, %swap3A_2] : memref<4096x1xf32, #tpu.memory_space<vmem>>, vector<4096x1xf32>
    tpu.vector_store %arg3[%swap3A, %swap3A_2], %reshape3A {strides = array<i32>} : memref<4096x1xf32, #tpu.memory_space<vmem>>, vector<4096x1xf32>,
    %reduce_sum3A = vector.shape_cast %get3A_1 : vector<1x4096xf32> to vector<1x1x4096xf32>
    %reduce_sum3A_4 = arith.constant dense<0.000000e+00> : vector<1xf32>
    %reduce_sum3A_5 = vector.multi_reduction <add>, %reduce_sum3A, %reduce_sum3A_4 [1, 2] : vector<1x1x4096xf32> to vector<1xf32>
    %reduce_sum3A_6 = vector.shape_cast %reduce_sum3A_5 : vector<1xf32> to vector<1x1x1xf32>
    %reduce_sum3A_7 = vector.extract %reduce_sum3A_6[0, 0, 0] : f32 from vector<1x1x1xf32>
    %broadcast_in_dim3A = vector.broadcast %reduce_sum3A_7 : f32 to vector<1x1xf32>
    %div3A = arith.constant 4.096000e+03 : f32
    %div3A_8 = vector.broadcast %div3A : f32 to vector<1x1xf32>
    %div3A_9 = arith.divf %broadcast_in_dim3A, %div3A_8 : vector<1x1xf32>
    %sub3A = vector.broadcast %div3A_9 : vector<1x1xf32> to vector<1x4096xf32>
    %sub3A_10 = arith.subf %get3A_1, %sub3A : vector<1x4096xf32>
    %integer_pow3A = arith.mulf %sub3A_10, %sub3A_10 : vector<1x4096xf32>
    %reduce_sum3A_11 = vector.shape_cast %integer_pow3A : vector<1x4096xf32> to vector<1x1x4096xf32>
    %reduce_sum3A_12 = arith.constant dense<0.000000e+00> : vector<1xf32>
    %reduce_sum3A_13 = vector.multi_reduction <add>, %reduce_sum3A_11, %reduce_sum3A_12 [1, 2] : vector<1x1x4096xf32> to vector<1xf32>
    %reduce_sum3A_14 = vector.shape_cast %reduce_sum3A_13 : vector<1xf32> to vector<1x1x1xf32>
    %reduce_sum3A_15 = vector.extract %reduce_sum3A_14[0, 0, 0] : f32 from vector<1x1x1xf32>
    %broadcast_in_dim3A_16 = vector.broadcast %reduce_sum3A_15 : f32 to vector<1x1xf32>
    %div3A_17 = arith.constant 4.095000e+03 : f32
    %div3A_18 = vector.broadcast %div3A_17 : f32 to vector<1x1xf32>
    %div3A_19 = arith.divf %broadcast_in_dim3A_16, %div3A_18 : vector<1x1xf32>
    %sqrt3A = math.sqrt %div3A_19 : vector<1x1xf32>
    %mul3A = arith.constant 1.060000e+00 : f32
    %mul3A_20 = vector.broadcast %mul3A : f32 to vector<1x1xf32>
    %mul3A_21 = arith.mulf %mul3A_20, %sqrt3A : vector<1x1xf32>
    %mul3A_22 = arith.constant 0.189464569 : f32
    %mul3A_23 = vector.broadcast %mul3A_22 : f32 to vector<1x1xf32>
    %mul3A_24 = arith.mulf %mul3A_21, %mul3A_23 : vector<1x1xf32>
    %mul3A_25 = arith.mulf %mul3A_24, %mul3A_24 : vector<1x1xf32>
    %div3A_26 = arith.constant 1.000000e+00 : f32
    %div3A_27 = vector.broadcast %div3A_26 : f32 to vector<1x1xf32>
    %div3A_28 = arith.divf %div3A_27, %mul3A_25 : vector<1x1xf32>
    %div3A_29 = arith.constant 3.750000e+00 : f32
    %div3A_30 = vector.broadcast %div3A_29 : f32 to vector<1x1xf32>
    %div3A_31 = arith.divf %div3A_28, %div3A_30 : vector<1x1xf32>
    %div3A_32 = arith.constant 3.750000e+00 : f32
    %div3A_33 = vector.broadcast %div3A_32 : f32 to vector<1x1xf32>
    %div3A_34 = arith.divf %div3A_28, %div3A_33 : vector<1x1xf32>
    %mul3A_35 = arith.mulf %div3A_31, %div3A_34 : vector<1x1xf32>
    %mul3A_36 = arith.constant 4.581300e-03 : f32
    %mul3A_37 = vector.broadcast %mul3A_36 : f32 to vector<1x1xf32>
    %mul3A_38 = arith.mulf %mul3A_35, %mul3A_37 : vector<1x1xf32>
    %add3A = arith.constant 3.607680e-02 : f32
    %add3A_39 = vector.broadcast %add3A : f32 to vector<1x1xf32>
    %add3A_40 = arith.addf %add3A_39, %mul3A_38 : vector<1x1xf32>
    %mul3A_41 = arith.mulf %mul3A_35, %add3A_40 : vector<1x1xf32>
    %add3A_42 = arith.constant 0.26597321 : f32
    %add3A_43 = vector.broadcast %add3A_42 : f32 to vector<1x1xf32>
    %add3A_44 = arith.addf %add3A_43, %mul3A_41 : vector<1x1xf32>
    %mul3A_45 = arith.mulf %mul3A_35, %add3A_44 : vector<1x1xf32>
    %add3A_46 = arith.constant 1.2067492 : f32
    %add3A_47 = vector.broadcast %add3A_46 : f32 to vector<1x1xf32>
    %add3A_48 = arith.addf %add3A_47, %mul3A_45 : vector<1x1xf32>
    %mul3A_49 = arith.mulf %mul3A_35, %add3A_48 : vector<1x1xf32>
    %add3A_50 = arith.constant 3.08994246 : f32
    %add3A_51 = vector.broadcast %add3A_50 : f32 to vector<1x1xf32>
    %add3A_52 = arith.addf %add3A_51, %mul3A_49 : vector<1x1xf32>
    %mul3A_53 = arith.mulf %mul3A_35, %add3A_52 : vector<1x1xf32>
    %add3A_54 = arith.constant 3.51562285 : f32
    %add3A_55 = vector.broadcast %add3A_54 : f32 to vector<1x1xf32>
    %add3A_56 = arith.addf %add3A_55, %mul3A_53 : vector<1x1xf32>
    %mul3A_57 = arith.mulf %mul3A_35, %add3A_56 : vector<1x1xf32>
    %add3A_58 = arith.constant 1.000000e+00 : f32
    %add3A_59 = vector.broadcast %add3A_58 : f32 to vector<1x1xf32>
    %add3A_60 = arith.addf %add3A_59, %mul3A_57 : vector<1x1xf32>
    %max3A = arith.constant 3.750000e+00 : f32
    %max3A_61 = vector.broadcast %max3A : f32 to vector<1x1xf32>
    %max3A_62 = arith.maximumf %div3A_28, %max3A_61 : vector<1x1xf32>
    %div3A_63 = arith.constant 3.750000e+00 : f32
    %div3A_64 = vector.broadcast %div3A_63 : f32 to vector<1x1xf32>
    %div3A_65 = arith.divf %div3A_64, %max3A_62 : vector<1x1xf32>
    %exp3A = math.exp %max3A_62 : vector<1x1xf32>
    %sqrt3A_66 = math.sqrt %max3A_62 : vector<1x1xf32>
    %div3A_67 = arith.divf %exp3A, %sqrt3A_66 : vector<1x1xf32>
    %mul3A_68 = arith.constant 3.923770e-03 : f32
    %mul3A_69 = vector.broadcast %mul3A_68 : f32 to vector<1x1xf32>
    %mul3A_70 = arith.mulf %div3A_65, %mul3A_69 : vector<1x1xf32>
    %add3A_71 = arith.constant -0.0164763294 : f32
    %add3A_72 = vector.broadcast %add3A_71 : f32 to vector<1x1xf32>
    %add3A_73 = arith.addf %add3A_72, %mul3A_70 : vector<1x1xf32>
    %mul3A_74 = arith.mulf %div3A_65, %add3A_73 : vector<1x1xf32>
    %add3A_75 = arith.constant 0.0263553709 : f32
    %add3A_76 = vector.broadcast %add3A_75 : f32 to vector<1x1xf32>
    %add3A_77 = arith.addf %add3A_76, %mul3A_74 : vector<1x1xf32>
    %mul3A_78 = arith.mulf %div3A_65, %add3A_77 : vector<1x1xf32>
    %add3A_79 = arith.constant -0.0205770601 : f32
    %add3A_80 = vector.broadcast %add3A_79 : f32 to vector<1x1xf32>
    %add3A_81 = arith.addf %add3A_80, %mul3A_78 : vector<1x1xf32>
    %mul3A_82 = arith.mulf %div3A_65, %add3A_81 : vector<1x1xf32>
    %add3A_83 = arith.constant 0.00916280969 : f32
    %add3A_84 = vector.broadcast %add3A_83 : f32 to vector<1x1xf32>
    %add3A_85 = arith.addf %add3A_84, %mul3A_82 : vector<1x1xf32>
    %mul3A_86 = arith.mulf %div3A_65, %add3A_85 : vector<1x1xf32>
    %add3A_87 = arith.constant -1.575650e-03 : f32
    %add3A_88 = vector.broadcast %add3A_87 : f32 to vector<1x1xf32>
    %add3A_89 = arith.addf %add3A_88, %mul3A_86 : vector<1x1xf32>
    %mul3A_90 = arith.mulf %div3A_65, %add3A_89 : vector<1x1xf32>
    %add3A_91 = arith.constant 2.253190e-03 : f32
    %add3A_92 = vector.broadcast %add3A_91 : f32 to vector<1x1xf32>
    %add3A_93 = arith.addf %add3A_92, %mul3A_90 : vector<1x1xf32>
    %mul3A_94 = arith.mulf %div3A_65, %add3A_93 : vector<1x1xf32>
    %add3A_95 = arith.constant 0.01328592 : f32
    %add3A_96 = vector.broadcast %add3A_95 : f32 to vector<1x1xf32>
    %add3A_97 = arith.addf %add3A_96, %mul3A_94 : vector<1x1xf32>
    %mul3A_98 = arith.mulf %div3A_65, %add3A_97 : vector<1x1xf32>
    %add3A_99 = arith.constant 0.398942292 : f32
    %add3A_100 = vector.broadcast %add3A_99 : f32 to vector<1x1xf32>
    %add3A_101 = arith.addf %add3A_100, %mul3A_98 : vector<1x1xf32>
    %mul3A_102 = arith.mulf %div3A_67, %add3A_101 : vector<1x1xf32>
    %lt3A = arith.constant 3.750000e+00 : f32
    %lt3A_103 = vector.broadcast %lt3A : f32 to vector<1x1xf32>
    %lt3A_104 = arith.cmpf olt, %div3A_28, %lt3A_103 : vector<1x1xf32>
    %select_n3A = arith.select %lt3A_104, %add3A_60, %mul3A_102 : vector<1x1xi1>, vector<1x1xf32>
    %mul3A_105 = arith.constant 25735.9277 : f32
    %mul3A_106 = vector.broadcast %mul3A_105 : f32 to vector<1x1xf32>
    %mul3A_107 = arith.mulf %mul3A_106, %select_n3A : vector<1x1xf32>
    %div3A_108 = arith.constant 1.000000e+00 : f32
    %div3A_109 = vector.broadcast %div3A_108 : f32 to vector<1x1xf32>
    %div3A_110 = arith.divf %div3A_109, %mul3A_107 : vector<1x1xf32>
    %cos3A = math.cos %get3A_1 : vector<1x4096xf32>
    %sin3A = math.sin %get3A_1 : vector<1x4096xf32>
    %mul3A_111 = arith.constant 1.44269502 : f32
    %mul3A_112 = vector.broadcast %mul3A_111 : f32 to vector<1x1xf32>
    %mul3A_113 = arith.mulf %div3A_28, %mul3A_112 : vector<1x1xf32>
    %scan3A = arith.constant 0 : i32
    %scan3A_114 = arith.constant 4 : i32
    %scan3A_115 = arith.addi %scan3A, %scan3A_114 : i32
    %scan3A_116 = arith.constant 1 : i32
    scf.for %scan3A_136 = %scan3A to %scan3A_115 step %scan3A_116  : i32 {
      %mul3A_137 = arith.constant 1024 : i32
      %mul3A_138 = arith.muli %scan3A_136, %mul3A_137 : i32
      %get3A_139 = arith.index_cast %mul3A_138 : i32 to index
      %get3A_140 = arith.constant 0 : index
      %get3A_141 = vector.load %arg3[%get3A_139, %get3A_140] : memref<4096x1xf32, #tpu.memory_space<vmem>>, vector<1024x1xf32>
      %cos3A_142 = math.cos %get3A_141 : vector<1024x1xf32>
      %mul3A_143 = vector.broadcast %mul3A_113 : vector<1x1xf32> to vector<1024x1xf32>
      %mul3A_144 = arith.mulf %mul3A_143, %cos3A_142 : vector<1024x1xf32>
      %sin3A_145 = math.sin %get3A_141 : vector<1024x1xf32>
      %mul3A_146 = vector.broadcast %mul3A_113 : vector<1x1xf32> to vector<1024x1xf32>
      %mul3A_147 = arith.mulf %mul3A_146, %sin3A_145 : vector<1024x1xf32>
      %mul3A_148 = vector.broadcast %mul3A_144 : vector<1024x1xf32> to vector<1024x4096xf32>
      %mul3A_149 = vector.broadcast %cos3A : vector<1x4096xf32> to vector<1024x4096xf32>
      %mul3A_150 = arith.mulf %mul3A_148, %mul3A_149 : vector<1024x4096xf32>
      %mul3A_151 = vector.broadcast %mul3A_147 : vector<1024x1xf32> to vector<1024x4096xf32>
      %mul3A_152 = vector.broadcast %sin3A : vector<1x4096xf32> to vector<1024x4096xf32>
      %mul3A_153 = arith.mulf %mul3A_151, %mul3A_152 : vector<1024x4096xf32>
      %add3A_154 = arith.addf %mul3A_150, %mul3A_153 : vector<1024x4096xf32>
      %exp23A = math.exp2 %add3A_154 : vector<1024x4096xf32>
      %reduce_sum3A_155 = arith.constant dense<0.000000e+00> : vector<1024xf32>
      %reduce_sum3A_156 = vector.multi_reduction <add>, %exp23A, %reduce_sum3A_155 [1] : vector<1024x4096xf32> to vector<1024xf32>
      %broadcast_in_dim3A_157 = vector.shape_cast %reduce_sum3A_156 : vector<1024xf32> to vector<1024x1xf32>
      %mul3A_158 = arith.constant 1024 : i32
      %mul3A_159 = arith.muli %scan3A_136, %mul3A_158 : i32
      %swap3A_160 = arith.index_cast %mul3A_159 : i32 to index
      %swap3A_161 = arith.constant 0 : index
      %swap3A_162 = vector.load %arg2[%swap3A_160, %swap3A_161] : memref<4096x1xf32, #tpu.memory_space<vmem>>, vector<1024x1xf32>
      tpu.vector_store %arg2[%swap3A_160, %swap3A_161], %broadcast_in_dim3A_157 {strides = array<i32>} : memref<4096x1xf32, #tpu.memory_space<vmem>>, vector<1024x1xf32>,
    }
    %scan3A_117 = arith.constant 4 : i32
    %get3A_118 = arith.constant 0 : index
    %get3A_119 = arith.constant 0 : index
    %get3A_120 = vector.load %arg2[%get3A_118, %get3A_119] : memref<4096x1xf32, #tpu.memory_space<vmem>>, vector<4096x1xf32>
    %mul3A_121 = vector.broadcast %div3A_110 : vector<1x1xf32> to vector<4096x1xf32>
    %mul3A_122 = arith.mulf %get3A_120, %mul3A_121 : vector<4096x1xf32>
    %add3A_123 = arith.constant 1.000000e-10 : f32
    %add3A_124 = vector.broadcast %add3A_123 : f32 to vector<4096x1xf32>
    %add3A_125 = arith.addf %mul3A_122, %add3A_124 : vector<4096x1xf32>
    %log3A = math.log %add3A_125 : vector<4096x1xf32>
    %reduce_sum3A_126 = vector.shape_cast %log3A : vector<4096x1xf32> to vector<1x4096x1xf32>
    %reduce_sum3A_127 = arith.constant dense<0.000000e+00> : vector<1xf32>
    %reduce_sum3A_128 = vector.multi_reduction <add>, %reduce_sum3A_126, %reduce_sum3A_127 [1, 2] : vector<1x4096x1xf32> to vector<1xf32>
    %reduce_sum3A_129 = vector.shape_cast %reduce_sum3A_128 : vector<1xf32> to vector<1x1x1xf32>
    %reduce_sum3A_130 = vector.extract %reduce_sum3A_129[0, 0, 0] : f32 from vector<1x1x1xf32>
    %neg3A = arith.constant 0.000000e+00 : f32
    %neg3A_131 = arith.subf %neg3A, %reduce_sum3A_130 : f32
    %div3A_132 = arith.constant 4.096000e+03 : f32
    %div3A_133 = arith.divf %neg3A_131, %div3A_132 : f32
    %swap3A_134 = arith.constant 0 : index
    %swap3A_135 = memref.load %arg1[%swap3A_134] : memref<1xf32, #tpu.memory_space<smem>>
    memref.store %div3A_133, %arg1[%swap3A_134] : memref<1xf32, #tpu.memory_space<smem>>
    return
  }
}

module attributes {stable_mosaic.version = 14 : i64} {
  func.func @_combine_body(%arg0: memref<16x32x16xi32, #tpu.memory_space<vmem>>, %arg1: memref<32x64xf32, #tpu.memory_space<vmem>>, %arg2: memref<1x64xf32, #tpu.memory_space<vmem>>, %arg3: memref<1x64xf32, #tpu.memory_space<vmem>>, %arg4: memref<64x64xf32, #tpu.memory_space<vmem>>, %arg5: memref<1x64xf32, #tpu.memory_space<vmem>>, %arg6: memref<1x64xf32, #tpu.memory_space<vmem>>, %arg7: memref<1x1xf32, #tpu.memory_space<vmem>>, %arg8: memref<1xf32, #tpu.memory_space<smem>>, %arg9: memref<6xf32, #tpu.memory_space<smem>>) attributes {dimension_semantics = [], scalar_prefetch = 0 : i64, scratch_operands = 0 : i64, tpu.core_type = #tpu.core_type<tc>} {
    %get3A = arith.constant 0 : index
    %get3A_0 = arith.constant 0 : index
    %get3A_1 = arith.constant 0 : index
    %get3A_2 = vector.load %arg0[%get3A, %get3A_0, %get3A_1] : memref<16x32x16xi32, #tpu.memory_space<vmem>>, vector<16x32x16xi32>
    %reduce_sum3A = arith.constant dense<0> : vector<32x16xi32>
    %reduce_sum3A_3 = vector.multi_reduction <add>, %get3A_2, %reduce_sum3A [0] : vector<16x32x16xi32> to vector<32x16xi32>
    %reduce_sum3A_4 = arith.constant dense<0> : vector<32xi32>
    %reduce_sum3A_5 = vector.multi_reduction <add>, %reduce_sum3A_3, %reduce_sum3A_4 [1] : vector<32x16xi32> to vector<32xi32>
    %broadcast_in_dim3A = vector.shape_cast %reduce_sum3A_5 : vector<32xi32> to vector<32x1xi32>
    %convert_element_type3A = arith.sitofp %broadcast_in_dim3A : vector<32x1xi32> to vector<32x1xf32>
    %div3A = arith.constant 4.096000e+03 : f32
    %div3A_6 = vector.broadcast %div3A : f32 to vector<32x1xf32>
    %div3A_7 = arith.divf %convert_element_type3A, %div3A_6 : vector<32x1xf32>
    %add3A = arith.constant 1.000000e-10 : f32
    %add3A_8 = vector.broadcast %add3A : f32 to vector<32x1xf32>
    %add3A_9 = arith.addf %div3A_7, %add3A_8 : vector<32x1xf32>
    %log3A = math.log %add3A_9 : vector<32x1xf32>
    %mul3A = arith.mulf %add3A_9, %log3A : vector<32x1xf32>
    %reduce_sum3A_10 = vector.shape_cast %mul3A : vector<32x1xf32> to vector<1x32x1xf32>
    %reduce_sum3A_11 = arith.constant dense<0.000000e+00> : vector<1xf32>
    %reduce_sum3A_12 = vector.multi_reduction <add>, %reduce_sum3A_10, %reduce_sum3A_11 [1, 2] : vector<1x32x1xf32> to vector<1xf32>
    %reduce_sum3A_13 = vector.shape_cast %reduce_sum3A_12 : vector<1xf32> to vector<1x1x1xf32>
    %reduce_sum3A_14 = vector.extract %reduce_sum3A_13[0, 0, 0] : f32 from vector<1x1x1xf32>
    %neg3A = arith.constant 0.000000e+00 : f32
    %neg3A_15 = arith.subf %neg3A, %reduce_sum3A_14 : f32
    %get3A_16 = arith.constant 0 : index
    %get3A_17 = arith.constant 0 : index
    %get3A_18 = vector.load %arg1[%get3A_16, %get3A_17] : memref<32x64xf32, #tpu.memory_space<vmem>>, vector<32x64xf32>
    %reduce_sum3A_19 = arith.constant dense<0.000000e+00> : vector<32xf32>
    %reduce_sum3A_20 = vector.multi_reduction <add>, %get3A_18, %reduce_sum3A_19 [1] : vector<32x64xf32> to vector<32xf32>
    %broadcast_in_dim3A_21 = vector.shape_cast %reduce_sum3A_20 : vector<32xf32> to vector<32x1xf32>
    %div3A_22 = arith.constant 6.400000e+01 : f32
    %div3A_23 = vector.broadcast %div3A_22 : f32 to vector<32x1xf32>
    %div3A_24 = arith.divf %broadcast_in_dim3A_21, %div3A_23 : vector<32x1xf32>
    %sub3A = vector.broadcast %div3A_24 : vector<32x1xf32> to vector<32x64xf32>
    %sub3A_25 = arith.subf %get3A_18, %sub3A : vector<32x64xf32>
    %integer_pow3A = arith.mulf %sub3A_25, %sub3A_25 : vector<32x64xf32>
    %reduce_sum3A_26 = arith.constant dense<0.000000e+00> : vector<32xf32>
    %reduce_sum3A_27 = vector.multi_reduction <add>, %integer_pow3A, %reduce_sum3A_26 [1] : vector<32x64xf32> to vector<32xf32>
    %broadcast_in_dim3A_28 = vector.shape_cast %reduce_sum3A_27 : vector<32xf32> to vector<32x1xf32>
    %div3A_29 = arith.constant 6.400000e+01 : f32
    %div3A_30 = vector.broadcast %div3A_29 : f32 to vector<32x1xf32>
    %div3A_31 = arith.divf %broadcast_in_dim3A_28, %div3A_30 : vector<32x1xf32>
    %sub3A_32 = vector.broadcast %div3A_24 : vector<32x1xf32> to vector<32x64xf32>
    %sub3A_33 = arith.subf %get3A_18, %sub3A_32 : vector<32x64xf32>
    %add3A_34 = arith.constant 9.99999974E-6 : f32
    %add3A_35 = vector.broadcast %add3A_34 : f32 to vector<32x1xf32>
    %add3A_36 = arith.addf %div3A_31, %add3A_35 : vector<32x1xf32>
    %sqrt3A = math.sqrt %add3A_36 : vector<32x1xf32>
    %div3A_37 = vector.broadcast %sqrt3A : vector<32x1xf32> to vector<32x64xf32>
    %div3A_38 = arith.divf %sub3A_33, %div3A_37 : vector<32x64xf32>
    %get3A_39 = arith.constant 0 : index
    %get3A_40 = arith.constant 0 : index
    %get3A_41 = vector.load %arg2[%get3A_39, %get3A_40] : memref<1x64xf32, #tpu.memory_space<vmem>>, vector<1x64xf32>
    %mul3A_42 = vector.broadcast %get3A_41 : vector<1x64xf32> to vector<32x64xf32>
    %mul3A_43 = arith.mulf %div3A_38, %mul3A_42 : vector<32x64xf32>
    %get3A_44 = arith.constant 0 : index
    %get3A_45 = arith.constant 0 : index
    %get3A_46 = vector.load %arg3[%get3A_44, %get3A_45] : memref<1x64xf32, #tpu.memory_space<vmem>>, vector<1x64xf32>
    %add3A_47 = vector.broadcast %get3A_46 : vector<1x64xf32> to vector<32x64xf32>
    %add3A_48 = arith.addf %mul3A_43, %add3A_47 : vector<32x64xf32>
    %max3A = arith.constant 0.000000e+00 : f32
    %max3A_49 = vector.broadcast %max3A : f32 to vector<32x64xf32>
    %max3A_50 = arith.maximumf %add3A_48, %max3A_49 : vector<32x64xf32>
    %get3A_51 = arith.constant 0 : index
    %get3A_52 = arith.constant 0 : index
    %get3A_53 = vector.load %arg4[%get3A_51, %get3A_52] : memref<64x64xf32, #tpu.memory_space<vmem>>, vector<64x64xf32>
    %dot_general3A = arith.constant dense<0.000000e+00> : vector<32x64xf32>
    %dot_general3A_54 = tpu.matmul %max3A_50, %get3A_53, %dot_general3A {dimension_numbers = #tpu.dot_dimension_numbers<[1], [0], [0], [1], [0, 0, 1, 1], [], []>, precision = #tpu.contract_precision<fp32>, transpose_lhs_hint = false} : vector<32x64xf32>, vector<64x64xf32>, vector<32x64xf32> -> vector<32x64xf32>
    %get3A_55 = arith.constant 0 : index
    %get3A_56 = arith.constant 0 : index
    %get3A_57 = vector.load %arg5[%get3A_55, %get3A_56] : memref<1x64xf32, #tpu.memory_space<vmem>>, vector<1x64xf32>
    %add3A_58 = vector.broadcast %get3A_57 : vector<1x64xf32> to vector<32x64xf32>
    %add3A_59 = arith.addf %dot_general3A_54, %add3A_58 : vector<32x64xf32>
    %max3A_60 = arith.constant 0.000000e+00 : f32
    %max3A_61 = vector.broadcast %max3A_60 : f32 to vector<32x64xf32>
    %max3A_62 = arith.maximumf %add3A_59, %max3A_61 : vector<32x64xf32>
    %get3A_63 = arith.constant 0 : index
    %get3A_64 = arith.constant 0 : index
    %get3A_65 = vector.load %arg6[%get3A_63, %get3A_64] : memref<1x64xf32, #tpu.memory_space<vmem>>, vector<1x64xf32>
    %mul3A_66 = vector.broadcast %get3A_65 : vector<1x64xf32> to vector<32x64xf32>
    %mul3A_67 = arith.mulf %max3A_62, %mul3A_66 : vector<32x64xf32>
    %reduce_sum3A_68 = arith.constant dense<0.000000e+00> : vector<32xf32>
    %reduce_sum3A_69 = vector.multi_reduction <add>, %mul3A_67, %reduce_sum3A_68 [1] : vector<32x64xf32> to vector<32xf32>
    %broadcast_in_dim3A_70 = vector.shape_cast %reduce_sum3A_69 : vector<32xf32> to vector<32x1xf32>
    %get3A_71 = arith.constant 0 : index
    %get3A_72 = arith.constant 0 : index
    %get3A_73 = vector.load %arg7[%get3A_71, %get3A_72] : memref<1x1xf32, #tpu.memory_space<vmem>>, vector<1x1xf32>
    %add3A_74 = vector.broadcast %get3A_73 : vector<1x1xf32> to vector<32x1xf32>
    %add3A_75 = arith.addf %broadcast_in_dim3A_70, %add3A_74 : vector<32x1xf32>
    %max3A_76 = arith.constant 0.000000e+00 : f32
    %max3A_77 = vector.broadcast %max3A_76 : f32 to vector<32x1xf32>
    %max3A_78 = arith.maximumf %add3A_75, %max3A_77 : vector<32x1xf32>
    %abs3A = math.absf %add3A_75 : vector<32x1xf32>
    %neg3A_79 = arith.constant 0.000000e+00 : f32
    %neg3A_80 = vector.broadcast %neg3A_79 : f32 to vector<32x1xf32>
    %neg3A_81 = arith.subf %neg3A_80, %abs3A : vector<32x1xf32>
    %exp3A = math.exp %neg3A_81 : vector<32x1xf32>
    %log1p3A = math.log1p %exp3A : vector<32x1xf32>
    %add3A_82 = arith.addf %max3A_78, %log1p3A : vector<32x1xf32>
    %add3A_83 = arith.constant 1.000000e-01 : f32
    %add3A_84 = vector.broadcast %add3A_83 : f32 to vector<32x1xf32>
    %add3A_85 = arith.addf %add3A_82, %add3A_84 : vector<32x1xf32>
    %div3A_86 = arith.constant 3.750000e+00 : f32
    %div3A_87 = vector.broadcast %div3A_86 : f32 to vector<32x1xf32>
    %div3A_88 = arith.divf %add3A_85, %div3A_87 : vector<32x1xf32>
    %div3A_89 = arith.constant 3.750000e+00 : f32
    %div3A_90 = vector.broadcast %div3A_89 : f32 to vector<32x1xf32>
    %div3A_91 = arith.divf %add3A_85, %div3A_90 : vector<32x1xf32>
    %mul3A_92 = arith.mulf %div3A_88, %div3A_91 : vector<32x1xf32>
    %mul3A_93 = arith.constant 4.581300e-03 : f32
    %mul3A_94 = vector.broadcast %mul3A_93 : f32 to vector<32x1xf32>
    %mul3A_95 = arith.mulf %mul3A_92, %mul3A_94 : vector<32x1xf32>
    %add3A_96 = arith.constant 3.607680e-02 : f32
    %add3A_97 = vector.broadcast %add3A_96 : f32 to vector<32x1xf32>
    %add3A_98 = arith.addf %add3A_97, %mul3A_95 : vector<32x1xf32>
    %mul3A_99 = arith.mulf %mul3A_92, %add3A_98 : vector<32x1xf32>
    %add3A_100 = arith.constant 0.26597321 : f32
    %add3A_101 = vector.broadcast %add3A_100 : f32 to vector<32x1xf32>
    %add3A_102 = arith.addf %add3A_101, %mul3A_99 : vector<32x1xf32>
    %mul3A_103 = arith.mulf %mul3A_92, %add3A_102 : vector<32x1xf32>
    %add3A_104 = arith.constant 1.2067492 : f32
    %add3A_105 = vector.broadcast %add3A_104 : f32 to vector<32x1xf32>
    %add3A_106 = arith.addf %add3A_105, %mul3A_103 : vector<32x1xf32>
    %mul3A_107 = arith.mulf %mul3A_92, %add3A_106 : vector<32x1xf32>
    %add3A_108 = arith.constant 3.08994246 : f32
    %add3A_109 = vector.broadcast %add3A_108 : f32 to vector<32x1xf32>
    %add3A_110 = arith.addf %add3A_109, %mul3A_107 : vector<32x1xf32>
    %mul3A_111 = arith.mulf %mul3A_92, %add3A_110 : vector<32x1xf32>
    %add3A_112 = arith.constant 3.51562285 : f32
    %add3A_113 = vector.broadcast %add3A_112 : f32 to vector<32x1xf32>
    %add3A_114 = arith.addf %add3A_113, %mul3A_111 : vector<32x1xf32>
    %mul3A_115 = arith.mulf %mul3A_92, %add3A_114 : vector<32x1xf32>
    %add3A_116 = arith.constant 1.000000e+00 : f32
    %add3A_117 = vector.broadcast %add3A_116 : f32 to vector<32x1xf32>
    %add3A_118 = arith.addf %add3A_117, %mul3A_115 : vector<32x1xf32>
    %max3A_119 = arith.constant 3.750000e+00 : f32
    %max3A_120 = vector.broadcast %max3A_119 : f32 to vector<32x1xf32>
    %max3A_121 = arith.maximumf %add3A_85, %max3A_120 : vector<32x1xf32>
    %div3A_122 = arith.constant 3.750000e+00 : f32
    %div3A_123 = vector.broadcast %div3A_122 : f32 to vector<32x1xf32>
    %div3A_124 = arith.divf %div3A_123, %max3A_121 : vector<32x1xf32>
    %exp3A_125 = math.exp %max3A_121 : vector<32x1xf32>
    %sqrt3A_126 = math.sqrt %max3A_121 : vector<32x1xf32>
    %div3A_127 = arith.divf %exp3A_125, %sqrt3A_126 : vector<32x1xf32>
    %mul3A_128 = arith.constant 3.923770e-03 : f32
    %mul3A_129 = vector.broadcast %mul3A_128 : f32 to vector<32x1xf32>
    %mul3A_130 = arith.mulf %div3A_124, %mul3A_129 : vector<32x1xf32>
    %add3A_131 = arith.constant -0.0164763294 : f32
    %add3A_132 = vector.broadcast %add3A_131 : f32 to vector<32x1xf32>
    %add3A_133 = arith.addf %add3A_132, %mul3A_130 : vector<32x1xf32>
    %mul3A_134 = arith.mulf %div3A_124, %add3A_133 : vector<32x1xf32>
    %add3A_135 = arith.constant 0.0263553709 : f32
    %add3A_136 = vector.broadcast %add3A_135 : f32 to vector<32x1xf32>
    %add3A_137 = arith.addf %add3A_136, %mul3A_134 : vector<32x1xf32>
    %mul3A_138 = arith.mulf %div3A_124, %add3A_137 : vector<32x1xf32>
    %add3A_139 = arith.constant -0.0205770601 : f32
    %add3A_140 = vector.broadcast %add3A_139 : f32 to vector<32x1xf32>
    %add3A_141 = arith.addf %add3A_140, %mul3A_138 : vector<32x1xf32>
    %mul3A_142 = arith.mulf %div3A_124, %add3A_141 : vector<32x1xf32>
    %add3A_143 = arith.constant 0.00916280969 : f32
    %add3A_144 = vector.broadcast %add3A_143 : f32 to vector<32x1xf32>
    %add3A_145 = arith.addf %add3A_144, %mul3A_142 : vector<32x1xf32>
    %mul3A_146 = arith.mulf %div3A_124, %add3A_145 : vector<32x1xf32>
    %add3A_147 = arith.constant -1.575650e-03 : f32
    %add3A_148 = vector.broadcast %add3A_147 : f32 to vector<32x1xf32>
    %add3A_149 = arith.addf %add3A_148, %mul3A_146 : vector<32x1xf32>
    %mul3A_150 = arith.mulf %div3A_124, %add3A_149 : vector<32x1xf32>
    %add3A_151 = arith.constant 2.253190e-03 : f32
    %add3A_152 = vector.broadcast %add3A_151 : f32 to vector<32x1xf32>
    %add3A_153 = arith.addf %add3A_152, %mul3A_150 : vector<32x1xf32>
    %mul3A_154 = arith.mulf %div3A_124, %add3A_153 : vector<32x1xf32>
    %add3A_155 = arith.constant 0.01328592 : f32
    %add3A_156 = vector.broadcast %add3A_155 : f32 to vector<32x1xf32>
    %add3A_157 = arith.addf %add3A_156, %mul3A_154 : vector<32x1xf32>
    %mul3A_158 = arith.mulf %div3A_124, %add3A_157 : vector<32x1xf32>
    %add3A_159 = arith.constant 0.398942292 : f32
    %add3A_160 = vector.broadcast %add3A_159 : f32 to vector<32x1xf32>
    %add3A_161 = arith.addf %add3A_160, %mul3A_158 : vector<32x1xf32>
    %mul3A_162 = arith.mulf %div3A_127, %add3A_161 : vector<32x1xf32>
    %lt3A = arith.constant 3.750000e+00 : f32
    %lt3A_163 = vector.broadcast %lt3A : f32 to vector<32x1xf32>
    %lt3A_164 = arith.cmpf olt, %add3A_85, %lt3A_163 : vector<32x1xf32>
    %select_n3A = arith.select %lt3A_164, %add3A_118, %mul3A_162 : vector<32x1xi1>, vector<32x1xf32>
    %mul3A_165 = arith.constant 6.28318548 : f32
    %mul3A_166 = vector.broadcast %mul3A_165 : f32 to vector<32x1xf32>
    %mul3A_167 = arith.mulf %mul3A_166, %select_n3A : vector<32x1xf32>
    %log3A_168 = math.log %mul3A_167 : vector<32x1xf32>
    %sub3A_169 = arith.subf %log3A_168, %add3A_85 : vector<32x1xf32>
    %div3A_170 = arith.constant 4.096000e+03 : f32
    %div3A_171 = vector.broadcast %div3A_170 : f32 to vector<32x1xf32>
    %div3A_172 = arith.divf %convert_element_type3A, %div3A_171 : vector<32x1xf32>
    %mul3A_173 = arith.mulf %div3A_172, %sub3A_169 : vector<32x1xf32>
    %reduce_sum3A_174 = vector.shape_cast %mul3A_173 : vector<32x1xf32> to vector<1x32x1xf32>
    %reduce_sum3A_175 = arith.constant dense<0.000000e+00> : vector<1xf32>
    %reduce_sum3A_176 = vector.multi_reduction <add>, %reduce_sum3A_174, %reduce_sum3A_175 [1, 2] : vector<1x32x1xf32> to vector<1xf32>
    %reduce_sum3A_177 = vector.shape_cast %reduce_sum3A_176 : vector<1xf32> to vector<1x1x1xf32>
    %reduce_sum3A_178 = vector.extract %reduce_sum3A_177[0, 0, 0] : f32 from vector<1x1x1xf32>
    %get3A_179 = arith.constant 0 : index
    %get3A_180 = memref.load %arg8[%get3A_179] : memref<1xf32, #tpu.memory_space<smem>>
    %sub3A_181 = arith.subf %get3A_180, %reduce_sum3A_178 : f32
    %mul3A_182 = arith.constant 2.000000e+00 : f32
    %mul3A_183 = arith.mulf %mul3A_182, %sub3A_181 : f32
    %add3A_184 = arith.addf %neg3A_15, %get3A_180 : f32
    %add3A_185 = arith.constant 9.99999996E-13 : f32
    %add3A_186 = arith.addf %add3A_184, %add3A_185 : f32
    %div3A_187 = arith.divf %mul3A_183, %add3A_186 : f32
    %jit3A = arith.constant 0.000000e+00 : f32
    %jit3A_188 = arith.constant 1.000000e+00 : f32
    %max3A_189 = arith.maximumf %jit3A, %div3A_187 : f32
    %min3A = arith.minimumf %jit3A_188, %max3A_189 : f32
    %min3A_190 = arith.minimumf %neg3A_15, %get3A_180 : f32
    %div3A_191 = arith.divf %sub3A_181, %min3A_190 : f32
    %swap3A = arith.constant 0 : index
    %swap3A_192 = memref.load %arg9[%swap3A] : memref<6xf32, #tpu.memory_space<smem>>
    memref.store %sub3A_181, %arg9[%swap3A] : memref<6xf32, #tpu.memory_space<smem>>
    %swap3A_193 = arith.constant 1 : index
    %swap3A_194 = memref.load %arg9[%swap3A_193] : memref<6xf32, #tpu.memory_space<smem>>
    memref.store %neg3A_15, %arg9[%swap3A_193] : memref<6xf32, #tpu.memory_space<smem>>
    %swap3A_195 = arith.constant 2 : index
    %swap3A_196 = memref.load %arg9[%swap3A_195] : memref<6xf32, #tpu.memory_space<smem>>
    memref.store %get3A_180, %arg9[%swap3A_195] : memref<6xf32, #tpu.memory_space<smem>>
    %swap3A_197 = arith.constant 3 : index
    %swap3A_198 = memref.load %arg9[%swap3A_197] : memref<6xf32, #tpu.memory_space<smem>>
    memref.store %reduce_sum3A_178, %arg9[%swap3A_197] : memref<6xf32, #tpu.memory_space<smem>>
    %swap3A_199 = arith.constant 4 : index
    %swap3A_200 = memref.load %arg9[%swap3A_199] : memref<6xf32, #tpu.memory_space<smem>>
    memref.store %min3A, %arg9[%swap3A_199] : memref<6xf32, #tpu.memory_space<smem>>
    %swap3A_201 = arith.constant 5 : index
    %swap3A_202 = memref.load %arg9[%swap3A_201] : memref<6xf32, #tpu.memory_space<smem>>
    memref.store %div3A_191, %arg9[%swap3A_201] : memref<6xf32, #tpu.memory_space<smem>>
    return
  }
}

</mosaic_0001>

<sc_bundles>
// kernel: kernel.5.cloned.1.call-start
scs
__scs_entry_jumppad:
0x0: {  	(pc) =	sbr.rel $0x88, $3  }
0x1: {  	(tag) =	ssettag $0x0;
	lr =	simm.s32 $0x1  }
0x2: {  	[smem:$0x3F98] =	sst lr;
	_ =	strace $0xD0000000  }
0x3: {  	_ = 	snop  }
0x4: {  	_ = 	snop  }
0x5: {  	_ = 	snop  }
0x6: {  	_ = 	snop  }
0x7: {  	_ = 	snop  }
__scs_overlays_trampoline_lowered:
0x8: {  	[smem:$0x3FA7] =	sst s0  }
0x9: {  	[smem:$0x3FA8] =	sst s1  }
0xa: {  	[smem:$0x3FA9] =	sst s2  }
0xb: {  	[smem:$0x3FAA] =	sst s3  }
0xc: {  	[smem:$0x3FAB] =	sst s4  }
0xd: {  	[smem:$0x3FAC] =	sst s5  }
0xe: {  	[smem:$0x3FAD] =	sst s6  }
0xf: {  	[smem:$0x3FAE] =	sst s7  }
0x10: {  	[smem:$0x3FAF] =	sst s8  }
0x11: {  	[smem:$0x3FB0] =	sst s9;
	s0 =	simm.s32 @!p0 $0x0  }
0x12: {  	s1 =	sld [smem:$0x3F96];
	s0 =	simm.s32 @p0 $0x1  }
0x13: {  	[smem:$0x3FB1] =	sst s0;
	s0 =	simm.s32 @!p1 $0x0  }
0x14: {  	s2 =	sld [smem:$0x3F95];
	s0 =	simm.s32 @p1 $0x1  }
0x15: {  	[smem:$0x3FB2] =	sst s0;
	s0 =	simm.s32 @!p2 $0x0  }
0x16: {  	s3 =	sld [smem:$0x3FDB];
	s0 =	simm.s32 @p2 $0x1  }
0x17: {  	s4 =	simm.s32 $0x1BF5;
	[smem:$0x3FB4] =	sst s0  }
0x18: {  	s0 =	sld [smem:$0x3F97];
	_ =	swait.ge [sflag:s4], $0x0  }
0x19: {  	s7 =	sld [smem:$0x3F98]  }
0x1a: {  	s8 =	sadd.s32 $0xFFFFE003, lr  }
0x1b: {  	s9 =	sadd.s32 $0xFFFFFEF7, lr;
	s5 =	simm.s32 $0xFFFFFFFF;
	p2 =	slt.u32 s8, $0xFFFFF086  }
0x1c: {  	p1 =	slt.u32 s9, $0xF7A;
	s5 =	simm.s32 @!p2 $0x0  }
0x1d: {  	s5 =	simm.s32 @p1 $0x1;
	p0 =	seq.s32 s7, s2  }
0x1e: {  	s7 =	smul.u32 @!p0 $0xF7A, s2;
	p2 =	seq.s32 @!p0 s5, $0x0  }
0x1f: {  	s9 =	smul.u32 $0xF7A, s1;
	s8 =	simm.s32 @!p0 $0x1BF5;
	p2 =	por !p2, p0  }
0x20: {  	[sflag:s8] =	ssyncset.s32 @!p0 $0xFFFFF086;
	s6 =	sadd.s32 @!p0 s3, s7;
	s7 =	simm.s32 @!p0 $0x108  }
0x21: {  	s3 =	sadd.s32 s3, s9;
	s6 =	sadd.s32 @!p0 $0x88, s6;
	s7 =	simm.s32 @p2 $0x1082  }
0x22: {  	[simem:s7], [sflag:s8] =	dma.local @!p0 [hbm:s6], $0xF7A  }
0x23: {  	s9 =	sor.u32 $0xD0000000, s2;
	s6 =	simm.s32 $0x108;
	_ =	swait.ge @!p0 [sflag:s8], $0x0  }
0x24: {  	s3 =	sadd.s32 $0x88, s3;
	s6 =	simm.s32 @!p1 $0x1082;
	[sflag:s4] =	ssyncset.s32 $0xFFFFF086  }
0x25: {  	[simem:s6], [sflag:s4] =	dma.local [hbm:s3], $0xF7A  }
0x26: {  	[smem:$0x3F98] =	sst s1;
	(tag) =	ssettag s2;
	_ =	strace s9  }
0x27: {  	s1 =	sld [smem:$0x3FA8]  }
0x28: {  	s2 =	sld [smem:$0x3FA9]  }
0x29: {  	s4 =	sld [smem:$0x3FAB]  }
0x2a: {  	p0 =	seq.s32 s5, $0x0;
	s5 =	sld [smem:$0x3FAC]  }
0x2b: {  	s6 =	sld [smem:$0x3FAD]  }
0x2c: {  	s7 =	sld [smem:$0x3FAE]  }
0x2d: {  	s3 =	simm.s32 $0x108;
	s8 =	sld [smem:$0x3FAF]  }
0x2e: {  	s3 =	simm.s32 @!p0 $0x1082;
	s9 =	sld [smem:$0x3FB0]  }
0x2f: {  	lr =	sadd.s32 s0, s3;
	s0 =	sld [smem:$0x3FA7]  }
0x30: {  	s3 =	sld [smem:$0x3FAA]  }
0x31: {  	[smem:$0x3FB3] =	sst s10  }
0x32: {  	s10 =	sld [smem:$0x3FB1];
	_ =	sdelay $0x3  }
0x33: {  	p0 =	seq.s32 s10, $0x1;
	s10 =	sld [smem:$0x3FB3];
	_ =	sdelay $0x3  }
0x34: {  	[smem:$0x3FB3] =	sst s10  }
0x35: {  	s10 =	sld [smem:$0x3FB2];
	_ =	sdelay $0x3  }
0x36: {  	p1 =	seq.s32 s10, $0x1;
	s10 =	sld [smem:$0x3FB3];
	_ =	sdelay $0x3  }
0x37: {  	[smem:$0x3FB3] =	sst s10  }
0x38: {  	s10 =	sld [smem:$0x3FB4]  }
0x39: {  	_ = 	snop;
	(pc) =	sbr.ind lr, $3  }
0x3a: {  	_ = 	snop  }
0x3b: {  	_ = 	snop  }
0x3c: {  	p2 =	seq.s32 s10, $0x1;
	s10 =	sld [smem:$0x3FB3]  }
0x3d: {  	_ =	shalt  }
0x3e: {  	_ =	shalt  }
0x3f: {  	_ =	shalt  }
0x40: {  	_ =	shalt  }
0x41: {  	_ =	shalt  }
0x42: {  	_ =	shalt  }
0x43: {  	_ =	shalt  }
0x44: {  	_ =	shalt  }
0x45: {  	_ =	shalt  }
0x46: {  	_ =	shalt  }
0x47: {  	_ =	shalt  }
0x48: {  	_ =	shalt  }
0x49: {  	_ =	shalt  }
0x4a: {  	_ =	shalt  }
0x4b: {  	_ =	shalt  }
0x4c: {  	_ =	shalt  }
0x4d: {  	_ =	shalt  }
0x4e: {  	_ =	shalt  }
0x4f: {  	_ =	shalt  }
0x50: {  	_ =	shalt  }
0x51: {  	_ =	shalt  }
0x52: {  	_ =	shalt  }
0x53: {  	_ =	shalt  }
0x54: {  	_ =	shalt  }
0x55: {  	_ =	shalt  }
0x56: {  	_ =	shalt  }
0x57: {  	_ =	shalt  }
0x58: {  	_ =	shalt  }
0x59: {  	_ =	shalt  }
0x5a: {  	_ =	shalt  }
0x5b: {  	_ =	shalt  }
0x5c: {  	_ =	shalt  }
0x5d: {  	_ =	shalt  }
0x5e: {  	_ =	shalt  }
0x5f: {  	_ =	shalt  }
0x60: {  	_ =	shalt  }
0x61: {  	_ =	shalt  }
0x62: {  	_ =	shalt  }
0x63: {  	_ =	shalt  }
0x64: {  	_ =	shalt  }
0x65: {  	_ =	shalt  }
0x66: {  	_ =	shalt  }
0x67: {  	_ =	shalt  }
0x68: {  	_ =	shalt  }
0x69: {  	_ =	shalt  }
0x6a: {  	_ =	shalt  }
0x6b: {  	_ =	shalt  }
0x6c: {  	_ =	shalt  }
0x6d: {  	_ =	shalt  }
0x6e: {  	_ =	shalt  }
0x6f: {  	_ =	shalt  }
0x70: {  	_ =	shalt  }
0x71: {  	_ =	shalt  }
0x72: {  	_ =	shalt  }
0x73: {  	_ =	shalt  }
0x74: {  	_ =	shalt  }
0x75: {  	_ =	shalt  }
0x76: {  	_ =	shalt  }
0x77: {  	_ =	shalt  }
0x78: {  	_ =	shalt  }
0x79: {  	_ =	shalt  }
0x7a: {  	_ =	shalt  }
0x7b: {  	_ =	shalt  }
0x7c: {  	_ =	shalt  }
0x7d: {  	_ =	shalt  }
0x7e: {  	_ =	shalt  }
0x7f: {  	_ =	shalt  }
0x80: {  	_ =	shalt  }
0x81: {  	_ =	shalt  }
0x82: {  	_ =	shalt  }
0x83: {  	_ =	shalt  }
0x84: {  	_ =	shalt  }
0x85: {  	_ =	shalt  }
0x86: {  	_ =	shalt  }
0x87: {  	_ =	shalt  }
.Lfunc_end0:
.L_simem_size_0:
called_computation_lowered:
.L_overlay_start_0:
0x88: {  	s0 =	sld [smem:$0x3FD9]  }
0x89: {  	s1 =	sld [smem:$0x3FFE];
	_ =	sdelay $0x3  }
0x8a: {  	s0 =	sadd.s32 s1, s0  }
0x8b: {  	[smem:$0x3FBF] =	sst s0  }
0x8c: {  	_ = 	snop  }
0x8d: {  	s0 =	sld [smem:$0x3FC9];
	(tm) =	ssettm $0x1  }
0x8e: {  	s16 =	sld [smem:$0x3FFB];
	_ =	sdelay $0x3  }
0x8f: {  	_ =	strace s16  }
0x90: {  	s1 =	sld [smem:$0x3FFC];
	_ =	sdelay $0x3  }
0x91: {  	_ =	strace s1  }
0x92: {  	s1 =	sld [smem:$0x3FFD];
	_ =	sdelay $0x3  }
0x93: {  	_ =	strace s1  }
0x94: {  	_ =	strace $0x8FFFFFFF  }
0x95: {  	s17 =	sld [smem:$0x3FDB];
	_ =	sdelay $0x1  }
0x96: {  	s2 =	simm.s32 $_scs_section_size  }
0x97: {  	s3 =	simm.s32 $_size__tile_overlayer_lowered;
	s4 =	simm.s32 $_tile_overlayer_lowered  }
0x98: {  	s20 =	simm.s32 $0x1BFF;
	s19 =	sshll.u32 s4, $0x1;
	s1 =	sadd.s32 s2, s17  }
0x99: {  	s5 =	simm.s32 $0x0;
	s18 =	sshll.u32 s3, $0x1;
	s3 =	sadd.s32 s19, s1  }
0x9a: {  	[timem:s5], [sflag:s20] =	dma.local [hbm:s3], s18  }
0x9b: {  	_ =	swait.ge [sflag:s20], s18  }
0x9c: {  	s2 =	ssub.s32 $0x0, s18;
	[sflag:s20] =	ssyncset.done $0x0  }
0x9d: {  	[sflag:s20] =	ssyncadd.s32 s2;
	_ =	sdelay $0x1  }
0x9e: {  	s21 =	simm.s32 $0x1B8B  }
0x9f: {  	_ =	swait.ge [sflag:s21], $0x1  }
0xa0: {  	[sflag:s21] =	ssyncset.done $0x0  }
0xa1: {  	s23 =	simm.s32 $0x1B8E;
	s22 =	sld [smem:$0x3FFE];
	[sflag:s21] =	ssyncadd.s32 $0xFFFFFFFF  }
0xa2: {  	s24 =	simm.s32 $execute0_lowered;
	[smem:$0x3FD2] =	sst s23  }
0xa3: {  	s3 =	sshll.u32 s24, $0x1;
	_ =	strace $0x80000046;
	[dreg:$0x1] =	wrdreg $0xFFFFFFFF  }
0xa4: {  	s25 =	simm.s32 $_size_execute0_lowered;
	s1 =	sadd.s32 s1, s3;
	[dreg:$0x0] =	wrdreg $0x0  }
0xa5: {  	s3 =	sshll.u32 s25, $0x1;
	[dreg:$0x2] =	wrdreg s1  }
0xa6: {  	[dreg:$0x3] =	wrdreg s3  }
0xa7: {  	[dreg:$0x4] =	wrdreg $0xC0  }
0xa8: {  	_ =	task [dreg:s5], $0x5FFFF  }
0xa9: {  	[dreg:$0x1] =	wrdreg $0xFFFFFFFF  }
0xaa: {  	[dreg:$0x0] =	wrdreg $0x60  }
0xab: {  	[dreg:$0x2] =	wrdreg s0  }
0xac: {  	[dreg:$0x3] =	wrdreg s22  }
0xad: {  	[dreg:$0x4] =	wrdreg $0x9  }
0xae: {  	_ =	task.clear_ibuf [dreg:s5], $0x5FFFF;
	_ =	strace $0x90000046  }
0xaf: {  	s26 =	simm.s32 $0x9;
	_ =	strace $0x80000048  }
0xb0: {  	_ =	swait.ge [sflag:s26], $0x1  }
0xb1: {  	[sflag:s26] =	ssyncadd.s32 $0xFFFFFFFF  }
0xb2: {  	_ =	strace $0x90000048  }
0xb3: {  	_ =	sfence  }
0xb4: {  	s28 =	sld [smem:$0x0];
	_ =	sdelay $0x1  }
0xb5: {  	s29 =	srdreg.scid  }
0xb6: {  	s30 =	sshll.u32 s29, $0xD;
	s31 =	sshrl.u32 s29, $0x2  }
0xb7: {  	s2 =	sand.u32 $0x4000, s30;
	s1 =	sand.u32 $0x1, s29;
	s0 =	sadd.s32 s31, s28  }
0xb8: {  	s1 =	sor.u32 s2, s1;
	s0 =	sshll.u32 s0, $0x11  }
0xb9: {  	s0 =	sor.u32 s0, s1  }
0xba: {  	s0 =	sadd.s32 $0x8F2B, s0  }
0xbb: {  	[sflag:s0] =	ssyncadd.remote.s32 $0x1  }
0xbc: {  	_ =	sfence.sel $0xFFFF  }
0xbd: {  	[dreg:$0x0] =	wrdreg $0xFFFFFFFF;
	(pc) =	sbr.abs _section_cstart, $3  }
0xbe: {  	[dreg:$0x1] =	wrdreg $0xFFFFFFFF  }
0xbf: {  	_ =	task.clear_ibuf [dreg:s5], $0x2FFFF;
	_ =	strace $0x9FFFFFFF  }
0xc0: {  	(tm) =	ssettm $0x7FFFFFFF  }
0xc1: {  	_ =	shalt  }
tec
execute0_lowered:
.L_overlay_start_1:
0x0: {  	(tag) =	ssettag $0x1  }
0x1: {  	s4 =	rddreg [dreg:$0x0]  }
0x2: {  	s3 =	rddreg [dreg:$0x1]  }
0x3: {  	s0 =	rddreg [dreg:$0x2];
	s2 =	simm.s32 $0x0;
	s1 =	stileid.u32  }
0x4: {  	[smem:$0x7FF] =	sst s2;
	s5 =	sshll.u32 s1, $0x5  }
0x5: {  	s29 =	simm.s32 $0x1;
	_ =	strace $0x80000047;
	s4 =	sadd.s32 s4, s5  }
0x6: {  	[tilespmem:s2], [sflag:$0x1] =	stream.linear.gather [hbm4b:s4+s2], $0x100, $0x38;
	[tilespmem:$0x1100] =	vst v63  }
0x7: {  	_ =	swait.ge [sflag:s29], $0x100  }
0x8: {  	[sflag:s29] =	ssyncset.done $0x0  }
0x9: {  	[sflag:s29] =	ssyncadd.s32 $0xFFFFFF00  }
0xa: {  	v16 =	vld [tilespmem:$0x0]  }
0xb: {  	v15 =	vld [tilespmem:$0x10]  }
0xc: {  	v14 =	vld [tilespmem:$0x20]  }
0xd: {  	v13 =	vld [tilespmem:$0x30]  }
0xe: {  	v12 =	vld [tilespmem:$0x40]  }
0xf: {  	v11 =	vld [tilespmem:$0x50]  }
0x10: {  	v10 =	vld [tilespmem:$0x60]  }
0x11: {  	v9 =	vld [tilespmem:$0x70]  }
0x12: {  	v8 =	vld [tilespmem:$0x80]  }
0x13: {  	v7 =	vld [tilespmem:$0x90]  }
0x14: {  	v6 =	vld [tilespmem:$0xA0]  }
0x15: {  	v5 =	vld [tilespmem:$0xB0]  }
0x16: {  	v1 =	vld [tilespmem:$0xC0]  }
0x17: {  	v0 =	vimm.s32 $0x0;
	v2 =	vld [tilespmem:$0xD0]  }
0x18: {  	vm0 =	veq.s32 v16, $0x0;
	vm10 =	veq.s32 v15, $0x0;
	vm11 =	veq.s32 v14, $0x0  }
0x19: {  	vm1 =	veq.s32 v13, $0x0;
	vm12 =	veq.s32 v12, $0x0;
	vm13 =	veq.s32 v11, $0x0  }
0x1a: {  	vm14 =	veq.s32 v10, $0x0;
	vm15 =	veq.s32 v9, $0x0;
	vm4 =	veq.s32 v8, $0x0  }
0x1b: {  	v3 =	vld [tilespmem:$0xE0];
	vm5 =	veq.s32 v7, $0x0;
	vm6 =	veq.s32 v6, $0x0;
	vm7 =	veq.s32 v5, $0x0  }
0x1c: {  	v4 =	vld [tilespmem:$0xF0];
	vm8 =	veq.s32 v1, $0x0;
	vm9 =	veq.s32 v2, $0x0;
	v17 =	vsel vm0, $0x1, v0  }
0x1d: {  	v18 =	vsel vm10, $0x1, v0;
	v19 =	vsel vm11, $0x1, v0;
	v20 =	vsel vm1, $0x1, v0  }
0x1e: {  	v21 =	vsel vm12, $0x1, v0;
	v22 =	vsel vm13, $0x1, v0;
	v23 =	vsel vm14, $0x1, v0  }
0x1f: {  	v24 =	vsel vm15, $0x1, v0;
	v25 =	vsel vm4, $0x1, v0;
	v26 =	vsel vm5, $0x1, v0  }
0x20: {  	v27 =	vsel vm6, $0x1, v0;
	v28 =	vsel vm7, $0x1, v0;
	v29 =	vsel vm8, $0x1, v0  }
0x21: {  	v30 =	vsel vm9, $0x1, v0;
	vm10 =	veq.s32 v3, $0x0;
	vm11 =	veq.s32 v4, $0x0  }
0x22: {  	vm12 =	veq.s32 v16, $0x1;
	vm13 =	veq.s32 v15, $0x1;
	vm14 =	veq.s32 v14, $0x1  }
0x23: {  	vm15 =	veq.s32 v13, $0x1;
	vm4 =	veq.s32 v12, $0x1;
	vm5 =	veq.s32 v11, $0x1  }
0x24: {  	vm6 =	veq.s32 v10, $0x1;
	vm7 =	veq.s32 v9, $0x1;
	vm8 =	veq.s32 v8, $0x1  }
0x25: {  	vm9 =	veq.s32 v7, $0x1;
	v31 =	vsel vm10, $0x1, v0;
	v32 =	vsel vm11, $0x1, v0  }
0x26: {  	v33 =	vsel vm12, $0x1, v0;
	v34 =	vsel vm13, $0x1, v0;
	v35 =	vsel vm14, $0x1, v0  }
0x27: {  	v36 =	vsel vm15, $0x1, v0;
	v37 =	vsel vm4, $0x1, v0;
	v38 =	vsel vm5, $0x1, v0  }
0x28: {  	v39 =	vsel vm6, $0x1, v0;
	v40 =	vsel vm7, $0x1, v0;
	v41 =	vsel vm8, $0x1, v0  }
0x29: {  	v42 =	vsel vm9, $0x1, v0;
	vm10 =	veq.s32 v6, $0x1;
	vm11 =	veq.s32 v5, $0x1  }
0x2a: {  	vm12 =	veq.s32 v1, $0x1;
	vm13 =	veq.s32 v2, $0x1;
	vm14 =	veq.s32 v3, $0x1  }
0x2b: {  	vm15 =	veq.s32 v4, $0x1;
	vm4 =	veq.s32 v16, $0x2;
	vm5 =	veq.s32 v15, $0x2  }
0x2c: {  	vm6 =	veq.s32 v14, $0x2;
	v17 =	vadd.s32 v17, v18;
	vm7 =	veq.s32 v13, $0x2  }
0x2d: {  	vm8 =	veq.s32 v12, $0x2;
	vm9 =	veq.s32 v11, $0x2;
	v43 =	vsel vm10, $0x1, v0  }
0x2e: {  	v44 =	vsel vm11, $0x1, v0;
	v45 =	vsel vm12, $0x1, v0;
	v46 =	vsel vm13, $0x1, v0  }
0x2f: {  	v47 =	vsel vm14, $0x1, v0;
	v48 =	vsel vm15, $0x1, v0;
	v49 =	vsel vm4, $0x1, v0  }
0x30: {  	v50 =	vsel vm5, $0x1, v0;
	v51 =	vsel vm6, $0x1, v0;
	v17 =	vadd.s32 v19, v17  }
0x31: {  	v19 =	vsel vm7, $0x1, v0;
	v52 =	vsel vm8, $0x1, v0;
	v60 =	vsel vm9, $0x1, v0  }
0x32: {  	vm10 =	veq.s32 v10, $0x2;
	vm11 =	veq.s32 v9, $0x2;
	vm12 =	veq.s32 v8, $0x2  }
0x33: {  	vm13 =	veq.s32 v7, $0x2;
	vm14 =	veq.s32 v6, $0x2;
	vm15 =	veq.s32 v5, $0x2  }
0x34: {  	vm4 =	veq.s32 v1, $0x2;
	vm5 =	veq.s32 v2, $0x2;
	vm6 =	veq.s32 v3, $0x2  }
0x35: {  	vm7 =	veq.s32 v4, $0x2;
	vm8 =	veq.s32 v16, $0x3;
	vm9 =	veq.s32 v15, $0x3  }
0x36: {  	v53 =	vadd.s32 v33, v34;
	v17 =	vadd.s32 v20, v17;
	v61 =	vsel vm14, $0x1, v0  }
0x37: {  	v62 =	vsel vm15, $0x1, v0;
	v63 =	vsel vm4, $0x1, v0;
	v33 =	vsel vm9, $0x1, v0  }
0x38: {  	v18 =	vadd.s32 v35, v53;
	vm14 =	veq.s32 v10, $0x3;
	vm15 =	veq.s32 v9, $0x3  }
0x39: {  	vm4 =	veq.s32 v8, $0x3;
	vm9 =	veq.s32 v2, $0x3;
	v58 =	vadd.s32 v49, v50  }
0x3a: {  	v17 =	vadd.s32 v21, v17;
	v18 =	vadd.s32 v36, v18;
	v55 =	vsel vm15, $0x1, v0  }
0x3b: {  	v56 =	vsel vm4, $0x1, v0;
	vm15 =	veq.s32 v13, $0x4;
	vm4 =	veq.s32 v12, $0x4  }
0x3c: {  	v17 =	vadd.s32 v22, v17;
	v22 =	vsel vm10, $0x1, v0;
	vm10 =	veq.s32 v14, $0x3  }
0x3d: {  	v18 =	vadd.s32 v37, v18;
	v17 =	vadd.s32 v23, v17;
	v23 =	vsel vm11, $0x1, v0  }
0x3e: {  	v34 =	vsel vm10, $0x1, v0;
	vm11 =	veq.s32 v13, $0x3;
	v18 =	vadd.s32 v38, v18  }
0x3f: {  	v38 =	vsel vm14, $0x1, v0;
	vm10 =	veq.s32 v3, $0x3;
	vm14 =	veq.s32 v14, $0x4  }
0x40: {  	v17 =	vadd.s32 v24, v17;
	v24 =	vsel vm12, $0x1, v0;
	v35 =	vsel vm11, $0x1, v0  }
0x41: {  	vm12 =	veq.s32 v12, $0x3;
	v18 =	vadd.s32 v39, v18;
	vm11 =	veq.s32 v4, $0x3  }
0x42: {  	v17 =	vadd.s32 v25, v17;
	v25 =	vsel vm13, $0x1, v0;
	v36 =	vsel vm12, $0x1, v0  }
0x43: {  	vm13 =	veq.s32 v11, $0x3;
	v18 =	vadd.s32 v40, v18;
	vm12 =	veq.s32 v16, $0x4  }
0x44: {  	v17 =	vadd.s32 v26, v17;
	v54 =	vsel vm13, $0x1, v0;
	v18 =	vadd.s32 v41, v18  }
0x45: {  	v49 =	vsel vm12, $0x1, v0;
	vm13 =	veq.s32 v15, $0x4;
	vm12 =	veq.s32 v1, $0x4  }
0x46: {  	v17 =	vadd.s32 v27, v17;
	v18 =	vadd.s32 v42, v18;
	v59 =	vsel vm13, $0x1, v0  }
0x47: {  	vm13 =	veq.s32 v2, $0x4;
	v17 =	vadd.s32 v28, v17;
	v18 =	vadd.s32 v43, v18  }
0x48: {  	v59 =	vadd.s32 v49, v59;
	v17 =	vadd.s32 v29, v17;
	v29 =	vsel vm5, $0x1, v0  }
0x49: {  	vm5 =	veq.s32 v7, $0x3;
	v18 =	vadd.s32 v44, v18;
	v17 =	vadd.s32 v30, v17  }
0x4a: {  	v30 =	vsel vm6, $0x1, v0;
	v57 =	vsel vm5, $0x1, v0;
	vm6 =	veq.s32 v6, $0x3  }
0x4b: {  	v18 =	vadd.s32 v45, v18;
	v45 =	vsel vm9, $0x1, v0;
	vm5 =	veq.s32 v11, $0x4  }
0x4c: {  	vm9 =	veq.s32 v7, $0x4;
	v17 =	vadd.s32 v31, v17;
	v31 =	vsel vm7, $0x1, v0  }
0x4d: {  	v42 =	vsel vm6, $0x1, v0;
	vm7 =	veq.s32 v5, $0x3;
	v18 =	vadd.s32 v46, v18  }
0x4e: {  	v46 =	vsel vm10, $0x1, v0;
	vm6 =	veq.s32 v10, $0x4;
	vm10 =	veq.s32 v6, $0x4  }
0x4f: {  	v17 =	vadd.s32 v32, v17;
	v32 =	vsel vm8, $0x1, v0;
	v43 =	vsel vm7, $0x1, v0  }
0x50: {  	vm8 =	veq.s32 v1, $0x3;
	v18 =	vadd.s32 v47, v18;
	v47 =	vsel vm11, $0x1, v0  }
0x51: {  	vm7 =	veq.s32 v9, $0x4;
	vm11 =	veq.s32 v5, $0x4;
	v44 =	vsel vm8, $0x1, v0  }
0x52: {  	v18 =	vadd.s32 v48, v18;
	v48 =	vadd.s32 v51, v58;
	v51 =	vsel vm15, $0x1, v0  }
0x53: {  	vm8 =	veq.s32 v8, $0x4;
	vm15 =	veq.s32 v4, $0x4;
	v53 =	vadd.s32 v32, v33  }
0x54: {  	v19 =	vadd.s32 v19, v48;
	v48 =	vsel vm14, $0x1, v0;
	vm14 =	veq.s32 v3, $0x4  }
0x55: {  	v32 =	vsel vm15, $0x1, v0;
	v20 =	vadd.s32 v34, v53;
	vm15 =	veq.s32 v5, $0x5  }
0x56: {  	v19 =	vadd.s32 v52, v19;
	v52 =	vsel vm5, $0x1, v0;
	vm5 =	veq.s32 v15, $0x5  }
0x57: {  	v20 =	vadd.s32 v35, v20;
	v19 =	vadd.s32 v60, v19;
	v60 =	vsel vm4, $0x1, v0  }
0x58: {  	vm4 =	veq.s32 v16, $0x5;
	v34 =	vsel vm5, $0x1, v0;
	v20 =	vadd.s32 v36, v20  }
0x59: {  	vm5 =	veq.s32 v2, $0x5;
	v19 =	vadd.s32 v22, v19;
	v33 =	vsel vm4, $0x1, v0  }
0x5a: {  	v20 =	vadd.s32 v54, v20;
	vm4 =	veq.s32 v1, $0x5;
	v19 =	vadd.s32 v23, v19  }
0x5b: {  	v23 =	vsel vm6, $0x1, v0;
	vm6 =	veq.s32 v14, $0x5;
	v20 =	vadd.s32 v38, v20  }
0x5c: {  	v53 =	vadd.s32 v33, v34;
	v19 =	vadd.s32 v24, v19;
	v24 =	vsel vm7, $0x1, v0  }
0x5d: {  	v35 =	vsel vm6, $0x1, v0;
	vm7 =	veq.s32 v13, $0x5;
	v20 =	vadd.s32 v55, v20  }
0x5e: {  	vm6 =	veq.s32 v3, $0x5;
	v19 =	vadd.s32 v25, v19;
	v25 =	vsel vm8, $0x1, v0  }
0x5f: {  	v54 =	vsel vm7, $0x1, v0;
	vm8 =	veq.s32 v12, $0x5;
	v20 =	vadd.s32 v56, v20  }
0x60: {  	v49 =	vsel vm6, $0x1, v0;
	vm7 =	veq.s32 v4, $0x5;
	vm6 =	veq.s32 v6, $0x6  }
0x61: {  	v22 =	vadd.s32 v35, v53;
	v19 =	vadd.s32 v61, v19;
	v61 =	vsel vm9, $0x1, v0  }
0x62: {  	v37 =	vsel vm8, $0x1, v0;
	vm9 =	veq.s32 v11, $0x5;
	v20 =	vadd.s32 v57, v20  }
0x63: {  	vm8 =	veq.s32 v16, $0x6;
	v22 =	vadd.s32 v54, v22;
	v19 =	vadd.s32 v62, v19  }
0x64: {  	v62 =	vsel vm10, $0x1, v0;
	v55 =	vsel vm9, $0x1, v0;
	vm10 =	veq.s32 v10, $0x5  }
0x65: {  	v20 =	vadd.s32 v42, v20;
	v50 =	vsel vm8, $0x1, v0;
	vm9 =	veq.s32 v15, $0x6  }
0x66: {  	vm8 =	veq.s32 v1, $0x6;
	v22 =	vadd.s32 v37, v22;
	v19 =	vadd.s32 v63, v19  }
0x67: {  	v63 =	vsel vm11, $0x1, v0;
	v56 =	vsel vm10, $0x1, v0;
	vm11 =	veq.s32 v9, $0x5  }
0x68: {  	v20 =	vadd.s32 v43, v20;
	vm10 =	veq.s32 v14, $0x6;
	v22 =	vadd.s32 v55, v22  }
0x69: {  	v19 =	vadd.s32 v29, v19;
	v29 =	vsel vm12, $0x1, v0;
	v57 =	vsel vm11, $0x1, v0  }
0x6a: {  	vm12 =	veq.s32 v8, $0x5;
	v20 =	vadd.s32 v44, v20;
	v44 =	vsel vm15, $0x1, v0  }
0x6b: {  	vm11 =	veq.s32 v13, $0x6;
	vm15 =	veq.s32 v9, $0x6;
	v22 =	vadd.s32 v56, v22  }
0x6c: {  	v19 =	vadd.s32 v30, v19;
	v30 =	vsel vm13, $0x1, v0;
	v58 =	vsel vm12, $0x1, v0  }
0x6d: {  	vm13 =	veq.s32 v7, $0x5;
	v20 =	vadd.s32 v45, v20;
	v45 =	vsel vm4, $0x1, v0  }
0x6e: {  	vm12 =	veq.s32 v12, $0x6;
	vm4 =	veq.s32 v8, $0x6;
	v22 =	vadd.s32 v57, v22  }
0x6f: {  	v19 =	vadd.s32 v31, v19;
	v31 =	vsel vm14, $0x1, v0;
	v42 =	vsel vm13, $0x1, v0  }
0x70: {  	vm14 =	veq.s32 v6, $0x5;
	v20 =	vadd.s32 v46, v20;
	v46 =	vsel vm5, $0x1, v0  }
0x71: {  	vm13 =	veq.s32 v11, $0x6;
	vm5 =	veq.s32 v7, $0x6;
	v22 =	vadd.s32 v58, v22  }
0x72: {  	v43 =	vsel vm14, $0x1, v0;
	v20 =	vadd.s32 v47, v20;
	v47 =	vadd.s32 v48, v59  }
0x73: {  	v48 =	vsel vm7, $0x1, v0;
	vm14 =	veq.s32 v10, $0x6;
	vm7 =	veq.s32 v5, $0x6  }
0x74: {  	v22 =	vadd.s32 v42, v22;
	v47 =	vadd.s32 v51, v47;
	v51 =	vsel vm10, $0x1, v0  }
0x75: {  	vm10 =	veq.s32 v3, $0x6;
	v22 =	vadd.s32 v43, v22;
	v21 =	vadd.s32 v60, v47  }
0x76: {  	v60 =	vsel vm9, $0x1, v0;
	vm9 =	veq.s32 v2, $0x6;
	v34 =	vsel vm10, $0x1, v0  }
0x77: {  	v22 =	vadd.s32 v44, v22;
	vm10 =	veq.s32 v6, $0x7;
	v21 =	vadd.s32 v52, v21  }
0x78: {  	v52 =	vsel vm11, $0x1, v0;
	v33 =	vsel vm9, $0x1, v0;
	vm11 =	veq.s32 v4, $0x6  }
0x79: {  	v22 =	vadd.s32 v45, v22;
	vm9 =	veq.s32 v7, $0x7;
	v47 =	vadd.s32 v50, v60  }
0x7a: {  	v21 =	vadd.s32 v23, v21;
	v54 =	vsel vm11, $0x1, v0;
	v22 =	vadd.s32 v46, v22  }
0x7b: {  	v45 =	vsel vm9, $0x1, v0;
	v46 =	vsel vm10, $0x1, v0;
	vm11 =	veq.s32 v5, $0x7  }
0x7c: {  	v47 =	vadd.s32 v51, v47;
	vm9 =	veq.s32 v11, $0x8;
	vm10 =	veq.s32 v10, $0x8  }
0x7d: {  	v21 =	vadd.s32 v24, v21;
	v24 =	vsel vm12, $0x1, v0;
	vm12 =	veq.s32 v16, $0x7  }
0x7e: {  	v22 =	vadd.s32 v49, v22;
	v23 =	vadd.s32 v52, v47;
	v21 =	vadd.s32 v25, v21  }
0x7f: {  	v25 =	vsel vm13, $0x1, v0;
	v36 =	vsel vm12, $0x1, v0;
	vm13 =	veq.s32 v15, $0x7  }
0x80: {  	v22 =	vadd.s32 v48, v22;
	v48 =	vsel vm11, $0x1, v0;
	vm12 =	veq.s32 v1, $0x7  }
0x81: {  	v23 =	vadd.s32 v24, v23;
	vm11 =	veq.s32 v9, $0x8;
	v21 =	vadd.s32 v61, v21  }
0x82: {  	v61 =	vsel vm14, $0x1, v0;
	v55 =	vsel vm13, $0x1, v0;
	vm14 =	veq.s32 v14, $0x7  }
0x83: {  	v60 =	vsel vm12, $0x1, v0;
	vm13 =	veq.s32 v2, $0x7;
	v23 =	vadd.s32 v25, v23  }
0x84: {  	vm12 =	veq.s32 v8, $0x8;
	v21 =	vadd.s32 v62, v21;
	v62 =	vsel vm15, $0x1, v0  }
0x85: {  	v56 =	vsel vm14, $0x1, v0;
	vm15 =	veq.s32 v13, $0x7;
	v50 =	vsel vm13, $0x1, v0  }
0x86: {  	vm14 =	veq.s32 v3, $0x7;
	v23 =	vadd.s32 v61, v23;
	vm13 =	veq.s32 v7, $0x8  }
0x87: {  	v36 =	vadd.s32 v36, v55;
	v21 =	vadd.s32 v63, v21;
	v63 =	vsel vm4, $0x1, v0  }
0x88: {  	v57 =	vsel vm15, $0x1, v0;
	vm4 =	veq.s32 v12, $0x7;
	v52 =	vsel vm14, $0x1, v0  }
0x89: {  	vm15 =	veq.s32 v4, $0x7;
	v23 =	vadd.s32 v62, v23;
	vm14 =	veq.s32 v6, $0x8  }
0x8a: {  	v36 =	vadd.s32 v56, v36;
	v21 =	vadd.s32 v29, v21;
	v29 =	vsel vm5, $0x1, v0  }
0x8b: {  	v58 =	vsel vm4, $0x1, v0;
	vm5 =	veq.s32 v11, $0x7;
	v53 =	vsel vm15, $0x1, v0  }
0x8c: {  	vm4 =	veq.s32 v16, $0x8;
	v23 =	vadd.s32 v63, v23;
	vm15 =	veq.s32 v5, $0x8  }
0x8d: {  	v36 =	vadd.s32 v57, v36;
	v21 =	vadd.s32 v30, v21;
	v30 =	vsel vm6, $0x1, v0  }
0x8e: {  	v59 =	vsel vm5, $0x1, v0;
	vm6 =	veq.s32 v10, $0x7;
	v25 =	vsel vm4, $0x1, v0  }
0x8f: {  	vm5 =	veq.s32 v15, $0x8;
	v23 =	vadd.s32 v29, v23;
	v55 =	vsel vm15, $0x1, v0  }
0x90: {  	vm4 =	veq.s32 v1, $0x8;
	v36 =	vadd.s32 v58, v36;
	vm15 =	veq.s32 v9, $0x9  }
0x91: {  	v21 =	vadd.s32 v31, v21;
	v31 =	vsel vm7, $0x1, v0;
	v42 =	vsel vm6, $0x1, v0  }
0x92: {  	vm7 =	veq.s32 v9, $0x7;
	v61 =	vsel vm5, $0x1, v0;
	vm6 =	veq.s32 v14, $0x8  }
0x93: {  	v23 =	vadd.s32 v30, v23;
	v30 =	vsel vm9, $0x1, v0;
	v56 =	vsel vm4, $0x1, v0  }
0x94: {  	vm5 =	veq.s32 v2, $0x8;
	v36 =	vadd.s32 v59, v36;
	vm9 =	veq.s32 v15, $0x9  }
0x95: {  	vm4 =	veq.s32 v8, $0x9;
	v21 =	vadd.s32 v32, v21;
	v32 =	vsel vm8, $0x1, v0  }
0x96: {  	v43 =	vsel vm7, $0x1, v0;
	vm8 =	veq.s32 v8, $0x7;
	v62 =	vsel vm6, $0x1, v0  }
0x97: {  	vm7 =	veq.s32 v13, $0x8;
	v23 =	vadd.s32 v31, v23;
	v31 =	vsel vm10, $0x1, v0  }
0x98: {  	v57 =	vsel vm5, $0x1, v0;
	vm6 =	veq.s32 v3, $0x8;
	v36 =	vadd.s32 v42, v36  }
0x99: {  	vm10 =	veq.s32 v14, $0x9;
	vm5 =	veq.s32 v7, $0x9;
	v25 =	vadd.s32 v25, v61  }
0x9a: {  	v44 =	vsel vm8, $0x1, v0;
	v63 =	vsel vm7, $0x1, v0;
	vm8 =	veq.s32 v12, $0x8  }
0x9b: {  	v23 =	vadd.s32 v32, v23;
	v32 =	vsel vm11, $0x1, v0;
	v58 =	vsel vm6, $0x1, v0  }
0x9c: {  	vm7 =	veq.s32 v4, $0x8;
	v36 =	vadd.s32 v43, v36;
	v43 =	vsel vm9, $0x1, v0  }
0x9d: {  	vm11 =	veq.s32 v13, $0x9;
	vm6 =	veq.s32 v6, $0x9;
	v25 =	vadd.s32 v62, v25  }
0x9e: {  	vm9 =	veq.s32 v2, $0x9;
	v29 =	vsel vm8, $0x1, v0;
	v23 =	vadd.s32 v33, v23  }
0x9f: {  	v33 =	vsel vm12, $0x1, v0;
	v59 =	vsel vm7, $0x1, v0;
	vm8 =	veq.s32 v16, $0x9  }
0xa0: {  	v36 =	vadd.s32 v44, v36;
	v44 =	vsel vm10, $0x1, v0;
	vm12 =	veq.s32 v12, $0x9  }
0xa1: {  	v61 =	vsel vm6, $0x1, v0;
	vm7 =	veq.s32 v5, $0x9;
	v25 =	vadd.s32 v63, v25  }
0xa2: {  	vm10 =	veq.s32 v3, $0x9;
	vm6 =	veq.s32 v10, $0xA;
	v23 =	vadd.s32 v34, v23  }
0xa3: {  	v34 =	vsel vm13, $0x1, v0;
	v42 =	vsel vm8, $0x1, v0;
	v36 =	vadd.s32 v45, v36  }
0xa4: {  	v45 =	vsel vm11, $0x1, v0;
	vm13 =	veq.s32 v11, $0x9;
	v62 =	vsel vm7, $0x1, v0  }
0xa5: {  	vm8 =	veq.s32 v1, $0x9;
	v25 =	vadd.s32 v29, v25;
	v29 =	vsel vm9, $0x1, v0  }
0xa6: {  	vm11 =	veq.s32 v4, $0x9;
	vm7 =	veq.s32 v9, $0xA;
	vm9 =	veq.s32 v7, $0xA  }
0xa7: {  	v23 =	vadd.s32 v54, v23;
	v54 =	vsel vm14, $0x1, v0;
	v36 =	vadd.s32 v46, v36  }
0xa8: {  	v46 =	vsel vm12, $0x1, v0;
	vm14 =	veq.s32 v10, $0x9;
	v63 =	vsel vm8, $0x1, v0  }
0xa9: {  	v25 =	vadd.s32 v30, v25;
	v30 =	vsel vm10, $0x1, v0;
	vm12 =	veq.s32 v16, $0xA  }
0xaa: {  	vm8 =	veq.s32 v8, $0xA;
	v42 =	vadd.s32 v42, v43;
	v43 =	vsel vm9, $0x1, v0  }
0xab: {  	vm10 =	veq.s32 v6, $0xA;
	vm9 =	veq.s32 v11, $0xB;
	v36 =	vadd.s32 v48, v36  }
0xac: {  	v48 =	vsel vm13, $0x1, v0;
	v25 =	vadd.s32 v31, v25;
	v31 =	vsel vm11, $0x1, v0  }
0xad: {  	vm13 =	veq.s32 v15, $0xA;
	v42 =	vadd.s32 v44, v42;
	v44 =	vsel vm10, $0x1, v0  }
0xae: {  	vm11 =	veq.s32 v5, $0xA;
	vm10 =	veq.s32 v10, $0xB;
	v36 =	vadd.s32 v60, v36  }
0xaf: {  	v60 =	vsel vm14, $0x1, v0;
	v25 =	vadd.s32 v32, v25;
	v32 =	vsel vm12, $0x1, v0  }
0xb0: {  	vm14 =	veq.s32 v14, $0xA;
	v42 =	vadd.s32 v45, v42;
	v45 =	vsel vm11, $0x1, v0  }
0xb1: {  	vm12 =	veq.s32 v1, $0xA;
	vm11 =	veq.s32 v9, $0xB;
	v36 =	vadd.s32 v50, v36  }
0xb2: {  	v50 =	vsel vm15, $0x1, v0;
	v25 =	vadd.s32 v33, v25;
	v33 =	vsel vm13, $0x1, v0  }
0xb3: {  	vm15 =	veq.s32 v13, $0xA;
	v42 =	vadd.s32 v46, v42;
	v46 =	vsel vm12, $0x1, v0  }
0xb4: {  	vm13 =	veq.s32 v2, $0xA;
	vm12 =	veq.s32 v8, $0xB;
	v36 =	vadd.s32 v52, v36  }
0xb5: {  	v52 =	vsel vm4, $0x1, v0;
	v25 =	vadd.s32 v34, v25;
	v34 =	vsel vm14, $0x1, v0  }
0xb6: {  	vm4 =	veq.s32 v12, $0xA;
	v42 =	vadd.s32 v48, v42;
	v48 =	vsel vm13, $0x1, v0  }
0xb7: {  	vm14 =	veq.s32 v3, $0xA;
	vm13 =	veq.s32 v7, $0xB;
	v24 =	vadd.s32 v53, v36  }
0xb8: {  	v53 =	vsel vm5, $0x1, v0;
	v25 =	vadd.s32 v54, v25;
	v54 =	vsel vm15, $0x1, v0  }
0xb9: {  	vm5 =	veq.s32 v11, $0xA;
	v42 =	vadd.s32 v60, v42;
	v60 =	vsel vm14, $0x1, v0  }
0xba: {  	vm15 =	veq.s32 v4, $0xA;
	vm14 =	veq.s32 v6, $0xB;
	v25 =	vadd.s32 v55, v25  }
0xbb: {  	v55 =	vsel vm4, $0x1, v0;
	v42 =	vadd.s32 v50, v42;
	v50 =	vsel vm15, $0x1, v0  }
0xbc: {  	vm4 =	veq.s32 v16, $0xB;
	vm15 =	veq.s32 v5, $0xB;
	v25 =	vadd.s32 v56, v25  }
0xbd: {  	v56 =	vsel vm5, $0x1, v0;
	v42 =	vadd.s32 v52, v42;
	v47 =	vsel vm4, $0x1, v0  }
0xbe: {  	vm5 =	veq.s32 v15, $0xB;
	v52 =	vsel vm9, $0x1, v0;
	vm4 =	veq.s32 v1, $0xB  }
0xbf: {  	vm9 =	veq.s32 v15, $0xC;
	v25 =	vadd.s32 v57, v25;
	v57 =	vsel vm6, $0x1, v0  }
0xc0: {  	v36 =	vadd.s32 v53, v42;
	v42 =	vsel vm5, $0x1, v0;
	vm6 =	veq.s32 v14, $0xB  }
0xc1: {  	v53 =	vadd.s32 v32, v33;
	v32 =	vsel vm12, $0x1, v0;
	v33 =	vsel vm13, $0x1, v0  }
0xc2: {  	vm5 =	veq.s32 v2, $0xB;
	vm12 =	veq.s32 v12, $0xC;
	vm13 =	veq.s32 v11, $0xC  }
0xc3: {  	v25 =	vadd.s32 v58, v25;
	v58 =	vsel vm7, $0x1, v0;
	v26 =	vadd.s32 v61, v36  }
0xc4: {  	v61 =	vsel vm6, $0x1, v0;
	vm7 =	veq.s32 v13, $0xB;
	v27 =	vadd.s32 v34, v53  }
0xc5: {  	vm6 =	veq.s32 v3, $0xB;
	v42 =	vadd.s32 v47, v42;
	v25 =	vadd.s32 v59, v25  }
0xc6: {  	v59 =	vsel vm8, $0x1, v0;
	v26 =	vadd.s32 v62, v26;
	v62 =	vsel vm7, $0x1, v0  }
0xc7: {  	vm8 =	veq.s32 v12, $0xB;
	v27 =	vadd.s32 v54, v27;
	v54 =	vsel vm14, $0x1, v0  }
0xc8: {  	vm7 =	veq.s32 v4, $0xB;
	vm14 =	veq.s32 v10, $0xC;
	v36 =	vadd.s32 v61, v42  }
0xc9: {  	v26 =	vadd.s32 v63, v26;
	v63 =	vsel vm8, $0x1, v0;
	v27 =	vadd.s32 v55, v27  }
0xca: {  	v55 =	vsel vm15, $0x1, v0;
	vm8 =	veq.s32 v16, $0xC;
	v49 =	vsel vm14, $0x1, v0  }
0xcb: {  	vm15 =	veq.s32 v9, $0xC;
	v36 =	vadd.s32 v62, v36;
	vm14 =	veq.s32 v14, $0xD  }
0xcc: {  	v26 =	vadd.s32 v29, v26;
	v27 =	vadd.s32 v56, v27;
	v56 =	vsel vm4, $0x1, v0  }
0xcd: {  	v41 =	vsel vm8, $0x1, v0;
	v47 =	vsel vm15, $0x1, v0;
	vm4 =	veq.s32 v8, $0xC  }
0xce: {  	v28 =	vadd.s32 v63, v36;
	vm8 =	veq.s32 v1, $0xC;
	vm15 =	veq.s32 v13, $0xD  }
0xcf: {  	v26 =	vadd.s32 v30, v26;
	v30 =	vsel vm10, $0x1, v0;
	v27 =	vadd.s32 v57, v27  }
0xd0: {  	v57 =	vsel vm5, $0x1, v0;
	vm10 =	veq.s32 v14, $0xC;
	v61 =	vsel vm4, $0x1, v0  }
0xd1: {  	vm5 =	veq.s32 v7, $0xC;
	v28 =	vadd.s32 v52, v28;
	v53 =	vsel vm8, $0x1, v0  }
0xd2: {  	vm4 =	veq.s32 v12, $0xD;
	vm8 =	veq.s32 v8, $0xD;
	v26 =	vadd.s32 v31, v26  }
0xd3: {  	v31 =	vsel vm11, $0x1, v0;
	v27 =	vadd.s32 v58, v27;
	v58 =	vsel vm6, $0x1, v0  }
0xd4: {  	vm11 =	veq.s32 v13, $0xC;
	v62 =	vsel vm5, $0x1, v0;
	vm6 =	veq.s32 v6, $0xC  }
0xd5: {  	v28 =	vadd.s32 v30, v28;
	vm5 =	veq.s32 v11, $0xD;
	v27 =	vadd.s32 v59, v27  }
0xd6: {  	v59 =	vsel vm7, $0x1, v0;
	v63 =	vsel vm6, $0x1, v0;
	vm7 =	veq.s32 v5, $0xC  }
0xd7: {  	v28 =	vadd.s32 v31, v28;
	vm6 =	veq.s32 v10, $0xD;
	v27 =	vadd.s32 v43, v27  }
0xd8: {  	v43 =	vsel vm9, $0x1, v0;
	v52 =	vsel vm7, $0x1, v0;
	vm9 =	veq.s32 v2, $0xC  }
0xd9: {  	v28 =	vadd.s32 v32, v28;
	vm7 =	veq.s32 v9, $0xD;
	v27 =	vadd.s32 v44, v27  }
0xda: {  	v44 =	vsel vm10, $0x1, v0;
	v31 =	vsel vm9, $0x1, v0;
	vm10 =	veq.s32 v3, $0xC  }
0xdb: {  	v28 =	vadd.s32 v33, v28;
	v41 =	vadd.s32 v41, v43;
	v43 =	vsel vm6, $0x1, v0  }
0xdc: {  	vm9 =	veq.s32 v7, $0xD;
	vm6 =	veq.s32 v14, $0xE;
	v27 =	vadd.s32 v45, v27  }
0xdd: {  	v45 =	vsel vm11, $0x1, v0;
	v32 =	vsel vm10, $0x1, v0;
	vm11 =	veq.s32 v4, $0xC  }
0xde: {  	v28 =	vadd.s32 v54, v28;
	v41 =	vadd.s32 v44, v41;
	v44 =	vsel vm7, $0x1, v0  }
0xdf: {  	vm10 =	veq.s32 v6, $0xD;
	vm7 =	veq.s32 v13, $0xE;
	v27 =	vadd.s32 v46, v27  }
0xe0: {  	v46 =	vsel vm12, $0x1, v0;
	v33 =	vsel vm11, $0x1, v0;
	vm12 =	veq.s32 v16, $0xD  }
0xe1: {  	v28 =	vadd.s32 v55, v28;
	v41 =	vadd.s32 v45, v41;
	v45 =	vsel vm8, $0x1, v0  }
0xe2: {  	vm11 =	veq.s32 v5, $0xD;
	vm8 =	veq.s32 v12, $0xE;
	v27 =	vadd.s32 v48, v27  }
0xe3: {  	v54 =	vsel vm12, $0x1, v0;
	v28 =	vadd.s32 v56, v28;
	v56 =	vsel vm14, $0x1, v0  }
0xe4: {  	v41 =	vadd.s32 v46, v41;
	v46 =	vsel vm9, $0x1, v0;
	vm12 =	veq.s32 v1, $0xD  }
0xe5: {  	vm14 =	veq.s32 v3, $0xD;
	vm9 =	veq.s32 v11, $0xE;
	v27 =	vadd.s32 v60, v27  }
0xe6: {  	v60 =	vsel vm13, $0x1, v0;
	vm13 =	veq.s32 v15, $0xD;
	v28 =	vadd.s32 v57, v28  }
0xe7: {  	v57 =	vsel vm15, $0x1, v0;
	vm15 =	veq.s32 v4, $0xD;
	v27 =	vadd.s32 v50, v27  }
0xe8: {  	v55 =	vsel vm13, $0x1, v0;
	v28 =	vadd.s32 v58, v28;
	v58 =	vsel vm4, $0x1, v0  }
0xe9: {  	v41 =	vadd.s32 v60, v41;
	v60 =	vsel vm10, $0x1, v0;
	vm13 =	veq.s32 v2, $0xD  }
0xea: {  	vm4 =	veq.s32 v16, $0xE;
	vm10 =	veq.s32 v10, $0xE;
	v28 =	vadd.s32 v59, v28  }
0xeb: {  	v59 =	vsel vm5, $0x1, v0;
	v41 =	vadd.s32 v49, v41;
	v49 =	vsel vm11, $0x1, v0  }
0xec: {  	vm5 =	veq.s32 v15, $0xE;
	v54 =	vadd.s32 v54, v55;
	v55 =	vsel vm9, $0x1, v0  }
0xed: {  	vm11 =	veq.s32 v9, $0xE;
	vm9 =	veq.s32 v15, $0xF;
	v41 =	vadd.s32 v47, v41  }
0xee: {  	v47 =	vsel vm12, $0x1, v0;
	v30 =	vadd.s32 v56, v54;
	v56 =	vsel vm10, $0x1, v0  }
0xef: {  	vm12 =	veq.s32 v8, $0xE;
	vm10 =	veq.s32 v14, $0xF;
	v41 =	vadd.s32 v61, v41  }
0xf0: {  	v61 =	vsel vm13, $0x1, v0;
	v30 =	vadd.s32 v57, v30;
	v57 =	vsel vm11, $0x1, v0  }
0xf1: {  	vm13 =	veq.s32 v7, $0xE;
	vm11 =	veq.s32 v13, $0xF;
	v41 =	vadd.s32 v62, v41  }
0xf2: {  	v62 =	vsel vm14, $0x1, v0;
	v30 =	vadd.s32 v58, v30;
	v58 =	vsel vm12, $0x1, v0  }
0xf3: {  	vm14 =	veq.s32 v6, $0xE;
	vm12 =	veq.s32 v12, $0xF;
	v36 =	vadd.s32 v63, v41  }
0xf4: {  	v41 =	vsel vm15, $0x1, v0;
	v63 =	vsel vm5, $0x1, v0;
	v30 =	vadd.s32 v59, v30  }
0xf5: {  	v59 =	vsel vm13, $0x1, v0;
	v40 =	vsel vm14, $0x1, v0;
	vm15 =	veq.s32 v5, $0xE  }
0xf6: {  	vm5 =	veq.s32 v2, $0xE;
	vm13 =	veq.s32 v11, $0xF;
	vm14 =	veq.s32 v10, $0xF  }
0xf7: {  	v29 =	vadd.s32 v52, v36;
	v36 =	vsel vm4, $0x1, v0;
	v52 =	vsel vm6, $0x1, v0  }
0xf8: {  	v30 =	vadd.s32 v43, v30;
	v43 =	vsel vm15, $0x1, v0;
	vm4 =	veq.s32 v1, $0xE  }
0xf9: {  	vm6 =	veq.s32 v3, $0xE;
	vm15 =	veq.s32 v9, $0xF;
	v29 =	vadd.s32 v53, v29  }
0xfa: {  	v53 =	vsel vm7, $0x1, v0;
	v30 =	vadd.s32 v44, v30;
	v44 =	vsel vm4, $0x1, v0  }
0xfb: {  	vm7 =	veq.s32 v4, $0xE;
	v36 =	vadd.s32 v36, v63;
	v63 =	vsel vm12, $0x1, v0  }
0xfc: {  	v54 =	vsel vm15, $0x1, v0;
	vm4 =	veq.s32 v8, $0xF;
	vm12 =	veq.s32 v16, $0x10  }
0xfd: {  	vm15 =	veq.s32 v13, $0x10;
	v29 =	vadd.s32 v31, v29;
	v30 =	vadd.s32 v45, v30  }
0xfe: {  	v45 =	vsel vm5, $0x1, v0;
	v48 =	vsel vm7, $0x1, v0;
	v31 =	vadd.s32 v52, v36  }
0xff: {  	v52 =	vsel vm13, $0x1, v0;
	vm5 =	veq.s32 v7, $0xF;
	vm7 =	veq.s32 v5, $0xF  }
0x100: {  	vm13 =	veq.s32 v15, $0x10;
	v29 =	vadd.s32 v32, v29;
	v30 =	vadd.s32 v46, v30  }
0x101: {  	v31 =	vadd.s32 v53, v31;
	v53 =	vsel vm14, $0x1, v0;
	vm14 =	veq.s32 v14, $0x10  }
0x102: {  	v29 =	vadd.s32 v33, v29;
	v33 =	vsel vm8, $0x1, v0;
	v30 =	vadd.s32 v60, v30  }
0x103: {  	v60 =	vsel vm6, $0x1, v0;
	vm8 =	veq.s32 v16, $0xF;
	v30 =	vadd.s32 v49, v30  }
0x104: {  	vm6 =	veq.s32 v6, $0xF;
	v31 =	vadd.s32 v33, v31;
	v30 =	vadd.s32 v47, v30  }
0x105: {  	v47 =	vsel vm8, $0x1, v0;
	v31 =	vadd.s32 v55, v31;
	v55 =	vsel vm4, $0x1, v0  }
0x106: {  	vm8 =	veq.s32 v1, $0xF;
	vm4 =	veq.s32 v12, $0x10;
	v30 =	vadd.s32 v61, v30  }
0x107: {  	v61 =	vsel vm9, $0x1, v0;
	v31 =	vadd.s32 v56, v31;
	v56 =	vsel vm5, $0x1, v0  }
0x108: {  	vm9 =	veq.s32 v2, $0xF;
	vm5 =	veq.s32 v11, $0x10;
	v30 =	vadd.s32 v62, v30  }
0x109: {  	v62 =	vsel vm10, $0x1, v0;
	v31 =	vadd.s32 v57, v31;
	v57 =	vsel vm6, $0x1, v0  }
0x10a: {  	vm10 =	veq.s32 v3, $0xF;
	v42 =	vadd.s32 v47, v61;
	v61 =	vsel vm15, $0x1, v0  }
0x10b: {  	vm6 =	veq.s32 v10, $0x10;
	vm15 =	veq.s32 v4, $0x10;
	v30 =	vadd.s32 v41, v30  }
0x10c: {  	v41 =	vsel vm11, $0x1, v0;
	v31 =	vadd.s32 v58, v31;
	v58 =	vsel vm7, $0x1, v0  }
0x10d: {  	vm11 =	veq.s32 v4, $0xF;
	v42 =	vadd.s32 v62, v42;
	v62 =	vsel vm4, $0x1, v0  }
0x10e: {  	vm7 =	veq.s32 v9, $0x10;
	vm4 =	veq.s32 v16, $0x11;
	v31 =	vadd.s32 v59, v31  }
0x10f: {  	v59 =	vsel vm8, $0x1, v0;
	v41 =	vadd.s32 v41, v42;
	v42 =	vsel vm5, $0x1, v0  }
0x110: {  	vm8 =	veq.s32 v8, $0x10;
	vm5 =	veq.s32 v15, $0x11;
	v31 =	vadd.s32 v40, v31  }
0x111: {  	v40 =	vsel vm9, $0x1, v0;
	v41 =	vadd.s32 v63, v41;
	v63 =	vsel vm6, $0x1, v0  }
0x112: {  	vm9 =	veq.s32 v7, $0x10;
	vm6 =	veq.s32 v14, $0x11;
	v31 =	vadd.s32 v43, v31  }
0x113: {  	v43 =	vsel vm10, $0x1, v0;
	v36 =	vadd.s32 v52, v41;
	v52 =	vsel vm7, $0x1, v0  }
0x114: {  	vm10 =	veq.s32 v6, $0x10;
	vm7 =	veq.s32 v13, $0x11;
	v31 =	vadd.s32 v44, v31  }
0x115: {  	v44 =	vsel vm11, $0x1, v0;
	v32 =	vadd.s32 v53, v36;
	v53 =	vsel vm8, $0x1, v0  }
0x116: {  	vm11 =	veq.s32 v5, $0x10;
	vm8 =	veq.s32 v12, $0x11;
	v31 =	vadd.s32 v45, v31  }
0x117: {  	v45 =	vsel vm12, $0x1, v0;
	v32 =	vadd.s32 v54, v32;
	v54 =	vsel vm9, $0x1, v0  }
0x118: {  	vm12 =	veq.s32 v1, $0x10;
	vm9 =	veq.s32 v11, $0x11;
	v31 =	vadd.s32 v60, v31  }
0x119: {  	v60 =	vsel vm13, $0x1, v0;
	v32 =	vadd.s32 v55, v32;
	v55 =	vsel vm10, $0x1, v0  }
0x11a: {  	vm13 =	veq.s32 v2, $0x10;
	vm10 =	veq.s32 v10, $0x11;
	v31 =	vadd.s32 v48, v31  }
0x11b: {  	v48 =	vsel vm14, $0x1, v0;
	v32 =	vadd.s32 v56, v32;
	v56 =	vsel vm11, $0x1, v0  }
0x11c: {  	vm14 =	veq.s32 v3, $0x10;
	v45 =	vadd.s32 v45, v60;
	v60 =	vsel vm6, $0x1, v0  }
0x11d: {  	vm11 =	veq.s32 v9, $0x11;
	vm6 =	veq.s32 v3, $0x11;
	v32 =	vadd.s32 v57, v32  }
0x11e: {  	v57 =	vsel vm12, $0x1, v0;
	v45 =	vadd.s32 v48, v45;
	v48 =	vsel vm7, $0x1, v0  }
0x11f: {  	vm12 =	veq.s32 v8, $0x11;
	vm7 =	veq.s32 v4, $0x11;
	v32 =	vadd.s32 v58, v32  }
0x120: {  	v58 =	vsel vm13, $0x1, v0;
	v45 =	vadd.s32 v61, v45;
	v61 =	vsel vm8, $0x1, v0  }
0x121: {  	vm13 =	veq.s32 v7, $0x11;
	vm8 =	veq.s32 v16, $0x12;
	v32 =	vadd.s32 v59, v32  }
0x122: {  	v59 =	vsel vm14, $0x1, v0;
	v45 =	vadd.s32 v62, v45;
	v62 =	vsel vm9, $0x1, v0  }
0x123: {  	vm14 =	veq.s32 v6, $0x11;
	vm9 =	veq.s32 v15, $0x12;
	v32 =	vadd.s32 v40, v32  }
0x124: {  	v40 =	vsel vm15, $0x1, v0;
	v42 =	vadd.s32 v42, v45;
	v45 =	vsel vm10, $0x1, v0  }
0x125: {  	vm15 =	veq.s32 v5, $0x11;
	vm10 =	veq.s32 v14, $0x12;
	v32 =	vadd.s32 v43, v32  }
0x126: {  	v43 =	vsel vm4, $0x1, v0;
	v42 =	vadd.s32 v63, v42;
	v63 =	vsel vm11, $0x1, v0  }
0x127: {  	vm4 =	veq.s32 v1, $0x11;
	vm11 =	veq.s32 v13, $0x12;
	v32 =	vadd.s32 v44, v32  }
0x128: {  	v44 =	vsel vm5, $0x1, v0;
	v41 =	vadd.s32 v52, v42;
	v52 =	vsel vm12, $0x1, v0  }
0x129: {  	vm5 =	veq.s32 v2, $0x11;
	vm12 =	veq.s32 v12, $0x12;
	v36 =	vadd.s32 v53, v41  }
0x12a: {  	v53 =	vsel vm13, $0x1, v0;
	v43 =	vadd.s32 v43, v44;
	v44 =	vsel vm9, $0x1, v0  }
0x12b: {  	vm13 =	veq.s32 v11, $0x12;
	vm9 =	veq.s32 v2, $0x12;
	v33 =	vadd.s32 v54, v36  }
0x12c: {  	v54 =	vsel vm14, $0x1, v0;
	v43 =	vadd.s32 v60, v43;
	v60 =	vsel vm10, $0x1, v0  }
0x12d: {  	vm14 =	veq.s32 v10, $0x12;
	vm10 =	veq.s32 v3, $0x12;
	v33 =	vadd.s32 v55, v33  }
0x12e: {  	v55 =	vsel vm15, $0x1, v0;
	v43 =	vadd.s32 v48, v43;
	v48 =	vsel vm11, $0x1, v0  }
0x12f: {  	vm15 =	veq.s32 v9, $0x12;
	vm11 =	veq.s32 v4, $0x12;
	v33 =	vadd.s32 v56, v33  }
0x130: {  	v56 =	vsel vm4, $0x1, v0;
	v43 =	vadd.s32 v61, v43;
	v61 =	vsel vm12, $0x1, v0  }
0x131: {  	vm4 =	veq.s32 v8, $0x12;
	vm12 =	veq.s32 v16, $0x13;
	v33 =	vadd.s32 v57, v33  }
0x132: {  	v57 =	vsel vm5, $0x1, v0;
	v43 =	vadd.s32 v62, v43;
	v62 =	vsel vm13, $0x1, v0  }
0x133: {  	vm5 =	veq.s32 v7, $0x12;
	vm13 =	veq.s32 v15, $0x13;
	v33 =	vadd.s32 v58, v33  }
0x134: {  	v58 =	vsel vm6, $0x1, v0;
	v43 =	vadd.s32 v45, v43;
	v45 =	vsel vm14, $0x1, v0  }
0x135: {  	vm6 =	veq.s32 v6, $0x12;
	vm14 =	veq.s32 v14, $0x13;
	v33 =	vadd.s32 v59, v33  }
0x136: {  	v59 =	vsel vm7, $0x1, v0;
	v43 =	vadd.s32 v63, v43;
	v63 =	vsel vm15, $0x1, v0  }
0x137: {  	vm7 =	veq.s32 v5, $0x12;
	vm15 =	veq.s32 v13, $0x13;
	v33 =	vadd.s32 v40, v33  }
0x138: {  	v40 =	vsel vm8, $0x1, v0;
	v42 =	vadd.s32 v52, v43;
	v52 =	vsel vm4, $0x1, v0  }
0x139: {  	vm8 =	veq.s32 v1, $0x12;
	vm4 =	veq.s32 v12, $0x13;
	v41 =	vadd.s32 v53, v42  }
0x13a: {  	v53 =	vsel vm5, $0x1, v0;
	v40 =	vadd.s32 v40, v44;
	v44 =	vsel vm12, $0x1, v0  }
0x13b: {  	vm5 =	veq.s32 v11, $0x13;
	vm12 =	veq.s32 v1, $0x13;
	v36 =	vadd.s32 v54, v41  }
0x13c: {  	v54 =	vsel vm6, $0x1, v0;
	v40 =	vadd.s32 v60, v40;
	v60 =	vsel vm13, $0x1, v0  }
0x13d: {  	vm6 =	veq.s32 v10, $0x13;
	vm13 =	veq.s32 v2, $0x13;
	v34 =	vadd.s32 v55, v36  }
0x13e: {  	v55 =	vsel vm7, $0x1, v0;
	v40 =	vadd.s32 v48, v40;
	v48 =	vsel vm14, $0x1, v0  }
0x13f: {  	vm7 =	veq.s32 v9, $0x13;
	vm14 =	veq.s32 v3, $0x13;
	v44 =	vadd.s32 v44, v60  }
0x140: {  	v34 =	vadd.s32 v56, v34;
	v56 =	vsel vm8, $0x1, v0;
	v40 =	vadd.s32 v61, v40  }
0x141: {  	v61 =	vsel vm15, $0x1, v0;
	vm8 =	veq.s32 v8, $0x13;
	vm15 =	veq.s32 v4, $0x13  }
0x142: {  	v44 =	vadd.s32 v48, v44;
	v34 =	vadd.s32 v57, v34;
	v57 =	vsel vm9, $0x1, v0  }
0x143: {  	v40 =	vadd.s32 v62, v40;
	v62 =	vsel vm4, $0x1, v0;
	vm9 =	veq.s32 v7, $0x13  }
0x144: {  	v60 =	vsel vm15, $0x1, v0;
	vm4 =	veq.s32 v16, $0x14;
	v44 =	vadd.s32 v61, v44  }
0x145: {  	vm15 =	veq.s32 v5, $0x14;
	v34 =	vadd.s32 v58, v34;
	v58 =	vsel vm10, $0x1, v0  }
0x146: {  	v40 =	vadd.s32 v45, v40;
	v45 =	vsel vm5, $0x1, v0;
	vm10 =	veq.s32 v6, $0x13  }
0x147: {  	v48 =	vsel vm4, $0x1, v0;
	vm5 =	veq.s32 v15, $0x14;
	v44 =	vadd.s32 v62, v44  }
0x148: {  	vm4 =	veq.s32 v1, $0x14;
	v34 =	vadd.s32 v59, v34;
	v59 =	vsel vm11, $0x1, v0  }
0x149: {  	v40 =	vadd.s32 v63, v40;
	v63 =	vsel vm6, $0x1, v0;
	vm11 =	veq.s32 v5, $0x13  }
0x14a: {  	v61 =	vsel vm5, $0x1, v0;
	vm6 =	veq.s32 v14, $0x14;
	v44 =	vadd.s32 v45, v44  }
0x14b: {  	vm5 =	veq.s32 v2, $0x14;
	v40 =	vadd.s32 v52, v40;
	v52 =	vsel vm7, $0x1, v0  }
0x14c: {  	v62 =	vsel vm6, $0x1, v0;
	vm7 =	veq.s32 v13, $0x14;
	v44 =	vadd.s32 v63, v44  }
0x14d: {  	vm6 =	veq.s32 v3, $0x14;
	v47 =	vadd.s32 v48, v61;
	v40 =	vadd.s32 v53, v40  }
0x14e: {  	v53 =	vsel vm8, $0x1, v0;
	v45 =	vsel vm7, $0x1, v0;
	vm8 =	veq.s32 v12, $0x14  }
0x14f: {  	v43 =	vadd.s32 v52, v44;
	v61 =	vsel vm6, $0x1, v0;
	vm7 =	veq.s32 v4, $0x14  }
0x150: {  	v47 =	vadd.s32 v62, v47;
	vm6 =	veq.s32 v6, $0x15;
	v40 =	vadd.s32 v54, v40  }
0x151: {  	v54 =	vsel vm9, $0x1, v0;
	v63 =	vsel vm8, $0x1, v0;
	vm9 =	veq.s32 v11, $0x14  }
0x152: {  	v42 =	vadd.s32 v53, v43;
	v62 =	vsel vm7, $0x1, v0;
	vm8 =	veq.s32 v16, $0x15  }
0x153: {  	v45 =	vadd.s32 v45, v47;
	vm7 =	veq.s32 v5, $0x15;
	v36 =	vadd.s32 v55, v40  }
0x154: {  	v55 =	vsel vm10, $0x1, v0;
	v52 =	vsel vm9, $0x1, v0;
	vm10 =	veq.s32 v10, $0x14  }
0x155: {  	v41 =	vadd.s32 v54, v42;
	v47 =	vsel vm8, $0x1, v0;
	vm9 =	veq.s32 v15, $0x15  }
0x156: {  	v45 =	vadd.s32 v63, v45;
	vm8 =	veq.s32 v1, $0x15;
	v35 =	vadd.s32 v56, v36  }
0x157: {  	v56 =	vsel vm11, $0x1, v0;
	v53 =	vsel vm10, $0x1, v0;
	vm11 =	veq.s32 v9, $0x14  }
0x158: {  	v40 =	vadd.s32 v55, v41;
	v63 =	vsel vm9, $0x1, v0;
	vm10 =	veq.s32 v14, $0x15  }
0x159: {  	v44 =	vadd.s32 v52, v45;
	vm9 =	veq.s32 v2, $0x15;
	v35 =	vadd.s32 v57, v35  }
0x15a: {  	v57 =	vsel vm12, $0x1, v0;
	v54 =	vsel vm11, $0x1, v0;
	vm12 =	veq.s32 v8, $0x14  }
0x15b: {  	v36 =	vadd.s32 v56, v40;
	v52 =	vsel vm10, $0x1, v0;
	vm11 =	veq.s32 v13, $0x15  }
0x15c: {  	v43 =	vadd.s32 v53, v44;
	v47 =	vadd.s32 v47, v63;
	v63 =	vsel vm9, $0x1, v0  }
0x15d: {  	vm10 =	veq.s32 v3, $0x15;
	vm9 =	veq.s32 v7, $0x16;
	v35 =	vadd.s32 v58, v35  }
0x15e: {  	v58 =	vsel vm13, $0x1, v0;
	v55 =	vsel vm12, $0x1, v0;
	vm13 =	veq.s32 v7, $0x14  }
0x15f: {  	v36 =	vadd.s32 v57, v36;
	v53 =	vsel vm11, $0x1, v0;
	vm12 =	veq.s32 v12, $0x15  }
0x160: {  	v42 =	vadd.s32 v54, v43;
	v45 =	vadd.s32 v52, v47;
	v52 =	vsel vm10, $0x1, v0  }
0x161: {  	vm11 =	veq.s32 v4, $0x15;
	vm10 =	veq.s32 v6, $0x16;
	v35 =	vadd.s32 v59, v35  }
0x162: {  	v59 =	vsel vm14, $0x1, v0;
	v56 =	vsel vm13, $0x1, v0;
	vm14 =	veq.s32 v6, $0x14  }
0x163: {  	v36 =	vadd.s32 v58, v36;
	v58 =	vsel vm15, $0x1, v0;
	v54 =	vsel vm12, $0x1, v0  }
0x164: {  	vm13 =	veq.s32 v11, $0x15;
	v41 =	vadd.s32 v55, v42;
	vm15 =	veq.s32 v9, $0x15  }
0x165: {  	v44 =	vadd.s32 v53, v45;
	v53 =	vsel vm11, $0x1, v0;
	vm12 =	veq.s32 v16, $0x16  }
0x166: {  	vm11 =	veq.s32 v5, $0x16;
	v57 =	vsel vm14, $0x1, v0;
	v36 =	vadd.s32 v59, v36  }
0x167: {  	v59 =	vsel vm4, $0x1, v0;
	v55 =	vsel vm13, $0x1, v0;
	vm14 =	veq.s32 v10, $0x15  }
0x168: {  	v40 =	vadd.s32 v56, v41;
	vm4 =	veq.s32 v8, $0x15;
	v43 =	vadd.s32 v54, v44  }
0x169: {  	v54 =	vsel vm12, $0x1, v0;
	vm13 =	veq.s32 v15, $0x16;
	vm12 =	veq.s32 v1, $0x16  }
0x16a: {  	v36 =	vadd.s32 v60, v36;
	v60 =	vsel vm5, $0x1, v0;
	v56 =	vsel vm14, $0x1, v0  }
0x16b: {  	v37 =	vadd.s32 v57, v40;
	v57 =	vsel vm15, $0x1, v0;
	vm5 =	veq.s32 v7, $0x15  }
0x16c: {  	v42 =	vadd.s32 v55, v43;
	v55 =	vsel vm13, $0x1, v0;
	vm14 =	veq.s32 v14, $0x16  }
0x16d: {  	vm15 =	veq.s32 v13, $0x16;
	vm13 =	veq.s32 v2, $0x16;
	v37 =	vadd.s32 v58, v37  }
0x16e: {  	v58 =	vsel vm4, $0x1, v0;
	v41 =	vadd.s32 v56, v42;
	v56 =	vsel vm14, $0x1, v0  }
0x16f: {  	vm4 =	veq.s32 v12, $0x16;
	v43 =	vadd.s32 v54, v55;
	v54 =	vsel vm12, $0x1, v0  }
0x170: {  	v55 =	vsel vm13, $0x1, v0;
	vm14 =	veq.s32 v3, $0x16;
	vm12 =	veq.s32 v8, $0x17  }
0x171: {  	vm13 =	veq.s32 v7, $0x17;
	v37 =	vadd.s32 v59, v37;
	v59 =	vsel vm5, $0x1, v0  }
0x172: {  	v40 =	vadd.s32 v57, v41;
	v57 =	vsel vm15, $0x1, v0;
	vm5 =	veq.s32 v11, $0x16  }
0x173: {  	v42 =	vadd.s32 v56, v43;
	v56 =	vsel vm14, $0x1, v0;
	vm15 =	veq.s32 v4, $0x16  }
0x174: {  	vm14 =	veq.s32 v6, $0x17;
	v37 =	vadd.s32 v60, v37;
	v60 =	vsel vm6, $0x1, v0  }
0x175: {  	v38 =	vadd.s32 v58, v40;
	v58 =	vsel vm4, $0x1, v0;
	vm6 =	veq.s32 v10, $0x16  }
0x176: {  	v41 =	vadd.s32 v57, v42;
	v57 =	vsel vm15, $0x1, v0;
	vm4 =	veq.s32 v16, $0x17  }
0x177: {  	vm15 =	veq.s32 v5, $0x17;
	v37 =	vadd.s32 v61, v37;
	v61 =	vsel vm7, $0x1, v0  }
0x178: {  	v38 =	vadd.s32 v59, v38;
	v59 =	vsel vm5, $0x1, v0;
	vm7 =	veq.s32 v9, $0x16  }
0x179: {  	v40 =	vadd.s32 v58, v41;
	v58 =	vsel vm4, $0x1, v0;
	vm5 =	veq.s32 v15, $0x17  }
0x17a: {  	vm4 =	veq.s32 v1, $0x17;
	v37 =	vadd.s32 v62, v37;
	v62 =	vsel vm8, $0x1, v0  }
0x17b: {  	v38 =	vadd.s32 v60, v38;
	v60 =	vsel vm6, $0x1, v0;
	vm8 =	veq.s32 v8, $0x16  }
0x17c: {  	v39 =	vadd.s32 v59, v40;
	v59 =	vsel vm5, $0x1, v0;
	vm6 =	veq.s32 v14, $0x17  }
0x17d: {  	vm5 =	veq.s32 v2, $0x17;
	v38 =	vadd.s32 v61, v38;
	v61 =	vsel vm7, $0x1, v0  }
0x17e: {  	v39 =	vadd.s32 v60, v39;
	v60 =	vsel vm6, $0x1, v0;
	vm7 =	veq.s32 v13, $0x17  }
0x17f: {  	v40 =	vadd.s32 v58, v59;
	v58 =	vsel vm4, $0x1, v0;
	v59 =	vsel vm5, $0x1, v0  }
0x180: {  	vm6 =	veq.s32 v3, $0x17;
	vm4 =	veq.s32 v8, $0x18;
	vm5 =	veq.s32 v7, $0x18  }
0x181: {  	v38 =	vadd.s32 v62, v38;
	v62 =	vsel vm8, $0x1, v0;
	v39 =	vadd.s32 v61, v39  }
0x182: {  	v61 =	vsel vm7, $0x1, v0;
	vm8 =	veq.s32 v12, $0x17;
	v40 =	vadd.s32 v60, v40  }
0x183: {  	v60 =	vsel vm6, $0x1, v0;
	vm7 =	veq.s32 v4, $0x17;
	vm6 =	veq.s32 v6, $0x18  }
0x184: {  	v38 =	vadd.s32 v63, v38;
	v63 =	vsel vm9, $0x1, v0;
	v39 =	vadd.s32 v62, v39  }
0x185: {  	v62 =	vsel vm8, $0x1, v0;
	vm9 =	veq.s32 v11, $0x17;
	v40 =	vadd.s32 v61, v40  }
0x186: {  	v61 =	vsel vm7, $0x1, v0;
	vm8 =	veq.s32 v16, $0x18;
	vm7 =	veq.s32 v5, $0x18  }
0x187: {  	v38 =	vadd.s32 v52, v38;
	v52 =	vsel vm10, $0x1, v0;
	v39 =	vadd.s32 v63, v39  }
0x188: {  	v63 =	vsel vm9, $0x1, v0;
	vm10 =	veq.s32 v10, $0x17;
	v40 =	vadd.s32 v62, v40  }
0x189: {  	v62 =	vsel vm8, $0x1, v0;
	vm9 =	veq.s32 v15, $0x18;
	vm8 =	veq.s32 v1, $0x18  }
0x18a: {  	v38 =	vadd.s32 v53, v38;
	v53 =	vsel vm11, $0x1, v0;
	v39 =	vadd.s32 v52, v39  }
0x18b: {  	v52 =	vsel vm10, $0x1, v0;
	vm11 =	veq.s32 v9, $0x17;
	v40 =	vadd.s32 v63, v40  }
0x18c: {  	v63 =	vsel vm9, $0x1, v0;
	vm10 =	veq.s32 v14, $0x18;
	vm9 =	veq.s32 v2, $0x18  }
0x18d: {  	v39 =	vadd.s32 v53, v39;
	v53 =	vsel vm11, $0x1, v0;
	v40 =	vadd.s32 v52, v40  }
0x18e: {  	v52 =	vsel vm10, $0x1, v0;
	vm11 =	veq.s32 v13, $0x18;
	v44 =	vadd.s32 v62, v63  }
0x18f: {  	v62 =	vsel vm8, $0x1, v0;
	v63 =	vsel vm9, $0x1, v0;
	vm10 =	veq.s32 v3, $0x18  }
0x190: {  	vm8 =	veq.s32 v8, $0x19;
	vm9 =	veq.s32 v7, $0x19;
	v39 =	vadd.s32 v54, v39  }
0x191: {  	v54 =	vsel vm12, $0x1, v0;
	v40 =	vadd.s32 v53, v40;
	v53 =	vsel vm11, $0x1, v0  }
0x192: {  	vm12 =	veq.s32 v12, $0x18;
	v43 =	vadd.s32 v52, v44;
	v52 =	vsel vm10, $0x1, v0  }
0x193: {  	vm11 =	veq.s32 v4, $0x18;
	vm10 =	veq.s32 v6, $0x19;
	v39 =	vadd.s32 v55, v39  }
0x194: {  	v55 =	vsel vm13, $0x1, v0;
	v40 =	vadd.s32 v54, v40;
	v54 =	vsel vm12, $0x1, v0  }
0x195: {  	vm13 =	veq.s32 v11, $0x18;
	v42 =	vadd.s32 v53, v43;
	v53 =	vsel vm11, $0x1, v0  }
0x196: {  	vm12 =	veq.s32 v16, $0x19;
	vm11 =	veq.s32 v5, $0x19;
	v39 =	vadd.s32 v56, v39  }
0x197: {  	v56 =	vsel vm14, $0x1, v0;
	v40 =	vadd.s32 v55, v40;
	v55 =	vsel vm13, $0x1, v0  }
0x198: {  	vm14 =	veq.s32 v10, $0x18;
	v41 =	vadd.s32 v54, v42;
	v54 =	vsel vm12, $0x1, v0  }
0x199: {  	vm13 =	veq.s32 v15, $0x19;
	vm12 =	veq.s32 v1, $0x19;
	v39 =	vadd.s32 v57, v39  }
0x19a: {  	v57 =	vsel vm15, $0x1, v0;
	v40 =	vadd.s32 v56, v40;
	v56 =	vsel vm14, $0x1, v0  }
0x19b: {  	vm15 =	veq.s32 v9, $0x18;
	v41 =	vadd.s32 v55, v41;
	v55 =	vsel vm13, $0x1, v0  }
0x19c: {  	vm14 =	veq.s32 v14, $0x19;
	vm13 =	veq.s32 v2, $0x19;
	v40 =	vadd.s32 v57, v40  }
0x19d: {  	v57 =	vsel vm15, $0x1, v0;
	v41 =	vadd.s32 v56, v41;
	v56 =	vsel vm14, $0x1, v0  }
0x19e: {  	vm15 =	veq.s32 v13, $0x19;
	v49 =	vadd.s32 v54, v55;
	v54 =	vsel vm12, $0x1, v0  }
0x19f: {  	v55 =	vsel vm13, $0x1, v0;
	vm14 =	veq.s32 v3, $0x19;
	vm12 =	veq.s32 v8, $0x1A  }
0x1a0: {  	vm13 =	veq.s32 v7, $0x1A;
	v40 =	vadd.s32 v58, v40;
	v58 =	vsel vm4, $0x1, v0  }
0x1a1: {  	v41 =	vadd.s32 v57, v41;
	v57 =	vsel vm15, $0x1, v0;
	vm4 =	veq.s32 v12, $0x19  }
0x1a2: {  	v47 =	vadd.s32 v56, v49;
	v56 =	vsel vm14, $0x1, v0;
	vm15 =	veq.s32 v4, $0x19  }
0x1a3: {  	vm14 =	veq.s32 v6, $0x1A;
	v40 =	vadd.s32 v59, v40;
	v59 =	vsel vm5, $0x1, v0  }
0x1a4: {  	v41 =	vadd.s32 v58, v41;
	v58 =	vsel vm4, $0x1, v0;
	vm5 =	veq.s32 v11, $0x19  }
0x1a5: {  	v45 =	vadd.s32 v57, v47;
	v57 =	vsel vm15, $0x1, v0;
	vm4 =	veq.s32 v16, $0x1A  }
0x1a6: {  	vm15 =	veq.s32 v5, $0x1A;
	v40 =	vadd.s32 v60, v40;
	v60 =	vsel vm6, $0x1, v0  }
0x1a7: {  	v41 =	vadd.s32 v59, v41;
	v59 =	vsel vm5, $0x1, v0;
	vm6 =	veq.s32 v10, $0x19  }
0x1a8: {  	v44 =	vadd.s32 v58, v45;
	v58 =	vsel vm4, $0x1, v0;
	vm5 =	veq.s32 v15, $0x1A  }
0x1a9: {  	vm4 =	veq.s32 v1, $0x1A;
	v40 =	vadd.s32 v61, v40;
	v61 =	vsel vm7, $0x1, v0  }
0x1aa: {  	v41 =	vadd.s32 v60, v41;
	v60 =	vsel vm6, $0x1, v0;
	vm7 =	veq.s32 v9, $0x19  }
0x1ab: {  	v43 =	vadd.s32 v59, v44;
	v59 =	vsel vm5, $0x1, v0;
	vm6 =	veq.s32 v14, $0x1A  }
0x1ac: {  	vm5 =	veq.s32 v2, $0x1A;
	v41 =	vadd.s32 v61, v41;
	v61 =	vsel vm7, $0x1, v0  }
0x1ad: {  	v42 =	vadd.s32 v60, v43;
	v60 =	vsel vm6, $0x1, v0;
	vm7 =	veq.s32 v13, $0x1A  }
0x1ae: {  	v48 =	vadd.s32 v58, v59;
	v58 =	vsel vm4, $0x1, v0;
	v59 =	vsel vm5, $0x1, v0  }
0x1af: {  	vm6 =	veq.s32 v3, $0x1A;
	vm4 =	veq.s32 v8, $0x1B;
	vm5 =	veq.s32 v7, $0x1B  }
0x1b0: {  	v41 =	vadd.s32 v62, v41;
	v62 =	vsel vm8, $0x1, v0;
	v42 =	vadd.s32 v61, v42  }
0x1b1: {  	v61 =	vsel vm7, $0x1, v0;
	vm8 =	veq.s32 v12, $0x1A;
	v48 =	vadd.s32 v60, v48  }
0x1b2: {  	v60 =	vsel vm6, $0x1, v0;
	vm7 =	veq.s32 v4, $0x1A;
	vm6 =	veq.s32 v6, $0x1B  }
0x1b3: {  	v41 =	vadd.s32 v63, v41;
	v63 =	vsel vm9, $0x1, v0;
	v42 =	vadd.s32 v62, v42  }
0x1b4: {  	v62 =	vsel vm8, $0x1, v0;
	vm9 =	veq.s32 v11, $0x1A;
	v47 =	vadd.s32 v61, v48  }
0x1b5: {  	v61 =	vsel vm7, $0x1, v0;
	vm8 =	veq.s32 v16, $0x1B;
	vm7 =	veq.s32 v5, $0x1B  }
0x1b6: {  	v41 =	vadd.s32 v52, v41;
	v52 =	vsel vm10, $0x1, v0;
	v42 =	vadd.s32 v63, v42  }
0x1b7: {  	v63 =	vsel vm9, $0x1, v0;
	vm10 =	veq.s32 v10, $0x1A;
	v45 =	vadd.s32 v62, v47  }
0x1b8: {  	v62 =	vsel vm8, $0x1, v0;
	vm9 =	veq.s32 v15, $0x1B;
	vm8 =	veq.s32 v1, $0x1B  }
0x1b9: {  	v41 =	vadd.s32 v53, v41;
	v53 =	vsel vm11, $0x1, v0;
	v42 =	vadd.s32 v52, v42  }
0x1ba: {  	v52 =	vsel vm10, $0x1, v0;
	vm11 =	veq.s32 v9, $0x1A;
	v44 =	vadd.s32 v63, v45  }
0x1bb: {  	v63 =	vsel vm9, $0x1, v0;
	vm10 =	veq.s32 v14, $0x1B;
	vm9 =	veq.s32 v2, $0x1B  }
0x1bc: {  	v42 =	vadd.s32 v53, v42;
	v53 =	vsel vm11, $0x1, v0;
	v43 =	vadd.s32 v52, v44  }
0x1bd: {  	v52 =	vsel vm10, $0x1, v0;
	vm11 =	veq.s32 v13, $0x1B;
	v48 =	vadd.s32 v62, v63  }
0x1be: {  	v62 =	vsel vm8, $0x1, v0;
	v63 =	vsel vm9, $0x1, v0;
	vm10 =	veq.s32 v3, $0x1B  }
0x1bf: {  	vm8 =	veq.s32 v8, $0x1C;
	vm9 =	veq.s32 v7, $0x1C;
	v42 =	vadd.s32 v54, v42  }
0x1c0: {  	v54 =	vsel vm12, $0x1, v0;
	v43 =	vadd.s32 v53, v43;
	v53 =	vsel vm11, $0x1, v0  }
0x1c1: {  	vm12 =	veq.s32 v12, $0x1B;
	v47 =	vadd.s32 v52, v48;
	v52 =	vsel vm10, $0x1, v0  }
0x1c2: {  	vm11 =	veq.s32 v4, $0x1B;
	vm10 =	veq.s32 v6, $0x1C;
	v42 =	vadd.s32 v55, v42  }
0x1c3: {  	v55 =	vsel vm13, $0x1, v0;
	v43 =	vadd.s32 v54, v43;
	v54 =	vsel vm12, $0x1, v0  }
0x1c4: {  	vm13 =	veq.s32 v11, $0x1B;
	v45 =	vadd.s32 v53, v47;
	v53 =	vsel vm11, $0x1, v0  }
0x1c5: {  	vm12 =	veq.s32 v16, $0x1C;
	vm11 =	veq.s32 v5, $0x1C;
	v42 =	vadd.s32 v56, v42  }
0x1c6: {  	v56 =	vsel vm14, $0x1, v0;
	v43 =	vadd.s32 v55, v43;
	v55 =	vsel vm13, $0x1, v0  }
0x1c7: {  	vm14 =	veq.s32 v10, $0x1B;
	v44 =	vadd.s32 v54, v45;
	v54 =	vsel vm12, $0x1, v0  }
0x1c8: {  	vm13 =	veq.s32 v15, $0x1C;
	vm12 =	veq.s32 v1, $0x1C;
	v42 =	vadd.s32 v57, v42  }
0x1c9: {  	v57 =	vsel vm15, $0x1, v0;
	v43 =	vadd.s32 v56, v43;
	v56 =	vsel vm14, $0x1, v0  }
0x1ca: {  	vm15 =	veq.s32 v9, $0x1B;
	v44 =	vadd.s32 v55, v44;
	v55 =	vsel vm13, $0x1, v0  }
0x1cb: {  	vm14 =	veq.s32 v14, $0x1C;
	vm13 =	veq.s32 v2, $0x1C;
	v43 =	vadd.s32 v57, v43  }
0x1cc: {  	v57 =	vsel vm15, $0x1, v0;
	v44 =	vadd.s32 v56, v44;
	v56 =	vsel vm14, $0x1, v0  }
0x1cd: {  	vm15 =	veq.s32 v13, $0x1C;
	v45 =	vadd.s32 v54, v55;
	v54 =	vsel vm12, $0x1, v0  }
0x1ce: {  	v55 =	vsel vm13, $0x1, v0;
	vm14 =	veq.s32 v3, $0x1C;
	vm12 =	veq.s32 v8, $0x1D  }
0x1cf: {  	vm13 =	veq.s32 v7, $0x1D;
	v43 =	vadd.s32 v58, v43;
	v58 =	vsel vm4, $0x1, v0  }
0x1d0: {  	v44 =	vadd.s32 v57, v44;
	v57 =	vsel vm15, $0x1, v0;
	vm4 =	veq.s32 v12, $0x1C  }
0x1d1: {  	v45 =	vadd.s32 v56, v45;
	v56 =	vsel vm14, $0x1, v0;
	vm15 =	veq.s32 v4, $0x1C  }
0x1d2: {  	vm14 =	veq.s32 v6, $0x1D;
	v43 =	vadd.s32 v59, v43;
	v59 =	vsel vm5, $0x1, v0  }
0x1d3: {  	v44 =	vadd.s32 v58, v44;
	v58 =	vsel vm4, $0x1, v0;
	vm5 =	veq.s32 v11, $0x1C  }
0x1d4: {  	v45 =	vadd.s32 v57, v45;
	v57 =	vsel vm15, $0x1, v0;
	vm4 =	veq.s32 v16, $0x1D  }
0x1d5: {  	vm15 =	veq.s32 v5, $0x1D;
	v43 =	vadd.s32 v60, v43;
	v60 =	vsel vm6, $0x1, v0  }
0x1d6: {  	v44 =	vadd.s32 v59, v44;
	v59 =	vsel vm5, $0x1, v0;
	vm6 =	veq.s32 v10, $0x1C  }
0x1d7: {  	v45 =	vadd.s32 v58, v45;
	v58 =	vsel vm4, $0x1, v0;
	vm5 =	veq.s32 v15, $0x1D  }
0x1d8: {  	vm4 =	veq.s32 v1, $0x1D;
	v43 =	vadd.s32 v61, v43;
	v61 =	vsel vm7, $0x1, v0  }
0x1d9: {  	v44 =	vadd.s32 v60, v44;
	v60 =	vsel vm6, $0x1, v0;
	vm7 =	veq.s32 v9, $0x1C  }
0x1da: {  	v45 =	vadd.s32 v59, v45;
	v59 =	vsel vm5, $0x1, v0;
	vm6 =	veq.s32 v14, $0x1D  }
0x1db: {  	vm5 =	veq.s32 v2, $0x1D;
	v44 =	vadd.s32 v61, v44;
	v61 =	vsel vm7, $0x1, v0  }
0x1dc: {  	v45 =	vadd.s32 v60, v45;
	v60 =	vsel vm6, $0x1, v0;
	vm7 =	veq.s32 v13, $0x1D  }
0x1dd: {  	v46 =	vadd.s32 v58, v59;
	v58 =	vsel vm4, $0x1, v0;
	v59 =	vsel vm5, $0x1, v0  }
0x1de: {  	vm6 =	veq.s32 v3, $0x1D;
	vm4 =	veq.s32 v8, $0x1E;
	vm5 =	veq.s32 v7, $0x1E  }
0x1df: {  	v44 =	vadd.s32 v62, v44;
	v62 =	vsel vm8, $0x1, v0;
	v45 =	vadd.s32 v61, v45  }
0x1e0: {  	v61 =	vsel vm7, $0x1, v0;
	vm8 =	veq.s32 v12, $0x1D;
	v46 =	vadd.s32 v60, v46  }
0x1e1: {  	v60 =	vsel vm6, $0x1, v0;
	vm7 =	veq.s32 v4, $0x1D;
	vm6 =	veq.s32 v6, $0x1E  }
0x1e2: {  	v44 =	vadd.s32 v63, v44;
	v63 =	vsel vm9, $0x1, v0;
	v45 =	vadd.s32 v62, v45  }
0x1e3: {  	v62 =	vsel vm8, $0x1, v0;
	vm9 =	veq.s32 v11, $0x1D;
	v46 =	vadd.s32 v61, v46  }
0x1e4: {  	v61 =	vsel vm7, $0x1, v0;
	vm8 =	veq.s32 v16, $0x1E;
	vm7 =	veq.s32 v5, $0x1E  }
0x1e5: {  	v44 =	vadd.s32 v52, v44;
	v52 =	vsel vm10, $0x1, v0;
	v45 =	vadd.s32 v63, v45  }
0x1e6: {  	v63 =	vsel vm9, $0x1, v0;
	vm10 =	veq.s32 v10, $0x1D;
	v46 =	vadd.s32 v62, v46  }
0x1e7: {  	v62 =	vsel vm8, $0x1, v0;
	vm9 =	veq.s32 v15, $0x1E;
	vm8 =	veq.s32 v1, $0x1E  }
0x1e8: {  	v44 =	vadd.s32 v53, v44;
	v53 =	vsel vm11, $0x1, v0;
	v45 =	vadd.s32 v52, v45  }
0x1e9: {  	v52 =	vsel vm10, $0x1, v0;
	vm11 =	veq.s32 v9, $0x1D;
	v46 =	vadd.s32 v63, v46  }
0x1ea: {  	v63 =	vsel vm9, $0x1, v0;
	vm10 =	veq.s32 v14, $0x1E;
	vm9 =	veq.s32 v2, $0x1E  }
0x1eb: {  	v45 =	vadd.s32 v53, v45;
	v53 =	vsel vm11, $0x1, v0;
	v46 =	vadd.s32 v52, v46  }
0x1ec: {  	v51 =	vsel vm10, $0x1, v0;
	vm11 =	veq.s32 v13, $0x1E;
	vm10 =	veq.s32 v3, $0x1E  }
0x1ed: {  	v45 =	vadd.s32 v54, v45;
	v54 =	vsel vm12, $0x1, v0;
	v46 =	vadd.s32 v53, v46  }
0x1ee: {  	v52 =	vsel vm11, $0x1, v0;
	vm12 =	veq.s32 v12, $0x1E;
	v53 =	vadd.s32 v62, v63  }
0x1ef: {  	[tilespmem:$0x480] =	vst v24;
	v62 =	vsel vm8, $0x1, v0;
	v63 =	vsel vm9, $0x1, v0;
	v24 =	vsel vm10, $0x1, v0  }
0x1f0: {  	[tilespmem:$0x100] =	vst v17;
	vm11 =	veq.s32 v4, $0x1E;
	vm8 =	veq.s32 v8, $0x1F;
	vm9 =	veq.s32 v7, $0x1F  }
0x1f1: {  	[tilespmem:$0x180] =	vst v18;
	vm10 =	veq.s32 v6, $0x1F;
	v45 =	vadd.s32 v55, v45;
	v55 =	vsel vm13, $0x1, v0  }
0x1f2: {  	[tilespmem:$0x200] =	vst v19;
	v46 =	vadd.s32 v54, v46;
	v54 =	vsel vm12, $0x1, v0;
	vm13 =	veq.s32 v11, $0x1E  }
0x1f3: {  	[tilespmem:$0x500] =	vst v25;
	v19 =	vadd.s32 v51, v53;
	v25 =	vsel vm11, $0x1, v0;
	vm12 =	veq.s32 v16, $0x1F  }
0x1f4: {  	[tilespmem:$0x280] =	vst v20;
	v53 =	vsel vm8, $0x1, v0;
	vm11 =	veq.s32 v5, $0x1F;
	v45 =	vadd.s32 v56, v45  }
0x1f5: {  	[tilespmem:$0x380] =	vst v22;
	v56 =	vsel vm14, $0x1, v0;
	v46 =	vadd.s32 v55, v46;
	v55 =	vsel vm13, $0x1, v0  }
0x1f6: {  	[tilespmem:$0x600] =	vst v27;
	vm14 =	veq.s32 v10, $0x1E;
	v18 =	vadd.s32 v52, v19;
	v27 =	vsel vm12, $0x1, v0  }
0x1f7: {  	[tilespmem:$0x300] =	vst v21;
	vm13 =	veq.s32 v15, $0x1F;
	vm12 =	veq.s32 v1, $0x1F;
	v45 =	vadd.s32 v57, v45  }
0x1f8: {  	[tilespmem:$0x400] =	vst v23;
	v57 =	vsel vm15, $0x1, v0;
	v46 =	vadd.s32 v56, v46;
	v56 =	vsel vm14, $0x1, v0  }
0x1f9: {  	[tilespmem:$0x700] =	vst v29;
	vm15 =	veq.s32 v9, $0x1E;
	v18 =	vadd.s32 v54, v18;
	v29 =	vsel vm13, $0x1, v0  }
0x1fa: {  	[tilespmem:$0x580] =	vst v26;
	vm14 =	veq.s32 v14, $0x1F;
	vm13 =	veq.s32 v2, $0x1F;
	v46 =	vadd.s32 v57, v46  }
0x1fb: {  	[tilespmem:$0x780] =	vst v30;
	v57 =	vsel vm15, $0x1, v0;
	v18 =	vadd.s32 v55, v18;
	v30 =	vadd.s32 v27, v29  }
0x1fc: {  	[tilespmem:$0x800] =	vst v31;
	v31 =	vsel vm14, $0x1, v0;
	vm15 =	veq.s32 v13, $0x1F;
	v55 =	vsel vm9, $0x1, v0  }
0x1fd: {  	[tilespmem:$0x880] =	vst v32;
	v46 =	vadd.s32 v58, v46;
	v58 =	vsel vm4, $0x1, v0;
	v18 =	vadd.s32 v56, v18  }
0x1fe: {  	[tilespmem:$0x900] =	vst v33;
	v32 =	vadd.s32 v31, v30;
	v33 =	vsel vm15, $0x1, v0;
	vm4 =	veq.s32 v12, $0x1F  }
0x1ff: {  	[tilespmem:$0x980] =	vst v34;
	v46 =	vadd.s32 v59, v46;
	v59 =	vsel vm5, $0x1, v0;
	v34 =	vadd.s32 v33, v32  }
0x200: {  	[tilespmem:$0xA00] =	vst v35;
	v35 =	vsel vm4, $0x1, v0;
	vm5 =	veq.s32 v11, $0x1F;
	v49 =	vadd.s32 v60, v46  }
0x201: {  	[tilespmem:$0x680] =	vst v28;
	v60 =	vsel vm6, $0x1, v0;
	v46 =	vadd.s32 v35, v34;
	v47 =	vsel vm5, $0x1, v0  }
0x202: {  	[tilespmem:$0xA80] =	vst v36;
	vm6 =	veq.s32 v10, $0x1F;
	v17 =	vadd.s32 v61, v49;
	v61 =	vsel vm7, $0x1, v0  }
0x203: {  	[tilespmem:$0xB00] =	vst v37;
	v48 =	vadd.s32 v47, v46;
	v49 =	vsel vm6, $0x1, v0;
	vm7 =	veq.s32 v9, $0x1F  }
0x204: {  	[tilespmem:$0xB80] =	vst v38;
	v18 =	vadd.s32 v57, v18;
	v50 =	vadd.s32 v49, v48;
	v51 =	vsel vm7, $0x1, v0  }
0x205: {  	[tilespmem:$0xC00] =	vst v39;
	v2 =	vsel vm13, $0x1, v0;
	v18 =	vadd.s32 v58, v18;
	v52 =	vadd.s32 v51, v50  }
0x206: {  	[tilespmem:$0xC80] =	vst v40;
	vm14 =	veq.s32 v3, $0x1F;
	v18 =	vadd.s32 v59, v18;
	v54 =	vadd.s32 v53, v52  }
0x207: {  	[tilespmem:$0xD00] =	vst v41;
	v57 =	vsel vm10, $0x1, v0;
	v18 =	vadd.s32 v60, v18;
	v56 =	vadd.s32 v55, v54  }
0x208: {  	[tilespmem:$0xD80] =	vst v42;
	v59 =	vsel vm11, $0x1, v0;
	v18 =	vadd.s32 v61, v18;
	v58 =	vadd.s32 v57, v56  }
0x209: {  	[tilespmem:$0xE00] =	vst v43;
	v61 =	vsel vm12, $0x1, v0;
	v18 =	vadd.s32 v62, v18;
	v60 =	vadd.s32 v59, v58  }
0x20a: {  	[tilespmem:$0xE80] =	vst v44;
	vm15 =	veq.s32 v4, $0x1F;
	v26 =	vadd.s32 v63, v18;
	v1 =	vadd.s32 v61, v60  }
0x20b: {  	[tilespmem:$0xF00] =	vst v45;
	v62 =	vsel vm14, $0x1, v0;
	v28 =	vadd.s32 v24, v26;
	v1 =	vadd.s32 v2, v1  }
0x20c: {  	s30 =	sshll.u32 s1, $0x9;
	[tilespmem:$0xF80] =	vst v17;
	v0 =	vsel vm15, $0x1, v0;
	v63 =	vadd.s32 v25, v28;
	v1 =	vadd.s32 v62, v1  }
0x20d: {  	s3 =	sadd.s32 s30, s3;
	[tilespmem:$0x1000] =	vst v63;
	v0 =	vadd.s32 v0, v1  }
0x20e: {  	s31 =	simm.s32 $0x100;
	s3 =	sadd.s32 $0x1600, s3;
	[tilespmem:$0x1080] =	vst v0  }
0x20f: {  	[hbm4b:s3+s2] =	stream.linear.scatter [tilespmem:s31], [sflag:$0x1], $0x1000, $0x38;
	[tilespmem:$0x1100] =	vst v63  }
0x210: {  	_ =	swait.ge [sflag:s29], $0x1000  }
0x211: {  	[sflag:s29] =	ssyncset.done $0x0  }
0x212: {  	[sflag:s29] =	ssyncadd.s32 $0xFFFFF000  }
0x213: {  	_ =	sfence.sel $0x180000  }
0x214: {  	[bflag:$0x0] =	sbarrier.arrive $0xFFFF  }
0x215: {  	p0 =	sne.s32 s1, $0x0;
	_ =	strace $0x90000047  }
0x216: {  	s0 =	sadd.s32 @!p0 $0x100000, s0;
	[bflag:$0x2] =	sbarrier.arrive $0xFFFF  }
0x217: {  	[sflag:s0] =	ssyncadd.tile.s32 @!p0 $0x1;
	_ =	shalt  }
.Lfunc_end2:
_tile_overlayer_lowered:
.L_overlay_start_2:
0x218: {  	(tag) =	ssettag $0x2  }
0x219: {  	s0 =	rddreg [dreg:$0x0];
	s2 =	stileid.u32  }
0x21a: {  	s1 =	rddreg [dreg:$0x1];
	p0 =	sne.s32 s2, $0x0  }
0x21b: {  	s3 =	rddreg [dreg:$0x2];
	[bflag:$0x3] =	sbarrier.arrive $0xFFFF;
	s2 =	simm.s32 @!p0 $0x1C02  }
0x21c: {  	[timem:s3], [sflag:s2] =	dma.local @!p0 [hbm:s0], s1  }
0x21d: {  	s0 =	simm.s32 @!p0 $0x2  }
0x21e: {  	_ =	swait.ge @!p0 [sflag:s0], s1  }
0x21f: {  	s1 =	ssub.s32 @!p0 $0x0, s1;
	[sflag:s0] =	ssyncset.done @!p0 $0x0  }
0x220: {  	[sflag:s0] =	ssyncadd.s32 @!p0 s1  }
0x221: {  	[bflag:$0x3] =	sbarrier.arrive $0xFFFF  }
0x222: {  	_ =	shalt  }

</sc_bundles>
